<compile_context>
chip_gen: v7x
topology: tpu7x:2x2x1
jax: 0.10.2.dev20260603
libtpu: 0.0.44.dev20260713+nightly
codegen_flags: <defaults>
</compile_context>

<pallas_src>
import functools

import jax
import jax.numpy as jnp
from jax import lax
from jax.experimental import pallas as pl
from jax.experimental.pallas import tpu as pltpu
from jax.experimental.pallas import tpu_sc as plsc

NC = 2
NS = 16
NW = NC * NS
LANES = 16
GROUP = 80

_BCAST_DNUMS = lax.GatherDimensionNumbers(
    offset_dims=(), collapsed_slice_dims=(0,), start_index_map=(0,))


def _lane_broadcast(v, l):
  idx = jnp.full((LANES, 1), l, jnp.int32)
  return lax.gather(v, idx, _BCAST_DNUMS, (1,),
                    mode=lax.GatherScatterMode.PROMISE_IN_BOUNDS)


def _sc_spmm(table, src2, dst2, vals2, n_pad):
  ng_total = src2.shape[0]
  ng = ng_total // NW
  rpt = n_pad // NS
  mesh = plsc.VectorSubcoreMesh(core_axis_name="c", subcore_axis_name="s")

  @functools.partial(
      pl.kernel,
      out_type=jax.ShapeDtypeStruct((NC * n_pad, LANES), jnp.float32),
      mesh=mesh,
      scratch_types=[
          pltpu.VMEM((ng, GROUP), jnp.int32),
          pltpu.VMEM((ng, GROUP), jnp.int32),
          pltpu.VMEM((ng, GROUP), jnp.float32),
          pltpu.VMEM((GROUP, LANES), jnp.float32),
          pltpu.VMEM((rpt, LANES), jnp.float32),
          pltpu.VMEM_SHARED((n_pad, LANES), jnp.float32),
          pltpu.SemaphoreType.DMA,
      ],
      compiler_params=pltpu.CompilerParams(use_tc_tiling_on_sc=False),
  )
  def spmm(table_h, src_h, dst_h, vals_h, out_h,
           src_v, dst_v, vals_v, rows_v, zero_v, acc, sem):
    c = lax.axis_index("c")
    s = lax.axis_index("s")
    wid = c * NS + s

    def zbody(i, carry):
      zero_v[i] = jnp.zeros((LANES,), jnp.float32)
      return carry
    lax.fori_loop(0, rpt, zbody, 0)
    pltpu.sync_copy(zero_v, acc.at[pl.ds(s * rpt, rpt)])
    plsc.subcore_barrier()

    pltpu.sync_copy(src_h.at[pl.ds(wid * ng, ng)], src_v)
    pltpu.sync_copy(dst_h.at[pl.ds(wid * ng, ng)], dst_v)
    pltpu.sync_copy(vals_h.at[pl.ds(wid * ng, ng)], vals_v)

    def ebody(g, carry):
      pltpu.async_copy(table_h.at[src_v.at[g]], rows_v, sem).wait()
      for j in range(GROUP // LANES):
        v = vals_v[g, pl.ds(j * LANES, LANES)]
        for l in range(LANES):
          e = j * LANES + l
          rows_v[e] = rows_v[e] * _lane_broadcast(v, l)
      pltpu.sync_copy(rows_v, acc.at[dst_v.at[g]], add=True)
      return carry
    lax.fori_loop(0, ng, ebody, 0)

    plsc.subcore_barrier()
    pltpu.sync_copy(acc.at[pl.ds(s * rpt, rpt)],
                    out_h.at[pl.ds(c * n_pad + s * rpt, rpt)])

  return spmm(table, src2, dst2, vals2)


def _tc_linear1(x, w):
  m, k = x.shape
  n = w.shape[1]
  bm = 1000

  def body(x_ref, w_ref, o_ref):
    o_ref[...] = jnp.dot(x_ref[...], w_ref[...],
                         preferred_element_type=jnp.float32)

  return pl.pallas_call(
      body,
      grid=(m // bm,),
      in_specs=[pl.BlockSpec((bm, k), lambda i: (i, 0)),
                pl.BlockSpec((k, n), lambda i: (0, 0))],
      out_specs=pl.BlockSpec((bm, n), lambda i: (i, 0)),
      out_shape=jax.ShapeDtypeStruct((m, n), jnp.float32),
  )(x, w)


def _tc_mid(p, b1):
  _, n, d = p.shape

  def body(p_ref, b_ref, o_ref):
    o_ref[...] = jnp.maximum(p_ref[0] + p_ref[1] + b_ref[...], 0.0)

  return pl.pallas_call(
      body,
      out_shape=jax.ShapeDtypeStruct((n, d), jnp.float32),
  )(p, b1)


def _tc_out(q, w2, b2, n_out):
  dout = w2.shape[1]

  def body(q_ref, w_ref, b_ref, o_ref):
    acc = q_ref[0, :n_out, :] + q_ref[1, :n_out, :]
    o_ref[...] = jnp.dot(acc, w_ref[...],
                         preferred_element_type=jnp.float32) + b_ref[...]

  return pl.pallas_call(
      body,
      out_shape=jax.ShapeDtypeStruct((n_out, dout), jnp.float32),
  )(q, w2, b2)


def kernel(adj_indices, adj_values, features, W1, b1, W2, b2):
  dst = adj_indices[0].astype(jnp.int32)
  src = adj_indices[1].astype(jnp.int32)
  n = features.shape[0]
  e = dst.shape[0]
  gpw = -(-(e // GROUP) // (NW * 8)) * 8
  e_pad = NW * gpw * GROUP
  pad = e_pad - e
  src2 = jnp.concatenate([src, jnp.zeros((pad,), jnp.int32)]).reshape(-1, GROUP)
  dst2 = jnp.concatenate([dst, jnp.zeros((pad,), jnp.int32)]).reshape(-1, GROUP)
  vals2 = jnp.concatenate(
      [adj_values, jnp.zeros((pad,), jnp.float32)]).reshape(-1, GROUP)
  n_pad = -(-n // (NS * 8)) * NS * 8

  s1 = _tc_linear1(features, W1)
  p = _sc_spmm(s1, src2, dst2, vals2, n_pad).reshape(NC, n_pad, LANES)
  h = _tc_mid(p, b1.reshape(1, LANES))
  q = _sc_spmm(h, src2, dst2, vals2, n_pad).reshape(NC, n_pad, LANES)
  return _tc_out(q, W2, b2.reshape(1, -1), n)

# --- scband reference (transcript-rebuilt; emitter-appended) ---
"""Pipeline reference for scband-gcn-36206574305762 (READ-ONLY COPY).

The authoritative reference and input builder live on the scoring server;
editing this copy changes nothing except your own understanding.
"""

import jax, jax.numpy as jnp
import numpy as np

N_NODES = 10000
N_EDGES = 320000
IN_DIM = 128
HID_DIM = 16
OUT_DIM = 7


def setup_inputs(seed: int = 0) -> dict:
    key = jax.random.key(seed)
    k1, k2, k3, k4, k5, k6, k7, k8 = jax.random.split(key, 8)
    adj_indices = jax.random.randint(k1, (2, N_EDGES), 0, N_NODES, dtype=jnp.int64)
    adj_values = jax.random.uniform(k2, (N_EDGES,), dtype=jnp.float32)
    features = jax.random.normal(k3, (N_NODES, IN_DIM), dtype=jnp.float32)
    # GraphConvolution parameters (glorot-style scaling)
    W1 = jax.random.normal(k4, (IN_DIM, HID_DIM), dtype=jnp.float32) / np.sqrt(IN_DIM)
    b1 = jnp.zeros((HID_DIM,), dtype=jnp.float32)
    W2 = jax.random.normal(k5, (HID_DIM, OUT_DIM), dtype=jnp.float32) / np.sqrt(HID_DIM)
    b2 = jnp.zeros((OUT_DIM,), dtype=jnp.float32)
    return {"adj_indices": adj_indices, "adj_values": adj_values, "features": features,
            "W1": W1, "b1": b1, "W2": W2, "b2": b2}


def _spmm(adj_indices, adj_values, x):
    # sparse adjacency (COO) @ dense x : gather src rows, scale, scatter-add to dst rows
    dst = adj_indices[0]
    src = adj_indices[1]
    gathered = jnp.take(x, src, axis=0) * adj_values[:, None]
    return jax.ops.segment_sum(gathered, dst, num_segments=N_NODES)


def reference(adj_indices, adj_values, features, W1, b1, W2, b2):
    # layer 1: support = X @ W1 ; out = A @ support + b1 ; relu
    support1 = features @ W1
    h = _spmm(adj_indices, adj_values, support1) + b1
    h = jax.nn.relu(h)
    # layer 2: support = H @ W2 ; out = A @ support + b2
    support2 = h @ W2
    out = _spmm(adj_indices, adj_values, support2) + b2
    return out

if __name__ == "__main__":
    import jax
    _d = setup_inputs()
    print(jax.jit(kernel)(*tuple(_d.values())))

</pallas_src>

<mosaic_0001>
#map = affine_map<(d0, d1) -> (0, 0)>
module attributes {stable_mosaic.version = 14 : i64} {
  func.func @spmm(%arg0: i32, %arg1: i32, %arg2: memref<10000x16xf32, #tpu.memory_space<hbm>>, %arg3: memref<4096x80xi32, #tpu.memory_space<hbm>>, %arg4: memref<4096x80xi32, #tpu.memory_space<hbm>>, %arg5: memref<4096x80xf32, #tpu.memory_space<hbm>>, %arg6: memref<20224x16xf32, #tpu.memory_space<hbm>>, %arg7: memref<128x80xi32, #tpu.memory_space<vmem>>, %arg8: memref<128x80xi32, #tpu.memory_space<vmem>>, %arg9: memref<128x80xf32, #tpu.memory_space<vmem>>, %arg10: memref<80x16xf32, #tpu.memory_space<vmem>>, %arg11: memref<632x16xf32, #tpu.memory_space<vmem>>, %arg12: memref<10112x16xf32, #tpu.memory_space<vmem_shared>>, %arg13: memref<!tpu.dma_semaphore, #tpu.memory_space<semaphore_mem>>) attributes {dimension_semantics = [#tpu.dimension_semantics<core_parallel>, #tpu.dimension_semantics<subcore_parallel>], iteration_bounds = array<i64: 2, 16>, scalar_prefetch = 0 : i64, scratch_operands = 7 : i64, tpu.core_type = #tpu.core_type<sc_vector_subcore>, window_params = [{transform_indices = #map}, {transform_indices = #map}, {transform_indices = #map}, {transform_indices = #map}, {transform_indices = #map}]} {
    %mul3A = arith.constant 16 : i32
    %mul3A_0 = arith.muli %arg0, %mul3A : i32
    %add3A = arith.addi %mul3A_0, %arg1 : i32
    %scan3A = arith.constant 0 : i32
    %scan3A_1 = arith.constant 0 : i32
    %scan3A_2 = arith.constant 632 : i32
    %scan3A_3 = arith.addi %scan3A_1, %scan3A_2 : i32
    %scan3A_4 = arith.constant 1 : i32
    scf.for %scan3A_28 = %scan3A_1 to %scan3A_3 step %scan3A_4  : i32 {
      %broadcast_in_dim3A = arith.constant 0.000000e+00 : f32
      %broadcast_in_dim3A_29 = vector.broadcast %broadcast_in_dim3A : f32 to vector<16xf32>
      %swap3A = arith.index_cast %scan3A_28 : i32 to index
      %swap3A_30 = arith.constant 0 : index
      %swap3A_31 = tpu.vector_load %arg11[%swap3A, %swap3A_30] {strides = array<i32>} : memref<632x16xf32, #tpu.memory_space<vmem>>, vector<1x16xf32>,
      %swap3A_32 = vector.shape_cast %swap3A_31 : vector<1x16xf32> to vector<16xf32>
      %swap3A_33 = vector.shape_cast %broadcast_in_dim3A_29 : vector<16xf32> to vector<1x16xf32>
      tpu.vector_store %arg11[%swap3A, %swap3A_30], %swap3A_33 {strides = array<i32>} : memref<632x16xf32, #tpu.memory_space<vmem>>, vector<1x16xf32>,
    }
    %scan3A_5 = arith.constant 632 : i32
    %mul3A_6 = arith.constant 632 : i32
    %mul3A_7 = arith.muli %arg1, %mul3A_6 : i32
    "tpu.region"() ({
      %run_scoped3A = tpu.sem_alloc : memref<!tpu.dma_semaphore, #tpu.memory_space<semaphore_mem>>
      %dma_start3A = arith.constant 0 : i32
      %dma_start3A_28 = tpu.memref_slice %arg12[%mul3A_7, %dma_start3A] : memref<10112x16xf32, #tpu.memory_space<vmem_shared>> -> memref<632x16xf32, #tpu.memory_space<vmem_shared>>
      %dma_start3A_29 = arith.constant 0 : i32
      %dma_start3A_30 = tpu.memref_slice %arg12[%mul3A_7, %dma_start3A_29] : memref<10112x16xf32, #tpu.memory_space<vmem_shared>> -> memref<632x16xf32, #tpu.memory_space<vmem_shared>>
      tpu.enqueue_dma source(%arg11 : memref<632x16xf32, #tpu.memory_space<vmem>>) target(%dma_start3A_30 : memref<632x16xf32, #tpu.memory_space<vmem_shared>>) target_semaphore(%run_scoped3A : memref<!tpu.dma_semaphore, #tpu.memory_space<semaphore_mem>>)
      %dma_wait3A = arith.constant 0 : i32
      %dma_wait3A_31 = tpu.memref_slice %arg12[%mul3A_7, %dma_wait3A] : memref<10112x16xf32, #tpu.memory_space<vmem_shared>> -> memref<632x16xf32, #tpu.memory_space<vmem_shared>>
      %dma_wait3A_32 = arith.constant 0 : i32
      %dma_wait3A_33 = tpu.memref_slice %arg12[%mul3A_7, %dma_wait3A_32] : memref<10112x16xf32, #tpu.memory_space<vmem_shared>> -> memref<632x16xf32, #tpu.memory_space<vmem_shared>>
      tpu.wait_dma2 semaphore(%run_scoped3A : memref<!tpu.dma_semaphore, #tpu.memory_space<semaphore_mem>>) src(%arg11 : memref<632x16xf32, #tpu.memory_space<vmem>>) dst(%dma_wait3A_33 : memref<632x16xf32, #tpu.memory_space<vmem_shared>>)
      tpu.yield
    }) : () -> ()
    %barrier3A = arith.constant 0 : index
    tpu.barrier barrier_id(%barrier3A)
    %mul3A_8 = arith.constant 128 : i32
    %mul3A_9 = arith.muli %add3A, %mul3A_8 : i32
    "tpu.region"() ({
      %run_scoped3A = tpu.sem_alloc : memref<!tpu.dma_semaphore, #tpu.memory_space<semaphore_mem>>
      %dma_start3A = arith.constant 0 : i32
      %dma_start3A_28 = tpu.memref_slice %arg3[%mul3A_9, %dma_start3A] : memref<4096x80xi32, #tpu.memory_space<hbm>> -> memref<128x80xi32, #tpu.memory_space<hbm>>
      %dma_start3A_29 = arith.constant 0 : i32
      %dma_start3A_30 = tpu.memref_slice %arg3[%mul3A_9, %dma_start3A_29] : memref<4096x80xi32, #tpu.memory_space<hbm>> -> memref<128x80xi32, #tpu.memory_space<hbm>>
      tpu.enqueue_dma source(%dma_start3A_30 : memref<128x80xi32, #tpu.memory_space<hbm>>) target(%arg7 : memref<128x80xi32, #tpu.memory_space<vmem>>) target_semaphore(%run_scoped3A : memref<!tpu.dma_semaphore, #tpu.memory_space<semaphore_mem>>)
      %dma_wait3A = arith.constant 0 : i32
      %dma_wait3A_31 = tpu.memref_slice %arg3[%mul3A_9, %dma_wait3A] : memref<4096x80xi32, #tpu.memory_space<hbm>> -> memref<128x80xi32, #tpu.memory_space<hbm>>
      %dma_wait3A_32 = arith.constant 0 : i32
      %dma_wait3A_33 = tpu.memref_slice %arg3[%mul3A_9, %dma_wait3A_32] : memref<4096x80xi32, #tpu.memory_space<hbm>> -> memref<128x80xi32, #tpu.memory_space<hbm>>
      tpu.wait_dma2 semaphore(%run_scoped3A : memref<!tpu.dma_semaphore, #tpu.memory_space<semaphore_mem>>) src(%dma_wait3A_33 : memref<128x80xi32, #tpu.memory_space<hbm>>) dst(%arg7 : memref<128x80xi32, #tpu.memory_space<vmem>>)
      tpu.yield
    }) : () -> ()
    %mul3A_10 = arith.constant 128 : i32
    %mul3A_11 = arith.muli %add3A, %mul3A_10 : i32
    "tpu.region"() ({
      %run_scoped3A = tpu.sem_alloc : memref<!tpu.dma_semaphore, #tpu.memory_space<semaphore_mem>>
      %dma_start3A = arith.constant 0 : i32
      %dma_start3A_28 = tpu.memref_slice %arg4[%mul3A_11, %dma_start3A] : memref<4096x80xi32, #tpu.memory_space<hbm>> -> memref<128x80xi32, #tpu.memory_space<hbm>>
      %dma_start3A_29 = arith.constant 0 : i32
      %dma_start3A_30 = tpu.memref_slice %arg4[%mul3A_11, %dma_start3A_29] : memref<4096x80xi32, #tpu.memory_space<hbm>> -> memref<128x80xi32, #tpu.memory_space<hbm>>
      tpu.enqueue_dma source(%dma_start3A_30 : memref<128x80xi32, #tpu.memory_space<hbm>>) target(%arg8 : memref<128x80xi32, #tpu.memory_space<vmem>>) target_semaphore(%run_scoped3A : memref<!tpu.dma_semaphore, #tpu.memory_space<semaphore_mem>>)
      %dma_wait3A = arith.constant 0 : i32
      %dma_wait3A_31 = tpu.memref_slice %arg4[%mul3A_11, %dma_wait3A] : memref<4096x80xi32, #tpu.memory_space<hbm>> -> memref<128x80xi32, #tpu.memory_space<hbm>>
      %dma_wait3A_32 = arith.constant 0 : i32
      %dma_wait3A_33 = tpu.memref_slice %arg4[%mul3A_11, %dma_wait3A_32] : memref<4096x80xi32, #tpu.memory_space<hbm>> -> memref<128x80xi32, #tpu.memory_space<hbm>>
      tpu.wait_dma2 semaphore(%run_scoped3A : memref<!tpu.dma_semaphore, #tpu.memory_space<semaphore_mem>>) src(%dma_wait3A_33 : memref<128x80xi32, #tpu.memory_space<hbm>>) dst(%arg8 : memref<128x80xi32, #tpu.memory_space<vmem>>)
      tpu.yield
    }) : () -> ()
    %mul3A_12 = arith.constant 128 : i32
    %mul3A_13 = arith.muli %add3A, %mul3A_12 : i32
    "tpu.region"() ({
      %run_scoped3A = tpu.sem_alloc : memref<!tpu.dma_semaphore, #tpu.memory_space<semaphore_mem>>
      %dma_start3A = arith.constant 0 : i32
      %dma_start3A_28 = tpu.memref_slice %arg5[%mul3A_13, %dma_start3A] : memref<4096x80xf32, #tpu.memory_space<hbm>> -> memref<128x80xf32, #tpu.memory_space<hbm>>
      %dma_start3A_29 = arith.constant 0 : i32
      %dma_start3A_30 = tpu.memref_slice %arg5[%mul3A_13, %dma_start3A_29] : memref<4096x80xf32, #tpu.memory_space<hbm>> -> memref<128x80xf32, #tpu.memory_space<hbm>>
      tpu.enqueue_dma source(%dma_start3A_30 : memref<128x80xf32, #tpu.memory_space<hbm>>) target(%arg9 : memref<128x80xf32, #tpu.memory_space<vmem>>) target_semaphore(%run_scoped3A : memref<!tpu.dma_semaphore, #tpu.memory_space<semaphore_mem>>)
      %dma_wait3A = arith.constant 0 : i32
      %dma_wait3A_31 = tpu.memref_slice %arg5[%mul3A_13, %dma_wait3A] : memref<4096x80xf32, #tpu.memory_space<hbm>> -> memref<128x80xf32, #tpu.memory_space<hbm>>
      %dma_wait3A_32 = arith.constant 0 : i32
      %dma_wait3A_33 = tpu.memref_slice %arg5[%mul3A_13, %dma_wait3A_32] : memref<4096x80xf32, #tpu.memory_space<hbm>> -> memref<128x80xf32, #tpu.memory_space<hbm>>
      tpu.wait_dma2 semaphore(%run_scoped3A : memref<!tpu.dma_semaphore, #tpu.memory_space<semaphore_mem>>) src(%dma_wait3A_33 : memref<128x80xf32, #tpu.memory_space<hbm>>) dst(%arg9 : memref<128x80xf32, #tpu.memory_space<vmem>>)
      tpu.yield
    }) : () -> ()
    %scan3A_14 = arith.constant 0 : i32
    %scan3A_15 = arith.constant 0 : i32
    %scan3A_16 = arith.constant 128 : i32
    %scan3A_17 = arith.addi %scan3A_15, %scan3A_16 : i32
    %scan3A_18 = arith.constant 1 : i32
    scf.for %scan3A_28 = %scan3A_15 to %scan3A_17 step %scan3A_18  : i32 {
      %dma_start3A = arith.constant 0 : i32
      %dma_start3A_29 = tpu.memref_slice %arg7[%scan3A_28, %dma_start3A] : memref<128x80xi32, #tpu.memory_space<vmem>> -> memref<1x80xi32, #tpu.memory_space<vmem>>
      %dma_start3A_30 = tpu.memref_squeeze %dma_start3A_29 : memref<1x80xi32, #tpu.memory_space<vmem>> -> memref<80xi32, #tpu.memory_space<vmem>>
      %dma_start3A_31 = arith.constant 0 : i32
      %dma_start3A_32 = arith.constant 0 : i32
      %dma_start3A_33 = tpu.memref_slice %arg2[%dma_start3A_31, %dma_start3A_32] : memref<10000x16xf32, #tpu.memory_space<hbm>> -> memref<10000x16xf32, #tpu.memory_space<hbm>>
      tpu.enqueue_indirect_dma source(%dma_start3A_33 : memref<10000x16xf32, #tpu.memory_space<hbm>>) target(%arg10 : memref<80x16xf32, #tpu.memory_space<vmem>>) offsets(%dma_start3A_30 : memref<80xi32, #tpu.memory_space<vmem>>) semaphore(%arg13 : memref<!tpu.dma_semaphore, #tpu.memory_space<semaphore_mem>>)
      %dma_wait3A = arith.constant 0 : i32
      %dma_wait3A_34 = tpu.memref_slice %arg7[%scan3A_28, %dma_wait3A] : memref<128x80xi32, #tpu.memory_space<vmem>> -> memref<1x80xi32, #tpu.memory_space<vmem>>
      %dma_wait3A_35 = tpu.memref_squeeze %dma_wait3A_34 : memref<1x80xi32, #tpu.memory_space<vmem>> -> memref<80xi32, #tpu.memory_space<vmem>>
      %dma_wait3A_36 = arith.constant 0 : i32
      %dma_wait3A_37 = arith.constant 0 : i32
      %dma_wait3A_38 = tpu.memref_slice %arg2[%dma_wait3A_36, %dma_wait3A_37] : memref<10000x16xf32, #tpu.memory_space<hbm>> -> memref<10000x16xf32, #tpu.memory_space<hbm>>
      tpu.wait_indirect_dma semaphore(%arg13 : memref<!tpu.dma_semaphore, #tpu.memory_space<semaphore_mem>>) src(%dma_wait3A_38 : memref<10000x16xf32, #tpu.memory_space<hbm>>) dst(%arg10 : memref<80x16xf32, #tpu.memory_space<vmem>>)
      %get3A = arith.index_cast %scan3A_28 : i32 to index
      %get3A_39 = arith.constant 0 : index
      %get3A_40 = tpu.vector_load %arg9[%get3A, %get3A_39] {strides = array<i32>} : memref<128x80xf32, #tpu.memory_space<vmem>>, vector<1x16xf32>,
      %get3A_41 = vector.shape_cast %get3A_40 : vector<1x16xf32> to vector<16xf32>
      %get3A_42 = arith.constant 0 : i32
      %get3A_43 = arith.index_cast %get3A_42 : i32 to index
      %get3A_44 = arith.constant 0 : index
      %get3A_45 = tpu.vector_load %arg10[%get3A_43, %get3A_44] {strides = array<i32>} : memref<80x16xf32, #tpu.memory_space<vmem>>, vector<1x16xf32>,
      %get3A_46 = vector.shape_cast %get3A_45 : vector<1x16xf32> to vector<16xf32>
      %broadcast_in_dim3A = arith.constant 0 : i32
      %broadcast_in_dim3A_47 = vector.broadcast %broadcast_in_dim3A : i32 to vector<16x1xi32>
      %gather3A = vector.shape_cast %broadcast_in_dim3A_47 : vector<16x1xi32> to vector<16xi32>
      %gather3A_48 = tpu.dynamic_gather %get3A_41[%gather3A] in [0] : vector<16xf32>, vector<16xi32> -> vector<16xf32>
      %mul3A_49 = arith.mulf %get3A_46, %gather3A_48 : vector<16xf32>
      %swap3A = arith.constant 0 : i32
      %swap3A_50 = arith.index_cast %swap3A : i32 to index
      %swap3A_51 = arith.constant 0 : index
      %swap3A_52 = tpu.vector_load %arg10[%swap3A_50, %swap3A_51] {strides = array<i32>} : memref<80x16xf32, #tpu.memory_space<vmem>>, vector<1x16xf32>,
      %swap3A_53 = vector.shape_cast %swap3A_52 : vector<1x16xf32> to vector<16xf32>
      %swap3A_54 = vector.shape_cast %mul3A_49 : vector<16xf32> to vector<1x16xf32>
      tpu.vector_store %arg10[%swap3A_50, %swap3A_51], %swap3A_54 {strides = array<i32>} : memref<80x16xf32, #tpu.memory_space<vmem>>, vector<1x16xf32>,
      %get3A_55 = arith.constant 1 : i32
      %get3A_56 = arith.index_cast %get3A_55 : i32 to index
      %get3A_57 = arith.constant 0 : index
      %get3A_58 = tpu.vector_load %arg10[%get3A_56, %get3A_57] {strides = array<i32>} : memref<80x16xf32, #tpu.memory_space<vmem>>, vector<1x16xf32>,
      %get3A_59 = vector.shape_cast %get3A_58 : vector<1x16xf32> to vector<16xf32>
      %broadcast_in_dim3A_60 = arith.constant 1 : i32
      %broadcast_in_dim3A_61 = vector.broadcast %broadcast_in_dim3A_60 : i32 to vector<16x1xi32>
      %gather3A_62 = vector.shape_cast %broadcast_in_dim3A_61 : vector<16x1xi32> to vector<16xi32>
      %gather3A_63 = tpu.dynamic_gather %get3A_41[%gather3A_62] in [0] : vector<16xf32>, vector<16xi32> -> vector<16xf32>
      %mul3A_64 = arith.mulf %get3A_59, %gather3A_63 : vector<16xf32>
      %swap3A_65 = arith.constant 1 : i32
      %swap3A_66 = arith.index_cast %swap3A_65 : i32 to index
      %swap3A_67 = arith.constant 0 : index
      %swap3A_68 = tpu.vector_load %arg10[%swap3A_66, %swap3A_67] {strides = array<i32>} : memref<80x16xf32, #tpu.memory_space<vmem>>, vector<1x16xf32>,
      %swap3A_69 = vector.shape_cast %swap3A_68 : vector<1x16xf32> to vector<16xf32>
      %swap3A_70 = vector.shape_cast %mul3A_64 : vector<16xf32> to vector<1x16xf32>
      tpu.vector_store %arg10[%swap3A_66, %swap3A_67], %swap3A_70 {strides = array<i32>} : memref<80x16xf32, #tpu.memory_space<vmem>>, vector<1x16xf32>,
      %get3A_71 = arith.constant 2 : i32
      %get3A_72 = arith.index_cast %get3A_71 : i32 to index
      %get3A_73 = arith.constant 0 : index
      %get3A_74 = tpu.vector_load %arg10[%get3A_72, %get3A_73] {strides = array<i32>} : memref<80x16xf32, #tpu.memory_space<vmem>>, vector<1x16xf32>,
      %get3A_75 = vector.shape_cast %get3A_74 : vector<1x16xf32> to vector<16xf32>
      %broadcast_in_dim3A_76 = arith.constant 2 : i32
      %broadcast_in_dim3A_77 = vector.broadcast %broadcast_in_dim3A_76 : i32 to vector<16x1xi32>
      %gather3A_78 = vector.shape_cast %broadcast_in_dim3A_77 : vector<16x1xi32> to vector<16xi32>
      %gather3A_79 = tpu.dynamic_gather %get3A_41[%gather3A_78] in [0] : vector<16xf32>, vector<16xi32> -> vector<16xf32>
      %mul3A_80 = arith.mulf %get3A_75, %gather3A_79 : vector<16xf32>
      %swap3A_81 = arith.constant 2 : i32
      %swap3A_82 = arith.index_cast %swap3A_81 : i32 to index
      %swap3A_83 = arith.constant 0 : index
      %swap3A_84 = tpu.vector_load %arg10[%swap3A_82, %swap3A_83] {strides = array<i32>} : memref<80x16xf32, #tpu.memory_space<vmem>>, vector<1x16xf32>,
      %swap3A_85 = vector.shape_cast %swap3A_84 : vector<1x16xf32> to vector<16xf32>
      %swap3A_86 = vector.shape_cast %mul3A_80 : vector<16xf32> to vector<1x16xf32>
      tpu.vector_store %arg10[%swap3A_82, %swap3A_83], %swap3A_86 {strides = array<i32>} : memref<80x16xf32, #tpu.memory_space<vmem>>, vector<1x16xf32>,
      %get3A_87 = arith.constant 3 : i32
      %get3A_88 = arith.index_cast %get3A_87 : i32 to index
      %get3A_89 = arith.constant 0 : index
      %get3A_90 = tpu.vector_load %arg10[%get3A_88, %get3A_89] {strides = array<i32>} : memref<80x16xf32, #tpu.memory_space<vmem>>, vector<1x16xf32>,
      %get3A_91 = vector.shape_cast %get3A_90 : vector<1x16xf32> to vector<16xf32>
      %broadcast_in_dim3A_92 = arith.constant 3 : i32
      %broadcast_in_dim3A_93 = vector.broadcast %broadcast_in_dim3A_92 : i32 to vector<16x1xi32>
      %gather3A_94 = vector.shape_cast %broadcast_in_dim3A_93 : vector<16x1xi32> to vector<16xi32>
      %gather3A_95 = tpu.dynamic_gather %get3A_41[%gather3A_94] in [0] : vector<16xf32>, vector<16xi32> -> vector<16xf32>
      %mul3A_96 = arith.mulf %get3A_91, %gather3A_95 : vector<16xf32>
      %swap3A_97 = arith.constant 3 : i32
      %swap3A_98 = arith.index_cast %swap3A_97 : i32 to index
      %swap3A_99 = arith.constant 0 : index
      %swap3A_100 = tpu.vector_load %arg10[%swap3A_98, %swap3A_99] {strides = array<i32>} : memref<80x16xf32, #tpu.memory_space<vmem>>, vector<1x16xf32>,
      %swap3A_101 = vector.shape_cast %swap3A_100 : vector<1x16xf32> to vector<16xf32>
      %swap3A_102 = vector.shape_cast %mul3A_96 : vector<16xf32> to vector<1x16xf32>
      tpu.vector_store %arg10[%swap3A_98, %swap3A_99], %swap3A_102 {strides = array<i32>} : memref<80x16xf32, #tpu.memory_space<vmem>>, vector<1x16xf32>,
      %get3A_103 = arith.constant 4 : i32
      %get3A_104 = arith.index_cast %get3A_103 : i32 to index
      %get3A_105 = arith.constant 0 : index
      %get3A_106 = tpu.vector_load %arg10[%get3A_104, %get3A_105] {strides = array<i32>} : memref<80x16xf32, #tpu.memory_space<vmem>>, vector<1x16xf32>,
      %get3A_107 = vector.shape_cast %get3A_106 : vector<1x16xf32> to vector<16xf32>
      %broadcast_in_dim3A_108 = arith.constant 4 : i32
      %broadcast_in_dim3A_109 = vector.broadcast %broadcast_in_dim3A_108 : i32 to vector<16x1xi32>
      %gather3A_110 = vector.shape_cast %broadcast_in_dim3A_109 : vector<16x1xi32> to vector<16xi32>
      %gather3A_111 = tpu.dynamic_gather %get3A_41[%gather3A_110] in [0] : vector<16xf32>, vector<16xi32> -> vector<16xf32>
      %mul3A_112 = arith.mulf %get3A_107, %gather3A_111 : vector<16xf32>
      %swap3A_113 = arith.constant 4 : i32
      %swap3A_114 = arith.index_cast %swap3A_113 : i32 to index
      %swap3A_115 = arith.constant 0 : index
      %swap3A_116 = tpu.vector_load %arg10[%swap3A_114, %swap3A_115] {strides = array<i32>} : memref<80x16xf32, #tpu.memory_space<vmem>>, vector<1x16xf32>,
      %swap3A_117 = vector.shape_cast %swap3A_116 : vector<1x16xf32> to vector<16xf32>
      %swap3A_118 = vector.shape_cast %mul3A_112 : vector<16xf32> to vector<1x16xf32>
      tpu.vector_store %arg10[%swap3A_114, %swap3A_115], %swap3A_118 {strides = array<i32>} : memref<80x16xf32, #tpu.memory_space<vmem>>, vector<1x16xf32>,
      %get3A_119 = arith.constant 5 : i32
      %get3A_120 = arith.index_cast %get3A_119 : i32 to index
      %get3A_121 = arith.constant 0 : index
      %get3A_122 = tpu.vector_load %arg10[%get3A_120, %get3A_121] {strides = array<i32>} : memref<80x16xf32, #tpu.memory_space<vmem>>, vector<1x16xf32>,
      %get3A_123 = vector.shape_cast %get3A_122 : vector<1x16xf32> to vector<16xf32>
      %broadcast_in_dim3A_124 = arith.constant 5 : i32
      %broadcast_in_dim3A_125 = vector.broadcast %broadcast_in_dim3A_124 : i32 to vector<16x1xi32>
      %gather3A_126 = vector.shape_cast %broadcast_in_dim3A_125 : vector<16x1xi32> to vector<16xi32>
      %gather3A_127 = tpu.dynamic_gather %get3A_41[%gather3A_126] in [0] : vector<16xf32>, vector<16xi32> -> vector<16xf32>
      %mul3A_128 = arith.mulf %get3A_123, %gather3A_127 : vector<16xf32>
      %swap3A_129 = arith.constant 5 : i32
      %swap3A_130 = arith.index_cast %swap3A_129 : i32 to index
      %swap3A_131 = arith.constant 0 : index
      %swap3A_132 = tpu.vector_load %arg10[%swap3A_130, %swap3A_131] {strides = array<i32>} : memref<80x16xf32, #tpu.memory_space<vmem>>, vector<1x16xf32>,
      %swap3A_133 = vector.shape_cast %swap3A_132 : vector<1x16xf32> to vector<16xf32>
      %swap3A_134 = vector.shape_cast %mul3A_128 : vector<16xf32> to vector<1x16xf32>
      tpu.vector_store %arg10[%swap3A_130, %swap3A_131], %swap3A_134 {strides = array<i32>} : memref<80x16xf32, #tpu.memory_space<vmem>>, vector<1x16xf32>,
      %get3A_135 = arith.constant 6 : i32
      %get3A_136 = arith.index_cast %get3A_135 : i32 to index
      %get3A_137 = arith.constant 0 : index
      %get3A_138 = tpu.vector_load %arg10[%get3A_136, %get3A_137] {strides = array<i32>} : memref<80x16xf32, #tpu.memory_space<vmem>>, vector<1x16xf32>,
      %get3A_139 = vector.shape_cast %get3A_138 : vector<1x16xf32> to vector<16xf32>
      %broadcast_in_dim3A_140 = arith.constant 6 : i32
      %broadcast_in_dim3A_141 = vector.broadcast %broadcast_in_dim3A_140 : i32 to vector<16x1xi32>
      %gather3A_142 = vector.shape_cast %broadcast_in_dim3A_141 : vector<16x1xi32> to vector<16xi32>
      %gather3A_143 = tpu.dynamic_gather %get3A_41[%gather3A_142] in [0] : vector<16xf32>, vector<16xi32> -> vector<16xf32>
      %mul3A_144 = arith.mulf %get3A_139, %gather3A_143 : vector<16xf32>
      %swap3A_145 = arith.constant 6 : i32
      %swap3A_146 = arith.index_cast %swap3A_145 : i32 to index
      %swap3A_147 = arith.constant 0 : index
      %swap3A_148 = tpu.vector_load %arg10[%swap3A_146, %swap3A_147] {strides = array<i32>} : memref<80x16xf32, #tpu.memory_space<vmem>>, vector<1x16xf32>,
      %swap3A_149 = vector.shape_cast %swap3A_148 : vector<1x16xf32> to vector<16xf32>
      %swap3A_150 = vector.shape_cast %mul3A_144 : vector<16xf32> to vector<1x16xf32>
      tpu.vector_store %arg10[%swap3A_146, %swap3A_147], %swap3A_150 {strides = array<i32>} : memref<80x16xf32, #tpu.memory_space<vmem>>, vector<1x16xf32>,
      %get3A_151 = arith.constant 7 : i32
      %get3A_152 = arith.index_cast %get3A_151 : i32 to index
      %get3A_153 = arith.constant 0 : index
      %get3A_154 = tpu.vector_load %arg10[%get3A_152, %get3A_153] {strides = array<i32>} : memref<80x16xf32, #tpu.memory_space<vmem>>, vector<1x16xf32>,
      %get3A_155 = vector.shape_cast %get3A_154 : vector<1x16xf32> to vector<16xf32>
      %broadcast_in_dim3A_156 = arith.constant 7 : i32
      %broadcast_in_dim3A_157 = vector.broadcast %broadcast_in_dim3A_156 : i32 to vector<16x1xi32>
      %gather3A_158 = vector.shape_cast %broadcast_in_dim3A_157 : vector<16x1xi32> to vector<16xi32>
      %gather3A_159 = tpu.dynamic_gather %get3A_41[%gather3A_158] in [0] : vector<16xf32>, vector<16xi32> -> vector<16xf32>
      %mul3A_160 = arith.mulf %get3A_155, %gather3A_159 : vector<16xf32>
      %swap3A_161 = arith.constant 7 : i32
      %swap3A_162 = arith.index_cast %swap3A_161 : i32 to index
      %swap3A_163 = arith.constant 0 : index
      %swap3A_164 = tpu.vector_load %arg10[%swap3A_162, %swap3A_163] {strides = array<i32>} : memref<80x16xf32, #tpu.memory_space<vmem>>, vector<1x16xf32>,
      %swap3A_165 = vector.shape_cast %swap3A_164 : vector<1x16xf32> to vector<16xf32>
      %swap3A_166 = vector.shape_cast %mul3A_160 : vector<16xf32> to vector<1x16xf32>
      tpu.vector_store %arg10[%swap3A_162, %swap3A_163], %swap3A_166 {strides = array<i32>} : memref<80x16xf32, #tpu.memory_space<vmem>>, vector<1x16xf32>,
      %get3A_167 = arith.constant 8 : i32
      %get3A_168 = arith.index_cast %get3A_167 : i32 to index
      %get3A_169 = arith.constant 0 : index
      %get3A_170 = tpu.vector_load %arg10[%get3A_168, %get3A_169] {strides = array<i32>} : memref<80x16xf32, #tpu.memory_space<vmem>>, vector<1x16xf32>,
      %get3A_171 = vector.shape_cast %get3A_170 : vector<1x16xf32> to vector<16xf32>
      %broadcast_in_dim3A_172 = arith.constant 8 : i32
      %broadcast_in_dim3A_173 = vector.broadcast %broadcast_in_dim3A_172 : i32 to vector<16x1xi32>
      %gather3A_174 = vector.shape_cast %broadcast_in_dim3A_173 : vector<16x1xi32> to vector<16xi32>
      %gather3A_175 = tpu.dynamic_gather %get3A_41[%gather3A_174] in [0] : vector<16xf32>, vector<16xi32> -> vector<16xf32>
      %mul3A_176 = arith.mulf %get3A_171, %gather3A_175 : vector<16xf32>
      %swap3A_177 = arith.constant 8 : i32
      %swap3A_178 = arith.index_cast %swap3A_177 : i32 to index
      %swap3A_179 = arith.constant 0 : index
      %swap3A_180 = tpu.vector_load %arg10[%swap3A_178, %swap3A_179] {strides = array<i32>} : memref<80x16xf32, #tpu.memory_space<vmem>>, vector<1x16xf32>,
      %swap3A_181 = vector.shape_cast %swap3A_180 : vector<1x16xf32> to vector<16xf32>
      %swap3A_182 = vector.shape_cast %mul3A_176 : vector<16xf32> to vector<1x16xf32>
      tpu.vector_store %arg10[%swap3A_178, %swap3A_179], %swap3A_182 {strides = array<i32>} : memref<80x16xf32, #tpu.memory_space<vmem>>, vector<1x16xf32>,
      %get3A_183 = arith.constant 9 : i32
      %get3A_184 = arith.index_cast %get3A_183 : i32 to index
      %get3A_185 = arith.constant 0 : index
      %get3A_186 = tpu.vector_load %arg10[%get3A_184, %get3A_185] {strides = array<i32>} : memref<80x16xf32, #tpu.memory_space<vmem>>, vector<1x16xf32>,
      %get3A_187 = vector.shape_cast %get3A_186 : vector<1x16xf32> to vector<16xf32>
      %broadcast_in_dim3A_188 = arith.constant 9 : i32
      %broadcast_in_dim3A_189 = vector.broadcast %broadcast_in_dim3A_188 : i32 to vector<16x1xi32>
      %gather3A_190 = vector.shape_cast %broadcast_in_dim3A_189 : vector<16x1xi32> to vector<16xi32>
      %gather3A_191 = tpu.dynamic_gather %get3A_41[%gather3A_190] in [0] : vector<16xf32>, vector<16xi32> -> vector<16xf32>
      %mul3A_192 = arith.mulf %get3A_187, %gather3A_191 : vector<16xf32>
      %swap3A_193 = arith.constant 9 : i32
      %swap3A_194 = arith.index_cast %swap3A_193 : i32 to index
      %swap3A_195 = arith.constant 0 : index
      %swap3A_196 = tpu.vector_load %arg10[%swap3A_194, %swap3A_195] {strides = array<i32>} : memref<80x16xf32, #tpu.memory_space<vmem>>, vector<1x16xf32>,
      %swap3A_197 = vector.shape_cast %swap3A_196 : vector<1x16xf32> to vector<16xf32>
      %swap3A_198 = vector.shape_cast %mul3A_192 : vector<16xf32> to vector<1x16xf32>
      tpu.vector_store %arg10[%swap3A_194, %swap3A_195], %swap3A_198 {strides = array<i32>} : memref<80x16xf32, #tpu.memory_space<vmem>>, vector<1x16xf32>,
      %get3A_199 = arith.constant 10 : i32
      %get3A_200 = arith.index_cast %get3A_199 : i32 to index
      %get3A_201 = arith.constant 0 : index
      %get3A_202 = tpu.vector_load %arg10[%get3A_200, %get3A_201] {strides = array<i32>} : memref<80x16xf32, #tpu.memory_space<vmem>>, vector<1x16xf32>,
      %get3A_203 = vector.shape_cast %get3A_202 : vector<1x16xf32> to vector<16xf32>
      %broadcast_in_dim3A_204 = arith.constant 10 : i32
      %broadcast_in_dim3A_205 = vector.broadcast %broadcast_in_dim3A_204 : i32 to vector<16x1xi32>
      %gather3A_206 = vector.shape_cast %broadcast_in_dim3A_205 : vector<16x1xi32> to vector<16xi32>
      %gather3A_207 = tpu.dynamic_gather %get3A_41[%gather3A_206] in [0] : vector<16xf32>, vector<16xi32> -> vector<16xf32>
      %mul3A_208 = arith.mulf %get3A_203, %gather3A_207 : vector<16xf32>
      %swap3A_209 = arith.constant 10 : i32
      %swap3A_210 = arith.index_cast %swap3A_209 : i32 to index
      %swap3A_211 = arith.constant 0 : index
      %swap3A_212 = tpu.vector_load %arg10[%swap3A_210, %swap3A_211] {strides = array<i32>} : memref<80x16xf32, #tpu.memory_space<vmem>>, vector<1x16xf32>,
      %swap3A_213 = vector.shape_cast %swap3A_212 : vector<1x16xf32> to vector<16xf32>
      %swap3A_214 = vector.shape_cast %mul3A_208 : vector<16xf32> to vector<1x16xf32>
      tpu.vector_store %arg10[%swap3A_210, %swap3A_211], %swap3A_214 {strides = array<i32>} : memref<80x16xf32, #tpu.memory_space<vmem>>, vector<1x16xf32>,
      %get3A_215 = arith.constant 11 : i32
      %get3A_216 = arith.index_cast %get3A_215 : i32 to index
      %get3A_217 = arith.constant 0 : index
      %get3A_218 = tpu.vector_load %arg10[%get3A_216, %get3A_217] {strides = array<i32>} : memref<80x16xf32, #tpu.memory_space<vmem>>, vector<1x16xf32>,
      %get3A_219 = vector.shape_cast %get3A_218 : vector<1x16xf32> to vector<16xf32>
      %broadcast_in_dim3A_220 = arith.constant 11 : i32
      %broadcast_in_dim3A_221 = vector.broadcast %broadcast_in_dim3A_220 : i32 to vector<16x1xi32>
      %gather3A_222 = vector.shape_cast %broadcast_in_dim3A_221 : vector<16x1xi32> to vector<16xi32>
      %gather3A_223 = tpu.dynamic_gather %get3A_41[%gather3A_222] in [0] : vector<16xf32>, vector<16xi32> -> vector<16xf32>
      %mul3A_224 = arith.mulf %get3A_219, %gather3A_223 : vector<16xf32>
      %swap3A_225 = arith.constant 11 : i32
      %swap3A_226 = arith.index_cast %swap3A_225 : i32 to index
      %swap3A_227 = arith.constant 0 : index
      %swap3A_228 = tpu.vector_load %arg10[%swap3A_226, %swap3A_227] {strides = array<i32>} : memref<80x16xf32, #tpu.memory_space<vmem>>, vector<1x16xf32>,
      %swap3A_229 = vector.shape_cast %swap3A_228 : vector<1x16xf32> to vector<16xf32>
      %swap3A_230 = vector.shape_cast %mul3A_224 : vector<16xf32> to vector<1x16xf32>
      tpu.vector_store %arg10[%swap3A_226, %swap3A_227], %swap3A_230 {strides = array<i32>} : memref<80x16xf32, #tpu.memory_space<vmem>>, vector<1x16xf32>,
      %get3A_231 = arith.constant 12 : i32
      %get3A_232 = arith.index_cast %get3A_231 : i32 to index
      %get3A_233 = arith.constant 0 : index
      %get3A_234 = tpu.vector_load %arg10[%get3A_232, %get3A_233] {strides = array<i32>} : memref<80x16xf32, #tpu.memory_space<vmem>>, vector<1x16xf32>,
      %get3A_235 = vector.shape_cast %get3A_234 : vector<1x16xf32> to vector<16xf32>
      %broadcast_in_dim3A_236 = arith.constant 12 : i32
      %broadcast_in_dim3A_237 = vector.broadcast %broadcast_in_dim3A_236 : i32 to vector<16x1xi32>
      %gather3A_238 = vector.shape_cast %broadcast_in_dim3A_237 : vector<16x1xi32> to vector<16xi32>
      %gather3A_239 = tpu.dynamic_gather %get3A_41[%gather3A_238] in [0] : vector<16xf32>, vector<16xi32> -> vector<16xf32>
      %mul3A_240 = arith.mulf %get3A_235, %gather3A_239 : vector<16xf32>
      %swap3A_241 = arith.constant 12 : i32
      %swap3A_242 = arith.index_cast %swap3A_241 : i32 to index
      %swap3A_243 = arith.constant 0 : index
      %swap3A_244 = tpu.vector_load %arg10[%swap3A_242, %swap3A_243] {strides = array<i32>} : memref<80x16xf32, #tpu.memory_space<vmem>>, vector<1x16xf32>,
      %swap3A_245 = vector.shape_cast %swap3A_244 : vector<1x16xf32> to vector<16xf32>
      %swap3A_246 = vector.shape_cast %mul3A_240 : vector<16xf32> to vector<1x16xf32>
      tpu.vector_store %arg10[%swap3A_242, %swap3A_243], %swap3A_246 {strides = array<i32>} : memref<80x16xf32, #tpu.memory_space<vmem>>, vector<1x16xf32>,
      %get3A_247 = arith.constant 13 : i32
      %get3A_248 = arith.index_cast %get3A_247 : i32 to index
      %get3A_249 = arith.constant 0 : index
      %get3A_250 = tpu.vector_load %arg10[%get3A_248, %get3A_249] {strides = array<i32>} : memref<80x16xf32, #tpu.memory_space<vmem>>, vector<1x16xf32>,
      %get3A_251 = vector.shape_cast %get3A_250 : vector<1x16xf32> to vector<16xf32>
      %broadcast_in_dim3A_252 = arith.constant 13 : i32
      %broadcast_in_dim3A_253 = vector.broadcast %broadcast_in_dim3A_252 : i32 to vector<16x1xi32>
      %gather3A_254 = vector.shape_cast %broadcast_in_dim3A_253 : vector<16x1xi32> to vector<16xi32>
      %gather3A_255 = tpu.dynamic_gather %get3A_41[%gather3A_254] in [0] : vector<16xf32>, vector<16xi32> -> vector<16xf32>
      %mul3A_256 = arith.mulf %get3A_251, %gather3A_255 : vector<16xf32>
      %swap3A_257 = arith.constant 13 : i32
      %swap3A_258 = arith.index_cast %swap3A_257 : i32 to index
      %swap3A_259 = arith.constant 0 : index
      %swap3A_260 = tpu.vector_load %arg10[%swap3A_258, %swap3A_259] {strides = array<i32>} : memref<80x16xf32, #tpu.memory_space<vmem>>, vector<1x16xf32>,
      %swap3A_261 = vector.shape_cast %swap3A_260 : vector<1x16xf32> to vector<16xf32>
      %swap3A_262 = vector.shape_cast %mul3A_256 : vector<16xf32> to vector<1x16xf32>
      tpu.vector_store %arg10[%swap3A_258, %swap3A_259], %swap3A_262 {strides = array<i32>} : memref<80x16xf32, #tpu.memory_space<vmem>>, vector<1x16xf32>,
      %get3A_263 = arith.constant 14 : i32
      %get3A_264 = arith.index_cast %get3A_263 : i32 to index
      %get3A_265 = arith.constant 0 : index
      %get3A_266 = tpu.vector_load %arg10[%get3A_264, %get3A_265] {strides = array<i32>} : memref<80x16xf32, #tpu.memory_space<vmem>>, vector<1x16xf32>,
      %get3A_267 = vector.shape_cast %get3A_266 : vector<1x16xf32> to vector<16xf32>
      %broadcast_in_dim3A_268 = arith.constant 14 : i32
      %broadcast_in_dim3A_269 = vector.broadcast %broadcast_in_dim3A_268 : i32 to vector<16x1xi32>
      %gather3A_270 = vector.shape_cast %broadcast_in_dim3A_269 : vector<16x1xi32> to vector<16xi32>
      %gather3A_271 = tpu.dynamic_gather %get3A_41[%gather3A_270] in [0] : vector<16xf32>, vector<16xi32> -> vector<16xf32>
      %mul3A_272 = arith.mulf %get3A_267, %gather3A_271 : vector<16xf32>
      %swap3A_273 = arith.constant 14 : i32
      %swap3A_274 = arith.index_cast %swap3A_273 : i32 to index
      %swap3A_275 = arith.constant 0 : index
      %swap3A_276 = tpu.vector_load %arg10[%swap3A_274, %swap3A_275] {strides = array<i32>} : memref<80x16xf32, #tpu.memory_space<vmem>>, vector<1x16xf32>,
      %swap3A_277 = vector.shape_cast %swap3A_276 : vector<1x16xf32> to vector<16xf32>
      %swap3A_278 = vector.shape_cast %mul3A_272 : vector<16xf32> to vector<1x16xf32>
      tpu.vector_store %arg10[%swap3A_274, %swap3A_275], %swap3A_278 {strides = array<i32>} : memref<80x16xf32, #tpu.memory_space<vmem>>, vector<1x16xf32>,
      %get3A_279 = arith.constant 15 : i32
      %get3A_280 = arith.index_cast %get3A_279 : i32 to index
      %get3A_281 = arith.constant 0 : index
      %get3A_282 = tpu.vector_load %arg10[%get3A_280, %get3A_281] {strides = array<i32>} : memref<80x16xf32, #tpu.memory_space<vmem>>, vector<1x16xf32>,
      %get3A_283 = vector.shape_cast %get3A_282 : vector<1x16xf32> to vector<16xf32>
      %broadcast_in_dim3A_284 = arith.constant 15 : i32
      %broadcast_in_dim3A_285 = vector.broadcast %broadcast_in_dim3A_284 : i32 to vector<16x1xi32>
      %gather3A_286 = vector.shape_cast %broadcast_in_dim3A_285 : vector<16x1xi32> to vector<16xi32>
      %gather3A_287 = tpu.dynamic_gather %get3A_41[%gather3A_286] in [0] : vector<16xf32>, vector<16xi32> -> vector<16xf32>
      %mul3A_288 = arith.mulf %get3A_283, %gather3A_287 : vector<16xf32>
      %swap3A_289 = arith.constant 15 : i32
      %swap3A_290 = arith.index_cast %swap3A_289 : i32 to index
      %swap3A_291 = arith.constant 0 : index
      %swap3A_292 = tpu.vector_load %arg10[%swap3A_290, %swap3A_291] {strides = array<i32>} : memref<80x16xf32, #tpu.memory_space<vmem>>, vector<1x16xf32>,
      %swap3A_293 = vector.shape_cast %swap3A_292 : vector<1x16xf32> to vector<16xf32>
      %swap3A_294 = vector.shape_cast %mul3A_288 : vector<16xf32> to vector<1x16xf32>
      tpu.vector_store %arg10[%swap3A_290, %swap3A_291], %swap3A_294 {strides = array<i32>} : memref<80x16xf32, #tpu.memory_space<vmem>>, vector<1x16xf32>,
      %get3A_295 = arith.index_cast %scan3A_28 : i32 to index
      %get3A_296 = arith.constant 16 : index
      %get3A_297 = tpu.vector_load %arg9[%get3A_295, %get3A_296] {strides = array<i32>} : memref<128x80xf32, #tpu.memory_space<vmem>>, vector<1x16xf32>,
      %get3A_298 = vector.shape_cast %get3A_297 : vector<1x16xf32> to vector<16xf32>
      %get3A_299 = arith.constant 16 : i32
      %get3A_300 = arith.index_cast %get3A_299 : i32 to index
      %get3A_301 = arith.constant 0 : index
      %get3A_302 = tpu.vector_load %arg10[%get3A_300, %get3A_301] {strides = array<i32>} : memref<80x16xf32, #tpu.memory_space<vmem>>, vector<1x16xf32>,
      %get3A_303 = vector.shape_cast %get3A_302 : vector<1x16xf32> to vector<16xf32>
      %broadcast_in_dim3A_304 = arith.constant 0 : i32
      %broadcast_in_dim3A_305 = vector.broadcast %broadcast_in_dim3A_304 : i32 to vector<16x1xi32>
      %gather3A_306 = vector.shape_cast %broadcast_in_dim3A_305 : vector<16x1xi32> to vector<16xi32>
      %gather3A_307 = tpu.dynamic_gather %get3A_298[%gather3A_306] in [0] : vector<16xf32>, vector<16xi32> -> vector<16xf32>
      %mul3A_308 = arith.mulf %get3A_303, %gather3A_307 : vector<16xf32>
      %swap3A_309 = arith.constant 16 : i32
      %swap3A_310 = arith.index_cast %swap3A_309 : i32 to index
      %swap3A_311 = arith.constant 0 : index
      %swap3A_312 = tpu.vector_load %arg10[%swap3A_310, %swap3A_311] {strides = array<i32>} : memref<80x16xf32, #tpu.memory_space<vmem>>, vector<1x16xf32>,
      %swap3A_313 = vector.shape_cast %swap3A_312 : vector<1x16xf32> to vector<16xf32>
      %swap3A_314 = vector.shape_cast %mul3A_308 : vector<16xf32> to vector<1x16xf32>
      tpu.vector_store %arg10[%swap3A_310, %swap3A_311], %swap3A_314 {strides = array<i32>} : memref<80x16xf32, #tpu.memory_space<vmem>>, vector<1x16xf32>,
      %get3A_315 = arith.constant 17 : i32
      %get3A_316 = arith.index_cast %get3A_315 : i32 to index
      %get3A_317 = arith.constant 0 : index
      %get3A_318 = tpu.vector_load %arg10[%get3A_316, %get3A_317] {strides = array<i32>} : memref<80x16xf32, #tpu.memory_space<vmem>>, vector<1x16xf32>,
      %get3A_319 = vector.shape_cast %get3A_318 : vector<1x16xf32> to vector<16xf32>
      %broadcast_in_dim3A_320 = arith.constant 1 : i32
      %broadcast_in_dim3A_321 = vector.broadcast %broadcast_in_dim3A_320 : i32 to vector<16x1xi32>
      %gather3A_322 = vector.shape_cast %broadcast_in_dim3A_321 : vector<16x1xi32> to vector<16xi32>
      %gather3A_323 = tpu.dynamic_gather %get3A_298[%gather3A_322] in [0] : vector<16xf32>, vector<16xi32> -> vector<16xf32>
      %mul3A_324 = arith.mulf %get3A_319, %gather3A_323 : vector<16xf32>
      %swap3A_325 = arith.constant 17 : i32
      %swap3A_326 = arith.index_cast %swap3A_325 : i32 to index
      %swap3A_327 = arith.constant 0 : index
      %swap3A_328 = tpu.vector_load %arg10[%swap3A_326, %swap3A_327] {strides = array<i32>} : memref<80x16xf32, #tpu.memory_space<vmem>>, vector<1x16xf32>,
      %swap3A_329 = vector.shape_cast %swap3A_328 : vector<1x16xf32> to vector<16xf32>
      %swap3A_330 = vector.shape_cast %mul3A_324 : vector<16xf32> to vector<1x16xf32>
      tpu.vector_store %arg10[%swap3A_326, %swap3A_327], %swap3A_330 {strides = array<i32>} : memref<80x16xf32, #tpu.memory_space<vmem>>, vector<1x16xf32>,
      %get3A_331 = arith.constant 18 : i32
      %get3A_332 = arith.index_cast %get3A_331 : i32 to index
      %get3A_333 = arith.constant 0 : index
      %get3A_334 = tpu.vector_load %arg10[%get3A_332, %get3A_333] {strides = array<i32>} : memref<80x16xf32, #tpu.memory_space<vmem>>, vector<1x16xf32>,
      %get3A_335 = vector.shape_cast %get3A_334 : vector<1x16xf32> to vector<16xf32>
      %broadcast_in_dim3A_336 = arith.constant 2 : i32
      %broadcast_in_dim3A_337 = vector.broadcast %broadcast_in_dim3A_336 : i32 to vector<16x1xi32>
      %gather3A_338 = vector.shape_cast %broadcast_in_dim3A_337 : vector<16x1xi32> to vector<16xi32>
      %gather3A_339 = tpu.dynamic_gather %get3A_298[%gather3A_338] in [0] : vector<16xf32>, vector<16xi32> -> vector<16xf32>
      %mul3A_340 = arith.mulf %get3A_335, %gather3A_339 : vector<16xf32>
      %swap3A_341 = arith.constant 18 : i32
      %swap3A_342 = arith.index_cast %swap3A_341 : i32 to index
      %swap3A_343 = arith.constant 0 : index
      %swap3A_344 = tpu.vector_load %arg10[%swap3A_342, %swap3A_343] {strides = array<i32>} : memref<80x16xf32, #tpu.memory_space<vmem>>, vector<1x16xf32>,
      %swap3A_345 = vector.shape_cast %swap3A_344 : vector<1x16xf32> to vector<16xf32>
      %swap3A_346 = vector.shape_cast %mul3A_340 : vector<16xf32> to vector<1x16xf32>
      tpu.vector_store %arg10[%swap3A_342, %swap3A_343], %swap3A_346 {strides = array<i32>} : memref<80x16xf32, #tpu.memory_space<vmem>>, vector<1x16xf32>,
      %get3A_347 = arith.constant 19 : i32
      %get3A_348 = arith.index_cast %get3A_347 : i32 to index
      %get3A_349 = arith.constant 0 : index
      %get3A_350 = tpu.vector_load %arg10[%get3A_348, %get3A_349] {strides = array<i32>} : memref<80x16xf32, #tpu.memory_space<vmem>>, vector<1x16xf32>,
      %get3A_351 = vector.shape_cast %get3A_350 : vector<1x16xf32> to vector<16xf32>
      %broadcast_in_dim3A_352 = arith.constant 3 : i32
      %broadcast_in_dim3A_353 = vector.broadcast %broadcast_in_dim3A_352 : i32 to vector<16x1xi32>
      %gather3A_354 = vector.shape_cast %broadcast_in_dim3A_353 : vector<16x1xi32> to vector<16xi32>
      %gather3A_355 = tpu.dynamic_gather %get3A_298[%gather3A_354] in [0] : vector<16xf32>, vector<16xi32> -> vector<16xf32>
      %mul3A_356 = arith.mulf %get3A_351, %gather3A_355 : vector<16xf32>
      %swap3A_357 = arith.constant 19 : i32
      %swap3A_358 = arith.index_cast %swap3A_357 : i32 to index
      %swap3A_359 = arith.constant 0 : index
      %swap3A_360 = tpu.vector_load %arg10[%swap3A_358, %swap3A_359] {strides = array<i32>} : memref<80x16xf32, #tpu.memory_space<vmem>>, vector<1x16xf32>,
      %swap3A_361 = vector.shape_cast %swap3A_360 : vector<1x16xf32> to vector<16xf32>
      %swap3A_362 = vector.shape_cast %mul3A_356 : vector<16xf32> to vector<1x16xf32>
      tpu.vector_store %arg10[%swap3A_358, %swap3A_359], %swap3A_362 {strides = array<i32>} : memref<80x16xf32, #tpu.memory_space<vmem>>, vector<1x16xf32>,
      %get3A_363 = arith.constant 20 : i32
      %get3A_364 = arith.index_cast %get3A_363 : i32 to index
      %get3A_365 = arith.constant 0 : index
      %get3A_366 = tpu.vector_load %arg10[%get3A_364, %get3A_365] {strides = array<i32>} : memref<80x16xf32, #tpu.memory_space<vmem>>, vector<1x16xf32>,
      %get3A_367 = vector.shape_cast %get3A_366 : vector<1x16xf32> to vector<16xf32>
      %broadcast_in_dim3A_368 = arith.constant 4 : i32
      %broadcast_in_dim3A_369 = vector.broadcast %broadcast_in_dim3A_368 : i32 to vector<16x1xi32>
      %gather3A_370 = vector.shape_cast %broadcast_in_dim3A_369 : vector<16x1xi32> to vector<16xi32>
      %gather3A_371 = tpu.dynamic_gather %get3A_298[%gather3A_370] in [0] : vector<16xf32>, vector<16xi32> -> vector<16xf32>
      %mul3A_372 = arith.mulf %get3A_367, %gather3A_371 : vector<16xf32>
      %swap3A_373 = arith.constant 20 : i32
      %swap3A_374 = arith.index_cast %swap3A_373 : i32 to index
      %swap3A_375 = arith.constant 0 : index
      %swap3A_376 = tpu.vector_load %arg10[%swap3A_374, %swap3A_375] {strides = array<i32>} : memref<80x16xf32, #tpu.memory_space<vmem>>, vector<1x16xf32>,
      %swap3A_377 = vector.shape_cast %swap3A_376 : vector<1x16xf32> to vector<16xf32>
      %swap3A_378 = vector.shape_cast %mul3A_372 : vector<16xf32> to vector<1x16xf32>
      tpu.vector_store %arg10[%swap3A_374, %swap3A_375], %swap3A_378 {strides = array<i32>} : memref<80x16xf32, #tpu.memory_space<vmem>>, vector<1x16xf32>,
      %get3A_379 = arith.constant 21 : i32
      %get3A_380 = arith.index_cast %get3A_379 : i32 to index
      %get3A_381 = arith.constant 0 : index
      %get3A_382 = tpu.vector_load %arg10[%get3A_380, %get3A_381] {strides = array<i32>} : memref<80x16xf32, #tpu.memory_space<vmem>>, vector<1x16xf32>,
      %get3A_383 = vector.shape_cast %get3A_382 : vector<1x16xf32> to vector<16xf32>
      %broadcast_in_dim3A_384 = arith.constant 5 : i32
      %broadcast_in_dim3A_385 = vector.broadcast %broadcast_in_dim3A_384 : i32 to vector<16x1xi32>
      %gather3A_386 = vector.shape_cast %broadcast_in_dim3A_385 : vector<16x1xi32> to vector<16xi32>
      %gather3A_387 = tpu.dynamic_gather %get3A_298[%gather3A_386] in [0] : vector<16xf32>, vector<16xi32> -> vector<16xf32>
      %mul3A_388 = arith.mulf %get3A_383, %gather3A_387 : vector<16xf32>
      %swap3A_389 = arith.constant 21 : i32
      %swap3A_390 = arith.index_cast %swap3A_389 : i32 to index
      %swap3A_391 = arith.constant 0 : index
      %swap3A_392 = tpu.vector_load %arg10[%swap3A_390, %swap3A_391] {strides = array<i32>} : memref<80x16xf32, #tpu.memory_space<vmem>>, vector<1x16xf32>,
      %swap3A_393 = vector.shape_cast %swap3A_392 : vector<1x16xf32> to vector<16xf32>
      %swap3A_394 = vector.shape_cast %mul3A_388 : vector<16xf32> to vector<1x16xf32>
      tpu.vector_store %arg10[%swap3A_390, %swap3A_391], %swap3A_394 {strides = array<i32>} : memref<80x16xf32, #tpu.memory_space<vmem>>, vector<1x16xf32>,
      %get3A_395 = arith.constant 22 : i32
      %get3A_396 = arith.index_cast %get3A_395 : i32 to index
      %get3A_397 = arith.constant 0 : index
      %get3A_398 = tpu.vector_load %arg10[%get3A_396, %get3A_397] {strides = array<i32>} : memref<80x16xf32, #tpu.memory_space<vmem>>, vector<1x16xf32>,
      %get3A_399 = vector.shape_cast %get3A_398 : vector<1x16xf32> to vector<16xf32>
      %broadcast_in_dim3A_400 = arith.constant 6 : i32
      %broadcast_in_dim3A_401 = vector.broadcast %broadcast_in_dim3A_400 : i32 to vector<16x1xi32>
      %gather3A_402 = vector.shape_cast %broadcast_in_dim3A_401 : vector<16x1xi32> to vector<16xi32>
      %gather3A_403 = tpu.dynamic_gather %get3A_298[%gather3A_402] in [0] : vector<16xf32>, vector<16xi32> -> vector<16xf32>
      %mul3A_404 = arith.mulf %get3A_399, %gather3A_403 : vector<16xf32>
      %swap3A_405 = arith.constant 22 : i32
      %swap3A_406 = arith.index_cast %swap3A_405 : i32 to index
      %swap3A_407 = arith.constant 0 : index
      %swap3A_408 = tpu.vector_load %arg10[%swap3A_406, %swap3A_407] {strides = array<i32>} : memref<80x16xf32, #tpu.memory_space<vmem>>, vector<1x16xf32>,
      %swap3A_409 = vector.shape_cast %swap3A_408 : vector<1x16xf32> to vector<16xf32>
      %swap3A_410 = vector.shape_cast %mul3A_404 : vector<16xf32> to vector<1x16xf32>
      tpu.vector_store %arg10[%swap3A_406, %swap3A_407], %swap3A_410 {strides = array<i32>} : memref<80x16xf32, #tpu.memory_space<vmem>>, vector<1x16xf32>,
      %get3A_411 = arith.constant 23 : i32
      %get3A_412 = arith.index_cast %get3A_411 : i32 to index
      %get3A_413 = arith.constant 0 : index
      %get3A_414 = tpu.vector_load %arg10[%get3A_412, %get3A_413] {strides = array<i32>} : memref<80x16xf32, #tpu.memory_space<vmem>>, vector<1x16xf32>,
      %get3A_415 = vector.shape_cast %get3A_414 : vector<1x16xf32> to vector<16xf32>
      %broadcast_in_dim3A_416 = arith.constant 7 : i32
      %broadcast_in_dim3A_417 = vector.broadcast %broadcast_in_dim3A_416 : i32 to vector<16x1xi32>
      %gather3A_418 = vector.shape_cast %broadcast_in_dim3A_417 : vector<16x1xi32> to vector<16xi32>
      %gather3A_419 = tpu.dynamic_gather %get3A_298[%gather3A_418] in [0] : vector<16xf32>, vector<16xi32> -> vector<16xf32>
      %mul3A_420 = arith.mulf %get3A_415, %gather3A_419 : vector<16xf32>
      %swap3A_421 = arith.constant 23 : i32
      %swap3A_422 = arith.index_cast %swap3A_421 : i32 to index
      %swap3A_423 = arith.constant 0 : index
      %swap3A_424 = tpu.vector_load %arg10[%swap3A_422, %swap3A_423] {strides = array<i32>} : memref<80x16xf32, #tpu.memory_space<vmem>>, vector<1x16xf32>,
      %swap3A_425 = vector.shape_cast %swap3A_424 : vector<1x16xf32> to vector<16xf32>
      %swap3A_426 = vector.shape_cast %mul3A_420 : vector<16xf32> to vector<1x16xf32>
      tpu.vector_store %arg10[%swap3A_422, %swap3A_423], %swap3A_426 {strides = array<i32>} : memref<80x16xf32, #tpu.memory_space<vmem>>, vector<1x16xf32>,
      %get3A_427 = arith.constant 24 : i32
      %get3A_428 = arith.index_cast %get3A_427 : i32 to index
      %get3A_429 = arith.constant 0 : index
      %get3A_430 = tpu.vector_load %arg10[%get3A_428, %get3A_429] {strides = array<i32>} : memref<80x16xf32, #tpu.memory_space<vmem>>, vector<1x16xf32>,
      %get3A_431 = vector.shape_cast %get3A_430 : vector<1x16xf32> to vector<16xf32>
      %broadcast_in_dim3A_432 = arith.constant 8 : i32
      %broadcast_in_dim3A_433 = vector.broadcast %broadcast_in_dim3A_432 : i32 to vector<16x1xi32>
      %gather3A_434 = vector.shape_cast %broadcast_in_dim3A_433 : vector<16x1xi32> to vector<16xi32>
      %gather3A_435 = tpu.dynamic_gather %get3A_298[%gather3A_434] in [0] : vector<16xf32>, vector<16xi32> -> vector<16xf32>
      %mul3A_436 = arith.mulf %get3A_431, %gather3A_435 : vector<16xf32>
      %swap3A_437 = arith.constant 24 : i32
      %swap3A_438 = arith.index_cast %swap3A_437 : i32 to index
      %swap3A_439 = arith.constant 0 : index
      %swap3A_440 = tpu.vector_load %arg10[%swap3A_438, %swap3A_439] {strides = array<i32>} : memref<80x16xf32, #tpu.memory_space<vmem>>, vector<1x16xf32>,
      %swap3A_441 = vector.shape_cast %swap3A_440 : vector<1x16xf32> to vector<16xf32>
      %swap3A_442 = vector.shape_cast %mul3A_436 : vector<16xf32> to vector<1x16xf32>
      tpu.vector_store %arg10[%swap3A_438, %swap3A_439], %swap3A_442 {strides = array<i32>} : memref<80x16xf32, #tpu.memory_space<vmem>>, vector<1x16xf32>,
      %get3A_443 = arith.constant 25 : i32
      %get3A_444 = arith.index_cast %get3A_443 : i32 to index
      %get3A_445 = arith.constant 0 : index
      %get3A_446 = tpu.vector_load %arg10[%get3A_444, %get3A_445] {strides = array<i32>} : memref<80x16xf32, #tpu.memory_space<vmem>>, vector<1x16xf32>,
      %get3A_447 = vector.shape_cast %get3A_446 : vector<1x16xf32> to vector<16xf32>
      %broadcast_in_dim3A_448 = arith.constant 9 : i32
      %broadcast_in_dim3A_449 = vector.broadcast %broadcast_in_dim3A_448 : i32 to vector<16x1xi32>
      %gather3A_450 = vector.shape_cast %broadcast_in_dim3A_449 : vector<16x1xi32> to vector<16xi32>
      %gather3A_451 = tpu.dynamic_gather %get3A_298[%gather3A_450] in [0] : vector<16xf32>, vector<16xi32> -> vector<16xf32>
      %mul3A_452 = arith.mulf %get3A_447, %gather3A_451 : vector<16xf32>
      %swap3A_453 = arith.constant 25 : i32
      %swap3A_454 = arith.index_cast %swap3A_453 : i32 to index
      %swap3A_455 = arith.constant 0 : index
      %swap3A_456 = tpu.vector_load %arg10[%swap3A_454, %swap3A_455] {strides = array<i32>} : memref<80x16xf32, #tpu.memory_space<vmem>>, vector<1x16xf32>,
      %swap3A_457 = vector.shape_cast %swap3A_456 : vector<1x16xf32> to vector<16xf32>
      %swap3A_458 = vector.shape_cast %mul3A_452 : vector<16xf32> to vector<1x16xf32>
      tpu.vector_store %arg10[%swap3A_454, %swap3A_455], %swap3A_458 {strides = array<i32>} : memref<80x16xf32, #tpu.memory_space<vmem>>, vector<1x16xf32>,
      %get3A_459 = arith.constant 26 : i32
      %get3A_460 = arith.index_cast %get3A_459 : i32 to index
      %get3A_461 = arith.constant 0 : index
      %get3A_462 = tpu.vector_load %arg10[%get3A_460, %get3A_461] {strides = array<i32>} : memref<80x16xf32, #tpu.memory_space<vmem>>, vector<1x16xf32>,
      %get3A_463 = vector.shape_cast %get3A_462 : vector<1x16xf32> to vector<16xf32>
      %broadcast_in_dim3A_464 = arith.constant 10 : i32
      %broadcast_in_dim3A_465 = vector.broadcast %broadcast_in_dim3A_464 : i32 to vector<16x1xi32>
      %gather3A_466 = vector.shape_cast %broadcast_in_dim3A_465 : vector<16x1xi32> to vector<16xi32>
      %gather3A_467 = tpu.dynamic_gather %get3A_298[%gather3A_466] in [0] : vector<16xf32>, vector<16xi32> -> vector<16xf32>
      %mul3A_468 = arith.mulf %get3A_463, %gather3A_467 : vector<16xf32>
      %swap3A_469 = arith.constant 26 : i32
      %swap3A_470 = arith.index_cast %swap3A_469 : i32 to index
      %swap3A_471 = arith.constant 0 : index
      %swap3A_472 = tpu.vector_load %arg10[%swap3A_470, %swap3A_471] {strides = array<i32>} : memref<80x16xf32, #tpu.memory_space<vmem>>, vector<1x16xf32>,
      %swap3A_473 = vector.shape_cast %swap3A_472 : vector<1x16xf32> to vector<16xf32>
      %swap3A_474 = vector.shape_cast %mul3A_468 : vector<16xf32> to vector<1x16xf32>
      tpu.vector_store %arg10[%swap3A_470, %swap3A_471], %swap3A_474 {strides = array<i32>} : memref<80x16xf32, #tpu.memory_space<vmem>>, vector<1x16xf32>,
      %get3A_475 = arith.constant 27 : i32
      %get3A_476 = arith.index_cast %get3A_475 : i32 to index
      %get3A_477 = arith.constant 0 : index
      %get3A_478 = tpu.vector_load %arg10[%get3A_476, %get3A_477] {strides = array<i32>} : memref<80x16xf32, #tpu.memory_space<vmem>>, vector<1x16xf32>,
      %get3A_479 = vector.shape_cast %get3A_478 : vector<1x16xf32> to vector<16xf32>
      %broadcast_in_dim3A_480 = arith.constant 11 : i32
      %broadcast_in_dim3A_481 = vector.broadcast %broadcast_in_dim3A_480 : i32 to vector<16x1xi32>
      %gather3A_482 = vector.shape_cast %broadcast_in_dim3A_481 : vector<16x1xi32> to vector<16xi32>
      %gather3A_483 = tpu.dynamic_gather %get3A_298[%gather3A_482] in [0] : vector<16xf32>, vector<16xi32> -> vector<16xf32>
      %mul3A_484 = arith.mulf %get3A_479, %gather3A_483 : vector<16xf32>
      %swap3A_485 = arith.constant 27 : i32
      %swap3A_486 = arith.index_cast %swap3A_485 : i32 to index
      %swap3A_487 = arith.constant 0 : index
      %swap3A_488 = tpu.vector_load %arg10[%swap3A_486, %swap3A_487] {strides = array<i32>} : memref<80x16xf32, #tpu.memory_space<vmem>>, vector<1x16xf32>,
      %swap3A_489 = vector.shape_cast %swap3A_488 : vector<1x16xf32> to vector<16xf32>
      %swap3A_490 = vector.shape_cast %mul3A_484 : vector<16xf32> to vector<1x16xf32>
      tpu.vector_store %arg10[%swap3A_486, %swap3A_487], %swap3A_490 {strides = array<i32>} : memref<80x16xf32, #tpu.memory_space<vmem>>, vector<1x16xf32>,
      %get3A_491 = arith.constant 28 : i32
      %get3A_492 = arith.index_cast %get3A_491 : i32 to index
      %get3A_493 = arith.constant 0 : index
      %get3A_494 = tpu.vector_load %arg10[%get3A_492, %get3A_493] {strides = array<i32>} : memref<80x16xf32, #tpu.memory_space<vmem>>, vector<1x16xf32>,
      %get3A_495 = vector.shape_cast %get3A_494 : vector<1x16xf32> to vector<16xf32>
      %broadcast_in_dim3A_496 = arith.constant 12 : i32
      %broadcast_in_dim3A_497 = vector.broadcast %broadcast_in_dim3A_496 : i32 to vector<16x1xi32>
      %gather3A_498 = vector.shape_cast %broadcast_in_dim3A_497 : vector<16x1xi32> to vector<16xi32>
      %gather3A_499 = tpu.dynamic_gather %get3A_298[%gather3A_498] in [0] : vector<16xf32>, vector<16xi32> -> vector<16xf32>
      %mul3A_500 = arith.mulf %get3A_495, %gather3A_499 : vector<16xf32>
      %swap3A_501 = arith.constant 28 : i32
      %swap3A_502 = arith.index_cast %swap3A_501 : i32 to index
      %swap3A_503 = arith.constant 0 : index
      %swap3A_504 = tpu.vector_load %arg10[%swap3A_502, %swap3A_503] {strides = array<i32>} : memref<80x16xf32, #tpu.memory_space<vmem>>, vector<1x16xf32>,
      %swap3A_505 = vector.shape_cast %swap3A_504 : vector<1x16xf32> to vector<16xf32>
      %swap3A_506 = vector.shape_cast %mul3A_500 : vector<16xf32> to vector<1x16xf32>
      tpu.vector_store %arg10[%swap3A_502, %swap3A_503], %swap3A_506 {strides = array<i32>} : memref<80x16xf32, #tpu.memory_space<vmem>>, vector<1x16xf32>,
      %get3A_507 = arith.constant 29 : i32
      %get3A_508 = arith.index_cast %get3A_507 : i32 to index
      %get3A_509 = arith.constant 0 : index
      %get3A_510 = tpu.vector_load %arg10[%get3A_508, %get3A_509] {strides = array<i32>} : memref<80x16xf32, #tpu.memory_space<vmem>>, vector<1x16xf32>,
      %get3A_511 = vector.shape_cast %get3A_510 : vector<1x16xf32> to vector<16xf32>
      %broadcast_in_dim3A_512 = arith.constant 13 : i32
      %broadcast_in_dim3A_513 = vector.broadcast %broadcast_in_dim3A_512 : i32 to vector<16x1xi32>
      %gather3A_514 = vector.shape_cast %broadcast_in_dim3A_513 : vector<16x1xi32> to vector<16xi32>
      %gather3A_515 = tpu.dynamic_gather %get3A_298[%gather3A_514] in [0] : vector<16xf32>, vector<16xi32> -> vector<16xf32>
      %mul3A_516 = arith.mulf %get3A_511, %gather3A_515 : vector<16xf32>
      %swap3A_517 = arith.constant 29 : i32
      %swap3A_518 = arith.index_cast %swap3A_517 : i32 to index
      %swap3A_519 = arith.constant 0 : index
      %swap3A_520 = tpu.vector_load %arg10[%swap3A_518, %swap3A_519] {strides = array<i32>} : memref<80x16xf32, #tpu.memory_space<vmem>>, vector<1x16xf32>,
      %swap3A_521 = vector.shape_cast %swap3A_520 : vector<1x16xf32> to vector<16xf32>
      %swap3A_522 = vector.shape_cast %mul3A_516 : vector<16xf32> to vector<1x16xf32>
      tpu.vector_store %arg10[%swap3A_518, %swap3A_519], %swap3A_522 {strides = array<i32>} : memref<80x16xf32, #tpu.memory_space<vmem>>, vector<1x16xf32>,
      %get3A_523 = arith.constant 30 : i32
      %get3A_524 = arith.index_cast %get3A_523 : i32 to index
      %get3A_525 = arith.constant 0 : index
      %get3A_526 = tpu.vector_load %arg10[%get3A_524, %get3A_525] {strides = array<i32>} : memref<80x16xf32, #tpu.memory_space<vmem>>, vector<1x16xf32>,
      %get3A_527 = vector.shape_cast %get3A_526 : vector<1x16xf32> to vector<16xf32>
      %broadcast_in_dim3A_528 = arith.constant 14 : i32
      %broadcast_in_dim3A_529 = vector.broadcast %broadcast_in_dim3A_528 : i32 to vector<16x1xi32>
      %gather3A_530 = vector.shape_cast %broadcast_in_dim3A_529 : vector<16x1xi32> to vector<16xi32>
      %gather3A_531 = tpu.dynamic_gather %get3A_298[%gather3A_530] in [0] : vector<16xf32>, vector<16xi32> -> vector<16xf32>
      %mul3A_532 = arith.mulf %get3A_527, %gather3A_531 : vector<16xf32>
      %swap3A_533 = arith.constant 30 : i32
      %swap3A_534 = arith.index_cast %swap3A_533 : i32 to index
      %swap3A_535 = arith.constant 0 : index
      %swap3A_536 = tpu.vector_load %arg10[%swap3A_534, %swap3A_535] {strides = array<i32>} : memref<80x16xf32, #tpu.memory_space<vmem>>, vector<1x16xf32>,
      %swap3A_537 = vector.shape_cast %swap3A_536 : vector<1x16xf32> to vector<16xf32>
      %swap3A_538 = vector.shape_cast %mul3A_532 : vector<16xf32> to vector<1x16xf32>
      tpu.vector_store %arg10[%swap3A_534, %swap3A_535], %swap3A_538 {strides = array<i32>} : memref<80x16xf32, #tpu.memory_space<vmem>>, vector<1x16xf32>,
      %get3A_539 = arith.constant 31 : i32
      %get3A_540 = arith.index_cast %get3A_539 : i32 to index
      %get3A_541 = arith.constant 0 : index
      %get3A_542 = tpu.vector_load %arg10[%get3A_540, %get3A_541] {strides = array<i32>} : memref<80x16xf32, #tpu.memory_space<vmem>>, vector<1x16xf32>,
      %get3A_543 = vector.shape_cast %get3A_542 : vector<1x16xf32> to vector<16xf32>
      %broadcast_in_dim3A_544 = arith.constant 15 : i32
      %broadcast_in_dim3A_545 = vector.broadcast %broadcast_in_dim3A_544 : i32 to vector<16x1xi32>
      %gather3A_546 = vector.shape_cast %broadcast_in_dim3A_545 : vector<16x1xi32> to vector<16xi32>
      %gather3A_547 = tpu.dynamic_gather %get3A_298[%gather3A_546] in [0] : vector<16xf32>, vector<16xi32> -> vector<16xf32>
      %mul3A_548 = arith.mulf %get3A_543, %gather3A_547 : vector<16xf32>
      %swap3A_549 = arith.constant 31 : i32
      %swap3A_550 = arith.index_cast %swap3A_549 : i32 to index
      %swap3A_551 = arith.constant 0 : index
      %swap3A_552 = tpu.vector_load %arg10[%swap3A_550, %swap3A_551] {strides = array<i32>} : memref<80x16xf32, #tpu.memory_space<vmem>>, vector<1x16xf32>,
      %swap3A_553 = vector.shape_cast %swap3A_552 : vector<1x16xf32> to vector<16xf32>
      %swap3A_554 = vector.shape_cast %mul3A_548 : vector<16xf32> to vector<1x16xf32>
      tpu.vector_store %arg10[%swap3A_550, %swap3A_551], %swap3A_554 {strides = array<i32>} : memref<80x16xf32, #tpu.memory_space<vmem>>, vector<1x16xf32>,
      %get3A_555 = arith.index_cast %scan3A_28 : i32 to index
      %get3A_556 = arith.constant 32 : index
      %get3A_557 = tpu.vector_load %arg9[%get3A_555, %get3A_556] {strides = array<i32>} : memref<128x80xf32, #tpu.memory_space<vmem>>, vector<1x16xf32>,
      %get3A_558 = vector.shape_cast %get3A_557 : vector<1x16xf32> to vector<16xf32>
      %get3A_559 = arith.constant 32 : i32
      %get3A_560 = arith.index_cast %get3A_559 : i32 to index
      %get3A_561 = arith.constant 0 : index
      %get3A_562 = tpu.vector_load %arg10[%get3A_560, %get3A_561] {strides = array<i32>} : memref<80x16xf32, #tpu.memory_space<vmem>>, vector<1x16xf32>,
      %get3A_563 = vector.shape_cast %get3A_562 : vector<1x16xf32> to vector<16xf32>
      %broadcast_in_dim3A_564 = arith.constant 0 : i32
      %broadcast_in_dim3A_565 = vector.broadcast %broadcast_in_dim3A_564 : i32 to vector<16x1xi32>
      %gather3A_566 = vector.shape_cast %broadcast_in_dim3A_565 : vector<16x1xi32> to vector<16xi32>
      %gather3A_567 = tpu.dynamic_gather %get3A_558[%gather3A_566] in [0] : vector<16xf32>, vector<16xi32> -> vector<16xf32>
      %mul3A_568 = arith.mulf %get3A_563, %gather3A_567 : vector<16xf32>
      %swap3A_569 = arith.constant 32 : i32
      %swap3A_570 = arith.index_cast %swap3A_569 : i32 to index
      %swap3A_571 = arith.constant 0 : index
      %swap3A_572 = tpu.vector_load %arg10[%swap3A_570, %swap3A_571] {strides = array<i32>} : memref<80x16xf32, #tpu.memory_space<vmem>>, vector<1x16xf32>,
      %swap3A_573 = vector.shape_cast %swap3A_572 : vector<1x16xf32> to vector<16xf32>
      %swap3A_574 = vector.shape_cast %mul3A_568 : vector<16xf32> to vector<1x16xf32>
      tpu.vector_store %arg10[%swap3A_570, %swap3A_571], %swap3A_574 {strides = array<i32>} : memref<80x16xf32, #tpu.memory_space<vmem>>, vector<1x16xf32>,
      %get3A_575 = arith.constant 33 : i32
      %get3A_576 = arith.index_cast %get3A_575 : i32 to index
      %get3A_577 = arith.constant 0 : index
      %get3A_578 = tpu.vector_load %arg10[%get3A_576, %get3A_577] {strides = array<i32>} : memref<80x16xf32, #tpu.memory_space<vmem>>, vector<1x16xf32>,
      %get3A_579 = vector.shape_cast %get3A_578 : vector<1x16xf32> to vector<16xf32>
      %broadcast_in_dim3A_580 = arith.constant 1 : i32
      %broadcast_in_dim3A_581 = vector.broadcast %broadcast_in_dim3A_580 : i32 to vector<16x1xi32>
      %gather3A_582 = vector.shape_cast %broadcast_in_dim3A_581 : vector<16x1xi32> to vector<16xi32>
      %gather3A_583 = tpu.dynamic_gather %get3A_558[%gather3A_582] in [0] : vector<16xf32>, vector<16xi32> -> vector<16xf32>
      %mul3A_584 = arith.mulf %get3A_579, %gather3A_583 : vector<16xf32>
      %swap3A_585 = arith.constant 33 : i32
      %swap3A_586 = arith.index_cast %swap3A_585 : i32 to index
      %swap3A_587 = arith.constant 0 : index
      %swap3A_588 = tpu.vector_load %arg10[%swap3A_586, %swap3A_587] {strides = array<i32>} : memref<80x16xf32, #tpu.memory_space<vmem>>, vector<1x16xf32>,
      %swap3A_589 = vector.shape_cast %swap3A_588 : vector<1x16xf32> to vector<16xf32>
      %swap3A_590 = vector.shape_cast %mul3A_584 : vector<16xf32> to vector<1x16xf32>
      tpu.vector_store %arg10[%swap3A_586, %swap3A_587], %swap3A_590 {strides = array<i32>} : memref<80x16xf32, #tpu.memory_space<vmem>>, vector<1x16xf32>,
      %get3A_591 = arith.constant 34 : i32
      %get3A_592 = arith.index_cast %get3A_591 : i32 to index
      %get3A_593 = arith.constant 0 : index
      %get3A_594 = tpu.vector_load %arg10[%get3A_592, %get3A_593] {strides = array<i32>} : memref<80x16xf32, #tpu.memory_space<vmem>>, vector<1x16xf32>,
      %get3A_595 = vector.shape_cast %get3A_594 : vector<1x16xf32> to vector<16xf32>
      %broadcast_in_dim3A_596 = arith.constant 2 : i32
      %broadcast_in_dim3A_597 = vector.broadcast %broadcast_in_dim3A_596 : i32 to vector<16x1xi32>
      %gather3A_598 = vector.shape_cast %broadcast_in_dim3A_597 : vector<16x1xi32> to vector<16xi32>
      %gather3A_599 = tpu.dynamic_gather %get3A_558[%gather3A_598] in [0] : vector<16xf32>, vector<16xi32> -> vector<16xf32>
      %mul3A_600 = arith.mulf %get3A_595, %gather3A_599 : vector<16xf32>
      %swap3A_601 = arith.constant 34 : i32
      %swap3A_602 = arith.index_cast %swap3A_601 : i32 to index
      %swap3A_603 = arith.constant 0 : index
      %swap3A_604 = tpu.vector_load %arg10[%swap3A_602, %swap3A_603] {strides = array<i32>} : memref<80x16xf32, #tpu.memory_space<vmem>>, vector<1x16xf32>,
      %swap3A_605 = vector.shape_cast %swap3A_604 : vector<1x16xf32> to vector<16xf32>
      %swap3A_606 = vector.shape_cast %mul3A_600 : vector<16xf32> to vector<1x16xf32>
      tpu.vector_store %arg10[%swap3A_602, %swap3A_603], %swap3A_606 {strides = array<i32>} : memref<80x16xf32, #tpu.memory_space<vmem>>, vector<1x16xf32>,
      %get3A_607 = arith.constant 35 : i32
      %get3A_608 = arith.index_cast %get3A_607 : i32 to index
      %get3A_609 = arith.constant 0 : index
      %get3A_610 = tpu.vector_load %arg10[%get3A_608, %get3A_609] {strides = array<i32>} : memref<80x16xf32, #tpu.memory_space<vmem>>, vector<1x16xf32>,
      %get3A_611 = vector.shape_cast %get3A_610 : vector<1x16xf32> to vector<16xf32>
      %broadcast_in_dim3A_612 = arith.constant 3 : i32
      %broadcast_in_dim3A_613 = vector.broadcast %broadcast_in_dim3A_612 : i32 to vector<16x1xi32>
      %gather3A_614 = vector.shape_cast %broadcast_in_dim3A_613 : vector<16x1xi32> to vector<16xi32>
      %gather3A_615 = tpu.dynamic_gather %get3A_558[%gather3A_614] in [0] : vector<16xf32>, vector<16xi32> -> vector<16xf32>
      %mul3A_616 = arith.mulf %get3A_611, %gather3A_615 : vector<16xf32>
      %swap3A_617 = arith.constant 35 : i32
      %swap3A_618 = arith.index_cast %swap3A_617 : i32 to index
      %swap3A_619 = arith.constant 0 : index
      %swap3A_620 = tpu.vector_load %arg10[%swap3A_618, %swap3A_619] {strides = array<i32>} : memref<80x16xf32, #tpu.memory_space<vmem>>, vector<1x16xf32>,
      %swap3A_621 = vector.shape_cast %swap3A_620 : vector<1x16xf32> to vector<16xf32>
      %swap3A_622 = vector.shape_cast %mul3A_616 : vector<16xf32> to vector<1x16xf32>
      tpu.vector_store %arg10[%swap3A_618, %swap3A_619], %swap3A_622 {strides = array<i32>} : memref<80x16xf32, #tpu.memory_space<vmem>>, vector<1x16xf32>,
      %get3A_623 = arith.constant 36 : i32
      %get3A_624 = arith.index_cast %get3A_623 : i32 to index
      %get3A_625 = arith.constant 0 : index
      %get3A_626 = tpu.vector_load %arg10[%get3A_624, %get3A_625] {strides = array<i32>} : memref<80x16xf32, #tpu.memory_space<vmem>>, vector<1x16xf32>,
      %get3A_627 = vector.shape_cast %get3A_626 : vector<1x16xf32> to vector<16xf32>
      %broadcast_in_dim3A_628 = arith.constant 4 : i32
      %broadcast_in_dim3A_629 = vector.broadcast %broadcast_in_dim3A_628 : i32 to vector<16x1xi32>
      %gather3A_630 = vector.shape_cast %broadcast_in_dim3A_629 : vector<16x1xi32> to vector<16xi32>
      %gather3A_631 = tpu.dynamic_gather %get3A_558[%gather3A_630] in [0] : vector<16xf32>, vector<16xi32> -> vector<16xf32>
      %mul3A_632 = arith.mulf %get3A_627, %gather3A_631 : vector<16xf32>
      %swap3A_633 = arith.constant 36 : i32
      %swap3A_634 = arith.index_cast %swap3A_633 : i32 to index
      %swap3A_635 = arith.constant 0 : index
      %swap3A_636 = tpu.vector_load %arg10[%swap3A_634, %swap3A_635] {strides = array<i32>} : memref<80x16xf32, #tpu.memory_space<vmem>>, vector<1x16xf32>,
      %swap3A_637 = vector.shape_cast %swap3A_636 : vector<1x16xf32> to vector<16xf32>
      %swap3A_638 = vector.shape_cast %mul3A_632 : vector<16xf32> to vector<1x16xf32>
      tpu.vector_store %arg10[%swap3A_634, %swap3A_635], %swap3A_638 {strides = array<i32>} : memref<80x16xf32, #tpu.memory_space<vmem>>, vector<1x16xf32>,
      %get3A_639 = arith.constant 37 : i32
      %get3A_640 = arith.index_cast %get3A_639 : i32 to index
      %get3A_641 = arith.constant 0 : index
      %get3A_642 = tpu.vector_load %arg10[%get3A_640, %get3A_641] {strides = array<i32>} : memref<80x16xf32, #tpu.memory_space<vmem>>, vector<1x16xf32>,
      %get3A_643 = vector.shape_cast %get3A_642 : vector<1x16xf32> to vector<16xf32>
      %broadcast_in_dim3A_644 = arith.constant 5 : i32
      %broadcast_in_dim3A_645 = vector.broadcast %broadcast_in_dim3A_644 : i32 to vector<16x1xi32>
      %gather3A_646 = vector.shape_cast %broadcast_in_dim3A_645 : vector<16x1xi32> to vector<16xi32>
      %gather3A_647 = tpu.dynamic_gather %get3A_558[%gather3A_646] in [0] : vector<16xf32>, vector<16xi32> -> vector<16xf32>
      %mul3A_648 = arith.mulf %get3A_643, %gather3A_647 : vector<16xf32>
      %swap3A_649 = arith.constant 37 : i32
      %swap3A_650 = arith.index_cast %swap3A_649 : i32 to index
      %swap3A_651 = arith.constant 0 : index
      %swap3A_652 = tpu.vector_load %arg10[%swap3A_650, %swap3A_651] {strides = array<i32>} : memref<80x16xf32, #tpu.memory_space<vmem>>, vector<1x16xf32>,
      %swap3A_653 = vector.shape_cast %swap3A_652 : vector<1x16xf32> to vector<16xf32>
      %swap3A_654 = vector.shape_cast %mul3A_648 : vector<16xf32> to vector<1x16xf32>
      tpu.vector_store %arg10[%swap3A_650, %swap3A_651], %swap3A_654 {strides = array<i32>} : memref<80x16xf32, #tpu.memory_space<vmem>>, vector<1x16xf32>,
      %get3A_655 = arith.constant 38 : i32
      %get3A_656 = arith.index_cast %get3A_655 : i32 to index
      %get3A_657 = arith.constant 0 : index
      %get3A_658 = tpu.vector_load %arg10[%get3A_656, %get3A_657] {strides = array<i32>} : memref<80x16xf32, #tpu.memory_space<vmem>>, vector<1x16xf32>,
      %get3A_659 = vector.shape_cast %get3A_658 : vector<1x16xf32> to vector<16xf32>
      %broadcast_in_dim3A_660 = arith.constant 6 : i32
      %broadcast_in_dim3A_661 = vector.broadcast %broadcast_in_dim3A_660 : i32 to vector<16x1xi32>
      %gather3A_662 = vector.shape_cast %broadcast_in_dim3A_661 : vector<16x1xi32> to vector<16xi32>
      %gather3A_663 = tpu.dynamic_gather %get3A_558[%gather3A_662] in [0] : vector<16xf32>, vector<16xi32> -> vector<16xf32>
      %mul3A_664 = arith.mulf %get3A_659, %gather3A_663 : vector<16xf32>
      %swap3A_665 = arith.constant 38 : i32
      %swap3A_666 = arith.index_cast %swap3A_665 : i32 to index
      %swap3A_667 = arith.constant 0 : index
      %swap3A_668 = tpu.vector_load %arg10[%swap3A_666, %swap3A_667] {strides = array<i32>} : memref<80x16xf32, #tpu.memory_space<vmem>>, vector<1x16xf32>,
      %swap3A_669 = vector.shape_cast %swap3A_668 : vector<1x16xf32> to vector<16xf32>
      %swap3A_670 = vector.shape_cast %mul3A_664 : vector<16xf32> to vector<1x16xf32>
      tpu.vector_store %arg10[%swap3A_666, %swap3A_667], %swap3A_670 {strides = array<i32>} : memref<80x16xf32, #tpu.memory_space<vmem>>, vector<1x16xf32>,
      %get3A_671 = arith.constant 39 : i32
      %get3A_672 = arith.index_cast %get3A_671 : i32 to index
      %get3A_673 = arith.constant 0 : index
      %get3A_674 = tpu.vector_load %arg10[%get3A_672, %get3A_673] {strides = array<i32>} : memref<80x16xf32, #tpu.memory_space<vmem>>, vector<1x16xf32>,
      %get3A_675 = vector.shape_cast %get3A_674 : vector<1x16xf32> to vector<16xf32>
      %broadcast_in_dim3A_676 = arith.constant 7 : i32
      %broadcast_in_dim3A_677 = vector.broadcast %broadcast_in_dim3A_676 : i32 to vector<16x1xi32>
      %gather3A_678 = vector.shape_cast %broadcast_in_dim3A_677 : vector<16x1xi32> to vector<16xi32>
      %gather3A_679 = tpu.dynamic_gather %get3A_558[%gather3A_678] in [0] : vector<16xf32>, vector<16xi32> -> vector<16xf32>
      %mul3A_680 = arith.mulf %get3A_675, %gather3A_679 : vector<16xf32>
      %swap3A_681 = arith.constant 39 : i32
      %swap3A_682 = arith.index_cast %swap3A_681 : i32 to index
      %swap3A_683 = arith.constant 0 : index
      %swap3A_684 = tpu.vector_load %arg10[%swap3A_682, %swap3A_683] {strides = array<i32>} : memref<80x16xf32, #tpu.memory_space<vmem>>, vector<1x16xf32>,
      %swap3A_685 = vector.shape_cast %swap3A_684 : vector<1x16xf32> to vector<16xf32>
      %swap3A_686 = vector.shape_cast %mul3A_680 : vector<16xf32> to vector<1x16xf32>
      tpu.vector_store %arg10[%swap3A_682, %swap3A_683], %swap3A_686 {strides = array<i32>} : memref<80x16xf32, #tpu.memory_space<vmem>>, vector<1x16xf32>,
      %get3A_687 = arith.constant 40 : i32
      %get3A_688 = arith.index_cast %get3A_687 : i32 to index
      %get3A_689 = arith.constant 0 : index
      %get3A_690 = tpu.vector_load %arg10[%get3A_688, %get3A_689] {strides = array<i32>} : memref<80x16xf32, #tpu.memory_space<vmem>>, vector<1x16xf32>,
      %get3A_691 = vector.shape_cast %get3A_690 : vector<1x16xf32> to vector<16xf32>
      %broadcast_in_dim3A_692 = arith.constant 8 : i32
      %broadcast_in_dim3A_693 = vector.broadcast %broadcast_in_dim3A_692 : i32 to vector<16x1xi32>
      %gather3A_694 = vector.shape_cast %broadcast_in_dim3A_693 : vector<16x1xi32> to vector<16xi32>
      %gather3A_695 = tpu.dynamic_gather %get3A_558[%gather3A_694] in [0] : vector<16xf32>, vector<16xi32> -> vector<16xf32>
      %mul3A_696 = arith.mulf %get3A_691, %gather3A_695 : vector<16xf32>
      %swap3A_697 = arith.constant 40 : i32
      %swap3A_698 = arith.index_cast %swap3A_697 : i32 to index
      %swap3A_699 = arith.constant 0 : index
      %swap3A_700 = tpu.vector_load %arg10[%swap3A_698, %swap3A_699] {strides = array<i32>} : memref<80x16xf32, #tpu.memory_space<vmem>>, vector<1x16xf32>,
      %swap3A_701 = vector.shape_cast %swap3A_700 : vector<1x16xf32> to vector<16xf32>
      %swap3A_702 = vector.shape_cast %mul3A_696 : vector<16xf32> to vector<1x16xf32>
      tpu.vector_store %arg10[%swap3A_698, %swap3A_699], %swap3A_702 {strides = array<i32>} : memref<80x16xf32, #tpu.memory_space<vmem>>, vector<1x16xf32>,
      %get3A_703 = arith.constant 41 : i32
      %get3A_704 = arith.index_cast %get3A_703 : i32 to index
      %get3A_705 = arith.constant 0 : index
      %get3A_706 = tpu.vector_load %arg10[%get3A_704, %get3A_705] {strides = array<i32>} : memref<80x16xf32, #tpu.memory_space<vmem>>, vector<1x16xf32>,
      %get3A_707 = vector.shape_cast %get3A_706 : vector<1x16xf32> to vector<16xf32>
      %broadcast_in_dim3A_708 = arith.constant 9 : i32
      %broadcast_in_dim3A_709 = vector.broadcast %broadcast_in_dim3A_708 : i32 to vector<16x1xi32>
      %gather3A_710 = vector.shape_cast %broadcast_in_dim3A_709 : vector<16x1xi32> to vector<16xi32>
      %gather3A_711 = tpu.dynamic_gather %get3A_558[%gather3A_710] in [0] : vector<16xf32>, vector<16xi32> -> vector<16xf32>
      %mul3A_712 = arith.mulf %get3A_707, %gather3A_711 : vector<16xf32>
      %swap3A_713 = arith.constant 41 : i32
      %swap3A_714 = arith.index_cast %swap3A_713 : i32 to index
      %swap3A_715 = arith.constant 0 : index
      %swap3A_716 = tpu.vector_load %arg10[%swap3A_714, %swap3A_715] {strides = array<i32>} : memref<80x16xf32, #tpu.memory_space<vmem>>, vector<1x16xf32>,
      %swap3A_717 = vector.shape_cast %swap3A_716 : vector<1x16xf32> to vector<16xf32>
      %swap3A_718 = vector.shape_cast %mul3A_712 : vector<16xf32> to vector<1x16xf32>
      tpu.vector_store %arg10[%swap3A_714, %swap3A_715], %swap3A_718 {strides = array<i32>} : memref<80x16xf32, #tpu.memory_space<vmem>>, vector<1x16xf32>,
      %get3A_719 = arith.constant 42 : i32
      %get3A_720 = arith.index_cast %get3A_719 : i32 to index
      %get3A_721 = arith.constant 0 : index
      %get3A_722 = tpu.vector_load %arg10[%get3A_720, %get3A_721] {strides = array<i32>} : memref<80x16xf32, #tpu.memory_space<vmem>>, vector<1x16xf32>,
      %get3A_723 = vector.shape_cast %get3A_722 : vector<1x16xf32> to vector<16xf32>
      %broadcast_in_dim3A_724 = arith.constant 10 : i32
      %broadcast_in_dim3A_725 = vector.broadcast %broadcast_in_dim3A_724 : i32 to vector<16x1xi32>
      %gather3A_726 = vector.shape_cast %broadcast_in_dim3A_725 : vector<16x1xi32> to vector<16xi32>
      %gather3A_727 = tpu.dynamic_gather %get3A_558[%gather3A_726] in [0] : vector<16xf32>, vector<16xi32> -> vector<16xf32>
      %mul3A_728 = arith.mulf %get3A_723, %gather3A_727 : vector<16xf32>
      %swap3A_729 = arith.constant 42 : i32
      %swap3A_730 = arith.index_cast %swap3A_729 : i32 to index
      %swap3A_731 = arith.constant 0 : index
      %swap3A_732 = tpu.vector_load %arg10[%swap3A_730, %swap3A_731] {strides = array<i32>} : memref<80x16xf32, #tpu.memory_space<vmem>>, vector<1x16xf32>,
      %swap3A_733 = vector.shape_cast %swap3A_732 : vector<1x16xf32> to vector<16xf32>
      %swap3A_734 = vector.shape_cast %mul3A_728 : vector<16xf32> to vector<1x16xf32>
      tpu.vector_store %arg10[%swap3A_730, %swap3A_731], %swap3A_734 {strides = array<i32>} : memref<80x16xf32, #tpu.memory_space<vmem>>, vector<1x16xf32>,
      %get3A_735 = arith.constant 43 : i32
      %get3A_736 = arith.index_cast %get3A_735 : i32 to index
      %get3A_737 = arith.constant 0 : index
      %get3A_738 = tpu.vector_load %arg10[%get3A_736, %get3A_737] {strides = array<i32>} : memref<80x16xf32, #tpu.memory_space<vmem>>, vector<1x16xf32>,
      %get3A_739 = vector.shape_cast %get3A_738 : vector<1x16xf32> to vector<16xf32>
      %broadcast_in_dim3A_740 = arith.constant 11 : i32
      %broadcast_in_dim3A_741 = vector.broadcast %broadcast_in_dim3A_740 : i32 to vector<16x1xi32>
      %gather3A_742 = vector.shape_cast %broadcast_in_dim3A_741 : vector<16x1xi32> to vector<16xi32>
      %gather3A_743 = tpu.dynamic_gather %get3A_558[%gather3A_742] in [0] : vector<16xf32>, vector<16xi32> -> vector<16xf32>
      %mul3A_744 = arith.mulf %get3A_739, %gather3A_743 : vector<16xf32>
      %swap3A_745 = arith.constant 43 : i32
      %swap3A_746 = arith.index_cast %swap3A_745 : i32 to index
      %swap3A_747 = arith.constant 0 : index
      %swap3A_748 = tpu.vector_load %arg10[%swap3A_746, %swap3A_747] {strides = array<i32>} : memref<80x16xf32, #tpu.memory_space<vmem>>, vector<1x16xf32>,
      %swap3A_749 = vector.shape_cast %swap3A_748 : vector<1x16xf32> to vector<16xf32>
      %swap3A_750 = vector.shape_cast %mul3A_744 : vector<16xf32> to vector<1x16xf32>
      tpu.vector_store %arg10[%swap3A_746, %swap3A_747], %swap3A_750 {strides = array<i32>} : memref<80x16xf32, #tpu.memory_space<vmem>>, vector<1x16xf32>,
      %get3A_751 = arith.constant 44 : i32
      %get3A_752 = arith.index_cast %get3A_751 : i32 to index
      %get3A_753 = arith.constant 0 : index
      %get3A_754 = tpu.vector_load %arg10[%get3A_752, %get3A_753] {strides = array<i32>} : memref<80x16xf32, #tpu.memory_space<vmem>>, vector<1x16xf32>,
      %get3A_755 = vector.shape_cast %get3A_754 : vector<1x16xf32> to vector<16xf32>
      %broadcast_in_dim3A_756 = arith.constant 12 : i32
      %broadcast_in_dim3A_757 = vector.broadcast %broadcast_in_dim3A_756 : i32 to vector<16x1xi32>
      %gather3A_758 = vector.shape_cast %broadcast_in_dim3A_757 : vector<16x1xi32> to vector<16xi32>
      %gather3A_759 = tpu.dynamic_gather %get3A_558[%gather3A_758] in [0] : vector<16xf32>, vector<16xi32> -> vector<16xf32>
      %mul3A_760 = arith.mulf %get3A_755, %gather3A_759 : vector<16xf32>
      %swap3A_761 = arith.constant 44 : i32
      %swap3A_762 = arith.index_cast %swap3A_761 : i32 to index
      %swap3A_763 = arith.constant 0 : index
      %swap3A_764 = tpu.vector_load %arg10[%swap3A_762, %swap3A_763] {strides = array<i32>} : memref<80x16xf32, #tpu.memory_space<vmem>>, vector<1x16xf32>,
      %swap3A_765 = vector.shape_cast %swap3A_764 : vector<1x16xf32> to vector<16xf32>
      %swap3A_766 = vector.shape_cast %mul3A_760 : vector<16xf32> to vector<1x16xf32>
      tpu.vector_store %arg10[%swap3A_762, %swap3A_763], %swap3A_766 {strides = array<i32>} : memref<80x16xf32, #tpu.memory_space<vmem>>, vector<1x16xf32>,
      %get3A_767 = arith.constant 45 : i32
      %get3A_768 = arith.index_cast %get3A_767 : i32 to index
      %get3A_769 = arith.constant 0 : index
      %get3A_770 = tpu.vector_load %arg10[%get3A_768, %get3A_769] {strides = array<i32>} : memref<80x16xf32, #tpu.memory_space<vmem>>, vector<1x16xf32>,
      %get3A_771 = vector.shape_cast %get3A_770 : vector<1x16xf32> to vector<16xf32>
      %broadcast_in_dim3A_772 = arith.constant 13 : i32
      %broadcast_in_dim3A_773 = vector.broadcast %broadcast_in_dim3A_772 : i32 to vector<16x1xi32>
      %gather3A_774 = vector.shape_cast %broadcast_in_dim3A_773 : vector<16x1xi32> to vector<16xi32>
      %gather3A_775 = tpu.dynamic_gather %get3A_558[%gather3A_774] in [0] : vector<16xf32>, vector<16xi32> -> vector<16xf32>
      %mul3A_776 = arith.mulf %get3A_771, %gather3A_775 : vector<16xf32>
      %swap3A_777 = arith.constant 45 : i32
      %swap3A_778 = arith.index_cast %swap3A_777 : i32 to index
      %swap3A_779 = arith.constant 0 : index
      %swap3A_780 = tpu.vector_load %arg10[%swap3A_778, %swap3A_779] {strides = array<i32>} : memref<80x16xf32, #tpu.memory_space<vmem>>, vector<1x16xf32>,
      %swap3A_781 = vector.shape_cast %swap3A_780 : vector<1x16xf32> to vector<16xf32>
      %swap3A_782 = vector.shape_cast %mul3A_776 : vector<16xf32> to vector<1x16xf32>
      tpu.vector_store %arg10[%swap3A_778, %swap3A_779], %swap3A_782 {strides = array<i32>} : memref<80x16xf32, #tpu.memory_space<vmem>>, vector<1x16xf32>,
      %get3A_783 = arith.constant 46 : i32
      %get3A_784 = arith.index_cast %get3A_783 : i32 to index
      %get3A_785 = arith.constant 0 : index
      %get3A_786 = tpu.vector_load %arg10[%get3A_784, %get3A_785] {strides = array<i32>} : memref<80x16xf32, #tpu.memory_space<vmem>>, vector<1x16xf32>,
      %get3A_787 = vector.shape_cast %get3A_786 : vector<1x16xf32> to vector<16xf32>
      %broadcast_in_dim3A_788 = arith.constant 14 : i32
      %broadcast_in_dim3A_789 = vector.broadcast %broadcast_in_dim3A_788 : i32 to vector<16x1xi32>
      %gather3A_790 = vector.shape_cast %broadcast_in_dim3A_789 : vector<16x1xi32> to vector<16xi32>
      %gather3A_791 = tpu.dynamic_gather %get3A_558[%gather3A_790] in [0] : vector<16xf32>, vector<16xi32> -> vector<16xf32>
      %mul3A_792 = arith.mulf %get3A_787, %gather3A_791 : vector<16xf32>
      %swap3A_793 = arith.constant 46 : i32
      %swap3A_794 = arith.index_cast %swap3A_793 : i32 to index
      %swap3A_795 = arith.constant 0 : index
      %swap3A_796 = tpu.vector_load %arg10[%swap3A_794, %swap3A_795] {strides = array<i32>} : memref<80x16xf32, #tpu.memory_space<vmem>>, vector<1x16xf32>,
      %swap3A_797 = vector.shape_cast %swap3A_796 : vector<1x16xf32> to vector<16xf32>
      %swap3A_798 = vector.shape_cast %mul3A_792 : vector<16xf32> to vector<1x16xf32>
      tpu.vector_store %arg10[%swap3A_794, %swap3A_795], %swap3A_798 {strides = array<i32>} : memref<80x16xf32, #tpu.memory_space<vmem>>, vector<1x16xf32>,
      %get3A_799 = arith.constant 47 : i32
      %get3A_800 = arith.index_cast %get3A_799 : i32 to index
      %get3A_801 = arith.constant 0 : index
      %get3A_802 = tpu.vector_load %arg10[%get3A_800, %get3A_801] {strides = array<i32>} : memref<80x16xf32, #tpu.memory_space<vmem>>, vector<1x16xf32>,
      %get3A_803 = vector.shape_cast %get3A_802 : vector<1x16xf32> to vector<16xf32>
      %broadcast_in_dim3A_804 = arith.constant 15 : i32
      %broadcast_in_dim3A_805 = vector.broadcast %broadcast_in_dim3A_804 : i32 to vector<16x1xi32>
      %gather3A_806 = vector.shape_cast %broadcast_in_dim3A_805 : vector<16x1xi32> to vector<16xi32>
      %gather3A_807 = tpu.dynamic_gather %get3A_558[%gather3A_806] in [0] : vector<16xf32>, vector<16xi32> -> vector<16xf32>
      %mul3A_808 = arith.mulf %get3A_803, %gather3A_807 : vector<16xf32>
      %swap3A_809 = arith.constant 47 : i32
      %swap3A_810 = arith.index_cast %swap3A_809 : i32 to index
      %swap3A_811 = arith.constant 0 : index
      %swap3A_812 = tpu.vector_load %arg10[%swap3A_810, %swap3A_811] {strides = array<i32>} : memref<80x16xf32, #tpu.memory_space<vmem>>, vector<1x16xf32>,
      %swap3A_813 = vector.shape_cast %swap3A_812 : vector<1x16xf32> to vector<16xf32>
      %swap3A_814 = vector.shape_cast %mul3A_808 : vector<16xf32> to vector<1x16xf32>
      tpu.vector_store %arg10[%swap3A_810, %swap3A_811], %swap3A_814 {strides = array<i32>} : memref<80x16xf32, #tpu.memory_space<vmem>>, vector<1x16xf32>,
      %get3A_815 = arith.index_cast %scan3A_28 : i32 to index
      %get3A_816 = arith.constant 48 : index
      %get3A_817 = tpu.vector_load %arg9[%get3A_815, %get3A_816] {strides = array<i32>} : memref<128x80xf32, #tpu.memory_space<vmem>>, vector<1x16xf32>,
      %get3A_818 = vector.shape_cast %get3A_817 : vector<1x16xf32> to vector<16xf32>
      %get3A_819 = arith.constant 48 : i32
      %get3A_820 = arith.index_cast %get3A_819 : i32 to index
      %get3A_821 = arith.constant 0 : index
      %get3A_822 = tpu.vector_load %arg10[%get3A_820, %get3A_821] {strides = array<i32>} : memref<80x16xf32, #tpu.memory_space<vmem>>, vector<1x16xf32>,
      %get3A_823 = vector.shape_cast %get3A_822 : vector<1x16xf32> to vector<16xf32>
      %broadcast_in_dim3A_824 = arith.constant 0 : i32
      %broadcast_in_dim3A_825 = vector.broadcast %broadcast_in_dim3A_824 : i32 to vector<16x1xi32>
      %gather3A_826 = vector.shape_cast %broadcast_in_dim3A_825 : vector<16x1xi32> to vector<16xi32>
      %gather3A_827 = tpu.dynamic_gather %get3A_818[%gather3A_826] in [0] : vector<16xf32>, vector<16xi32> -> vector<16xf32>
      %mul3A_828 = arith.mulf %get3A_823, %gather3A_827 : vector<16xf32>
      %swap3A_829 = arith.constant 48 : i32
      %swap3A_830 = arith.index_cast %swap3A_829 : i32 to index
      %swap3A_831 = arith.constant 0 : index
      %swap3A_832 = tpu.vector_load %arg10[%swap3A_830, %swap3A_831] {strides = array<i32>} : memref<80x16xf32, #tpu.memory_space<vmem>>, vector<1x16xf32>,
      %swap3A_833 = vector.shape_cast %swap3A_832 : vector<1x16xf32> to vector<16xf32>
      %swap3A_834 = vector.shape_cast %mul3A_828 : vector<16xf32> to vector<1x16xf32>
      tpu.vector_store %arg10[%swap3A_830, %swap3A_831], %swap3A_834 {strides = array<i32>} : memref<80x16xf32, #tpu.memory_space<vmem>>, vector<1x16xf32>,
      %get3A_835 = arith.constant 49 : i32
      %get3A_836 = arith.index_cast %get3A_835 : i32 to index
      %get3A_837 = arith.constant 0 : index
      %get3A_838 = tpu.vector_load %arg10[%get3A_836, %get3A_837] {strides = array<i32>} : memref<80x16xf32, #tpu.memory_space<vmem>>, vector<1x16xf32>,
      %get3A_839 = vector.shape_cast %get3A_838 : vector<1x16xf32> to vector<16xf32>
      %broadcast_in_dim3A_840 = arith.constant 1 : i32
      %broadcast_in_dim3A_841 = vector.broadcast %broadcast_in_dim3A_840 : i32 to vector<16x1xi32>
      %gather3A_842 = vector.shape_cast %broadcast_in_dim3A_841 : vector<16x1xi32> to vector<16xi32>
      %gather3A_843 = tpu.dynamic_gather %get3A_818[%gather3A_842] in [0] : vector<16xf32>, vector<16xi32> -> vector<16xf32>
      %mul3A_844 = arith.mulf %get3A_839, %gather3A_843 : vector<16xf32>
      %swap3A_845 = arith.constant 49 : i32
      %swap3A_846 = arith.index_cast %swap3A_845 : i32 to index
      %swap3A_847 = arith.constant 0 : index
      %swap3A_848 = tpu.vector_load %arg10[%swap3A_846, %swap3A_847] {strides = array<i32>} : memref<80x16xf32, #tpu.memory_space<vmem>>, vector<1x16xf32>,
      %swap3A_849 = vector.shape_cast %swap3A_848 : vector<1x16xf32> to vector<16xf32>
      %swap3A_850 = vector.shape_cast %mul3A_844 : vector<16xf32> to vector<1x16xf32>
      tpu.vector_store %arg10[%swap3A_846, %swap3A_847], %swap3A_850 {strides = array<i32>} : memref<80x16xf32, #tpu.memory_space<vmem>>, vector<1x16xf32>,
      %get3A_851 = arith.constant 50 : i32
      %get3A_852 = arith.index_cast %get3A_851 : i32 to index
      %get3A_853 = arith.constant 0 : index
      %get3A_854 = tpu.vector_load %arg10[%get3A_852, %get3A_853] {strides = array<i32>} : memref<80x16xf32, #tpu.memory_space<vmem>>, vector<1x16xf32>,
      %get3A_855 = vector.shape_cast %get3A_854 : vector<1x16xf32> to vector<16xf32>
      %broadcast_in_dim3A_856 = arith.constant 2 : i32
      %broadcast_in_dim3A_857 = vector.broadcast %broadcast_in_dim3A_856 : i32 to vector<16x1xi32>
      %gather3A_858 = vector.shape_cast %broadcast_in_dim3A_857 : vector<16x1xi32> to vector<16xi32>
      %gather3A_859 = tpu.dynamic_gather %get3A_818[%gather3A_858] in [0] : vector<16xf32>, vector<16xi32> -> vector<16xf32>
      %mul3A_860 = arith.mulf %get3A_855, %gather3A_859 : vector<16xf32>
      %swap3A_861 = arith.constant 50 : i32
      %swap3A_862 = arith.index_cast %swap3A_861 : i32 to index
      %swap3A_863 = arith.constant 0 : index
      %swap3A_864 = tpu.vector_load %arg10[%swap3A_862, %swap3A_863] {strides = array<i32>} : memref<80x16xf32, #tpu.memory_space<vmem>>, vector<1x16xf32>,
      %swap3A_865 = vector.shape_cast %swap3A_864 : vector<1x16xf32> to vector<16xf32>
      %swap3A_866 = vector.shape_cast %mul3A_860 : vector<16xf32> to vector<1x16xf32>
      tpu.vector_store %arg10[%swap3A_862, %swap3A_863], %swap3A_866 {strides = array<i32>} : memref<80x16xf32, #tpu.memory_space<vmem>>, vector<1x16xf32>,
      %get3A_867 = arith.constant 51 : i32
      %get3A_868 = arith.index_cast %get3A_867 : i32 to index
      %get3A_869 = arith.constant 0 : index
      %get3A_870 = tpu.vector_load %arg10[%get3A_868, %get3A_869] {strides = array<i32>} : memref<80x16xf32, #tpu.memory_space<vmem>>, vector<1x16xf32>,
      %get3A_871 = vector.shape_cast %get3A_870 : vector<1x16xf32> to vector<16xf32>
      %broadcast_in_dim3A_872 = arith.constant 3 : i32
      %broadcast_in_dim3A_873 = vector.broadcast %broadcast_in_dim3A_872 : i32 to vector<16x1xi32>
      %gather3A_874 = vector.shape_cast %broadcast_in_dim3A_873 : vector<16x1xi32> to vector<16xi32>
      %gather3A_875 = tpu.dynamic_gather %get3A_818[%gather3A_874] in [0] : vector<16xf32>, vector<16xi32> -> vector<16xf32>
      %mul3A_876 = arith.mulf %get3A_871, %gather3A_875 : vector<16xf32>
      %swap3A_877 = arith.constant 51 : i32
      %swap3A_878 = arith.index_cast %swap3A_877 : i32 to index
      %swap3A_879 = arith.constant 0 : index
      %swap3A_880 = tpu.vector_load %arg10[%swap3A_878, %swap3A_879] {strides = array<i32>} : memref<80x16xf32, #tpu.memory_space<vmem>>, vector<1x16xf32>,
      %swap3A_881 = vector.shape_cast %swap3A_880 : vector<1x16xf32> to vector<16xf32>
      %swap3A_882 = vector.shape_cast %mul3A_876 : vector<16xf32> to vector<1x16xf32>
      tpu.vector_store %arg10[%swap3A_878, %swap3A_879], %swap3A_882 {strides = array<i32>} : memref<80x16xf32, #tpu.memory_space<vmem>>, vector<1x16xf32>,
      %get3A_883 = arith.constant 52 : i32
      %get3A_884 = arith.index_cast %get3A_883 : i32 to index
      %get3A_885 = arith.constant 0 : index
      %get3A_886 = tpu.vector_load %arg10[%get3A_884, %get3A_885] {strides = array<i32>} : memref<80x16xf32, #tpu.memory_space<vmem>>, vector<1x16xf32>,
      %get3A_887 = vector.shape_cast %get3A_886 : vector<1x16xf32> to vector<16xf32>
      %broadcast_in_dim3A_888 = arith.constant 4 : i32
      %broadcast_in_dim3A_889 = vector.broadcast %broadcast_in_dim3A_888 : i32 to vector<16x1xi32>
      %gather3A_890 = vector.shape_cast %broadcast_in_dim3A_889 : vector<16x1xi32> to vector<16xi32>
      %gather3A_891 = tpu.dynamic_gather %get3A_818[%gather3A_890] in [0] : vector<16xf32>, vector<16xi32> -> vector<16xf32>
      %mul3A_892 = arith.mulf %get3A_887, %gather3A_891 : vector<16xf32>
      %swap3A_893 = arith.constant 52 : i32
      %swap3A_894 = arith.index_cast %swap3A_893 : i32 to index
      %swap3A_895 = arith.constant 0 : index
      %swap3A_896 = tpu.vector_load %arg10[%swap3A_894, %swap3A_895] {strides = array<i32>} : memref<80x16xf32, #tpu.memory_space<vmem>>, vector<1x16xf32>,
      %swap3A_897 = vector.shape_cast %swap3A_896 : vector<1x16xf32> to vector<16xf32>
      %swap3A_898 = vector.shape_cast %mul3A_892 : vector<16xf32> to vector<1x16xf32>
      tpu.vector_store %arg10[%swap3A_894, %swap3A_895], %swap3A_898 {strides = array<i32>} : memref<80x16xf32, #tpu.memory_space<vmem>>, vector<1x16xf32>,
      %get3A_899 = arith.constant 53 : i32
      %get3A_900 = arith.index_cast %get3A_899 : i32 to index
      %get3A_901 = arith.constant 0 : index
      %get3A_902 = tpu.vector_load %arg10[%get3A_900, %get3A_901] {strides = array<i32>} : memref<80x16xf32, #tpu.memory_space<vmem>>, vector<1x16xf32>,
      %get3A_903 = vector.shape_cast %get3A_902 : vector<1x16xf32> to vector<16xf32>
      %broadcast_in_dim3A_904 = arith.constant 5 : i32
      %broadcast_in_dim3A_905 = vector.broadcast %broadcast_in_dim3A_904 : i32 to vector<16x1xi32>
      %gather3A_906 = vector.shape_cast %broadcast_in_dim3A_905 : vector<16x1xi32> to vector<16xi32>
      %gather3A_907 = tpu.dynamic_gather %get3A_818[%gather3A_906] in [0] : vector<16xf32>, vector<16xi32> -> vector<16xf32>
      %mul3A_908 = arith.mulf %get3A_903, %gather3A_907 : vector<16xf32>
      %swap3A_909 = arith.constant 53 : i32
      %swap3A_910 = arith.index_cast %swap3A_909 : i32 to index
      %swap3A_911 = arith.constant 0 : index
      %swap3A_912 = tpu.vector_load %arg10[%swap3A_910, %swap3A_911] {strides = array<i32>} : memref<80x16xf32, #tpu.memory_space<vmem>>, vector<1x16xf32>,
      %swap3A_913 = vector.shape_cast %swap3A_912 : vector<1x16xf32> to vector<16xf32>
      %swap3A_914 = vector.shape_cast %mul3A_908 : vector<16xf32> to vector<1x16xf32>
      tpu.vector_store %arg10[%swap3A_910, %swap3A_911], %swap3A_914 {strides = array<i32>} : memref<80x16xf32, #tpu.memory_space<vmem>>, vector<1x16xf32>,
      %get3A_915 = arith.constant 54 : i32
      %get3A_916 = arith.index_cast %get3A_915 : i32 to index
      %get3A_917 = arith.constant 0 : index
      %get3A_918 = tpu.vector_load %arg10[%get3A_916, %get3A_917] {strides = array<i32>} : memref<80x16xf32, #tpu.memory_space<vmem>>, vector<1x16xf32>,
      %get3A_919 = vector.shape_cast %get3A_918 : vector<1x16xf32> to vector<16xf32>
      %broadcast_in_dim3A_920 = arith.constant 6 : i32
      %broadcast_in_dim3A_921 = vector.broadcast %broadcast_in_dim3A_920 : i32 to vector<16x1xi32>
      %gather3A_922 = vector.shape_cast %broadcast_in_dim3A_921 : vector<16x1xi32> to vector<16xi32>
      %gather3A_923 = tpu.dynamic_gather %get3A_818[%gather3A_922] in [0] : vector<16xf32>, vector<16xi32> -> vector<16xf32>
      %mul3A_924 = arith.mulf %get3A_919, %gather3A_923 : vector<16xf32>
      %swap3A_925 = arith.constant 54 : i32
      %swap3A_926 = arith.index_cast %swap3A_925 : i32 to index
      %swap3A_927 = arith.constant 0 : index
      %swap3A_928 = tpu.vector_load %arg10[%swap3A_926, %swap3A_927] {strides = array<i32>} : memref<80x16xf32, #tpu.memory_space<vmem>>, vector<1x16xf32>,
      %swap3A_929 = vector.shape_cast %swap3A_928 : vector<1x16xf32> to vector<16xf32>
      %swap3A_930 = vector.shape_cast %mul3A_924 : vector<16xf32> to vector<1x16xf32>
      tpu.vector_store %arg10[%swap3A_926, %swap3A_927], %swap3A_930 {strides = array<i32>} : memref<80x16xf32, #tpu.memory_space<vmem>>, vector<1x16xf32>,
      %get3A_931 = arith.constant 55 : i32
      %get3A_932 = arith.index_cast %get3A_931 : i32 to index
      %get3A_933 = arith.constant 0 : index
      %get3A_934 = tpu.vector_load %arg10[%get3A_932, %get3A_933] {strides = array<i32>} : memref<80x16xf32, #tpu.memory_space<vmem>>, vector<1x16xf32>,
      %get3A_935 = vector.shape_cast %get3A_934 : vector<1x16xf32> to vector<16xf32>
      %broadcast_in_dim3A_936 = arith.constant 7 : i32
      %broadcast_in_dim3A_937 = vector.broadcast %broadcast_in_dim3A_936 : i32 to vector<16x1xi32>
      %gather3A_938 = vector.shape_cast %broadcast_in_dim3A_937 : vector<16x1xi32> to vector<16xi32>
      %gather3A_939 = tpu.dynamic_gather %get3A_818[%gather3A_938] in [0] : vector<16xf32>, vector<16xi32> -> vector<16xf32>
      %mul3A_940 = arith.mulf %get3A_935, %gather3A_939 : vector<16xf32>
      %swap3A_941 = arith.constant 55 : i32
      %swap3A_942 = arith.index_cast %swap3A_941 : i32 to index
      %swap3A_943 = arith.constant 0 : index
      %swap3A_944 = tpu.vector_load %arg10[%swap3A_942, %swap3A_943] {strides = array<i32>} : memref<80x16xf32, #tpu.memory_space<vmem>>, vector<1x16xf32>,
      %swap3A_945 = vector.shape_cast %swap3A_944 : vector<1x16xf32> to vector<16xf32>
      %swap3A_946 = vector.shape_cast %mul3A_940 : vector<16xf32> to vector<1x16xf32>
      tpu.vector_store %arg10[%swap3A_942, %swap3A_943], %swap3A_946 {strides = array<i32>} : memref<80x16xf32, #tpu.memory_space<vmem>>, vector<1x16xf32>,
      %get3A_947 = arith.constant 56 : i32
      %get3A_948 = arith.index_cast %get3A_947 : i32 to index
      %get3A_949 = arith.constant 0 : index
      %get3A_950 = tpu.vector_load %arg10[%get3A_948, %get3A_949] {strides = array<i32>} : memref<80x16xf32, #tpu.memory_space<vmem>>, vector<1x16xf32>,
      %get3A_951 = vector.shape_cast %get3A_950 : vector<1x16xf32> to vector<16xf32>
      %broadcast_in_dim3A_952 = arith.constant 8 : i32
      %broadcast_in_dim3A_953 = vector.broadcast %broadcast_in_dim3A_952 : i32 to vector<16x1xi32>
      %gather3A_954 = vector.shape_cast %broadcast_in_dim3A_953 : vector<16x1xi32> to vector<16xi32>
      %gather3A_955 = tpu.dynamic_gather %get3A_818[%gather3A_954] in [0] : vector<16xf32>, vector<16xi32> -> vector<16xf32>
      %mul3A_956 = arith.mulf %get3A_951, %gather3A_955 : vector<16xf32>
      %swap3A_957 = arith.constant 56 : i32
      %swap3A_958 = arith.index_cast %swap3A_957 : i32 to index
      %swap3A_959 = arith.constant 0 : index
      %swap3A_960 = tpu.vector_load %arg10[%swap3A_958, %swap3A_959] {strides = array<i32>} : memref<80x16xf32, #tpu.memory_space<vmem>>, vector<1x16xf32>,
      %swap3A_961 = vector.shape_cast %swap3A_960 : vector<1x16xf32> to vector<16xf32>
      %swap3A_962 = vector.shape_cast %mul3A_956 : vector<16xf32> to vector<1x16xf32>
      tpu.vector_store %arg10[%swap3A_958, %swap3A_959], %swap3A_962 {strides = array<i32>} : memref<80x16xf32, #tpu.memory_space<vmem>>, vector<1x16xf32>,
      %get3A_963 = arith.constant 57 : i32
      %get3A_964 = arith.index_cast %get3A_963 : i32 to index
      %get3A_965 = arith.constant 0 : index
      %get3A_966 = tpu.vector_load %arg10[%get3A_964, %get3A_965] {strides = array<i32>} : memref<80x16xf32, #tpu.memory_space<vmem>>, vector<1x16xf32>,
      %get3A_967 = vector.shape_cast %get3A_966 : vector<1x16xf32> to vector<16xf32>
      %broadcast_in_dim3A_968 = arith.constant 9 : i32
      %broadcast_in_dim3A_969 = vector.broadcast %broadcast_in_dim3A_968 : i32 to vector<16x1xi32>
      %gather3A_970 = vector.shape_cast %broadcast_in_dim3A_969 : vector<16x1xi32> to vector<16xi32>
      %gather3A_971 = tpu.dynamic_gather %get3A_818[%gather3A_970] in [0] : vector<16xf32>, vector<16xi32> -> vector<16xf32>
      %mul3A_972 = arith.mulf %get3A_967, %gather3A_971 : vector<16xf32>
      %swap3A_973 = arith.constant 57 : i32
      %swap3A_974 = arith.index_cast %swap3A_973 : i32 to index
      %swap3A_975 = arith.constant 0 : index
      %swap3A_976 = tpu.vector_load %arg10[%swap3A_974, %swap3A_975] {strides = array<i32>} : memref<80x16xf32, #tpu.memory_space<vmem>>, vector<1x16xf32>,
      %swap3A_977 = vector.shape_cast %swap3A_976 : vector<1x16xf32> to vector<16xf32>
      %swap3A_978 = vector.shape_cast %mul3A_972 : vector<16xf32> to vector<1x16xf32>
      tpu.vector_store %arg10[%swap3A_974, %swap3A_975], %swap3A_978 {strides = array<i32>} : memref<80x16xf32, #tpu.memory_space<vmem>>, vector<1x16xf32>,
      %get3A_979 = arith.constant 58 : i32
      %get3A_980 = arith.index_cast %get3A_979 : i32 to index
      %get3A_981 = arith.constant 0 : index
      %get3A_982 = tpu.vector_load %arg10[%get3A_980, %get3A_981] {strides = array<i32>} : memref<80x16xf32, #tpu.memory_space<vmem>>, vector<1x16xf32>,
      %get3A_983 = vector.shape_cast %get3A_982 : vector<1x16xf32> to vector<16xf32>
      %broadcast_in_dim3A_984 = arith.constant 10 : i32
      %broadcast_in_dim3A_985 = vector.broadcast %broadcast_in_dim3A_984 : i32 to vector<16x1xi32>
      %gather3A_986 = vector.shape_cast %broadcast_in_dim3A_985 : vector<16x1xi32> to vector<16xi32>
      %gather3A_987 = tpu.dynamic_gather %get3A_818[%gather3A_986] in [0] : vector<16xf32>, vector<16xi32> -> vector<16xf32>
      %mul3A_988 = arith.mulf %get3A_983, %gather3A_987 : vector<16xf32>
      %swap3A_989 = arith.constant 58 : i32
      %swap3A_990 = arith.index_cast %swap3A_989 : i32 to index
      %swap3A_991 = arith.constant 0 : index
      %swap3A_992 = tpu.vector_load %arg10[%swap3A_990, %swap3A_991] {strides = array<i32>} : memref<80x16xf32, #tpu.memory_space<vmem>>, vector<1x16xf32>,
      %swap3A_993 = vector.shape_cast %swap3A_992 : vector<1x16xf32> to vector<16xf32>
      %swap3A_994 = vector.shape_cast %mul3A_988 : vector<16xf32> to vector<1x16xf32>
      tpu.vector_store %arg10[%swap3A_990, %swap3A_991], %swap3A_994 {strides = array<i32>} : memref<80x16xf32, #tpu.memory_space<vmem>>, vector<1x16xf32>,
      %get3A_995 = arith.constant 59 : i32
      %get3A_996 = arith.index_cast %get3A_995 : i32 to index
      %get3A_997 = arith.constant 0 : index
      %get3A_998 = tpu.vector_load %arg10[%get3A_996, %get3A_997] {strides = array<i32>} : memref<80x16xf32, #tpu.memory_space<vmem>>, vector<1x16xf32>,
      %get3A_999 = vector.shape_cast %get3A_998 : vector<1x16xf32> to vector<16xf32>
      %broadcast_in_dim3A_1000 = arith.constant 11 : i32
      %broadcast_in_dim3A_1001 = vector.broadcast %broadcast_in_dim3A_1000 : i32 to vector<16x1xi32>
      %gather3A_1002 = vector.shape_cast %broadcast_in_dim3A_1001 : vector<16x1xi32> to vector<16xi32>
      %gather3A_1003 = tpu.dynamic_gather %get3A_818[%gather3A_1002] in [0] : vector<16xf32>, vector<16xi32> -> vector<16xf32>
      %mul3A_1004 = arith.mulf %get3A_999, %gather3A_1003 : vector<16xf32>
      %swap3A_1005 = arith.constant 59 : i32
      %swap3A_1006 = arith.index_cast %swap3A_1005 : i32 to index
      %swap3A_1007 = arith.constant 0 : index
      %swap3A_1008 = tpu.vector_load %arg10[%swap3A_1006, %swap3A_1007] {strides = array<i32>} : memref<80x16xf32, #tpu.memory_space<vmem>>, vector<1x16xf32>,
      %swap3A_1009 = vector.shape_cast %swap3A_1008 : vector<1x16xf32> to vector<16xf32>
      %swap3A_1010 = vector.shape_cast %mul3A_1004 : vector<16xf32> to vector<1x16xf32>
      tpu.vector_store %arg10[%swap3A_1006, %swap3A_1007], %swap3A_1010 {strides = array<i32>} : memref<80x16xf32, #tpu.memory_space<vmem>>, vector<1x16xf32>,
      %get3A_1011 = arith.constant 60 : i32
      %get3A_1012 = arith.index_cast %get3A_1011 : i32 to index
      %get3A_1013 = arith.constant 0 : index
      %get3A_1014 = tpu.vector_load %arg10[%get3A_1012, %get3A_1013] {strides = array<i32>} : memref<80x16xf32, #tpu.memory_space<vmem>>, vector<1x16xf32>,
      %get3A_1015 = vector.shape_cast %get3A_1014 : vector<1x16xf32> to vector<16xf32>
      %broadcast_in_dim3A_1016 = arith.constant 12 : i32
      %broadcast_in_dim3A_1017 = vector.broadcast %broadcast_in_dim3A_1016 : i32 to vector<16x1xi32>
      %gather3A_1018 = vector.shape_cast %broadcast_in_dim3A_1017 : vector<16x1xi32> to vector<16xi32>
      %gather3A_1019 = tpu.dynamic_gather %get3A_818[%gather3A_1018] in [0] : vector<16xf32>, vector<16xi32> -> vector<16xf32>
      %mul3A_1020 = arith.mulf %get3A_1015, %gather3A_1019 : vector<16xf32>
      %swap3A_1021 = arith.constant 60 : i32
      %swap3A_1022 = arith.index_cast %swap3A_1021 : i32 to index
      %swap3A_1023 = arith.constant 0 : index
      %swap3A_1024 = tpu.vector_load %arg10[%swap3A_1022, %swap3A_1023] {strides = array<i32>} : memref<80x16xf32, #tpu.memory_space<vmem>>, vector<1x16xf32>,
      %swap3A_1025 = vector.shape_cast %swap3A_1024 : vector<1x16xf32> to vector<16xf32>
      %swap3A_1026 = vector.shape_cast %mul3A_1020 : vector<16xf32> to vector<1x16xf32>
      tpu.vector_store %arg10[%swap3A_1022, %swap3A_1023], %swap3A_1026 {strides = array<i32>} : memref<80x16xf32, #tpu.memory_space<vmem>>, vector<1x16xf32>,
      %get3A_1027 = arith.constant 61 : i32
      %get3A_1028 = arith.index_cast %get3A_1027 : i32 to index
      %get3A_1029 = arith.constant 0 : index
      %get3A_1030 = tpu.vector_load %arg10[%get3A_1028, %get3A_1029] {strides = array<i32>} : memref<80x16xf32, #tpu.memory_space<vmem>>, vector<1x16xf32>,
      %get3A_1031 = vector.shape_cast %get3A_1030 : vector<1x16xf32> to vector<16xf32>
      %broadcast_in_dim3A_1032 = arith.constant 13 : i32
      %broadcast_in_dim3A_1033 = vector.broadcast %broadcast_in_dim3A_1032 : i32 to vector<16x1xi32>
      %gather3A_1034 = vector.shape_cast %broadcast_in_dim3A_1033 : vector<16x1xi32> to vector<16xi32>
      %gather3A_1035 = tpu.dynamic_gather %get3A_818[%gather3A_1034] in [0] : vector<16xf32>, vector<16xi32> -> vector<16xf32>
      %mul3A_1036 = arith.mulf %get3A_1031, %gather3A_1035 : vector<16xf32>
      %swap3A_1037 = arith.constant 61 : i32
      %swap3A_1038 = arith.index_cast %swap3A_1037 : i32 to index
      %swap3A_1039 = arith.constant 0 : index
      %swap3A_1040 = tpu.vector_load %arg10[%swap3A_1038, %swap3A_1039] {strides = array<i32>} : memref<80x16xf32, #tpu.memory_space<vmem>>, vector<1x16xf32>,
      %swap3A_1041 = vector.shape_cast %swap3A_1040 : vector<1x16xf32> to vector<16xf32>
      %swap3A_1042 = vector.shape_cast %mul3A_1036 : vector<16xf32> to vector<1x16xf32>
      tpu.vector_store %arg10[%swap3A_1038, %swap3A_1039], %swap3A_1042 {strides = array<i32>} : memref<80x16xf32, #tpu.memory_space<vmem>>, vector<1x16xf32>,
      %get3A_1043 = arith.constant 62 : i32
      %get3A_1044 = arith.index_cast %get3A_1043 : i32 to index
      %get3A_1045 = arith.constant 0 : index
      %get3A_1046 = tpu.vector_load %arg10[%get3A_1044, %get3A_1045] {strides = array<i32>} : memref<80x16xf32, #tpu.memory_space<vmem>>, vector<1x16xf32>,
      %get3A_1047 = vector.shape_cast %get3A_1046 : vector<1x16xf32> to vector<16xf32>
      %broadcast_in_dim3A_1048 = arith.constant 14 : i32
      %broadcast_in_dim3A_1049 = vector.broadcast %broadcast_in_dim3A_1048 : i32 to vector<16x1xi32>
      %gather3A_1050 = vector.shape_cast %broadcast_in_dim3A_1049 : vector<16x1xi32> to vector<16xi32>
      %gather3A_1051 = tpu.dynamic_gather %get3A_818[%gather3A_1050] in [0] : vector<16xf32>, vector<16xi32> -> vector<16xf32>
      %mul3A_1052 = arith.mulf %get3A_1047, %gather3A_1051 : vector<16xf32>
      %swap3A_1053 = arith.constant 62 : i32
      %swap3A_1054 = arith.index_cast %swap3A_1053 : i32 to index
      %swap3A_1055 = arith.constant 0 : index
      %swap3A_1056 = tpu.vector_load %arg10[%swap3A_1054, %swap3A_1055] {strides = array<i32>} : memref<80x16xf32, #tpu.memory_space<vmem>>, vector<1x16xf32>,
      %swap3A_1057 = vector.shape_cast %swap3A_1056 : vector<1x16xf32> to vector<16xf32>
      %swap3A_1058 = vector.shape_cast %mul3A_1052 : vector<16xf32> to vector<1x16xf32>
      tpu.vector_store %arg10[%swap3A_1054, %swap3A_1055], %swap3A_1058 {strides = array<i32>} : memref<80x16xf32, #tpu.memory_space<vmem>>, vector<1x16xf32>,
      %get3A_1059 = arith.constant 63 : i32
      %get3A_1060 = arith.index_cast %get3A_1059 : i32 to index
      %get3A_1061 = arith.constant 0 : index
      %get3A_1062 = tpu.vector_load %arg10[%get3A_1060, %get3A_1061] {strides = array<i32>} : memref<80x16xf32, #tpu.memory_space<vmem>>, vector<1x16xf32>,
      %get3A_1063 = vector.shape_cast %get3A_1062 : vector<1x16xf32> to vector<16xf32>
      %broadcast_in_dim3A_1064 = arith.constant 15 : i32
      %broadcast_in_dim3A_1065 = vector.broadcast %broadcast_in_dim3A_1064 : i32 to vector<16x1xi32>
      %gather3A_1066 = vector.shape_cast %broadcast_in_dim3A_1065 : vector<16x1xi32> to vector<16xi32>
      %gather3A_1067 = tpu.dynamic_gather %get3A_818[%gather3A_1066] in [0] : vector<16xf32>, vector<16xi32> -> vector<16xf32>
      %mul3A_1068 = arith.mulf %get3A_1063, %gather3A_1067 : vector<16xf32>
      %swap3A_1069 = arith.constant 63 : i32
      %swap3A_1070 = arith.index_cast %swap3A_1069 : i32 to index
      %swap3A_1071 = arith.constant 0 : index
      %swap3A_1072 = tpu.vector_load %arg10[%swap3A_1070, %swap3A_1071] {strides = array<i32>} : memref<80x16xf32, #tpu.memory_space<vmem>>, vector<1x16xf32>,
      %swap3A_1073 = vector.shape_cast %swap3A_1072 : vector<1x16xf32> to vector<16xf32>
      %swap3A_1074 = vector.shape_cast %mul3A_1068 : vector<16xf32> to vector<1x16xf32>
      tpu.vector_store %arg10[%swap3A_1070, %swap3A_1071], %swap3A_1074 {strides = array<i32>} : memref<80x16xf32, #tpu.memory_space<vmem>>, vector<1x16xf32>,
      %get3A_1075 = arith.index_cast %scan3A_28 : i32 to index
      %get3A_1076 = arith.constant 64 : index
      %get3A_1077 = tpu.vector_load %arg9[%get3A_1075, %get3A_1076] {strides = array<i32>} : memref<128x80xf32, #tpu.memory_space<vmem>>, vector<1x16xf32>,
      %get3A_1078 = vector.shape_cast %get3A_1077 : vector<1x16xf32> to vector<16xf32>
      %get3A_1079 = arith.constant 64 : i32
      %get3A_1080 = arith.index_cast %get3A_1079 : i32 to index
      %get3A_1081 = arith.constant 0 : index
      %get3A_1082 = tpu.vector_load %arg10[%get3A_1080, %get3A_1081] {strides = array<i32>} : memref<80x16xf32, #tpu.memory_space<vmem>>, vector<1x16xf32>,
      %get3A_1083 = vector.shape_cast %get3A_1082 : vector<1x16xf32> to vector<16xf32>
      %broadcast_in_dim3A_1084 = arith.constant 0 : i32
      %broadcast_in_dim3A_1085 = vector.broadcast %broadcast_in_dim3A_1084 : i32 to vector<16x1xi32>
      %gather3A_1086 = vector.shape_cast %broadcast_in_dim3A_1085 : vector<16x1xi32> to vector<16xi32>
      %gather3A_1087 = tpu.dynamic_gather %get3A_1078[%gather3A_1086] in [0] : vector<16xf32>, vector<16xi32> -> vector<16xf32>
      %mul3A_1088 = arith.mulf %get3A_1083, %gather3A_1087 : vector<16xf32>
      %swap3A_1089 = arith.constant 64 : i32
      %swap3A_1090 = arith.index_cast %swap3A_1089 : i32 to index
      %swap3A_1091 = arith.constant 0 : index
      %swap3A_1092 = tpu.vector_load %arg10[%swap3A_1090, %swap3A_1091] {strides = array<i32>} : memref<80x16xf32, #tpu.memory_space<vmem>>, vector<1x16xf32>,
      %swap3A_1093 = vector.shape_cast %swap3A_1092 : vector<1x16xf32> to vector<16xf32>
      %swap3A_1094 = vector.shape_cast %mul3A_1088 : vector<16xf32> to vector<1x16xf32>
      tpu.vector_store %arg10[%swap3A_1090, %swap3A_1091], %swap3A_1094 {strides = array<i32>} : memref<80x16xf32, #tpu.memory_space<vmem>>, vector<1x16xf32>,
      %get3A_1095 = arith.constant 65 : i32
      %get3A_1096 = arith.index_cast %get3A_1095 : i32 to index
      %get3A_1097 = arith.constant 0 : index
      %get3A_1098 = tpu.vector_load %arg10[%get3A_1096, %get3A_1097] {strides = array<i32>} : memref<80x16xf32, #tpu.memory_space<vmem>>, vector<1x16xf32>,
      %get3A_1099 = vector.shape_cast %get3A_1098 : vector<1x16xf32> to vector<16xf32>
      %broadcast_in_dim3A_1100 = arith.constant 1 : i32
      %broadcast_in_dim3A_1101 = vector.broadcast %broadcast_in_dim3A_1100 : i32 to vector<16x1xi32>
      %gather3A_1102 = vector.shape_cast %broadcast_in_dim3A_1101 : vector<16x1xi32> to vector<16xi32>
      %gather3A_1103 = tpu.dynamic_gather %get3A_1078[%gather3A_1102] in [0] : vector<16xf32>, vector<16xi32> -> vector<16xf32>
      %mul3A_1104 = arith.mulf %get3A_1099, %gather3A_1103 : vector<16xf32>
      %swap3A_1105 = arith.constant 65 : i32
      %swap3A_1106 = arith.index_cast %swap3A_1105 : i32 to index
      %swap3A_1107 = arith.constant 0 : index
      %swap3A_1108 = tpu.vector_load %arg10[%swap3A_1106, %swap3A_1107] {strides = array<i32>} : memref<80x16xf32, #tpu.memory_space<vmem>>, vector<1x16xf32>,
      %swap3A_1109 = vector.shape_cast %swap3A_1108 : vector<1x16xf32> to vector<16xf32>
      %swap3A_1110 = vector.shape_cast %mul3A_1104 : vector<16xf32> to vector<1x16xf32>
      tpu.vector_store %arg10[%swap3A_1106, %swap3A_1107], %swap3A_1110 {strides = array<i32>} : memref<80x16xf32, #tpu.memory_space<vmem>>, vector<1x16xf32>,
      %get3A_1111 = arith.constant 66 : i32
      %get3A_1112 = arith.index_cast %get3A_1111 : i32 to index
      %get3A_1113 = arith.constant 0 : index
      %get3A_1114 = tpu.vector_load %arg10[%get3A_1112, %get3A_1113] {strides = array<i32>} : memref<80x16xf32, #tpu.memory_space<vmem>>, vector<1x16xf32>,
      %get3A_1115 = vector.shape_cast %get3A_1114 : vector<1x16xf32> to vector<16xf32>
      %broadcast_in_dim3A_1116 = arith.constant 2 : i32
      %broadcast_in_dim3A_1117 = vector.broadcast %broadcast_in_dim3A_1116 : i32 to vector<16x1xi32>
      %gather3A_1118 = vector.shape_cast %broadcast_in_dim3A_1117 : vector<16x1xi32> to vector<16xi32>
      %gather3A_1119 = tpu.dynamic_gather %get3A_1078[%gather3A_1118] in [0] : vector<16xf32>, vector<16xi32> -> vector<16xf32>
      %mul3A_1120 = arith.mulf %get3A_1115, %gather3A_1119 : vector<16xf32>
      %swap3A_1121 = arith.constant 66 : i32
      %swap3A_1122 = arith.index_cast %swap3A_1121 : i32 to index
      %swap3A_1123 = arith.constant 0 : index
      %swap3A_1124 = tpu.vector_load %arg10[%swap3A_1122, %swap3A_1123] {strides = array<i32>} : memref<80x16xf32, #tpu.memory_space<vmem>>, vector<1x16xf32>,
      %swap3A_1125 = vector.shape_cast %swap3A_1124 : vector<1x16xf32> to vector<16xf32>
      %swap3A_1126 = vector.shape_cast %mul3A_1120 : vector<16xf32> to vector<1x16xf32>
      tpu.vector_store %arg10[%swap3A_1122, %swap3A_1123], %swap3A_1126 {strides = array<i32>} : memref<80x16xf32, #tpu.memory_space<vmem>>, vector<1x16xf32>,
      %get3A_1127 = arith.constant 67 : i32
      %get3A_1128 = arith.index_cast %get3A_1127 : i32 to index
      %get3A_1129 = arith.constant 0 : index
      %get3A_1130 = tpu.vector_load %arg10[%get3A_1128, %get3A_1129] {strides = array<i32>} : memref<80x16xf32, #tpu.memory_space<vmem>>, vector<1x16xf32>,
      %get3A_1131 = vector.shape_cast %get3A_1130 : vector<1x16xf32> to vector<16xf32>
      %broadcast_in_dim3A_1132 = arith.constant 3 : i32
      %broadcast_in_dim3A_1133 = vector.broadcast %broadcast_in_dim3A_1132 : i32 to vector<16x1xi32>
      %gather3A_1134 = vector.shape_cast %broadcast_in_dim3A_1133 : vector<16x1xi32> to vector<16xi32>
      %gather3A_1135 = tpu.dynamic_gather %get3A_1078[%gather3A_1134] in [0] : vector<16xf32>, vector<16xi32> -> vector<16xf32>
      %mul3A_1136 = arith.mulf %get3A_1131, %gather3A_1135 : vector<16xf32>
      %swap3A_1137 = arith.constant 67 : i32
      %swap3A_1138 = arith.index_cast %swap3A_1137 : i32 to index
      %swap3A_1139 = arith.constant 0 : index
      %swap3A_1140 = tpu.vector_load %arg10[%swap3A_1138, %swap3A_1139] {strides = array<i32>} : memref<80x16xf32, #tpu.memory_space<vmem>>, vector<1x16xf32>,
      %swap3A_1141 = vector.shape_cast %swap3A_1140 : vector<1x16xf32> to vector<16xf32>
      %swap3A_1142 = vector.shape_cast %mul3A_1136 : vector<16xf32> to vector<1x16xf32>
      tpu.vector_store %arg10[%swap3A_1138, %swap3A_1139], %swap3A_1142 {strides = array<i32>} : memref<80x16xf32, #tpu.memory_space<vmem>>, vector<1x16xf32>,
      %get3A_1143 = arith.constant 68 : i32
      %get3A_1144 = arith.index_cast %get3A_1143 : i32 to index
      %get3A_1145 = arith.constant 0 : index
      %get3A_1146 = tpu.vector_load %arg10[%get3A_1144, %get3A_1145] {strides = array<i32>} : memref<80x16xf32, #tpu.memory_space<vmem>>, vector<1x16xf32>,
      %get3A_1147 = vector.shape_cast %get3A_1146 : vector<1x16xf32> to vector<16xf32>
      %broadcast_in_dim3A_1148 = arith.constant 4 : i32
      %broadcast_in_dim3A_1149 = vector.broadcast %broadcast_in_dim3A_1148 : i32 to vector<16x1xi32>
      %gather3A_1150 = vector.shape_cast %broadcast_in_dim3A_1149 : vector<16x1xi32> to vector<16xi32>
      %gather3A_1151 = tpu.dynamic_gather %get3A_1078[%gather3A_1150] in [0] : vector<16xf32>, vector<16xi32> -> vector<16xf32>
      %mul3A_1152 = arith.mulf %get3A_1147, %gather3A_1151 : vector<16xf32>
      %swap3A_1153 = arith.constant 68 : i32
      %swap3A_1154 = arith.index_cast %swap3A_1153 : i32 to index
      %swap3A_1155 = arith.constant 0 : index
      %swap3A_1156 = tpu.vector_load %arg10[%swap3A_1154, %swap3A_1155] {strides = array<i32>} : memref<80x16xf32, #tpu.memory_space<vmem>>, vector<1x16xf32>,
      %swap3A_1157 = vector.shape_cast %swap3A_1156 : vector<1x16xf32> to vector<16xf32>
      %swap3A_1158 = vector.shape_cast %mul3A_1152 : vector<16xf32> to vector<1x16xf32>
      tpu.vector_store %arg10[%swap3A_1154, %swap3A_1155], %swap3A_1158 {strides = array<i32>} : memref<80x16xf32, #tpu.memory_space<vmem>>, vector<1x16xf32>,
      %get3A_1159 = arith.constant 69 : i32
      %get3A_1160 = arith.index_cast %get3A_1159 : i32 to index
      %get3A_1161 = arith.constant 0 : index
      %get3A_1162 = tpu.vector_load %arg10[%get3A_1160, %get3A_1161] {strides = array<i32>} : memref<80x16xf32, #tpu.memory_space<vmem>>, vector<1x16xf32>,
      %get3A_1163 = vector.shape_cast %get3A_1162 : vector<1x16xf32> to vector<16xf32>
      %broadcast_in_dim3A_1164 = arith.constant 5 : i32
      %broadcast_in_dim3A_1165 = vector.broadcast %broadcast_in_dim3A_1164 : i32 to vector<16x1xi32>
      %gather3A_1166 = vector.shape_cast %broadcast_in_dim3A_1165 : vector<16x1xi32> to vector<16xi32>
      %gather3A_1167 = tpu.dynamic_gather %get3A_1078[%gather3A_1166] in [0] : vector<16xf32>, vector<16xi32> -> vector<16xf32>
      %mul3A_1168 = arith.mulf %get3A_1163, %gather3A_1167 : vector<16xf32>
      %swap3A_1169 = arith.constant 69 : i32
      %swap3A_1170 = arith.index_cast %swap3A_1169 : i32 to index
      %swap3A_1171 = arith.constant 0 : index
      %swap3A_1172 = tpu.vector_load %arg10[%swap3A_1170, %swap3A_1171] {strides = array<i32>} : memref<80x16xf32, #tpu.memory_space<vmem>>, vector<1x16xf32>,
      %swap3A_1173 = vector.shape_cast %swap3A_1172 : vector<1x16xf32> to vector<16xf32>
      %swap3A_1174 = vector.shape_cast %mul3A_1168 : vector<16xf32> to vector<1x16xf32>
      tpu.vector_store %arg10[%swap3A_1170, %swap3A_1171], %swap3A_1174 {strides = array<i32>} : memref<80x16xf32, #tpu.memory_space<vmem>>, vector<1x16xf32>,
      %get3A_1175 = arith.constant 70 : i32
      %get3A_1176 = arith.index_cast %get3A_1175 : i32 to index
      %get3A_1177 = arith.constant 0 : index
      %get3A_1178 = tpu.vector_load %arg10[%get3A_1176, %get3A_1177] {strides = array<i32>} : memref<80x16xf32, #tpu.memory_space<vmem>>, vector<1x16xf32>,
      %get3A_1179 = vector.shape_cast %get3A_1178 : vector<1x16xf32> to vector<16xf32>
      %broadcast_in_dim3A_1180 = arith.constant 6 : i32
      %broadcast_in_dim3A_1181 = vector.broadcast %broadcast_in_dim3A_1180 : i32 to vector<16x1xi32>
      %gather3A_1182 = vector.shape_cast %broadcast_in_dim3A_1181 : vector<16x1xi32> to vector<16xi32>
      %gather3A_1183 = tpu.dynamic_gather %get3A_1078[%gather3A_1182] in [0] : vector<16xf32>, vector<16xi32> -> vector<16xf32>
      %mul3A_1184 = arith.mulf %get3A_1179, %gather3A_1183 : vector<16xf32>
      %swap3A_1185 = arith.constant 70 : i32
      %swap3A_1186 = arith.index_cast %swap3A_1185 : i32 to index
      %swap3A_1187 = arith.constant 0 : index
      %swap3A_1188 = tpu.vector_load %arg10[%swap3A_1186, %swap3A_1187] {strides = array<i32>} : memref<80x16xf32, #tpu.memory_space<vmem>>, vector<1x16xf32>,
      %swap3A_1189 = vector.shape_cast %swap3A_1188 : vector<1x16xf32> to vector<16xf32>
      %swap3A_1190 = vector.shape_cast %mul3A_1184 : vector<16xf32> to vector<1x16xf32>
      tpu.vector_store %arg10[%swap3A_1186, %swap3A_1187], %swap3A_1190 {strides = array<i32>} : memref<80x16xf32, #tpu.memory_space<vmem>>, vector<1x16xf32>,
      %get3A_1191 = arith.constant 71 : i32
      %get3A_1192 = arith.index_cast %get3A_1191 : i32 to index
      %get3A_1193 = arith.constant 0 : index
      %get3A_1194 = tpu.vector_load %arg10[%get3A_1192, %get3A_1193] {strides = array<i32>} : memref<80x16xf32, #tpu.memory_space<vmem>>, vector<1x16xf32>,
      %get3A_1195 = vector.shape_cast %get3A_1194 : vector<1x16xf32> to vector<16xf32>
      %broadcast_in_dim3A_1196 = arith.constant 7 : i32
      %broadcast_in_dim3A_1197 = vector.broadcast %broadcast_in_dim3A_1196 : i32 to vector<16x1xi32>
      %gather3A_1198 = vector.shape_cast %broadcast_in_dim3A_1197 : vector<16x1xi32> to vector<16xi32>
      %gather3A_1199 = tpu.dynamic_gather %get3A_1078[%gather3A_1198] in [0] : vector<16xf32>, vector<16xi32> -> vector<16xf32>
      %mul3A_1200 = arith.mulf %get3A_1195, %gather3A_1199 : vector<16xf32>
      %swap3A_1201 = arith.constant 71 : i32
      %swap3A_1202 = arith.index_cast %swap3A_1201 : i32 to index
      %swap3A_1203 = arith.constant 0 : index
      %swap3A_1204 = tpu.vector_load %arg10[%swap3A_1202, %swap3A_1203] {strides = array<i32>} : memref<80x16xf32, #tpu.memory_space<vmem>>, vector<1x16xf32>,
      %swap3A_1205 = vector.shape_cast %swap3A_1204 : vector<1x16xf32> to vector<16xf32>
      %swap3A_1206 = vector.shape_cast %mul3A_1200 : vector<16xf32> to vector<1x16xf32>
      tpu.vector_store %arg10[%swap3A_1202, %swap3A_1203], %swap3A_1206 {strides = array<i32>} : memref<80x16xf32, #tpu.memory_space<vmem>>, vector<1x16xf32>,
      %get3A_1207 = arith.constant 72 : i32
      %get3A_1208 = arith.index_cast %get3A_1207 : i32 to index
      %get3A_1209 = arith.constant 0 : index
      %get3A_1210 = tpu.vector_load %arg10[%get3A_1208, %get3A_1209] {strides = array<i32>} : memref<80x16xf32, #tpu.memory_space<vmem>>, vector<1x16xf32>,
      %get3A_1211 = vector.shape_cast %get3A_1210 : vector<1x16xf32> to vector<16xf32>
      %broadcast_in_dim3A_1212 = arith.constant 8 : i32
      %broadcast_in_dim3A_1213 = vector.broadcast %broadcast_in_dim3A_1212 : i32 to vector<16x1xi32>
      %gather3A_1214 = vector.shape_cast %broadcast_in_dim3A_1213 : vector<16x1xi32> to vector<16xi32>
      %gather3A_1215 = tpu.dynamic_gather %get3A_1078[%gather3A_1214] in [0] : vector<16xf32>, vector<16xi32> -> vector<16xf32>
      %mul3A_1216 = arith.mulf %get3A_1211, %gather3A_1215 : vector<16xf32>
      %swap3A_1217 = arith.constant 72 : i32
      %swap3A_1218 = arith.index_cast %swap3A_1217 : i32 to index
      %swap3A_1219 = arith.constant 0 : index
      %swap3A_1220 = tpu.vector_load %arg10[%swap3A_1218, %swap3A_1219] {strides = array<i32>} : memref<80x16xf32, #tpu.memory_space<vmem>>, vector<1x16xf32>,
      %swap3A_1221 = vector.shape_cast %swap3A_1220 : vector<1x16xf32> to vector<16xf32>
      %swap3A_1222 = vector.shape_cast %mul3A_1216 : vector<16xf32> to vector<1x16xf32>
      tpu.vector_store %arg10[%swap3A_1218, %swap3A_1219], %swap3A_1222 {strides = array<i32>} : memref<80x16xf32, #tpu.memory_space<vmem>>, vector<1x16xf32>,
      %get3A_1223 = arith.constant 73 : i32
      %get3A_1224 = arith.index_cast %get3A_1223 : i32 to index
      %get3A_1225 = arith.constant 0 : index
      %get3A_1226 = tpu.vector_load %arg10[%get3A_1224, %get3A_1225] {strides = array<i32>} : memref<80x16xf32, #tpu.memory_space<vmem>>, vector<1x16xf32>,
      %get3A_1227 = vector.shape_cast %get3A_1226 : vector<1x16xf32> to vector<16xf32>
      %broadcast_in_dim3A_1228 = arith.constant 9 : i32
      %broadcast_in_dim3A_1229 = vector.broadcast %broadcast_in_dim3A_1228 : i32 to vector<16x1xi32>
      %gather3A_1230 = vector.shape_cast %broadcast_in_dim3A_1229 : vector<16x1xi32> to vector<16xi32>
      %gather3A_1231 = tpu.dynamic_gather %get3A_1078[%gather3A_1230] in [0] : vector<16xf32>, vector<16xi32> -> vector<16xf32>
      %mul3A_1232 = arith.mulf %get3A_1227, %gather3A_1231 : vector<16xf32>
      %swap3A_1233 = arith.constant 73 : i32
      %swap3A_1234 = arith.index_cast %swap3A_1233 : i32 to index
      %swap3A_1235 = arith.constant 0 : index
      %swap3A_1236 = tpu.vector_load %arg10[%swap3A_1234, %swap3A_1235] {strides = array<i32>} : memref<80x16xf32, #tpu.memory_space<vmem>>, vector<1x16xf32>,
      %swap3A_1237 = vector.shape_cast %swap3A_1236 : vector<1x16xf32> to vector<16xf32>
      %swap3A_1238 = vector.shape_cast %mul3A_1232 : vector<16xf32> to vector<1x16xf32>
      tpu.vector_store %arg10[%swap3A_1234, %swap3A_1235], %swap3A_1238 {strides = array<i32>} : memref<80x16xf32, #tpu.memory_space<vmem>>, vector<1x16xf32>,
      %get3A_1239 = arith.constant 74 : i32
      %get3A_1240 = arith.index_cast %get3A_1239 : i32 to index
      %get3A_1241 = arith.constant 0 : index
      %get3A_1242 = tpu.vector_load %arg10[%get3A_1240, %get3A_1241] {strides = array<i32>} : memref<80x16xf32, #tpu.memory_space<vmem>>, vector<1x16xf32>,
      %get3A_1243 = vector.shape_cast %get3A_1242 : vector<1x16xf32> to vector<16xf32>
      %broadcast_in_dim3A_1244 = arith.constant 10 : i32
      %broadcast_in_dim3A_1245 = vector.broadcast %broadcast_in_dim3A_1244 : i32 to vector<16x1xi32>
      %gather3A_1246 = vector.shape_cast %broadcast_in_dim3A_1245 : vector<16x1xi32> to vector<16xi32>
      %gather3A_1247 = tpu.dynamic_gather %get3A_1078[%gather3A_1246] in [0] : vector<16xf32>, vector<16xi32> -> vector<16xf32>
      %mul3A_1248 = arith.mulf %get3A_1243, %gather3A_1247 : vector<16xf32>
      %swap3A_1249 = arith.constant 74 : i32
      %swap3A_1250 = arith.index_cast %swap3A_1249 : i32 to index
      %swap3A_1251 = arith.constant 0 : index
      %swap3A_1252 = tpu.vector_load %arg10[%swap3A_1250, %swap3A_1251] {strides = array<i32>} : memref<80x16xf32, #tpu.memory_space<vmem>>, vector<1x16xf32>,
      %swap3A_1253 = vector.shape_cast %swap3A_1252 : vector<1x16xf32> to vector<16xf32>
      %swap3A_1254 = vector.shape_cast %mul3A_1248 : vector<16xf32> to vector<1x16xf32>
      tpu.vector_store %arg10[%swap3A_1250, %swap3A_1251], %swap3A_1254 {strides = array<i32>} : memref<80x16xf32, #tpu.memory_space<vmem>>, vector<1x16xf32>,
      %get3A_1255 = arith.constant 75 : i32
      %get3A_1256 = arith.index_cast %get3A_1255 : i32 to index
      %get3A_1257 = arith.constant 0 : index
      %get3A_1258 = tpu.vector_load %arg10[%get3A_1256, %get3A_1257] {strides = array<i32>} : memref<80x16xf32, #tpu.memory_space<vmem>>, vector<1x16xf32>,
      %get3A_1259 = vector.shape_cast %get3A_1258 : vector<1x16xf32> to vector<16xf32>
      %broadcast_in_dim3A_1260 = arith.constant 11 : i32
      %broadcast_in_dim3A_1261 = vector.broadcast %broadcast_in_dim3A_1260 : i32 to vector<16x1xi32>
      %gather3A_1262 = vector.shape_cast %broadcast_in_dim3A_1261 : vector<16x1xi32> to vector<16xi32>
      %gather3A_1263 = tpu.dynamic_gather %get3A_1078[%gather3A_1262] in [0] : vector<16xf32>, vector<16xi32> -> vector<16xf32>
      %mul3A_1264 = arith.mulf %get3A_1259, %gather3A_1263 : vector<16xf32>
      %swap3A_1265 = arith.constant 75 : i32
      %swap3A_1266 = arith.index_cast %swap3A_1265 : i32 to index
      %swap3A_1267 = arith.constant 0 : index
      %swap3A_1268 = tpu.vector_load %arg10[%swap3A_1266, %swap3A_1267] {strides = array<i32>} : memref<80x16xf32, #tpu.memory_space<vmem>>, vector<1x16xf32>,
      %swap3A_1269 = vector.shape_cast %swap3A_1268 : vector<1x16xf32> to vector<16xf32>
      %swap3A_1270 = vector.shape_cast %mul3A_1264 : vector<16xf32> to vector<1x16xf32>
      tpu.vector_store %arg10[%swap3A_1266, %swap3A_1267], %swap3A_1270 {strides = array<i32>} : memref<80x16xf32, #tpu.memory_space<vmem>>, vector<1x16xf32>,
      %get3A_1271 = arith.constant 76 : i32
      %get3A_1272 = arith.index_cast %get3A_1271 : i32 to index
      %get3A_1273 = arith.constant 0 : index
      %get3A_1274 = tpu.vector_load %arg10[%get3A_1272, %get3A_1273] {strides = array<i32>} : memref<80x16xf32, #tpu.memory_space<vmem>>, vector<1x16xf32>,
      %get3A_1275 = vector.shape_cast %get3A_1274 : vector<1x16xf32> to vector<16xf32>
      %broadcast_in_dim3A_1276 = arith.constant 12 : i32
      %broadcast_in_dim3A_1277 = vector.broadcast %broadcast_in_dim3A_1276 : i32 to vector<16x1xi32>
      %gather3A_1278 = vector.shape_cast %broadcast_in_dim3A_1277 : vector<16x1xi32> to vector<16xi32>
      %gather3A_1279 = tpu.dynamic_gather %get3A_1078[%gather3A_1278] in [0] : vector<16xf32>, vector<16xi32> -> vector<16xf32>
      %mul3A_1280 = arith.mulf %get3A_1275, %gather3A_1279 : vector<16xf32>
      %swap3A_1281 = arith.constant 76 : i32
      %swap3A_1282 = arith.index_cast %swap3A_1281 : i32 to index
      %swap3A_1283 = arith.constant 0 : index
      %swap3A_1284 = tpu.vector_load %arg10[%swap3A_1282, %swap3A_1283] {strides = array<i32>} : memref<80x16xf32, #tpu.memory_space<vmem>>, vector<1x16xf32>,
      %swap3A_1285 = vector.shape_cast %swap3A_1284 : vector<1x16xf32> to vector<16xf32>
      %swap3A_1286 = vector.shape_cast %mul3A_1280 : vector<16xf32> to vector<1x16xf32>
      tpu.vector_store %arg10[%swap3A_1282, %swap3A_1283], %swap3A_1286 {strides = array<i32>} : memref<80x16xf32, #tpu.memory_space<vmem>>, vector<1x16xf32>,
      %get3A_1287 = arith.constant 77 : i32
      %get3A_1288 = arith.index_cast %get3A_1287 : i32 to index
      %get3A_1289 = arith.constant 0 : index
      %get3A_1290 = tpu.vector_load %arg10[%get3A_1288, %get3A_1289] {strides = array<i32>} : memref<80x16xf32, #tpu.memory_space<vmem>>, vector<1x16xf32>,
      %get3A_1291 = vector.shape_cast %get3A_1290 : vector<1x16xf32> to vector<16xf32>
      %broadcast_in_dim3A_1292 = arith.constant 13 : i32
      %broadcast_in_dim3A_1293 = vector.broadcast %broadcast_in_dim3A_1292 : i32 to vector<16x1xi32>
      %gather3A_1294 = vector.shape_cast %broadcast_in_dim3A_1293 : vector<16x1xi32> to vector<16xi32>
      %gather3A_1295 = tpu.dynamic_gather %get3A_1078[%gather3A_1294] in [0] : vector<16xf32>, vector<16xi32> -> vector<16xf32>
      %mul3A_1296 = arith.mulf %get3A_1291, %gather3A_1295 : vector<16xf32>
      %swap3A_1297 = arith.constant 77 : i32
      %swap3A_1298 = arith.index_cast %swap3A_1297 : i32 to index
      %swap3A_1299 = arith.constant 0 : index
      %swap3A_1300 = tpu.vector_load %arg10[%swap3A_1298, %swap3A_1299] {strides = array<i32>} : memref<80x16xf32, #tpu.memory_space<vmem>>, vector<1x16xf32>,
      %swap3A_1301 = vector.shape_cast %swap3A_1300 : vector<1x16xf32> to vector<16xf32>
      %swap3A_1302 = vector.shape_cast %mul3A_1296 : vector<16xf32> to vector<1x16xf32>
      tpu.vector_store %arg10[%swap3A_1298, %swap3A_1299], %swap3A_1302 {strides = array<i32>} : memref<80x16xf32, #tpu.memory_space<vmem>>, vector<1x16xf32>,
      %get3A_1303 = arith.constant 78 : i32
      %get3A_1304 = arith.index_cast %get3A_1303 : i32 to index
      %get3A_1305 = arith.constant 0 : index
      %get3A_1306 = tpu.vector_load %arg10[%get3A_1304, %get3A_1305] {strides = array<i32>} : memref<80x16xf32, #tpu.memory_space<vmem>>, vector<1x16xf32>,
      %get3A_1307 = vector.shape_cast %get3A_1306 : vector<1x16xf32> to vector<16xf32>
      %broadcast_in_dim3A_1308 = arith.constant 14 : i32
      %broadcast_in_dim3A_1309 = vector.broadcast %broadcast_in_dim3A_1308 : i32 to vector<16x1xi32>
      %gather3A_1310 = vector.shape_cast %broadcast_in_dim3A_1309 : vector<16x1xi32> to vector<16xi32>
      %gather3A_1311 = tpu.dynamic_gather %get3A_1078[%gather3A_1310] in [0] : vector<16xf32>, vector<16xi32> -> vector<16xf32>
      %mul3A_1312 = arith.mulf %get3A_1307, %gather3A_1311 : vector<16xf32>
      %swap3A_1313 = arith.constant 78 : i32
      %swap3A_1314 = arith.index_cast %swap3A_1313 : i32 to index
      %swap3A_1315 = arith.constant 0 : index
      %swap3A_1316 = tpu.vector_load %arg10[%swap3A_1314, %swap3A_1315] {strides = array<i32>} : memref<80x16xf32, #tpu.memory_space<vmem>>, vector<1x16xf32>,
      %swap3A_1317 = vector.shape_cast %swap3A_1316 : vector<1x16xf32> to vector<16xf32>
      %swap3A_1318 = vector.shape_cast %mul3A_1312 : vector<16xf32> to vector<1x16xf32>
      tpu.vector_store %arg10[%swap3A_1314, %swap3A_1315], %swap3A_1318 {strides = array<i32>} : memref<80x16xf32, #tpu.memory_space<vmem>>, vector<1x16xf32>,
      %get3A_1319 = arith.constant 79 : i32
      %get3A_1320 = arith.index_cast %get3A_1319 : i32 to index
      %get3A_1321 = arith.constant 0 : index
      %get3A_1322 = tpu.vector_load %arg10[%get3A_1320, %get3A_1321] {strides = array<i32>} : memref<80x16xf32, #tpu.memory_space<vmem>>, vector<1x16xf32>,
      %get3A_1323 = vector.shape_cast %get3A_1322 : vector<1x16xf32> to vector<16xf32>
      %broadcast_in_dim3A_1324 = arith.constant 15 : i32
      %broadcast_in_dim3A_1325 = vector.broadcast %broadcast_in_dim3A_1324 : i32 to vector<16x1xi32>
      %gather3A_1326 = vector.shape_cast %broadcast_in_dim3A_1325 : vector<16x1xi32> to vector<16xi32>
      %gather3A_1327 = tpu.dynamic_gather %get3A_1078[%gather3A_1326] in [0] : vector<16xf32>, vector<16xi32> -> vector<16xf32>
      %mul3A_1328 = arith.mulf %get3A_1323, %gather3A_1327 : vector<16xf32>
      %swap3A_1329 = arith.constant 79 : i32
      %swap3A_1330 = arith.index_cast %swap3A_1329 : i32 to index
      %swap3A_1331 = arith.constant 0 : index
      %swap3A_1332 = tpu.vector_load %arg10[%swap3A_1330, %swap3A_1331] {strides = array<i32>} : memref<80x16xf32, #tpu.memory_space<vmem>>, vector<1x16xf32>,
      %swap3A_1333 = vector.shape_cast %swap3A_1332 : vector<1x16xf32> to vector<16xf32>
      %swap3A_1334 = vector.shape_cast %mul3A_1328 : vector<16xf32> to vector<1x16xf32>
      tpu.vector_store %arg10[%swap3A_1330, %swap3A_1331], %swap3A_1334 {strides = array<i32>} : memref<80x16xf32, #tpu.memory_space<vmem>>, vector<1x16xf32>,
      "tpu.region"() ({
        %run_scoped3A = tpu.sem_alloc : memref<!tpu.dma_semaphore, #tpu.memory_space<semaphore_mem>>
        %dma_start3A_1335 = arith.constant 0 : i32
        %dma_start3A_1336 = tpu.memref_slice %arg8[%scan3A_28, %dma_start3A_1335] : memref<128x80xi32, #tpu.memory_space<vmem>> -> memref<1x80xi32, #tpu.memory_space<vmem>>
        %dma_start3A_1337 = tpu.memref_squeeze %dma_start3A_1336 : memref<1x80xi32, #tpu.memory_space<vmem>> -> memref<80xi32, #tpu.memory_space<vmem>>
        %dma_start3A_1338 = arith.constant 0 : i32
        %dma_start3A_1339 = arith.constant 0 : i32
        %dma_start3A_1340 = tpu.memref_slice %arg12[%dma_start3A_1338, %dma_start3A_1339] : memref<10112x16xf32, #tpu.memory_space<vmem_shared>> -> memref<10112x16xf32, #tpu.memory_space<vmem_shared>>
        tpu.enqueue_indirect_dma source(%arg10 : memref<80x16xf32, #tpu.memory_space<vmem>>) target(%dma_start3A_1340 : memref<10112x16xf32, #tpu.memory_space<vmem_shared>>) offsets(%dma_start3A_1337 : memref<80xi32, #tpu.memory_space<vmem>>) semaphore(%run_scoped3A : memref<!tpu.dma_semaphore, #tpu.memory_space<semaphore_mem>>) {add = true}
        %dma_wait3A_1341 = arith.constant 0 : i32
        %dma_wait3A_1342 = tpu.memref_slice %arg8[%scan3A_28, %dma_wait3A_1341] : memref<128x80xi32, #tpu.memory_space<vmem>> -> memref<1x80xi32, #tpu.memory_space<vmem>>
        %dma_wait3A_1343 = tpu.memref_squeeze %dma_wait3A_1342 : memref<1x80xi32, #tpu.memory_space<vmem>> -> memref<80xi32, #tpu.memory_space<vmem>>
        %dma_wait3A_1344 = arith.constant 0 : i32
        %dma_wait3A_1345 = arith.constant 0 : i32
        %dma_wait3A_1346 = tpu.memref_slice %arg12[%dma_wait3A_1344, %dma_wait3A_1345] : memref<10112x16xf32, #tpu.memory_space<vmem_shared>> -> memref<10112x16xf32, #tpu.memory_space<vmem_shared>>
        tpu.wait_indirect_dma semaphore(%run_scoped3A : memref<!tpu.dma_semaphore, #tpu.memory_space<semaphore_mem>>) src(%arg10 : memref<80x16xf32, #tpu.memory_space<vmem>>) dst(%dma_wait3A_1346 : memref<10112x16xf32, #tpu.memory_space<vmem_shared>>)
        tpu.yield
      }) : () -> ()
    }
    %scan3A_19 = arith.constant 128 : i32
    %barrier3A_20 = arith.constant 0 : index
    tpu.barrier barrier_id(%barrier3A_20)
    %mul3A_21 = arith.constant 632 : i32
    %mul3A_22 = arith.muli %arg1, %mul3A_21 : i32
    %mul3A_23 = arith.constant 10112 : i32
    %mul3A_24 = arith.muli %arg0, %mul3A_23 : i32
    %mul3A_25 = arith.constant 632 : i32
    %mul3A_26 = arith.muli %arg1, %mul3A_25 : i32
    %add3A_27 = arith.addi %mul3A_24, %mul3A_26 : i32
    "tpu.region"() ({
      %run_scoped3A = tpu.sem_alloc : memref<!tpu.dma_semaphore, #tpu.memory_space<semaphore_mem>>
      %dma_start3A = arith.constant 0 : i32
      %dma_start3A_28 = tpu.memref_slice %arg6[%add3A_27, %dma_start3A] : memref<20224x16xf32, #tpu.memory_space<hbm>> -> memref<632x16xf32, #tpu.memory_space<hbm>>
      %dma_start3A_29 = arith.constant 0 : i32
      %dma_start3A_30 = tpu.memref_slice %arg12[%mul3A_22, %dma_start3A_29] : memref<10112x16xf32, #tpu.memory_space<vmem_shared>> -> memref<632x16xf32, #tpu.memory_space<vmem_shared>>
      tpu.enqueue_dma source(%dma_start3A_30 : memref<632x16xf32, #tpu.memory_space<vmem_shared>>) target(%dma_start3A_28 : memref<632x16xf32, #tpu.memory_space<hbm>>) target_semaphore(%run_scoped3A : memref<!tpu.dma_semaphore, #tpu.memory_space<semaphore_mem>>)
      %dma_wait3A = arith.constant 0 : i32
      %dma_wait3A_31 = tpu.memref_slice %arg6[%add3A_27, %dma_wait3A] : memref<20224x16xf32, #tpu.memory_space<hbm>> -> memref<632x16xf32, #tpu.memory_space<hbm>>
      %dma_wait3A_32 = arith.constant 0 : i32
      %dma_wait3A_33 = tpu.memref_slice %arg12[%mul3A_22, %dma_wait3A_32] : memref<10112x16xf32, #tpu.memory_space<vmem_shared>> -> memref<632x16xf32, #tpu.memory_space<vmem_shared>>
      tpu.wait_dma2 semaphore(%run_scoped3A : memref<!tpu.dma_semaphore, #tpu.memory_space<semaphore_mem>>) src(%dma_wait3A_33 : memref<632x16xf32, #tpu.memory_space<vmem_shared>>) dst(%dma_wait3A_31 : memref<632x16xf32, #tpu.memory_space<hbm>>)
      tpu.yield
    }) : () -> ()
    return
  }
}

#map = affine_map<(d0, d1) -> (0, 0)>
module attributes {stable_mosaic.version = 14 : i64} {
  func.func @spmm(%arg0: i32, %arg1: i32, %arg2: memref<10112x16xf32, #tpu.memory_space<hbm>>, %arg3: memref<4096x80xi32, #tpu.memory_space<hbm>>, %arg4: memref<4096x80xi32, #tpu.memory_space<hbm>>, %arg5: memref<4096x80xf32, #tpu.memory_space<hbm>>, %arg6: memref<20224x16xf32, #tpu.memory_space<hbm>>, %arg7: memref<128x80xi32, #tpu.memory_space<vmem>>, %arg8: memref<128x80xi32, #tpu.memory_space<vmem>>, %arg9: memref<128x80xf32, #tpu.memory_space<vmem>>, %arg10: memref<80x16xf32, #tpu.memory_space<vmem>>, %arg11: memref<632x16xf32, #tpu.memory_space<vmem>>, %arg12: memref<10112x16xf32, #tpu.memory_space<vmem_shared>>, %arg13: memref<!tpu.dma_semaphore, #tpu.memory_space<semaphore_mem>>) attributes {dimension_semantics = [#tpu.dimension_semantics<core_parallel>, #tpu.dimension_semantics<subcore_parallel>], iteration_bounds = array<i64: 2, 16>, scalar_prefetch = 0 : i64, scratch_operands = 7 : i64, tpu.core_type = #tpu.core_type<sc_vector_subcore>, window_params = [{transform_indices = #map}, {transform_indices = #map}, {transform_indices = #map}, {transform_indices = #map}, {transform_indices = #map}]} {
    %mul3A = arith.constant 16 : i32
    %mul3A_0 = arith.muli %arg0, %mul3A : i32
    %add3A = arith.addi %mul3A_0, %arg1 : i32
    %scan3A = arith.constant 0 : i32
    %scan3A_1 = arith.constant 0 : i32
    %scan3A_2 = arith.constant 632 : i32
    %scan3A_3 = arith.addi %scan3A_1, %scan3A_2 : i32
    %scan3A_4 = arith.constant 1 : i32
    scf.for %scan3A_28 = %scan3A_1 to %scan3A_3 step %scan3A_4  : i32 {
      %broadcast_in_dim3A = arith.constant 0.000000e+00 : f32
      %broadcast_in_dim3A_29 = vector.broadcast %broadcast_in_dim3A : f32 to vector<16xf32>
      %swap3A = arith.index_cast %scan3A_28 : i32 to index
      %swap3A_30 = arith.constant 0 : index
      %swap3A_31 = tpu.vector_load %arg11[%swap3A, %swap3A_30] {strides = array<i32>} : memref<632x16xf32, #tpu.memory_space<vmem>>, vector<1x16xf32>,
      %swap3A_32 = vector.shape_cast %swap3A_31 : vector<1x16xf32> to vector<16xf32>
      %swap3A_33 = vector.shape_cast %broadcast_in_dim3A_29 : vector<16xf32> to vector<1x16xf32>
      tpu.vector_store %arg11[%swap3A, %swap3A_30], %swap3A_33 {strides = array<i32>} : memref<632x16xf32, #tpu.memory_space<vmem>>, vector<1x16xf32>,
    }
    %scan3A_5 = arith.constant 632 : i32
    %mul3A_6 = arith.constant 632 : i32
    %mul3A_7 = arith.muli %arg1, %mul3A_6 : i32
    "tpu.region"() ({
      %run_scoped3A = tpu.sem_alloc : memref<!tpu.dma_semaphore, #tpu.memory_space<semaphore_mem>>
      %dma_start3A = arith.constant 0 : i32
      %dma_start3A_28 = tpu.memref_slice %arg12[%mul3A_7, %dma_start3A] : memref<10112x16xf32, #tpu.memory_space<vmem_shared>> -> memref<632x16xf32, #tpu.memory_space<vmem_shared>>
      %dma_start3A_29 = arith.constant 0 : i32
      %dma_start3A_30 = tpu.memref_slice %arg12[%mul3A_7, %dma_start3A_29] : memref<10112x16xf32, #tpu.memory_space<vmem_shared>> -> memref<632x16xf32, #tpu.memory_space<vmem_shared>>
      tpu.enqueue_dma source(%arg11 : memref<632x16xf32, #tpu.memory_space<vmem>>) target(%dma_start3A_30 : memref<632x16xf32, #tpu.memory_space<vmem_shared>>) target_semaphore(%run_scoped3A : memref<!tpu.dma_semaphore, #tpu.memory_space<semaphore_mem>>)
      %dma_wait3A = arith.constant 0 : i32
      %dma_wait3A_31 = tpu.memref_slice %arg12[%mul3A_7, %dma_wait3A] : memref<10112x16xf32, #tpu.memory_space<vmem_shared>> -> memref<632x16xf32, #tpu.memory_space<vmem_shared>>
      %dma_wait3A_32 = arith.constant 0 : i32
      %dma_wait3A_33 = tpu.memref_slice %arg12[%mul3A_7, %dma_wait3A_32] : memref<10112x16xf32, #tpu.memory_space<vmem_shared>> -> memref<632x16xf32, #tpu.memory_space<vmem_shared>>
      tpu.wait_dma2 semaphore(%run_scoped3A : memref<!tpu.dma_semaphore, #tpu.memory_space<semaphore_mem>>) src(%arg11 : memref<632x16xf32, #tpu.memory_space<vmem>>) dst(%dma_wait3A_33 : memref<632x16xf32, #tpu.memory_space<vmem_shared>>)
      tpu.yield
    }) : () -> ()
    %barrier3A = arith.constant 0 : index
    tpu.barrier barrier_id(%barrier3A)
    %mul3A_8 = arith.constant 128 : i32
    %mul3A_9 = arith.muli %add3A, %mul3A_8 : i32
    "tpu.region"() ({
      %run_scoped3A = tpu.sem_alloc : memref<!tpu.dma_semaphore, #tpu.memory_space<semaphore_mem>>
      %dma_start3A = arith.constant 0 : i32
      %dma_start3A_28 = tpu.memref_slice %arg3[%mul3A_9, %dma_start3A] : memref<4096x80xi32, #tpu.memory_space<hbm>> -> memref<128x80xi32, #tpu.memory_space<hbm>>
      %dma_start3A_29 = arith.constant 0 : i32
      %dma_start3A_30 = tpu.memref_slice %arg3[%mul3A_9, %dma_start3A_29] : memref<4096x80xi32, #tpu.memory_space<hbm>> -> memref<128x80xi32, #tpu.memory_space<hbm>>
      tpu.enqueue_dma source(%dma_start3A_30 : memref<128x80xi32, #tpu.memory_space<hbm>>) target(%arg7 : memref<128x80xi32, #tpu.memory_space<vmem>>) target_semaphore(%run_scoped3A : memref<!tpu.dma_semaphore, #tpu.memory_space<semaphore_mem>>)
      %dma_wait3A = arith.constant 0 : i32
      %dma_wait3A_31 = tpu.memref_slice %arg3[%mul3A_9, %dma_wait3A] : memref<4096x80xi32, #tpu.memory_space<hbm>> -> memref<128x80xi32, #tpu.memory_space<hbm>>
      %dma_wait3A_32 = arith.constant 0 : i32
      %dma_wait3A_33 = tpu.memref_slice %arg3[%mul3A_9, %dma_wait3A_32] : memref<4096x80xi32, #tpu.memory_space<hbm>> -> memref<128x80xi32, #tpu.memory_space<hbm>>
      tpu.wait_dma2 semaphore(%run_scoped3A : memref<!tpu.dma_semaphore, #tpu.memory_space<semaphore_mem>>) src(%dma_wait3A_33 : memref<128x80xi32, #tpu.memory_space<hbm>>) dst(%arg7 : memref<128x80xi32, #tpu.memory_space<vmem>>)
      tpu.yield
    }) : () -> ()
    %mul3A_10 = arith.constant 128 : i32
    %mul3A_11 = arith.muli %add3A, %mul3A_10 : i32
    "tpu.region"() ({
      %run_scoped3A = tpu.sem_alloc : memref<!tpu.dma_semaphore, #tpu.memory_space<semaphore_mem>>
      %dma_start3A = arith.constant 0 : i32
      %dma_start3A_28 = tpu.memref_slice %arg4[%mul3A_11, %dma_start3A] : memref<4096x80xi32, #tpu.memory_space<hbm>> -> memref<128x80xi32, #tpu.memory_space<hbm>>
      %dma_start3A_29 = arith.constant 0 : i32
      %dma_start3A_30 = tpu.memref_slice %arg4[%mul3A_11, %dma_start3A_29] : memref<4096x80xi32, #tpu.memory_space<hbm>> -> memref<128x80xi32, #tpu.memory_space<hbm>>
      tpu.enqueue_dma source(%dma_start3A_30 : memref<128x80xi32, #tpu.memory_space<hbm>>) target(%arg8 : memref<128x80xi32, #tpu.memory_space<vmem>>) target_semaphore(%run_scoped3A : memref<!tpu.dma_semaphore, #tpu.memory_space<semaphore_mem>>)
      %dma_wait3A = arith.constant 0 : i32
      %dma_wait3A_31 = tpu.memref_slice %arg4[%mul3A_11, %dma_wait3A] : memref<4096x80xi32, #tpu.memory_space<hbm>> -> memref<128x80xi32, #tpu.memory_space<hbm>>
      %dma_wait3A_32 = arith.constant 0 : i32
      %dma_wait3A_33 = tpu.memref_slice %arg4[%mul3A_11, %dma_wait3A_32] : memref<4096x80xi32, #tpu.memory_space<hbm>> -> memref<128x80xi32, #tpu.memory_space<hbm>>
      tpu.wait_dma2 semaphore(%run_scoped3A : memref<!tpu.dma_semaphore, #tpu.memory_space<semaphore_mem>>) src(%dma_wait3A_33 : memref<128x80xi32, #tpu.memory_space<hbm>>) dst(%arg8 : memref<128x80xi32, #tpu.memory_space<vmem>>)
      tpu.yield
    }) : () -> ()
    %mul3A_12 = arith.constant 128 : i32
    %mul3A_13 = arith.muli %add3A, %mul3A_12 : i32
    "tpu.region"() ({
      %run_scoped3A = tpu.sem_alloc : memref<!tpu.dma_semaphore, #tpu.memory_space<semaphore_mem>>
      %dma_start3A = arith.constant 0 : i32
      %dma_start3A_28 = tpu.memref_slice %arg5[%mul3A_13, %dma_start3A] : memref<4096x80xf32, #tpu.memory_space<hbm>> -> memref<128x80xf32, #tpu.memory_space<hbm>>
      %dma_start3A_29 = arith.constant 0 : i32
      %dma_start3A_30 = tpu.memref_slice %arg5[%mul3A_13, %dma_start3A_29] : memref<4096x80xf32, #tpu.memory_space<hbm>> -> memref<128x80xf32, #tpu.memory_space<hbm>>
      tpu.enqueue_dma source(%dma_start3A_30 : memref<128x80xf32, #tpu.memory_space<hbm>>) target(%arg9 : memref<128x80xf32, #tpu.memory_space<vmem>>) target_semaphore(%run_scoped3A : memref<!tpu.dma_semaphore, #tpu.memory_space<semaphore_mem>>)
      %dma_wait3A = arith.constant 0 : i32
      %dma_wait3A_31 = tpu.memref_slice %arg5[%mul3A_13, %dma_wait3A] : memref<4096x80xf32, #tpu.memory_space<hbm>> -> memref<128x80xf32, #tpu.memory_space<hbm>>
      %dma_wait3A_32 = arith.constant 0 : i32
      %dma_wait3A_33 = tpu.memref_slice %arg5[%mul3A_13, %dma_wait3A_32] : memref<4096x80xf32, #tpu.memory_space<hbm>> -> memref<128x80xf32, #tpu.memory_space<hbm>>
      tpu.wait_dma2 semaphore(%run_scoped3A : memref<!tpu.dma_semaphore, #tpu.memory_space<semaphore_mem>>) src(%dma_wait3A_33 : memref<128x80xf32, #tpu.memory_space<hbm>>) dst(%arg9 : memref<128x80xf32, #tpu.memory_space<vmem>>)
      tpu.yield
    }) : () -> ()
    %scan3A_14 = arith.constant 0 : i32
    %scan3A_15 = arith.constant 0 : i32
    %scan3A_16 = arith.constant 128 : i32
    %scan3A_17 = arith.addi %scan3A_15, %scan3A_16 : i32
    %scan3A_18 = arith.constant 1 : i32
    scf.for %scan3A_28 = %scan3A_15 to %scan3A_17 step %scan3A_18  : i32 {
      %dma_start3A = arith.constant 0 : i32
      %dma_start3A_29 = tpu.memref_slice %arg7[%scan3A_28, %dma_start3A] : memref<128x80xi32, #tpu.memory_space<vmem>> -> memref<1x80xi32, #tpu.memory_space<vmem>>
      %dma_start3A_30 = tpu.memref_squeeze %dma_start3A_29 : memref<1x80xi32, #tpu.memory_space<vmem>> -> memref<80xi32, #tpu.memory_space<vmem>>
      %dma_start3A_31 = arith.constant 0 : i32
      %dma_start3A_32 = arith.constant 0 : i32
      %dma_start3A_33 = tpu.memref_slice %arg2[%dma_start3A_31, %dma_start3A_32] : memref<10112x16xf32, #tpu.memory_space<hbm>> -> memref<10112x16xf32, #tpu.memory_space<hbm>>
      tpu.enqueue_indirect_dma source(%dma_start3A_33 : memref<10112x16xf32, #tpu.memory_space<hbm>>) target(%arg10 : memref<80x16xf32, #tpu.memory_space<vmem>>) offsets(%dma_start3A_30 : memref<80xi32, #tpu.memory_space<vmem>>) semaphore(%arg13 : memref<!tpu.dma_semaphore, #tpu.memory_space<semaphore_mem>>)
      %dma_wait3A = arith.constant 0 : i32
      %dma_wait3A_34 = tpu.memref_slice %arg7[%scan3A_28, %dma_wait3A] : memref<128x80xi32, #tpu.memory_space<vmem>> -> memref<1x80xi32, #tpu.memory_space<vmem>>
      %dma_wait3A_35 = tpu.memref_squeeze %dma_wait3A_34 : memref<1x80xi32, #tpu.memory_space<vmem>> -> memref<80xi32, #tpu.memory_space<vmem>>
      %dma_wait3A_36 = arith.constant 0 : i32
      %dma_wait3A_37 = arith.constant 0 : i32
      %dma_wait3A_38 = tpu.memref_slice %arg2[%dma_wait3A_36, %dma_wait3A_37] : memref<10112x16xf32, #tpu.memory_space<hbm>> -> memref<10112x16xf32, #tpu.memory_space<hbm>>
      tpu.wait_indirect_dma semaphore(%arg13 : memref<!tpu.dma_semaphore, #tpu.memory_space<semaphore_mem>>) src(%dma_wait3A_38 : memref<10112x16xf32, #tpu.memory_space<hbm>>) dst(%arg10 : memref<80x16xf32, #tpu.memory_space<vmem>>)
      %get3A = arith.index_cast %scan3A_28 : i32 to index
      %get3A_39 = arith.constant 0 : index
      %get3A_40 = tpu.vector_load %arg9[%get3A, %get3A_39] {strides = array<i32>} : memref<128x80xf32, #tpu.memory_space<vmem>>, vector<1x16xf32>,
      %get3A_41 = vector.shape_cast %get3A_40 : vector<1x16xf32> to vector<16xf32>
      %get3A_42 = arith.constant 0 : i32
      %get3A_43 = arith.index_cast %get3A_42 : i32 to index
      %get3A_44 = arith.constant 0 : index
      %get3A_45 = tpu.vector_load %arg10[%get3A_43, %get3A_44] {strides = array<i32>} : memref<80x16xf32, #tpu.memory_space<vmem>>, vector<1x16xf32>,
      %get3A_46 = vector.shape_cast %get3A_45 : vector<1x16xf32> to vector<16xf32>
      %broadcast_in_dim3A = arith.constant 0 : i32
      %broadcast_in_dim3A_47 = vector.broadcast %broadcast_in_dim3A : i32 to vector<16x1xi32>
      %gather3A = vector.shape_cast %broadcast_in_dim3A_47 : vector<16x1xi32> to vector<16xi32>
      %gather3A_48 = tpu.dynamic_gather %get3A_41[%gather3A] in [0] : vector<16xf32>, vector<16xi32> -> vector<16xf32>
      %mul3A_49 = arith.mulf %get3A_46, %gather3A_48 : vector<16xf32>
      %swap3A = arith.constant 0 : i32
      %swap3A_50 = arith.index_cast %swap3A : i32 to index
      %swap3A_51 = arith.constant 0 : index
      %swap3A_52 = tpu.vector_load %arg10[%swap3A_50, %swap3A_51] {strides = array<i32>} : memref<80x16xf32, #tpu.memory_space<vmem>>, vector<1x16xf32>,
      %swap3A_53 = vector.shape_cast %swap3A_52 : vector<1x16xf32> to vector<16xf32>
      %swap3A_54 = vector.shape_cast %mul3A_49 : vector<16xf32> to vector<1x16xf32>
      tpu.vector_store %arg10[%swap3A_50, %swap3A_51], %swap3A_54 {strides = array<i32>} : memref<80x16xf32, #tpu.memory_space<vmem>>, vector<1x16xf32>,
      %get3A_55 = arith.constant 1 : i32
      %get3A_56 = arith.index_cast %get3A_55 : i32 to index
      %get3A_57 = arith.constant 0 : index
      %get3A_58 = tpu.vector_load %arg10[%get3A_56, %get3A_57] {strides = array<i32>} : memref<80x16xf32, #tpu.memory_space<vmem>>, vector<1x16xf32>,
      %get3A_59 = vector.shape_cast %get3A_58 : vector<1x16xf32> to vector<16xf32>
      %broadcast_in_dim3A_60 = arith.constant 1 : i32
      %broadcast_in_dim3A_61 = vector.broadcast %broadcast_in_dim3A_60 : i32 to vector<16x1xi32>
      %gather3A_62 = vector.shape_cast %broadcast_in_dim3A_61 : vector<16x1xi32> to vector<16xi32>
      %gather3A_63 = tpu.dynamic_gather %get3A_41[%gather3A_62] in [0] : vector<16xf32>, vector<16xi32> -> vector<16xf32>
      %mul3A_64 = arith.mulf %get3A_59, %gather3A_63 : vector<16xf32>
      %swap3A_65 = arith.constant 1 : i32
      %swap3A_66 = arith.index_cast %swap3A_65 : i32 to index
      %swap3A_67 = arith.constant 0 : index
      %swap3A_68 = tpu.vector_load %arg10[%swap3A_66, %swap3A_67] {strides = array<i32>} : memref<80x16xf32, #tpu.memory_space<vmem>>, vector<1x16xf32>,
      %swap3A_69 = vector.shape_cast %swap3A_68 : vector<1x16xf32> to vector<16xf32>
      %swap3A_70 = vector.shape_cast %mul3A_64 : vector<16xf32> to vector<1x16xf32>
      tpu.vector_store %arg10[%swap3A_66, %swap3A_67], %swap3A_70 {strides = array<i32>} : memref<80x16xf32, #tpu.memory_space<vmem>>, vector<1x16xf32>,
      %get3A_71 = arith.constant 2 : i32
      %get3A_72 = arith.index_cast %get3A_71 : i32 to index
      %get3A_73 = arith.constant 0 : index
      %get3A_74 = tpu.vector_load %arg10[%get3A_72, %get3A_73] {strides = array<i32>} : memref<80x16xf32, #tpu.memory_space<vmem>>, vector<1x16xf32>,
      %get3A_75 = vector.shape_cast %get3A_74 : vector<1x16xf32> to vector<16xf32>
      %broadcast_in_dim3A_76 = arith.constant 2 : i32
      %broadcast_in_dim3A_77 = vector.broadcast %broadcast_in_dim3A_76 : i32 to vector<16x1xi32>
      %gather3A_78 = vector.shape_cast %broadcast_in_dim3A_77 : vector<16x1xi32> to vector<16xi32>
      %gather3A_79 = tpu.dynamic_gather %get3A_41[%gather3A_78] in [0] : vector<16xf32>, vector<16xi32> -> vector<16xf32>
      %mul3A_80 = arith.mulf %get3A_75, %gather3A_79 : vector<16xf32>
      %swap3A_81 = arith.constant 2 : i32
      %swap3A_82 = arith.index_cast %swap3A_81 : i32 to index
      %swap3A_83 = arith.constant 0 : index
      %swap3A_84 = tpu.vector_load %arg10[%swap3A_82, %swap3A_83] {strides = array<i32>} : memref<80x16xf32, #tpu.memory_space<vmem>>, vector<1x16xf32>,
      %swap3A_85 = vector.shape_cast %swap3A_84 : vector<1x16xf32> to vector<16xf32>
      %swap3A_86 = vector.shape_cast %mul3A_80 : vector<16xf32> to vector<1x16xf32>
      tpu.vector_store %arg10[%swap3A_82, %swap3A_83], %swap3A_86 {strides = array<i32>} : memref<80x16xf32, #tpu.memory_space<vmem>>, vector<1x16xf32>,
      %get3A_87 = arith.constant 3 : i32
      %get3A_88 = arith.index_cast %get3A_87 : i32 to index
      %get3A_89 = arith.constant 0 : index
      %get3A_90 = tpu.vector_load %arg10[%get3A_88, %get3A_89] {strides = array<i32>} : memref<80x16xf32, #tpu.memory_space<vmem>>, vector<1x16xf32>,
      %get3A_91 = vector.shape_cast %get3A_90 : vector<1x16xf32> to vector<16xf32>
      %broadcast_in_dim3A_92 = arith.constant 3 : i32
      %broadcast_in_dim3A_93 = vector.broadcast %broadcast_in_dim3A_92 : i32 to vector<16x1xi32>
      %gather3A_94 = vector.shape_cast %broadcast_in_dim3A_93 : vector<16x1xi32> to vector<16xi32>
      %gather3A_95 = tpu.dynamic_gather %get3A_41[%gather3A_94] in [0] : vector<16xf32>, vector<16xi32> -> vector<16xf32>
      %mul3A_96 = arith.mulf %get3A_91, %gather3A_95 : vector<16xf32>
      %swap3A_97 = arith.constant 3 : i32
      %swap3A_98 = arith.index_cast %swap3A_97 : i32 to index
      %swap3A_99 = arith.constant 0 : index
      %swap3A_100 = tpu.vector_load %arg10[%swap3A_98, %swap3A_99] {strides = array<i32>} : memref<80x16xf32, #tpu.memory_space<vmem>>, vector<1x16xf32>,
      %swap3A_101 = vector.shape_cast %swap3A_100 : vector<1x16xf32> to vector<16xf32>
      %swap3A_102 = vector.shape_cast %mul3A_96 : vector<16xf32> to vector<1x16xf32>
      tpu.vector_store %arg10[%swap3A_98, %swap3A_99], %swap3A_102 {strides = array<i32>} : memref<80x16xf32, #tpu.memory_space<vmem>>, vector<1x16xf32>,
      %get3A_103 = arith.constant 4 : i32
      %get3A_104 = arith.index_cast %get3A_103 : i32 to index
      %get3A_105 = arith.constant 0 : index
      %get3A_106 = tpu.vector_load %arg10[%get3A_104, %get3A_105] {strides = array<i32>} : memref<80x16xf32, #tpu.memory_space<vmem>>, vector<1x16xf32>,
      %get3A_107 = vector.shape_cast %get3A_106 : vector<1x16xf32> to vector<16xf32>
      %broadcast_in_dim3A_108 = arith.constant 4 : i32
      %broadcast_in_dim3A_109 = vector.broadcast %broadcast_in_dim3A_108 : i32 to vector<16x1xi32>
      %gather3A_110 = vector.shape_cast %broadcast_in_dim3A_109 : vector<16x1xi32> to vector<16xi32>
      %gather3A_111 = tpu.dynamic_gather %get3A_41[%gather3A_110] in [0] : vector<16xf32>, vector<16xi32> -> vector<16xf32>
      %mul3A_112 = arith.mulf %get3A_107, %gather3A_111 : vector<16xf32>
      %swap3A_113 = arith.constant 4 : i32
      %swap3A_114 = arith.index_cast %swap3A_113 : i32 to index
      %swap3A_115 = arith.constant 0 : index
      %swap3A_116 = tpu.vector_load %arg10[%swap3A_114, %swap3A_115] {strides = array<i32>} : memref<80x16xf32, #tpu.memory_space<vmem>>, vector<1x16xf32>,
      %swap3A_117 = vector.shape_cast %swap3A_116 : vector<1x16xf32> to vector<16xf32>
      %swap3A_118 = vector.shape_cast %mul3A_112 : vector<16xf32> to vector<1x16xf32>
      tpu.vector_store %arg10[%swap3A_114, %swap3A_115], %swap3A_118 {strides = array<i32>} : memref<80x16xf32, #tpu.memory_space<vmem>>, vector<1x16xf32>,
      %get3A_119 = arith.constant 5 : i32
      %get3A_120 = arith.index_cast %get3A_119 : i32 to index
      %get3A_121 = arith.constant 0 : index
      %get3A_122 = tpu.vector_load %arg10[%get3A_120, %get3A_121] {strides = array<i32>} : memref<80x16xf32, #tpu.memory_space<vmem>>, vector<1x16xf32>,
      %get3A_123 = vector.shape_cast %get3A_122 : vector<1x16xf32> to vector<16xf32>
      %broadcast_in_dim3A_124 = arith.constant 5 : i32
      %broadcast_in_dim3A_125 = vector.broadcast %broadcast_in_dim3A_124 : i32 to vector<16x1xi32>
      %gather3A_126 = vector.shape_cast %broadcast_in_dim3A_125 : vector<16x1xi32> to vector<16xi32>
      %gather3A_127 = tpu.dynamic_gather %get3A_41[%gather3A_126] in [0] : vector<16xf32>, vector<16xi32> -> vector<16xf32>
      %mul3A_128 = arith.mulf %get3A_123, %gather3A_127 : vector<16xf32>
      %swap3A_129 = arith.constant 5 : i32
      %swap3A_130 = arith.index_cast %swap3A_129 : i32 to index
      %swap3A_131 = arith.constant 0 : index
      %swap3A_132 = tpu.vector_load %arg10[%swap3A_130, %swap3A_131] {strides = array<i32>} : memref<80x16xf32, #tpu.memory_space<vmem>>, vector<1x16xf32>,
      %swap3A_133 = vector.shape_cast %swap3A_132 : vector<1x16xf32> to vector<16xf32>
      %swap3A_134 = vector.shape_cast %mul3A_128 : vector<16xf32> to vector<1x16xf32>
      tpu.vector_store %arg10[%swap3A_130, %swap3A_131], %swap3A_134 {strides = array<i32>} : memref<80x16xf32, #tpu.memory_space<vmem>>, vector<1x16xf32>,
      %get3A_135 = arith.constant 6 : i32
      %get3A_136 = arith.index_cast %get3A_135 : i32 to index
      %get3A_137 = arith.constant 0 : index
      %get3A_138 = tpu.vector_load %arg10[%get3A_136, %get3A_137] {strides = array<i32>} : memref<80x16xf32, #tpu.memory_space<vmem>>, vector<1x16xf32>,
      %get3A_139 = vector.shape_cast %get3A_138 : vector<1x16xf32> to vector<16xf32>
      %broadcast_in_dim3A_140 = arith.constant 6 : i32
      %broadcast_in_dim3A_141 = vector.broadcast %broadcast_in_dim3A_140 : i32 to vector<16x1xi32>
      %gather3A_142 = vector.shape_cast %broadcast_in_dim3A_141 : vector<16x1xi32> to vector<16xi32>
      %gather3A_143 = tpu.dynamic_gather %get3A_41[%gather3A_142] in [0] : vector<16xf32>, vector<16xi32> -> vector<16xf32>
      %mul3A_144 = arith.mulf %get3A_139, %gather3A_143 : vector<16xf32>
      %swap3A_145 = arith.constant 6 : i32
      %swap3A_146 = arith.index_cast %swap3A_145 : i32 to index
      %swap3A_147 = arith.constant 0 : index
      %swap3A_148 = tpu.vector_load %arg10[%swap3A_146, %swap3A_147] {strides = array<i32>} : memref<80x16xf32, #tpu.memory_space<vmem>>, vector<1x16xf32>,
      %swap3A_149 = vector.shape_cast %swap3A_148 : vector<1x16xf32> to vector<16xf32>
      %swap3A_150 = vector.shape_cast %mul3A_144 : vector<16xf32> to vector<1x16xf32>
      tpu.vector_store %arg10[%swap3A_146, %swap3A_147], %swap3A_150 {strides = array<i32>} : memref<80x16xf32, #tpu.memory_space<vmem>>, vector<1x16xf32>,
      %get3A_151 = arith.constant 7 : i32
      %get3A_152 = arith.index_cast %get3A_151 : i32 to index
      %get3A_153 = arith.constant 0 : index
      %get3A_154 = tpu.vector_load %arg10[%get3A_152, %get3A_153] {strides = array<i32>} : memref<80x16xf32, #tpu.memory_space<vmem>>, vector<1x16xf32>,
      %get3A_155 = vector.shape_cast %get3A_154 : vector<1x16xf32> to vector<16xf32>
      %broadcast_in_dim3A_156 = arith.constant 7 : i32
      %broadcast_in_dim3A_157 = vector.broadcast %broadcast_in_dim3A_156 : i32 to vector<16x1xi32>
      %gather3A_158 = vector.shape_cast %broadcast_in_dim3A_157 : vector<16x1xi32> to vector<16xi32>
      %gather3A_159 = tpu.dynamic_gather %get3A_41[%gather3A_158] in [0] : vector<16xf32>, vector<16xi32> -> vector<16xf32>
      %mul3A_160 = arith.mulf %get3A_155, %gather3A_159 : vector<16xf32>
      %swap3A_161 = arith.constant 7 : i32
      %swap3A_162 = arith.index_cast %swap3A_161 : i32 to index
      %swap3A_163 = arith.constant 0 : index
      %swap3A_164 = tpu.vector_load %arg10[%swap3A_162, %swap3A_163] {strides = array<i32>} : memref<80x16xf32, #tpu.memory_space<vmem>>, vector<1x16xf32>,
      %swap3A_165 = vector.shape_cast %swap3A_164 : vector<1x16xf32> to vector<16xf32>
      %swap3A_166 = vector.shape_cast %mul3A_160 : vector<16xf32> to vector<1x16xf32>
      tpu.vector_store %arg10[%swap3A_162, %swap3A_163], %swap3A_166 {strides = array<i32>} : memref<80x16xf32, #tpu.memory_space<vmem>>, vector<1x16xf32>,
      %get3A_167 = arith.constant 8 : i32
      %get3A_168 = arith.index_cast %get3A_167 : i32 to index
      %get3A_169 = arith.constant 0 : index
      %get3A_170 = tpu.vector_load %arg10[%get3A_168, %get3A_169] {strides = array<i32>} : memref<80x16xf32, #tpu.memory_space<vmem>>, vector<1x16xf32>,
      %get3A_171 = vector.shape_cast %get3A_170 : vector<1x16xf32> to vector<16xf32>
      %broadcast_in_dim3A_172 = arith.constant 8 : i32
      %broadcast_in_dim3A_173 = vector.broadcast %broadcast_in_dim3A_172 : i32 to vector<16x1xi32>
      %gather3A_174 = vector.shape_cast %broadcast_in_dim3A_173 : vector<16x1xi32> to vector<16xi32>
      %gather3A_175 = tpu.dynamic_gather %get3A_41[%gather3A_174] in [0] : vector<16xf32>, vector<16xi32> -> vector<16xf32>
      %mul3A_176 = arith.mulf %get3A_171, %gather3A_175 : vector<16xf32>
      %swap3A_177 = arith.constant 8 : i32
      %swap3A_178 = arith.index_cast %swap3A_177 : i32 to index
      %swap3A_179 = arith.constant 0 : index
      %swap3A_180 = tpu.vector_load %arg10[%swap3A_178, %swap3A_179] {strides = array<i32>} : memref<80x16xf32, #tpu.memory_space<vmem>>, vector<1x16xf32>,
      %swap3A_181 = vector.shape_cast %swap3A_180 : vector<1x16xf32> to vector<16xf32>
      %swap3A_182 = vector.shape_cast %mul3A_176 : vector<16xf32> to vector<1x16xf32>
      tpu.vector_store %arg10[%swap3A_178, %swap3A_179], %swap3A_182 {strides = array<i32>} : memref<80x16xf32, #tpu.memory_space<vmem>>, vector<1x16xf32>,
      %get3A_183 = arith.constant 9 : i32
      %get3A_184 = arith.index_cast %get3A_183 : i32 to index
      %get3A_185 = arith.constant 0 : index
      %get3A_186 = tpu.vector_load %arg10[%get3A_184, %get3A_185] {strides = array<i32>} : memref<80x16xf32, #tpu.memory_space<vmem>>, vector<1x16xf32>,
      %get3A_187 = vector.shape_cast %get3A_186 : vector<1x16xf32> to vector<16xf32>
      %broadcast_in_dim3A_188 = arith.constant 9 : i32
      %broadcast_in_dim3A_189 = vector.broadcast %broadcast_in_dim3A_188 : i32 to vector<16x1xi32>
      %gather3A_190 = vector.shape_cast %broadcast_in_dim3A_189 : vector<16x1xi32> to vector<16xi32>
      %gather3A_191 = tpu.dynamic_gather %get3A_41[%gather3A_190] in [0] : vector<16xf32>, vector<16xi32> -> vector<16xf32>
      %mul3A_192 = arith.mulf %get3A_187, %gather3A_191 : vector<16xf32>
      %swap3A_193 = arith.constant 9 : i32
      %swap3A_194 = arith.index_cast %swap3A_193 : i32 to index
      %swap3A_195 = arith.constant 0 : index
      %swap3A_196 = tpu.vector_load %arg10[%swap3A_194, %swap3A_195] {strides = array<i32>} : memref<80x16xf32, #tpu.memory_space<vmem>>, vector<1x16xf32>,
      %swap3A_197 = vector.shape_cast %swap3A_196 : vector<1x16xf32> to vector<16xf32>
      %swap3A_198 = vector.shape_cast %mul3A_192 : vector<16xf32> to vector<1x16xf32>
      tpu.vector_store %arg10[%swap3A_194, %swap3A_195], %swap3A_198 {strides = array<i32>} : memref<80x16xf32, #tpu.memory_space<vmem>>, vector<1x16xf32>,
      %get3A_199 = arith.constant 10 : i32
      %get3A_200 = arith.index_cast %get3A_199 : i32 to index
      %get3A_201 = arith.constant 0 : index
      %get3A_202 = tpu.vector_load %arg10[%get3A_200, %get3A_201] {strides = array<i32>} : memref<80x16xf32, #tpu.memory_space<vmem>>, vector<1x16xf32>,
      %get3A_203 = vector.shape_cast %get3A_202 : vector<1x16xf32> to vector<16xf32>
      %broadcast_in_dim3A_204 = arith.constant 10 : i32
      %broadcast_in_dim3A_205 = vector.broadcast %broadcast_in_dim3A_204 : i32 to vector<16x1xi32>
      %gather3A_206 = vector.shape_cast %broadcast_in_dim3A_205 : vector<16x1xi32> to vector<16xi32>
      %gather3A_207 = tpu.dynamic_gather %get3A_41[%gather3A_206] in [0] : vector<16xf32>, vector<16xi32> -> vector<16xf32>
      %mul3A_208 = arith.mulf %get3A_203, %gather3A_207 : vector<16xf32>
      %swap3A_209 = arith.constant 10 : i32
      %swap3A_210 = arith.index_cast %swap3A_209 : i32 to index
      %swap3A_211 = arith.constant 0 : index
      %swap3A_212 = tpu.vector_load %arg10[%swap3A_210, %swap3A_211] {strides = array<i32>} : memref<80x16xf32, #tpu.memory_space<vmem>>, vector<1x16xf32>,
      %swap3A_213 = vector.shape_cast %swap3A_212 : vector<1x16xf32> to vector<16xf32>
      %swap3A_214 = vector.shape_cast %mul3A_208 : vector<16xf32> to vector<1x16xf32>
      tpu.vector_store %arg10[%swap3A_210, %swap3A_211], %swap3A_214 {strides = array<i32>} : memref<80x16xf32, #tpu.memory_space<vmem>>, vector<1x16xf32>,
      %get3A_215 = arith.constant 11 : i32
      %get3A_216 = arith.index_cast %get3A_215 : i32 to index
      %get3A_217 = arith.constant 0 : index
      %get3A_218 = tpu.vector_load %arg10[%get3A_216, %get3A_217] {strides = array<i32>} : memref<80x16xf32, #tpu.memory_space<vmem>>, vector<1x16xf32>,
      %get3A_219 = vector.shape_cast %get3A_218 : vector<1x16xf32> to vector<16xf32>
      %broadcast_in_dim3A_220 = arith.constant 11 : i32
      %broadcast_in_dim3A_221 = vector.broadcast %broadcast_in_dim3A_220 : i32 to vector<16x1xi32>
      %gather3A_222 = vector.shape_cast %broadcast_in_dim3A_221 : vector<16x1xi32> to vector<16xi32>
      %gather3A_223 = tpu.dynamic_gather %get3A_41[%gather3A_222] in [0] : vector<16xf32>, vector<16xi32> -> vector<16xf32>
      %mul3A_224 = arith.mulf %get3A_219, %gather3A_223 : vector<16xf32>
      %swap3A_225 = arith.constant 11 : i32
      %swap3A_226 = arith.index_cast %swap3A_225 : i32 to index
      %swap3A_227 = arith.constant 0 : index
      %swap3A_228 = tpu.vector_load %arg10[%swap3A_226, %swap3A_227] {strides = array<i32>} : memref<80x16xf32, #tpu.memory_space<vmem>>, vector<1x16xf32>,
      %swap3A_229 = vector.shape_cast %swap3A_228 : vector<1x16xf32> to vector<16xf32>
      %swap3A_230 = vector.shape_cast %mul3A_224 : vector<16xf32> to vector<1x16xf32>
      tpu.vector_store %arg10[%swap3A_226, %swap3A_227], %swap3A_230 {strides = array<i32>} : memref<80x16xf32, #tpu.memory_space<vmem>>, vector<1x16xf32>,
      %get3A_231 = arith.constant 12 : i32
      %get3A_232 = arith.index_cast %get3A_231 : i32 to index
      %get3A_233 = arith.constant 0 : index
      %get3A_234 = tpu.vector_load %arg10[%get3A_232, %get3A_233] {strides = array<i32>} : memref<80x16xf32, #tpu.memory_space<vmem>>, vector<1x16xf32>,
      %get3A_235 = vector.shape_cast %get3A_234 : vector<1x16xf32> to vector<16xf32>
      %broadcast_in_dim3A_236 = arith.constant 12 : i32
      %broadcast_in_dim3A_237 = vector.broadcast %broadcast_in_dim3A_236 : i32 to vector<16x1xi32>
      %gather3A_238 = vector.shape_cast %broadcast_in_dim3A_237 : vector<16x1xi32> to vector<16xi32>
      %gather3A_239 = tpu.dynamic_gather %get3A_41[%gather3A_238] in [0] : vector<16xf32>, vector<16xi32> -> vector<16xf32>
      %mul3A_240 = arith.mulf %get3A_235, %gather3A_239 : vector<16xf32>
      %swap3A_241 = arith.constant 12 : i32
      %swap3A_242 = arith.index_cast %swap3A_241 : i32 to index
      %swap3A_243 = arith.constant 0 : index
      %swap3A_244 = tpu.vector_load %arg10[%swap3A_242, %swap3A_243] {strides = array<i32>} : memref<80x16xf32, #tpu.memory_space<vmem>>, vector<1x16xf32>,
      %swap3A_245 = vector.shape_cast %swap3A_244 : vector<1x16xf32> to vector<16xf32>
      %swap3A_246 = vector.shape_cast %mul3A_240 : vector<16xf32> to vector<1x16xf32>
      tpu.vector_store %arg10[%swap3A_242, %swap3A_243], %swap3A_246 {strides = array<i32>} : memref<80x16xf32, #tpu.memory_space<vmem>>, vector<1x16xf32>,
      %get3A_247 = arith.constant 13 : i32
      %get3A_248 = arith.index_cast %get3A_247 : i32 to index
      %get3A_249 = arith.constant 0 : index
      %get3A_250 = tpu.vector_load %arg10[%get3A_248, %get3A_249] {strides = array<i32>} : memref<80x16xf32, #tpu.memory_space<vmem>>, vector<1x16xf32>,
      %get3A_251 = vector.shape_cast %get3A_250 : vector<1x16xf32> to vector<16xf32>
      %broadcast_in_dim3A_252 = arith.constant 13 : i32
      %broadcast_in_dim3A_253 = vector.broadcast %broadcast_in_dim3A_252 : i32 to vector<16x1xi32>
      %gather3A_254 = vector.shape_cast %broadcast_in_dim3A_253 : vector<16x1xi32> to vector<16xi32>
      %gather3A_255 = tpu.dynamic_gather %get3A_41[%gather3A_254] in [0] : vector<16xf32>, vector<16xi32> -> vector<16xf32>
      %mul3A_256 = arith.mulf %get3A_251, %gather3A_255 : vector<16xf32>
      %swap3A_257 = arith.constant 13 : i32
      %swap3A_258 = arith.index_cast %swap3A_257 : i32 to index
      %swap3A_259 = arith.constant 0 : index
      %swap3A_260 = tpu.vector_load %arg10[%swap3A_258, %swap3A_259] {strides = array<i32>} : memref<80x16xf32, #tpu.memory_space<vmem>>, vector<1x16xf32>,
      %swap3A_261 = vector.shape_cast %swap3A_260 : vector<1x16xf32> to vector<16xf32>
      %swap3A_262 = vector.shape_cast %mul3A_256 : vector<16xf32> to vector<1x16xf32>
      tpu.vector_store %arg10[%swap3A_258, %swap3A_259], %swap3A_262 {strides = array<i32>} : memref<80x16xf32, #tpu.memory_space<vmem>>, vector<1x16xf32>,
      %get3A_263 = arith.constant 14 : i32
      %get3A_264 = arith.index_cast %get3A_263 : i32 to index
      %get3A_265 = arith.constant 0 : index
      %get3A_266 = tpu.vector_load %arg10[%get3A_264, %get3A_265] {strides = array<i32>} : memref<80x16xf32, #tpu.memory_space<vmem>>, vector<1x16xf32>,
      %get3A_267 = vector.shape_cast %get3A_266 : vector<1x16xf32> to vector<16xf32>
      %broadcast_in_dim3A_268 = arith.constant 14 : i32
      %broadcast_in_dim3A_269 = vector.broadcast %broadcast_in_dim3A_268 : i32 to vector<16x1xi32>
      %gather3A_270 = vector.shape_cast %broadcast_in_dim3A_269 : vector<16x1xi32> to vector<16xi32>
      %gather3A_271 = tpu.dynamic_gather %get3A_41[%gather3A_270] in [0] : vector<16xf32>, vector<16xi32> -> vector<16xf32>
      %mul3A_272 = arith.mulf %get3A_267, %gather3A_271 : vector<16xf32>
      %swap3A_273 = arith.constant 14 : i32
      %swap3A_274 = arith.index_cast %swap3A_273 : i32 to index
      %swap3A_275 = arith.constant 0 : index
      %swap3A_276 = tpu.vector_load %arg10[%swap3A_274, %swap3A_275] {strides = array<i32>} : memref<80x16xf32, #tpu.memory_space<vmem>>, vector<1x16xf32>,
      %swap3A_277 = vector.shape_cast %swap3A_276 : vector<1x16xf32> to vector<16xf32>
      %swap3A_278 = vector.shape_cast %mul3A_272 : vector<16xf32> to vector<1x16xf32>
      tpu.vector_store %arg10[%swap3A_274, %swap3A_275], %swap3A_278 {strides = array<i32>} : memref<80x16xf32, #tpu.memory_space<vmem>>, vector<1x16xf32>,
      %get3A_279 = arith.constant 15 : i32
      %get3A_280 = arith.index_cast %get3A_279 : i32 to index
      %get3A_281 = arith.constant 0 : index
      %get3A_282 = tpu.vector_load %arg10[%get3A_280, %get3A_281] {strides = array<i32>} : memref<80x16xf32, #tpu.memory_space<vmem>>, vector<1x16xf32>,
      %get3A_283 = vector.shape_cast %get3A_282 : vector<1x16xf32> to vector<16xf32>
      %broadcast_in_dim3A_284 = arith.constant 15 : i32
      %broadcast_in_dim3A_285 = vector.broadcast %broadcast_in_dim3A_284 : i32 to vector<16x1xi32>
      %gather3A_286 = vector.shape_cast %broadcast_in_dim3A_285 : vector<16x1xi32> to vector<16xi32>
      %gather3A_287 = tpu.dynamic_gather %get3A_41[%gather3A_286] in [0] : vector<16xf32>, vector<16xi32> -> vector<16xf32>
      %mul3A_288 = arith.mulf %get3A_283, %gather3A_287 : vector<16xf32>
      %swap3A_289 = arith.constant 15 : i32
      %swap3A_290 = arith.index_cast %swap3A_289 : i32 to index
      %swap3A_291 = arith.constant 0 : index
      %swap3A_292 = tpu.vector_load %arg10[%swap3A_290, %swap3A_291] {strides = array<i32>} : memref<80x16xf32, #tpu.memory_space<vmem>>, vector<1x16xf32>,
      %swap3A_293 = vector.shape_cast %swap3A_292 : vector<1x16xf32> to vector<16xf32>
      %swap3A_294 = vector.shape_cast %mul3A_288 : vector<16xf32> to vector<1x16xf32>
      tpu.vector_store %arg10[%swap3A_290, %swap3A_291], %swap3A_294 {strides = array<i32>} : memref<80x16xf32, #tpu.memory_space<vmem>>, vector<1x16xf32>,
      %get3A_295 = arith.index_cast %scan3A_28 : i32 to index
      %get3A_296 = arith.constant 16 : index
      %get3A_297 = tpu.vector_load %arg9[%get3A_295, %get3A_296] {strides = array<i32>} : memref<128x80xf32, #tpu.memory_space<vmem>>, vector<1x16xf32>,
      %get3A_298 = vector.shape_cast %get3A_297 : vector<1x16xf32> to vector<16xf32>
      %get3A_299 = arith.constant 16 : i32
      %get3A_300 = arith.index_cast %get3A_299 : i32 to index
      %get3A_301 = arith.constant 0 : index
      %get3A_302 = tpu.vector_load %arg10[%get3A_300, %get3A_301] {strides = array<i32>} : memref<80x16xf32, #tpu.memory_space<vmem>>, vector<1x16xf32>,
      %get3A_303 = vector.shape_cast %get3A_302 : vector<1x16xf32> to vector<16xf32>
      %broadcast_in_dim3A_304 = arith.constant 0 : i32
      %broadcast_in_dim3A_305 = vector.broadcast %broadcast_in_dim3A_304 : i32 to vector<16x1xi32>
      %gather3A_306 = vector.shape_cast %broadcast_in_dim3A_305 : vector<16x1xi32> to vector<16xi32>
      %gather3A_307 = tpu.dynamic_gather %get3A_298[%gather3A_306] in [0] : vector<16xf32>, vector<16xi32> -> vector<16xf32>
      %mul3A_308 = arith.mulf %get3A_303, %gather3A_307 : vector<16xf32>
      %swap3A_309 = arith.constant 16 : i32
      %swap3A_310 = arith.index_cast %swap3A_309 : i32 to index
      %swap3A_311 = arith.constant 0 : index
      %swap3A_312 = tpu.vector_load %arg10[%swap3A_310, %swap3A_311] {strides = array<i32>} : memref<80x16xf32, #tpu.memory_space<vmem>>, vector<1x16xf32>,
      %swap3A_313 = vector.shape_cast %swap3A_312 : vector<1x16xf32> to vector<16xf32>
      %swap3A_314 = vector.shape_cast %mul3A_308 : vector<16xf32> to vector<1x16xf32>
      tpu.vector_store %arg10[%swap3A_310, %swap3A_311], %swap3A_314 {strides = array<i32>} : memref<80x16xf32, #tpu.memory_space<vmem>>, vector<1x16xf32>,
      %get3A_315 = arith.constant 17 : i32
      %get3A_316 = arith.index_cast %get3A_315 : i32 to index
      %get3A_317 = arith.constant 0 : index
      %get3A_318 = tpu.vector_load %arg10[%get3A_316, %get3A_317] {strides = array<i32>} : memref<80x16xf32, #tpu.memory_space<vmem>>, vector<1x16xf32>,
      %get3A_319 = vector.shape_cast %get3A_318 : vector<1x16xf32> to vector<16xf32>
      %broadcast_in_dim3A_320 = arith.constant 1 : i32
      %broadcast_in_dim3A_321 = vector.broadcast %broadcast_in_dim3A_320 : i32 to vector<16x1xi32>
      %gather3A_322 = vector.shape_cast %broadcast_in_dim3A_321 : vector<16x1xi32> to vector<16xi32>
      %gather3A_323 = tpu.dynamic_gather %get3A_298[%gather3A_322] in [0] : vector<16xf32>, vector<16xi32> -> vector<16xf32>
      %mul3A_324 = arith.mulf %get3A_319, %gather3A_323 : vector<16xf32>
      %swap3A_325 = arith.constant 17 : i32
      %swap3A_326 = arith.index_cast %swap3A_325 : i32 to index
      %swap3A_327 = arith.constant 0 : index
      %swap3A_328 = tpu.vector_load %arg10[%swap3A_326, %swap3A_327] {strides = array<i32>} : memref<80x16xf32, #tpu.memory_space<vmem>>, vector<1x16xf32>,
      %swap3A_329 = vector.shape_cast %swap3A_328 : vector<1x16xf32> to vector<16xf32>
      %swap3A_330 = vector.shape_cast %mul3A_324 : vector<16xf32> to vector<1x16xf32>
      tpu.vector_store %arg10[%swap3A_326, %swap3A_327], %swap3A_330 {strides = array<i32>} : memref<80x16xf32, #tpu.memory_space<vmem>>, vector<1x16xf32>,
      %get3A_331 = arith.constant 18 : i32
      %get3A_332 = arith.index_cast %get3A_331 : i32 to index
      %get3A_333 = arith.constant 0 : index
      %get3A_334 = tpu.vector_load %arg10[%get3A_332, %get3A_333] {strides = array<i32>} : memref<80x16xf32, #tpu.memory_space<vmem>>, vector<1x16xf32>,
      %get3A_335 = vector.shape_cast %get3A_334 : vector<1x16xf32> to vector<16xf32>
      %broadcast_in_dim3A_336 = arith.constant 2 : i32
      %broadcast_in_dim3A_337 = vector.broadcast %broadcast_in_dim3A_336 : i32 to vector<16x1xi32>
      %gather3A_338 = vector.shape_cast %broadcast_in_dim3A_337 : vector<16x1xi32> to vector<16xi32>
      %gather3A_339 = tpu.dynamic_gather %get3A_298[%gather3A_338] in [0] : vector<16xf32>, vector<16xi32> -> vector<16xf32>
      %mul3A_340 = arith.mulf %get3A_335, %gather3A_339 : vector<16xf32>
      %swap3A_341 = arith.constant 18 : i32
      %swap3A_342 = arith.index_cast %swap3A_341 : i32 to index
      %swap3A_343 = arith.constant 0 : index
      %swap3A_344 = tpu.vector_load %arg10[%swap3A_342, %swap3A_343] {strides = array<i32>} : memref<80x16xf32, #tpu.memory_space<vmem>>, vector<1x16xf32>,
      %swap3A_345 = vector.shape_cast %swap3A_344 : vector<1x16xf32> to vector<16xf32>
      %swap3A_346 = vector.shape_cast %mul3A_340 : vector<16xf32> to vector<1x16xf32>
      tpu.vector_store %arg10[%swap3A_342, %swap3A_343], %swap3A_346 {strides = array<i32>} : memref<80x16xf32, #tpu.memory_space<vmem>>, vector<1x16xf32>,
      %get3A_347 = arith.constant 19 : i32
      %get3A_348 = arith.index_cast %get3A_347 : i32 to index
      %get3A_349 = arith.constant 0 : index
      %get3A_350 = tpu.vector_load %arg10[%get3A_348, %get3A_349] {strides = array<i32>} : memref<80x16xf32, #tpu.memory_space<vmem>>, vector<1x16xf32>,
      %get3A_351 = vector.shape_cast %get3A_350 : vector<1x16xf32> to vector<16xf32>
      %broadcast_in_dim3A_352 = arith.constant 3 : i32
      %broadcast_in_dim3A_353 = vector.broadcast %broadcast_in_dim3A_352 : i32 to vector<16x1xi32>
      %gather3A_354 = vector.shape_cast %broadcast_in_dim3A_353 : vector<16x1xi32> to vector<16xi32>
      %gather3A_355 = tpu.dynamic_gather %get3A_298[%gather3A_354] in [0] : vector<16xf32>, vector<16xi32> -> vector<16xf32>
      %mul3A_356 = arith.mulf %get3A_351, %gather3A_355 : vector<16xf32>
      %swap3A_357 = arith.constant 19 : i32
      %swap3A_358 = arith.index_cast %swap3A_357 : i32 to index
      %swap3A_359 = arith.constant 0 : index
      %swap3A_360 = tpu.vector_load %arg10[%swap3A_358, %swap3A_359] {strides = array<i32>} : memref<80x16xf32, #tpu.memory_space<vmem>>, vector<1x16xf32>,
      %swap3A_361 = vector.shape_cast %swap3A_360 : vector<1x16xf32> to vector<16xf32>
      %swap3A_362 = vector.shape_cast %mul3A_356 : vector<16xf32> to vector<1x16xf32>
      tpu.vector_store %arg10[%swap3A_358, %swap3A_359], %swap3A_362 {strides = array<i32>} : memref<80x16xf32, #tpu.memory_space<vmem>>, vector<1x16xf32>,
      %get3A_363 = arith.constant 20 : i32
      %get3A_364 = arith.index_cast %get3A_363 : i32 to index
      %get3A_365 = arith.constant 0 : index
      %get3A_366 = tpu.vector_load %arg10[%get3A_364, %get3A_365] {strides = array<i32>} : memref<80x16xf32, #tpu.memory_space<vmem>>, vector<1x16xf32>,
      %get3A_367 = vector.shape_cast %get3A_366 : vector<1x16xf32> to vector<16xf32>
      %broadcast_in_dim3A_368 = arith.constant 4 : i32
      %broadcast_in_dim3A_369 = vector.broadcast %broadcast_in_dim3A_368 : i32 to vector<16x1xi32>
      %gather3A_370 = vector.shape_cast %broadcast_in_dim3A_369 : vector<16x1xi32> to vector<16xi32>
      %gather3A_371 = tpu.dynamic_gather %get3A_298[%gather3A_370] in [0] : vector<16xf32>, vector<16xi32> -> vector<16xf32>
      %mul3A_372 = arith.mulf %get3A_367, %gather3A_371 : vector<16xf32>
      %swap3A_373 = arith.constant 20 : i32
      %swap3A_374 = arith.index_cast %swap3A_373 : i32 to index
      %swap3A_375 = arith.constant 0 : index
      %swap3A_376 = tpu.vector_load %arg10[%swap3A_374, %swap3A_375] {strides = array<i32>} : memref<80x16xf32, #tpu.memory_space<vmem>>, vector<1x16xf32>,
      %swap3A_377 = vector.shape_cast %swap3A_376 : vector<1x16xf32> to vector<16xf32>
      %swap3A_378 = vector.shape_cast %mul3A_372 : vector<16xf32> to vector<1x16xf32>
      tpu.vector_store %arg10[%swap3A_374, %swap3A_375], %swap3A_378 {strides = array<i32>} : memref<80x16xf32, #tpu.memory_space<vmem>>, vector<1x16xf32>,
      %get3A_379 = arith.constant 21 : i32
      %get3A_380 = arith.index_cast %get3A_379 : i32 to index
      %get3A_381 = arith.constant 0 : index
      %get3A_382 = tpu.vector_load %arg10[%get3A_380, %get3A_381] {strides = array<i32>} : memref<80x16xf32, #tpu.memory_space<vmem>>, vector<1x16xf32>,
      %get3A_383 = vector.shape_cast %get3A_382 : vector<1x16xf32> to vector<16xf32>
      %broadcast_in_dim3A_384 = arith.constant 5 : i32
      %broadcast_in_dim3A_385 = vector.broadcast %broadcast_in_dim3A_384 : i32 to vector<16x1xi32>
      %gather3A_386 = vector.shape_cast %broadcast_in_dim3A_385 : vector<16x1xi32> to vector<16xi32>
      %gather3A_387 = tpu.dynamic_gather %get3A_298[%gather3A_386] in [0] : vector<16xf32>, vector<16xi32> -> vector<16xf32>
      %mul3A_388 = arith.mulf %get3A_383, %gather3A_387 : vector<16xf32>
      %swap3A_389 = arith.constant 21 : i32
      %swap3A_390 = arith.index_cast %swap3A_389 : i32 to index
      %swap3A_391 = arith.constant 0 : index
      %swap3A_392 = tpu.vector_load %arg10[%swap3A_390, %swap3A_391] {strides = array<i32>} : memref<80x16xf32, #tpu.memory_space<vmem>>, vector<1x16xf32>,
      %swap3A_393 = vector.shape_cast %swap3A_392 : vector<1x16xf32> to vector<16xf32>
      %swap3A_394 = vector.shape_cast %mul3A_388 : vector<16xf32> to vector<1x16xf32>
      tpu.vector_store %arg10[%swap3A_390, %swap3A_391], %swap3A_394 {strides = array<i32>} : memref<80x16xf32, #tpu.memory_space<vmem>>, vector<1x16xf32>,
      %get3A_395 = arith.constant 22 : i32
      %get3A_396 = arith.index_cast %get3A_395 : i32 to index
      %get3A_397 = arith.constant 0 : index
      %get3A_398 = tpu.vector_load %arg10[%get3A_396, %get3A_397] {strides = array<i32>} : memref<80x16xf32, #tpu.memory_space<vmem>>, vector<1x16xf32>,
      %get3A_399 = vector.shape_cast %get3A_398 : vector<1x16xf32> to vector<16xf32>
      %broadcast_in_dim3A_400 = arith.constant 6 : i32
      %broadcast_in_dim3A_401 = vector.broadcast %broadcast_in_dim3A_400 : i32 to vector<16x1xi32>
      %gather3A_402 = vector.shape_cast %broadcast_in_dim3A_401 : vector<16x1xi32> to vector<16xi32>
      %gather3A_403 = tpu.dynamic_gather %get3A_298[%gather3A_402] in [0] : vector<16xf32>, vector<16xi32> -> vector<16xf32>
      %mul3A_404 = arith.mulf %get3A_399, %gather3A_403 : vector<16xf32>
      %swap3A_405 = arith.constant 22 : i32
      %swap3A_406 = arith.index_cast %swap3A_405 : i32 to index
      %swap3A_407 = arith.constant 0 : index
      %swap3A_408 = tpu.vector_load %arg10[%swap3A_406, %swap3A_407] {strides = array<i32>} : memref<80x16xf32, #tpu.memory_space<vmem>>, vector<1x16xf32>,
      %swap3A_409 = vector.shape_cast %swap3A_408 : vector<1x16xf32> to vector<16xf32>
      %swap3A_410 = vector.shape_cast %mul3A_404 : vector<16xf32> to vector<1x16xf32>
      tpu.vector_store %arg10[%swap3A_406, %swap3A_407], %swap3A_410 {strides = array<i32>} : memref<80x16xf32, #tpu.memory_space<vmem>>, vector<1x16xf32>,
      %get3A_411 = arith.constant 23 : i32
      %get3A_412 = arith.index_cast %get3A_411 : i32 to index
      %get3A_413 = arith.constant 0 : index
      %get3A_414 = tpu.vector_load %arg10[%get3A_412, %get3A_413] {strides = array<i32>} : memref<80x16xf32, #tpu.memory_space<vmem>>, vector<1x16xf32>,
      %get3A_415 = vector.shape_cast %get3A_414 : vector<1x16xf32> to vector<16xf32>
      %broadcast_in_dim3A_416 = arith.constant 7 : i32
      %broadcast_in_dim3A_417 = vector.broadcast %broadcast_in_dim3A_416 : i32 to vector<16x1xi32>
      %gather3A_418 = vector.shape_cast %broadcast_in_dim3A_417 : vector<16x1xi32> to vector<16xi32>
      %gather3A_419 = tpu.dynamic_gather %get3A_298[%gather3A_418] in [0] : vector<16xf32>, vector<16xi32> -> vector<16xf32>
      %mul3A_420 = arith.mulf %get3A_415, %gather3A_419 : vector<16xf32>
      %swap3A_421 = arith.constant 23 : i32
      %swap3A_422 = arith.index_cast %swap3A_421 : i32 to index
      %swap3A_423 = arith.constant 0 : index
      %swap3A_424 = tpu.vector_load %arg10[%swap3A_422, %swap3A_423] {strides = array<i32>} : memref<80x16xf32, #tpu.memory_space<vmem>>, vector<1x16xf32>,
      %swap3A_425 = vector.shape_cast %swap3A_424 : vector<1x16xf32> to vector<16xf32>
      %swap3A_426 = vector.shape_cast %mul3A_420 : vector<16xf32> to vector<1x16xf32>
      tpu.vector_store %arg10[%swap3A_422, %swap3A_423], %swap3A_426 {strides = array<i32>} : memref<80x16xf32, #tpu.memory_space<vmem>>, vector<1x16xf32>,
      %get3A_427 = arith.constant 24 : i32
      %get3A_428 = arith.index_cast %get3A_427 : i32 to index
      %get3A_429 = arith.constant 0 : index
      %get3A_430 = tpu.vector_load %arg10[%get3A_428, %get3A_429] {strides = array<i32>} : memref<80x16xf32, #tpu.memory_space<vmem>>, vector<1x16xf32>,
      %get3A_431 = vector.shape_cast %get3A_430 : vector<1x16xf32> to vector<16xf32>
      %broadcast_in_dim3A_432 = arith.constant 8 : i32
      %broadcast_in_dim3A_433 = vector.broadcast %broadcast_in_dim3A_432 : i32 to vector<16x1xi32>
      %gather3A_434 = vector.shape_cast %broadcast_in_dim3A_433 : vector<16x1xi32> to vector<16xi32>
      %gather3A_435 = tpu.dynamic_gather %get3A_298[%gather3A_434] in [0] : vector<16xf32>, vector<16xi32> -> vector<16xf32>
      %mul3A_436 = arith.mulf %get3A_431, %gather3A_435 : vector<16xf32>
      %swap3A_437 = arith.constant 24 : i32
      %swap3A_438 = arith.index_cast %swap3A_437 : i32 to index
      %swap3A_439 = arith.constant 0 : index
      %swap3A_440 = tpu.vector_load %arg10[%swap3A_438, %swap3A_439] {strides = array<i32>} : memref<80x16xf32, #tpu.memory_space<vmem>>, vector<1x16xf32>,
      %swap3A_441 = vector.shape_cast %swap3A_440 : vector<1x16xf32> to vector<16xf32>
      %swap3A_442 = vector.shape_cast %mul3A_436 : vector<16xf32> to vector<1x16xf32>
      tpu.vector_store %arg10[%swap3A_438, %swap3A_439], %swap3A_442 {strides = array<i32>} : memref<80x16xf32, #tpu.memory_space<vmem>>, vector<1x16xf32>,
      %get3A_443 = arith.constant 25 : i32
      %get3A_444 = arith.index_cast %get3A_443 : i32 to index
      %get3A_445 = arith.constant 0 : index
      %get3A_446 = tpu.vector_load %arg10[%get3A_444, %get3A_445] {strides = array<i32>} : memref<80x16xf32, #tpu.memory_space<vmem>>, vector<1x16xf32>,
      %get3A_447 = vector.shape_cast %get3A_446 : vector<1x16xf32> to vector<16xf32>
      %broadcast_in_dim3A_448 = arith.constant 9 : i32
      %broadcast_in_dim3A_449 = vector.broadcast %broadcast_in_dim3A_448 : i32 to vector<16x1xi32>
      %gather3A_450 = vector.shape_cast %broadcast_in_dim3A_449 : vector<16x1xi32> to vector<16xi32>
      %gather3A_451 = tpu.dynamic_gather %get3A_298[%gather3A_450] in [0] : vector<16xf32>, vector<16xi32> -> vector<16xf32>
      %mul3A_452 = arith.mulf %get3A_447, %gather3A_451 : vector<16xf32>
      %swap3A_453 = arith.constant 25 : i32
      %swap3A_454 = arith.index_cast %swap3A_453 : i32 to index
      %swap3A_455 = arith.constant 0 : index
      %swap3A_456 = tpu.vector_load %arg10[%swap3A_454, %swap3A_455] {strides = array<i32>} : memref<80x16xf32, #tpu.memory_space<vmem>>, vector<1x16xf32>,
      %swap3A_457 = vector.shape_cast %swap3A_456 : vector<1x16xf32> to vector<16xf32>
      %swap3A_458 = vector.shape_cast %mul3A_452 : vector<16xf32> to vector<1x16xf32>
      tpu.vector_store %arg10[%swap3A_454, %swap3A_455], %swap3A_458 {strides = array<i32>} : memref<80x16xf32, #tpu.memory_space<vmem>>, vector<1x16xf32>,
      %get3A_459 = arith.constant 26 : i32
      %get3A_460 = arith.index_cast %get3A_459 : i32 to index
      %get3A_461 = arith.constant 0 : index
      %get3A_462 = tpu.vector_load %arg10[%get3A_460, %get3A_461] {strides = array<i32>} : memref<80x16xf32, #tpu.memory_space<vmem>>, vector<1x16xf32>,
      %get3A_463 = vector.shape_cast %get3A_462 : vector<1x16xf32> to vector<16xf32>
      %broadcast_in_dim3A_464 = arith.constant 10 : i32
      %broadcast_in_dim3A_465 = vector.broadcast %broadcast_in_dim3A_464 : i32 to vector<16x1xi32>
      %gather3A_466 = vector.shape_cast %broadcast_in_dim3A_465 : vector<16x1xi32> to vector<16xi32>
      %gather3A_467 = tpu.dynamic_gather %get3A_298[%gather3A_466] in [0] : vector<16xf32>, vector<16xi32> -> vector<16xf32>
      %mul3A_468 = arith.mulf %get3A_463, %gather3A_467 : vector<16xf32>
      %swap3A_469 = arith.constant 26 : i32
      %swap3A_470 = arith.index_cast %swap3A_469 : i32 to index
      %swap3A_471 = arith.constant 0 : index
      %swap3A_472 = tpu.vector_load %arg10[%swap3A_470, %swap3A_471] {strides = array<i32>} : memref<80x16xf32, #tpu.memory_space<vmem>>, vector<1x16xf32>,
      %swap3A_473 = vector.shape_cast %swap3A_472 : vector<1x16xf32> to vector<16xf32>
      %swap3A_474 = vector.shape_cast %mul3A_468 : vector<16xf32> to vector<1x16xf32>
      tpu.vector_store %arg10[%swap3A_470, %swap3A_471], %swap3A_474 {strides = array<i32>} : memref<80x16xf32, #tpu.memory_space<vmem>>, vector<1x16xf32>,
      %get3A_475 = arith.constant 27 : i32
      %get3A_476 = arith.index_cast %get3A_475 : i32 to index
      %get3A_477 = arith.constant 0 : index
      %get3A_478 = tpu.vector_load %arg10[%get3A_476, %get3A_477] {strides = array<i32>} : memref<80x16xf32, #tpu.memory_space<vmem>>, vector<1x16xf32>,
      %get3A_479 = vector.shape_cast %get3A_478 : vector<1x16xf32> to vector<16xf32>
      %broadcast_in_dim3A_480 = arith.constant 11 : i32
      %broadcast_in_dim3A_481 = vector.broadcast %broadcast_in_dim3A_480 : i32 to vector<16x1xi32>
      %gather3A_482 = vector.shape_cast %broadcast_in_dim3A_481 : vector<16x1xi32> to vector<16xi32>
      %gather3A_483 = tpu.dynamic_gather %get3A_298[%gather3A_482] in [0] : vector<16xf32>, vector<16xi32> -> vector<16xf32>
      %mul3A_484 = arith.mulf %get3A_479, %gather3A_483 : vector<16xf32>
      %swap3A_485 = arith.constant 27 : i32
      %swap3A_486 = arith.index_cast %swap3A_485 : i32 to index
      %swap3A_487 = arith.constant 0 : index
      %swap3A_488 = tpu.vector_load %arg10[%swap3A_486, %swap3A_487] {strides = array<i32>} : memref<80x16xf32, #tpu.memory_space<vmem>>, vector<1x16xf32>,
      %swap3A_489 = vector.shape_cast %swap3A_488 : vector<1x16xf32> to vector<16xf32>
      %swap3A_490 = vector.shape_cast %mul3A_484 : vector<16xf32> to vector<1x16xf32>
      tpu.vector_store %arg10[%swap3A_486, %swap3A_487], %swap3A_490 {strides = array<i32>} : memref<80x16xf32, #tpu.memory_space<vmem>>, vector<1x16xf32>,
      %get3A_491 = arith.constant 28 : i32
      %get3A_492 = arith.index_cast %get3A_491 : i32 to index
      %get3A_493 = arith.constant 0 : index
      %get3A_494 = tpu.vector_load %arg10[%get3A_492, %get3A_493] {strides = array<i32>} : memref<80x16xf32, #tpu.memory_space<vmem>>, vector<1x16xf32>,
      %get3A_495 = vector.shape_cast %get3A_494 : vector<1x16xf32> to vector<16xf32>
      %broadcast_in_dim3A_496 = arith.constant 12 : i32
      %broadcast_in_dim3A_497 = vector.broadcast %broadcast_in_dim3A_496 : i32 to vector<16x1xi32>
      %gather3A_498 = vector.shape_cast %broadcast_in_dim3A_497 : vector<16x1xi32> to vector<16xi32>
      %gather3A_499 = tpu.dynamic_gather %get3A_298[%gather3A_498] in [0] : vector<16xf32>, vector<16xi32> -> vector<16xf32>
      %mul3A_500 = arith.mulf %get3A_495, %gather3A_499 : vector<16xf32>
      %swap3A_501 = arith.constant 28 : i32
      %swap3A_502 = arith.index_cast %swap3A_501 : i32 to index
      %swap3A_503 = arith.constant 0 : index
      %swap3A_504 = tpu.vector_load %arg10[%swap3A_502, %swap3A_503] {strides = array<i32>} : memref<80x16xf32, #tpu.memory_space<vmem>>, vector<1x16xf32>,
      %swap3A_505 = vector.shape_cast %swap3A_504 : vector<1x16xf32> to vector<16xf32>
      %swap3A_506 = vector.shape_cast %mul3A_500 : vector<16xf32> to vector<1x16xf32>
      tpu.vector_store %arg10[%swap3A_502, %swap3A_503], %swap3A_506 {strides = array<i32>} : memref<80x16xf32, #tpu.memory_space<vmem>>, vector<1x16xf32>,
      %get3A_507 = arith.constant 29 : i32
      %get3A_508 = arith.index_cast %get3A_507 : i32 to index
      %get3A_509 = arith.constant 0 : index
      %get3A_510 = tpu.vector_load %arg10[%get3A_508, %get3A_509] {strides = array<i32>} : memref<80x16xf32, #tpu.memory_space<vmem>>, vector<1x16xf32>,
      %get3A_511 = vector.shape_cast %get3A_510 : vector<1x16xf32> to vector<16xf32>
      %broadcast_in_dim3A_512 = arith.constant 13 : i32
      %broadcast_in_dim3A_513 = vector.broadcast %broadcast_in_dim3A_512 : i32 to vector<16x1xi32>
      %gather3A_514 = vector.shape_cast %broadcast_in_dim3A_513 : vector<16x1xi32> to vector<16xi32>
      %gather3A_515 = tpu.dynamic_gather %get3A_298[%gather3A_514] in [0] : vector<16xf32>, vector<16xi32> -> vector<16xf32>
      %mul3A_516 = arith.mulf %get3A_511, %gather3A_515 : vector<16xf32>
      %swap3A_517 = arith.constant 29 : i32
      %swap3A_518 = arith.index_cast %swap3A_517 : i32 to index
      %swap3A_519 = arith.constant 0 : index
      %swap3A_520 = tpu.vector_load %arg10[%swap3A_518, %swap3A_519] {strides = array<i32>} : memref<80x16xf32, #tpu.memory_space<vmem>>, vector<1x16xf32>,
      %swap3A_521 = vector.shape_cast %swap3A_520 : vector<1x16xf32> to vector<16xf32>
      %swap3A_522 = vector.shape_cast %mul3A_516 : vector<16xf32> to vector<1x16xf32>
      tpu.vector_store %arg10[%swap3A_518, %swap3A_519], %swap3A_522 {strides = array<i32>} : memref<80x16xf32, #tpu.memory_space<vmem>>, vector<1x16xf32>,
      %get3A_523 = arith.constant 30 : i32
      %get3A_524 = arith.index_cast %get3A_523 : i32 to index
      %get3A_525 = arith.constant 0 : index
      %get3A_526 = tpu.vector_load %arg10[%get3A_524, %get3A_525] {strides = array<i32>} : memref<80x16xf32, #tpu.memory_space<vmem>>, vector<1x16xf32>,
      %get3A_527 = vector.shape_cast %get3A_526 : vector<1x16xf32> to vector<16xf32>
      %broadcast_in_dim3A_528 = arith.constant 14 : i32
      %broadcast_in_dim3A_529 = vector.broadcast %broadcast_in_dim3A_528 : i32 to vector<16x1xi32>
      %gather3A_530 = vector.shape_cast %broadcast_in_dim3A_529 : vector<16x1xi32> to vector<16xi32>
      %gather3A_531 = tpu.dynamic_gather %get3A_298[%gather3A_530] in [0] : vector<16xf32>, vector<16xi32> -> vector<16xf32>
      %mul3A_532 = arith.mulf %get3A_527, %gather3A_531 : vector<16xf32>
      %swap3A_533 = arith.constant 30 : i32
      %swap3A_534 = arith.index_cast %swap3A_533 : i32 to index
      %swap3A_535 = arith.constant 0 : index
      %swap3A_536 = tpu.vector_load %arg10[%swap3A_534, %swap3A_535] {strides = array<i32>} : memref<80x16xf32, #tpu.memory_space<vmem>>, vector<1x16xf32>,
      %swap3A_537 = vector.shape_cast %swap3A_536 : vector<1x16xf32> to vector<16xf32>
      %swap3A_538 = vector.shape_cast %mul3A_532 : vector<16xf32> to vector<1x16xf32>
      tpu.vector_store %arg10[%swap3A_534, %swap3A_535], %swap3A_538 {strides = array<i32>} : memref<80x16xf32, #tpu.memory_space<vmem>>, vector<1x16xf32>,
      %get3A_539 = arith.constant 31 : i32
      %get3A_540 = arith.index_cast %get3A_539 : i32 to index
      %get3A_541 = arith.constant 0 : index
      %get3A_542 = tpu.vector_load %arg10[%get3A_540, %get3A_541] {strides = array<i32>} : memref<80x16xf32, #tpu.memory_space<vmem>>, vector<1x16xf32>,
      %get3A_543 = vector.shape_cast %get3A_542 : vector<1x16xf32> to vector<16xf32>
      %broadcast_in_dim3A_544 = arith.constant 15 : i32
      %broadcast_in_dim3A_545 = vector.broadcast %broadcast_in_dim3A_544 : i32 to vector<16x1xi32>
      %gather3A_546 = vector.shape_cast %broadcast_in_dim3A_545 : vector<16x1xi32> to vector<16xi32>
      %gather3A_547 = tpu.dynamic_gather %get3A_298[%gather3A_546] in [0] : vector<16xf32>, vector<16xi32> -> vector<16xf32>
      %mul3A_548 = arith.mulf %get3A_543, %gather3A_547 : vector<16xf32>
      %swap3A_549 = arith.constant 31 : i32
      %swap3A_550 = arith.index_cast %swap3A_549 : i32 to index
      %swap3A_551 = arith.constant 0 : index
      %swap3A_552 = tpu.vector_load %arg10[%swap3A_550, %swap3A_551] {strides = array<i32>} : memref<80x16xf32, #tpu.memory_space<vmem>>, vector<1x16xf32>,
      %swap3A_553 = vector.shape_cast %swap3A_552 : vector<1x16xf32> to vector<16xf32>
      %swap3A_554 = vector.shape_cast %mul3A_548 : vector<16xf32> to vector<1x16xf32>
      tpu.vector_store %arg10[%swap3A_550, %swap3A_551], %swap3A_554 {strides = array<i32>} : memref<80x16xf32, #tpu.memory_space<vmem>>, vector<1x16xf32>,
      %get3A_555 = arith.index_cast %scan3A_28 : i32 to index
      %get3A_556 = arith.constant 32 : index
      %get3A_557 = tpu.vector_load %arg9[%get3A_555, %get3A_556] {strides = array<i32>} : memref<128x80xf32, #tpu.memory_space<vmem>>, vector<1x16xf32>,
      %get3A_558 = vector.shape_cast %get3A_557 : vector<1x16xf32> to vector<16xf32>
      %get3A_559 = arith.constant 32 : i32
      %get3A_560 = arith.index_cast %get3A_559 : i32 to index
      %get3A_561 = arith.constant 0 : index
      %get3A_562 = tpu.vector_load %arg10[%get3A_560, %get3A_561] {strides = array<i32>} : memref<80x16xf32, #tpu.memory_space<vmem>>, vector<1x16xf32>,
      %get3A_563 = vector.shape_cast %get3A_562 : vector<1x16xf32> to vector<16xf32>
      %broadcast_in_dim3A_564 = arith.constant 0 : i32
      %broadcast_in_dim3A_565 = vector.broadcast %broadcast_in_dim3A_564 : i32 to vector<16x1xi32>
      %gather3A_566 = vector.shape_cast %broadcast_in_dim3A_565 : vector<16x1xi32> to vector<16xi32>
      %gather3A_567 = tpu.dynamic_gather %get3A_558[%gather3A_566] in [0] : vector<16xf32>, vector<16xi32> -> vector<16xf32>
      %mul3A_568 = arith.mulf %get3A_563, %gather3A_567 : vector<16xf32>
      %swap3A_569 = arith.constant 32 : i32
      %swap3A_570 = arith.index_cast %swap3A_569 : i32 to index
      %swap3A_571 = arith.constant 0 : index
      %swap3A_572 = tpu.vector_load %arg10[%swap3A_570, %swap3A_571] {strides = array<i32>} : memref<80x16xf32, #tpu.memory_space<vmem>>, vector<1x16xf32>,
      %swap3A_573 = vector.shape_cast %swap3A_572 : vector<1x16xf32> to vector<16xf32>
      %swap3A_574 = vector.shape_cast %mul3A_568 : vector<16xf32> to vector<1x16xf32>
      tpu.vector_store %arg10[%swap3A_570, %swap3A_571], %swap3A_574 {strides = array<i32>} : memref<80x16xf32, #tpu.memory_space<vmem>>, vector<1x16xf32>,
      %get3A_575 = arith.constant 33 : i32
      %get3A_576 = arith.index_cast %get3A_575 : i32 to index
      %get3A_577 = arith.constant 0 : index
      %get3A_578 = tpu.vector_load %arg10[%get3A_576, %get3A_577] {strides = array<i32>} : memref<80x16xf32, #tpu.memory_space<vmem>>, vector<1x16xf32>,
      %get3A_579 = vector.shape_cast %get3A_578 : vector<1x16xf32> to vector<16xf32>
      %broadcast_in_dim3A_580 = arith.constant 1 : i32
      %broadcast_in_dim3A_581 = vector.broadcast %broadcast_in_dim3A_580 : i32 to vector<16x1xi32>
      %gather3A_582 = vector.shape_cast %broadcast_in_dim3A_581 : vector<16x1xi32> to vector<16xi32>
      %gather3A_583 = tpu.dynamic_gather %get3A_558[%gather3A_582] in [0] : vector<16xf32>, vector<16xi32> -> vector<16xf32>
      %mul3A_584 = arith.mulf %get3A_579, %gather3A_583 : vector<16xf32>
      %swap3A_585 = arith.constant 33 : i32
      %swap3A_586 = arith.index_cast %swap3A_585 : i32 to index
      %swap3A_587 = arith.constant 0 : index
      %swap3A_588 = tpu.vector_load %arg10[%swap3A_586, %swap3A_587] {strides = array<i32>} : memref<80x16xf32, #tpu.memory_space<vmem>>, vector<1x16xf32>,
      %swap3A_589 = vector.shape_cast %swap3A_588 : vector<1x16xf32> to vector<16xf32>
      %swap3A_590 = vector.shape_cast %mul3A_584 : vector<16xf32> to vector<1x16xf32>
      tpu.vector_store %arg10[%swap3A_586, %swap3A_587], %swap3A_590 {strides = array<i32>} : memref<80x16xf32, #tpu.memory_space<vmem>>, vector<1x16xf32>,
      %get3A_591 = arith.constant 34 : i32
      %get3A_592 = arith.index_cast %get3A_591 : i32 to index
      %get3A_593 = arith.constant 0 : index
      %get3A_594 = tpu.vector_load %arg10[%get3A_592, %get3A_593] {strides = array<i32>} : memref<80x16xf32, #tpu.memory_space<vmem>>, vector<1x16xf32>,
      %get3A_595 = vector.shape_cast %get3A_594 : vector<1x16xf32> to vector<16xf32>
      %broadcast_in_dim3A_596 = arith.constant 2 : i32
      %broadcast_in_dim3A_597 = vector.broadcast %broadcast_in_dim3A_596 : i32 to vector<16x1xi32>
      %gather3A_598 = vector.shape_cast %broadcast_in_dim3A_597 : vector<16x1xi32> to vector<16xi32>
      %gather3A_599 = tpu.dynamic_gather %get3A_558[%gather3A_598] in [0] : vector<16xf32>, vector<16xi32> -> vector<16xf32>
      %mul3A_600 = arith.mulf %get3A_595, %gather3A_599 : vector<16xf32>
      %swap3A_601 = arith.constant 34 : i32
      %swap3A_602 = arith.index_cast %swap3A_601 : i32 to index
      %swap3A_603 = arith.constant 0 : index
      %swap3A_604 = tpu.vector_load %arg10[%swap3A_602, %swap3A_603] {strides = array<i32>} : memref<80x16xf32, #tpu.memory_space<vmem>>, vector<1x16xf32>,
      %swap3A_605 = vector.shape_cast %swap3A_604 : vector<1x16xf32> to vector<16xf32>
      %swap3A_606 = vector.shape_cast %mul3A_600 : vector<16xf32> to vector<1x16xf32>
      tpu.vector_store %arg10[%swap3A_602, %swap3A_603], %swap3A_606 {strides = array<i32>} : memref<80x16xf32, #tpu.memory_space<vmem>>, vector<1x16xf32>,
      %get3A_607 = arith.constant 35 : i32
      %get3A_608 = arith.index_cast %get3A_607 : i32 to index
      %get3A_609 = arith.constant 0 : index
      %get3A_610 = tpu.vector_load %arg10[%get3A_608, %get3A_609] {strides = array<i32>} : memref<80x16xf32, #tpu.memory_space<vmem>>, vector<1x16xf32>,
      %get3A_611 = vector.shape_cast %get3A_610 : vector<1x16xf32> to vector<16xf32>
      %broadcast_in_dim3A_612 = arith.constant 3 : i32
      %broadcast_in_dim3A_613 = vector.broadcast %broadcast_in_dim3A_612 : i32 to vector<16x1xi32>
      %gather3A_614 = vector.shape_cast %broadcast_in_dim3A_613 : vector<16x1xi32> to vector<16xi32>
      %gather3A_615 = tpu.dynamic_gather %get3A_558[%gather3A_614] in [0] : vector<16xf32>, vector<16xi32> -> vector<16xf32>
      %mul3A_616 = arith.mulf %get3A_611, %gather3A_615 : vector<16xf32>
      %swap3A_617 = arith.constant 35 : i32
      %swap3A_618 = arith.index_cast %swap3A_617 : i32 to index
      %swap3A_619 = arith.constant 0 : index
      %swap3A_620 = tpu.vector_load %arg10[%swap3A_618, %swap3A_619] {strides = array<i32>} : memref<80x16xf32, #tpu.memory_space<vmem>>, vector<1x16xf32>,
      %swap3A_621 = vector.shape_cast %swap3A_620 : vector<1x16xf32> to vector<16xf32>
      %swap3A_622 = vector.shape_cast %mul3A_616 : vector<16xf32> to vector<1x16xf32>
      tpu.vector_store %arg10[%swap3A_618, %swap3A_619], %swap3A_622 {strides = array<i32>} : memref<80x16xf32, #tpu.memory_space<vmem>>, vector<1x16xf32>,
      %get3A_623 = arith.constant 36 : i32
      %get3A_624 = arith.index_cast %get3A_623 : i32 to index
      %get3A_625 = arith.constant 0 : index
      %get3A_626 = tpu.vector_load %arg10[%get3A_624, %get3A_625] {strides = array<i32>} : memref<80x16xf32, #tpu.memory_space<vmem>>, vector<1x16xf32>,
      %get3A_627 = vector.shape_cast %get3A_626 : vector<1x16xf32> to vector<16xf32>
      %broadcast_in_dim3A_628 = arith.constant 4 : i32
      %broadcast_in_dim3A_629 = vector.broadcast %broadcast_in_dim3A_628 : i32 to vector<16x1xi32>
      %gather3A_630 = vector.shape_cast %broadcast_in_dim3A_629 : vector<16x1xi32> to vector<16xi32>
      %gather3A_631 = tpu.dynamic_gather %get3A_558[%gather3A_630] in [0] : vector<16xf32>, vector<16xi32> -> vector<16xf32>
      %mul3A_632 = arith.mulf %get3A_627, %gather3A_631 : vector<16xf32>
      %swap3A_633 = arith.constant 36 : i32
      %swap3A_634 = arith.index_cast %swap3A_633 : i32 to index
      %swap3A_635 = arith.constant 0 : index
      %swap3A_636 = tpu.vector_load %arg10[%swap3A_634, %swap3A_635] {strides = array<i32>} : memref<80x16xf32, #tpu.memory_space<vmem>>, vector<1x16xf32>,
      %swap3A_637 = vector.shape_cast %swap3A_636 : vector<1x16xf32> to vector<16xf32>
      %swap3A_638 = vector.shape_cast %mul3A_632 : vector<16xf32> to vector<1x16xf32>
      tpu.vector_store %arg10[%swap3A_634, %swap3A_635], %swap3A_638 {strides = array<i32>} : memref<80x16xf32, #tpu.memory_space<vmem>>, vector<1x16xf32>,
      %get3A_639 = arith.constant 37 : i32
      %get3A_640 = arith.index_cast %get3A_639 : i32 to index
      %get3A_641 = arith.constant 0 : index
      %get3A_642 = tpu.vector_load %arg10[%get3A_640, %get3A_641] {strides = array<i32>} : memref<80x16xf32, #tpu.memory_space<vmem>>, vector<1x16xf32>,
      %get3A_643 = vector.shape_cast %get3A_642 : vector<1x16xf32> to vector<16xf32>
      %broadcast_in_dim3A_644 = arith.constant 5 : i32
      %broadcast_in_dim3A_645 = vector.broadcast %broadcast_in_dim3A_644 : i32 to vector<16x1xi32>
      %gather3A_646 = vector.shape_cast %broadcast_in_dim3A_645 : vector<16x1xi32> to vector<16xi32>
      %gather3A_647 = tpu.dynamic_gather %get3A_558[%gather3A_646] in [0] : vector<16xf32>, vector<16xi32> -> vector<16xf32>
      %mul3A_648 = arith.mulf %get3A_643, %gather3A_647 : vector<16xf32>
      %swap3A_649 = arith.constant 37 : i32
      %swap3A_650 = arith.index_cast %swap3A_649 : i32 to index
      %swap3A_651 = arith.constant 0 : index
      %swap3A_652 = tpu.vector_load %arg10[%swap3A_650, %swap3A_651] {strides = array<i32>} : memref<80x16xf32, #tpu.memory_space<vmem>>, vector<1x16xf32>,
      %swap3A_653 = vector.shape_cast %swap3A_652 : vector<1x16xf32> to vector<16xf32>
      %swap3A_654 = vector.shape_cast %mul3A_648 : vector<16xf32> to vector<1x16xf32>
      tpu.vector_store %arg10[%swap3A_650, %swap3A_651], %swap3A_654 {strides = array<i32>} : memref<80x16xf32, #tpu.memory_space<vmem>>, vector<1x16xf32>,
      %get3A_655 = arith.constant 38 : i32
      %get3A_656 = arith.index_cast %get3A_655 : i32 to index
      %get3A_657 = arith.constant 0 : index
      %get3A_658 = tpu.vector_load %arg10[%get3A_656, %get3A_657] {strides = array<i32>} : memref<80x16xf32, #tpu.memory_space<vmem>>, vector<1x16xf32>,
      %get3A_659 = vector.shape_cast %get3A_658 : vector<1x16xf32> to vector<16xf32>
      %broadcast_in_dim3A_660 = arith.constant 6 : i32
      %broadcast_in_dim3A_661 = vector.broadcast %broadcast_in_dim3A_660 : i32 to vector<16x1xi32>
      %gather3A_662 = vector.shape_cast %broadcast_in_dim3A_661 : vector<16x1xi32> to vector<16xi32>
      %gather3A_663 = tpu.dynamic_gather %get3A_558[%gather3A_662] in [0] : vector<16xf32>, vector<16xi32> -> vector<16xf32>
      %mul3A_664 = arith.mulf %get3A_659, %gather3A_663 : vector<16xf32>
      %swap3A_665 = arith.constant 38 : i32
      %swap3A_666 = arith.index_cast %swap3A_665 : i32 to index
      %swap3A_667 = arith.constant 0 : index
      %swap3A_668 = tpu.vector_load %arg10[%swap3A_666, %swap3A_667] {strides = array<i32>} : memref<80x16xf32, #tpu.memory_space<vmem>>, vector<1x16xf32>,
      %swap3A_669 = vector.shape_cast %swap3A_668 : vector<1x16xf32> to vector<16xf32>
      %swap3A_670 = vector.shape_cast %mul3A_664 : vector<16xf32> to vector<1x16xf32>
      tpu.vector_store %arg10[%swap3A_666, %swap3A_667], %swap3A_670 {strides = array<i32>} : memref<80x16xf32, #tpu.memory_space<vmem>>, vector<1x16xf32>,
      %get3A_671 = arith.constant 39 : i32
      %get3A_672 = arith.index_cast %get3A_671 : i32 to index
      %get3A_673 = arith.constant 0 : index
      %get3A_674 = tpu.vector_load %arg10[%get3A_672, %get3A_673] {strides = array<i32>} : memref<80x16xf32, #tpu.memory_space<vmem>>, vector<1x16xf32>,
      %get3A_675 = vector.shape_cast %get3A_674 : vector<1x16xf32> to vector<16xf32>
      %broadcast_in_dim3A_676 = arith.constant 7 : i32
      %broadcast_in_dim3A_677 = vector.broadcast %broadcast_in_dim3A_676 : i32 to vector<16x1xi32>
      %gather3A_678 = vector.shape_cast %broadcast_in_dim3A_677 : vector<16x1xi32> to vector<16xi32>
      %gather3A_679 = tpu.dynamic_gather %get3A_558[%gather3A_678] in [0] : vector<16xf32>, vector<16xi32> -> vector<16xf32>
      %mul3A_680 = arith.mulf %get3A_675, %gather3A_679 : vector<16xf32>
      %swap3A_681 = arith.constant 39 : i32
      %swap3A_682 = arith.index_cast %swap3A_681 : i32 to index
      %swap3A_683 = arith.constant 0 : index
      %swap3A_684 = tpu.vector_load %arg10[%swap3A_682, %swap3A_683] {strides = array<i32>} : memref<80x16xf32, #tpu.memory_space<vmem>>, vector<1x16xf32>,
      %swap3A_685 = vector.shape_cast %swap3A_684 : vector<1x16xf32> to vector<16xf32>
      %swap3A_686 = vector.shape_cast %mul3A_680 : vector<16xf32> to vector<1x16xf32>
      tpu.vector_store %arg10[%swap3A_682, %swap3A_683], %swap3A_686 {strides = array<i32>} : memref<80x16xf32, #tpu.memory_space<vmem>>, vector<1x16xf32>,
      %get3A_687 = arith.constant 40 : i32
      %get3A_688 = arith.index_cast %get3A_687 : i32 to index
      %get3A_689 = arith.constant 0 : index
      %get3A_690 = tpu.vector_load %arg10[%get3A_688, %get3A_689] {strides = array<i32>} : memref<80x16xf32, #tpu.memory_space<vmem>>, vector<1x16xf32>,
      %get3A_691 = vector.shape_cast %get3A_690 : vector<1x16xf32> to vector<16xf32>
      %broadcast_in_dim3A_692 = arith.constant 8 : i32
      %broadcast_in_dim3A_693 = vector.broadcast %broadcast_in_dim3A_692 : i32 to vector<16x1xi32>
      %gather3A_694 = vector.shape_cast %broadcast_in_dim3A_693 : vector<16x1xi32> to vector<16xi32>
      %gather3A_695 = tpu.dynamic_gather %get3A_558[%gather3A_694] in [0] : vector<16xf32>, vector<16xi32> -> vector<16xf32>
      %mul3A_696 = arith.mulf %get3A_691, %gather3A_695 : vector<16xf32>
      %swap3A_697 = arith.constant 40 : i32
      %swap3A_698 = arith.index_cast %swap3A_697 : i32 to index
      %swap3A_699 = arith.constant 0 : index
      %swap3A_700 = tpu.vector_load %arg10[%swap3A_698, %swap3A_699] {strides = array<i32>} : memref<80x16xf32, #tpu.memory_space<vmem>>, vector<1x16xf32>,
      %swap3A_701 = vector.shape_cast %swap3A_700 : vector<1x16xf32> to vector<16xf32>
      %swap3A_702 = vector.shape_cast %mul3A_696 : vector<16xf32> to vector<1x16xf32>
      tpu.vector_store %arg10[%swap3A_698, %swap3A_699], %swap3A_702 {strides = array<i32>} : memref<80x16xf32, #tpu.memory_space<vmem>>, vector<1x16xf32>,
      %get3A_703 = arith.constant 41 : i32
      %get3A_704 = arith.index_cast %get3A_703 : i32 to index
      %get3A_705 = arith.constant 0 : index
      %get3A_706 = tpu.vector_load %arg10[%get3A_704, %get3A_705] {strides = array<i32>} : memref<80x16xf32, #tpu.memory_space<vmem>>, vector<1x16xf32>,
      %get3A_707 = vector.shape_cast %get3A_706 : vector<1x16xf32> to vector<16xf32>
      %broadcast_in_dim3A_708 = arith.constant 9 : i32
      %broadcast_in_dim3A_709 = vector.broadcast %broadcast_in_dim3A_708 : i32 to vector<16x1xi32>
      %gather3A_710 = vector.shape_cast %broadcast_in_dim3A_709 : vector<16x1xi32> to vector<16xi32>
      %gather3A_711 = tpu.dynamic_gather %get3A_558[%gather3A_710] in [0] : vector<16xf32>, vector<16xi32> -> vector<16xf32>
      %mul3A_712 = arith.mulf %get3A_707, %gather3A_711 : vector<16xf32>
      %swap3A_713 = arith.constant 41 : i32
      %swap3A_714 = arith.index_cast %swap3A_713 : i32 to index
      %swap3A_715 = arith.constant 0 : index
      %swap3A_716 = tpu.vector_load %arg10[%swap3A_714, %swap3A_715] {strides = array<i32>} : memref<80x16xf32, #tpu.memory_space<vmem>>, vector<1x16xf32>,
      %swap3A_717 = vector.shape_cast %swap3A_716 : vector<1x16xf32> to vector<16xf32>
      %swap3A_718 = vector.shape_cast %mul3A_712 : vector<16xf32> to vector<1x16xf32>
      tpu.vector_store %arg10[%swap3A_714, %swap3A_715], %swap3A_718 {strides = array<i32>} : memref<80x16xf32, #tpu.memory_space<vmem>>, vector<1x16xf32>,
      %get3A_719 = arith.constant 42 : i32
      %get3A_720 = arith.index_cast %get3A_719 : i32 to index
      %get3A_721 = arith.constant 0 : index
      %get3A_722 = tpu.vector_load %arg10[%get3A_720, %get3A_721] {strides = array<i32>} : memref<80x16xf32, #tpu.memory_space<vmem>>, vector<1x16xf32>,
      %get3A_723 = vector.shape_cast %get3A_722 : vector<1x16xf32> to vector<16xf32>
      %broadcast_in_dim3A_724 = arith.constant 10 : i32
      %broadcast_in_dim3A_725 = vector.broadcast %broadcast_in_dim3A_724 : i32 to vector<16x1xi32>
      %gather3A_726 = vector.shape_cast %broadcast_in_dim3A_725 : vector<16x1xi32> to vector<16xi32>
      %gather3A_727 = tpu.dynamic_gather %get3A_558[%gather3A_726] in [0] : vector<16xf32>, vector<16xi32> -> vector<16xf32>
      %mul3A_728 = arith.mulf %get3A_723, %gather3A_727 : vector<16xf32>
      %swap3A_729 = arith.constant 42 : i32
      %swap3A_730 = arith.index_cast %swap3A_729 : i32 to index
      %swap3A_731 = arith.constant 0 : index
      %swap3A_732 = tpu.vector_load %arg10[%swap3A_730, %swap3A_731] {strides = array<i32>} : memref<80x16xf32, #tpu.memory_space<vmem>>, vector<1x16xf32>,
      %swap3A_733 = vector.shape_cast %swap3A_732 : vector<1x16xf32> to vector<16xf32>
      %swap3A_734 = vector.shape_cast %mul3A_728 : vector<16xf32> to vector<1x16xf32>
      tpu.vector_store %arg10[%swap3A_730, %swap3A_731], %swap3A_734 {strides = array<i32>} : memref<80x16xf32, #tpu.memory_space<vmem>>, vector<1x16xf32>,
      %get3A_735 = arith.constant 43 : i32
      %get3A_736 = arith.index_cast %get3A_735 : i32 to index
      %get3A_737 = arith.constant 0 : index
      %get3A_738 = tpu.vector_load %arg10[%get3A_736, %get3A_737] {strides = array<i32>} : memref<80x16xf32, #tpu.memory_space<vmem>>, vector<1x16xf32>,
      %get3A_739 = vector.shape_cast %get3A_738 : vector<1x16xf32> to vector<16xf32>
      %broadcast_in_dim3A_740 = arith.constant 11 : i32
      %broadcast_in_dim3A_741 = vector.broadcast %broadcast_in_dim3A_740 : i32 to vector<16x1xi32>
      %gather3A_742 = vector.shape_cast %broadcast_in_dim3A_741 : vector<16x1xi32> to vector<16xi32>
      %gather3A_743 = tpu.dynamic_gather %get3A_558[%gather3A_742] in [0] : vector<16xf32>, vector<16xi32> -> vector<16xf32>
      %mul3A_744 = arith.mulf %get3A_739, %gather3A_743 : vector<16xf32>
      %swap3A_745 = arith.constant 43 : i32
      %swap3A_746 = arith.index_cast %swap3A_745 : i32 to index
      %swap3A_747 = arith.constant 0 : index
      %swap3A_748 = tpu.vector_load %arg10[%swap3A_746, %swap3A_747] {strides = array<i32>} : memref<80x16xf32, #tpu.memory_space<vmem>>, vector<1x16xf32>,
      %swap3A_749 = vector.shape_cast %swap3A_748 : vector<1x16xf32> to vector<16xf32>
      %swap3A_750 = vector.shape_cast %mul3A_744 : vector<16xf32> to vector<1x16xf32>
      tpu.vector_store %arg10[%swap3A_746, %swap3A_747], %swap3A_750 {strides = array<i32>} : memref<80x16xf32, #tpu.memory_space<vmem>>, vector<1x16xf32>,
      %get3A_751 = arith.constant 44 : i32
      %get3A_752 = arith.index_cast %get3A_751 : i32 to index
      %get3A_753 = arith.constant 0 : index
      %get3A_754 = tpu.vector_load %arg10[%get3A_752, %get3A_753] {strides = array<i32>} : memref<80x16xf32, #tpu.memory_space<vmem>>, vector<1x16xf32>,
      %get3A_755 = vector.shape_cast %get3A_754 : vector<1x16xf32> to vector<16xf32>
      %broadcast_in_dim3A_756 = arith.constant 12 : i32
      %broadcast_in_dim3A_757 = vector.broadcast %broadcast_in_dim3A_756 : i32 to vector<16x1xi32>
      %gather3A_758 = vector.shape_cast %broadcast_in_dim3A_757 : vector<16x1xi32> to vector<16xi32>
      %gather3A_759 = tpu.dynamic_gather %get3A_558[%gather3A_758] in [0] : vector<16xf32>, vector<16xi32> -> vector<16xf32>
      %mul3A_760 = arith.mulf %get3A_755, %gather3A_759 : vector<16xf32>
      %swap3A_761 = arith.constant 44 : i32
      %swap3A_762 = arith.index_cast %swap3A_761 : i32 to index
      %swap3A_763 = arith.constant 0 : index
      %swap3A_764 = tpu.vector_load %arg10[%swap3A_762, %swap3A_763] {strides = array<i32>} : memref<80x16xf32, #tpu.memory_space<vmem>>, vector<1x16xf32>,
      %swap3A_765 = vector.shape_cast %swap3A_764 : vector<1x16xf32> to vector<16xf32>
      %swap3A_766 = vector.shape_cast %mul3A_760 : vector<16xf32> to vector<1x16xf32>
      tpu.vector_store %arg10[%swap3A_762, %swap3A_763], %swap3A_766 {strides = array<i32>} : memref<80x16xf32, #tpu.memory_space<vmem>>, vector<1x16xf32>,
      %get3A_767 = arith.constant 45 : i32
      %get3A_768 = arith.index_cast %get3A_767 : i32 to index
      %get3A_769 = arith.constant 0 : index
      %get3A_770 = tpu.vector_load %arg10[%get3A_768, %get3A_769] {strides = array<i32>} : memref<80x16xf32, #tpu.memory_space<vmem>>, vector<1x16xf32>,
      %get3A_771 = vector.shape_cast %get3A_770 : vector<1x16xf32> to vector<16xf32>
      %broadcast_in_dim3A_772 = arith.constant 13 : i32
      %broadcast_in_dim3A_773 = vector.broadcast %broadcast_in_dim3A_772 : i32 to vector<16x1xi32>
      %gather3A_774 = vector.shape_cast %broadcast_in_dim3A_773 : vector<16x1xi32> to vector<16xi32>
      %gather3A_775 = tpu.dynamic_gather %get3A_558[%gather3A_774] in [0] : vector<16xf32>, vector<16xi32> -> vector<16xf32>
      %mul3A_776 = arith.mulf %get3A_771, %gather3A_775 : vector<16xf32>
      %swap3A_777 = arith.constant 45 : i32
      %swap3A_778 = arith.index_cast %swap3A_777 : i32 to index
      %swap3A_779 = arith.constant 0 : index
      %swap3A_780 = tpu.vector_load %arg10[%swap3A_778, %swap3A_779] {strides = array<i32>} : memref<80x16xf32, #tpu.memory_space<vmem>>, vector<1x16xf32>,
      %swap3A_781 = vector.shape_cast %swap3A_780 : vector<1x16xf32> to vector<16xf32>
      %swap3A_782 = vector.shape_cast %mul3A_776 : vector<16xf32> to vector<1x16xf32>
      tpu.vector_store %arg10[%swap3A_778, %swap3A_779], %swap3A_782 {strides = array<i32>} : memref<80x16xf32, #tpu.memory_space<vmem>>, vector<1x16xf32>,
      %get3A_783 = arith.constant 46 : i32
      %get3A_784 = arith.index_cast %get3A_783 : i32 to index
      %get3A_785 = arith.constant 0 : index
      %get3A_786 = tpu.vector_load %arg10[%get3A_784, %get3A_785] {strides = array<i32>} : memref<80x16xf32, #tpu.memory_space<vmem>>, vector<1x16xf32>,
      %get3A_787 = vector.shape_cast %get3A_786 : vector<1x16xf32> to vector<16xf32>
      %broadcast_in_dim3A_788 = arith.constant 14 : i32
      %broadcast_in_dim3A_789 = vector.broadcast %broadcast_in_dim3A_788 : i32 to vector<16x1xi32>
      %gather3A_790 = vector.shape_cast %broadcast_in_dim3A_789 : vector<16x1xi32> to vector<16xi32>
      %gather3A_791 = tpu.dynamic_gather %get3A_558[%gather3A_790] in [0] : vector<16xf32>, vector<16xi32> -> vector<16xf32>
      %mul3A_792 = arith.mulf %get3A_787, %gather3A_791 : vector<16xf32>
      %swap3A_793 = arith.constant 46 : i32
      %swap3A_794 = arith.index_cast %swap3A_793 : i32 to index
      %swap3A_795 = arith.constant 0 : index
      %swap3A_796 = tpu.vector_load %arg10[%swap3A_794, %swap3A_795] {strides = array<i32>} : memref<80x16xf32, #tpu.memory_space<vmem>>, vector<1x16xf32>,
      %swap3A_797 = vector.shape_cast %swap3A_796 : vector<1x16xf32> to vector<16xf32>
      %swap3A_798 = vector.shape_cast %mul3A_792 : vector<16xf32> to vector<1x16xf32>
      tpu.vector_store %arg10[%swap3A_794, %swap3A_795], %swap3A_798 {strides = array<i32>} : memref<80x16xf32, #tpu.memory_space<vmem>>, vector<1x16xf32>,
      %get3A_799 = arith.constant 47 : i32
      %get3A_800 = arith.index_cast %get3A_799 : i32 to index
      %get3A_801 = arith.constant 0 : index
      %get3A_802 = tpu.vector_load %arg10[%get3A_800, %get3A_801] {strides = array<i32>} : memref<80x16xf32, #tpu.memory_space<vmem>>, vector<1x16xf32>,
      %get3A_803 = vector.shape_cast %get3A_802 : vector<1x16xf32> to vector<16xf32>
      %broadcast_in_dim3A_804 = arith.constant 15 : i32
      %broadcast_in_dim3A_805 = vector.broadcast %broadcast_in_dim3A_804 : i32 to vector<16x1xi32>
      %gather3A_806 = vector.shape_cast %broadcast_in_dim3A_805 : vector<16x1xi32> to vector<16xi32>
      %gather3A_807 = tpu.dynamic_gather %get3A_558[%gather3A_806] in [0] : vector<16xf32>, vector<16xi32> -> vector<16xf32>
      %mul3A_808 = arith.mulf %get3A_803, %gather3A_807 : vector<16xf32>
      %swap3A_809 = arith.constant 47 : i32
      %swap3A_810 = arith.index_cast %swap3A_809 : i32 to index
      %swap3A_811 = arith.constant 0 : index
      %swap3A_812 = tpu.vector_load %arg10[%swap3A_810, %swap3A_811] {strides = array<i32>} : memref<80x16xf32, #tpu.memory_space<vmem>>, vector<1x16xf32>,
      %swap3A_813 = vector.shape_cast %swap3A_812 : vector<1x16xf32> to vector<16xf32>
      %swap3A_814 = vector.shape_cast %mul3A_808 : vector<16xf32> to vector<1x16xf32>
      tpu.vector_store %arg10[%swap3A_810, %swap3A_811], %swap3A_814 {strides = array<i32>} : memref<80x16xf32, #tpu.memory_space<vmem>>, vector<1x16xf32>,
      %get3A_815 = arith.index_cast %scan3A_28 : i32 to index
      %get3A_816 = arith.constant 48 : index
      %get3A_817 = tpu.vector_load %arg9[%get3A_815, %get3A_816] {strides = array<i32>} : memref<128x80xf32, #tpu.memory_space<vmem>>, vector<1x16xf32>,
      %get3A_818 = vector.shape_cast %get3A_817 : vector<1x16xf32> to vector<16xf32>
      %get3A_819 = arith.constant 48 : i32
      %get3A_820 = arith.index_cast %get3A_819 : i32 to index
      %get3A_821 = arith.constant 0 : index
      %get3A_822 = tpu.vector_load %arg10[%get3A_820, %get3A_821] {strides = array<i32>} : memref<80x16xf32, #tpu.memory_space<vmem>>, vector<1x16xf32>,
      %get3A_823 = vector.shape_cast %get3A_822 : vector<1x16xf32> to vector<16xf32>
      %broadcast_in_dim3A_824 = arith.constant 0 : i32
      %broadcast_in_dim3A_825 = vector.broadcast %broadcast_in_dim3A_824 : i32 to vector<16x1xi32>
      %gather3A_826 = vector.shape_cast %broadcast_in_dim3A_825 : vector<16x1xi32> to vector<16xi32>
      %gather3A_827 = tpu.dynamic_gather %get3A_818[%gather3A_826] in [0] : vector<16xf32>, vector<16xi32> -> vector<16xf32>
      %mul3A_828 = arith.mulf %get3A_823, %gather3A_827 : vector<16xf32>
      %swap3A_829 = arith.constant 48 : i32
      %swap3A_830 = arith.index_cast %swap3A_829 : i32 to index
      %swap3A_831 = arith.constant 0 : index
      %swap3A_832 = tpu.vector_load %arg10[%swap3A_830, %swap3A_831] {strides = array<i32>} : memref<80x16xf32, #tpu.memory_space<vmem>>, vector<1x16xf32>,
      %swap3A_833 = vector.shape_cast %swap3A_832 : vector<1x16xf32> to vector<16xf32>
      %swap3A_834 = vector.shape_cast %mul3A_828 : vector<16xf32> to vector<1x16xf32>
      tpu.vector_store %arg10[%swap3A_830, %swap3A_831], %swap3A_834 {strides = array<i32>} : memref<80x16xf32, #tpu.memory_space<vmem>>, vector<1x16xf32>,
      %get3A_835 = arith.constant 49 : i32
      %get3A_836 = arith.index_cast %get3A_835 : i32 to index
      %get3A_837 = arith.constant 0 : index
      %get3A_838 = tpu.vector_load %arg10[%get3A_836, %get3A_837] {strides = array<i32>} : memref<80x16xf32, #tpu.memory_space<vmem>>, vector<1x16xf32>,
      %get3A_839 = vector.shape_cast %get3A_838 : vector<1x16xf32> to vector<16xf32>
      %broadcast_in_dim3A_840 = arith.constant 1 : i32
      %broadcast_in_dim3A_841 = vector.broadcast %broadcast_in_dim3A_840 : i32 to vector<16x1xi32>
      %gather3A_842 = vector.shape_cast %broadcast_in_dim3A_841 : vector<16x1xi32> to vector<16xi32>
      %gather3A_843 = tpu.dynamic_gather %get3A_818[%gather3A_842] in [0] : vector<16xf32>, vector<16xi32> -> vector<16xf32>
      %mul3A_844 = arith.mulf %get3A_839, %gather3A_843 : vector<16xf32>
      %swap3A_845 = arith.constant 49 : i32
      %swap3A_846 = arith.index_cast %swap3A_845 : i32 to index
      %swap3A_847 = arith.constant 0 : index
      %swap3A_848 = tpu.vector_load %arg10[%swap3A_846, %swap3A_847] {strides = array<i32>} : memref<80x16xf32, #tpu.memory_space<vmem>>, vector<1x16xf32>,
      %swap3A_849 = vector.shape_cast %swap3A_848 : vector<1x16xf32> to vector<16xf32>
      %swap3A_850 = vector.shape_cast %mul3A_844 : vector<16xf32> to vector<1x16xf32>
      tpu.vector_store %arg10[%swap3A_846, %swap3A_847], %swap3A_850 {strides = array<i32>} : memref<80x16xf32, #tpu.memory_space<vmem>>, vector<1x16xf32>,
      %get3A_851 = arith.constant 50 : i32
      %get3A_852 = arith.index_cast %get3A_851 : i32 to index
      %get3A_853 = arith.constant 0 : index
      %get3A_854 = tpu.vector_load %arg10[%get3A_852, %get3A_853] {strides = array<i32>} : memref<80x16xf32, #tpu.memory_space<vmem>>, vector<1x16xf32>,
      %get3A_855 = vector.shape_cast %get3A_854 : vector<1x16xf32> to vector<16xf32>
      %broadcast_in_dim3A_856 = arith.constant 2 : i32
      %broadcast_in_dim3A_857 = vector.broadcast %broadcast_in_dim3A_856 : i32 to vector<16x1xi32>
      %gather3A_858 = vector.shape_cast %broadcast_in_dim3A_857 : vector<16x1xi32> to vector<16xi32>
      %gather3A_859 = tpu.dynamic_gather %get3A_818[%gather3A_858] in [0] : vector<16xf32>, vector<16xi32> -> vector<16xf32>
      %mul3A_860 = arith.mulf %get3A_855, %gather3A_859 : vector<16xf32>
      %swap3A_861 = arith.constant 50 : i32
      %swap3A_862 = arith.index_cast %swap3A_861 : i32 to index
      %swap3A_863 = arith.constant 0 : index
      %swap3A_864 = tpu.vector_load %arg10[%swap3A_862, %swap3A_863] {strides = array<i32>} : memref<80x16xf32, #tpu.memory_space<vmem>>, vector<1x16xf32>,
      %swap3A_865 = vector.shape_cast %swap3A_864 : vector<1x16xf32> to vector<16xf32>
      %swap3A_866 = vector.shape_cast %mul3A_860 : vector<16xf32> to vector<1x16xf32>
      tpu.vector_store %arg10[%swap3A_862, %swap3A_863], %swap3A_866 {strides = array<i32>} : memref<80x16xf32, #tpu.memory_space<vmem>>, vector<1x16xf32>,
      %get3A_867 = arith.constant 51 : i32
      %get3A_868 = arith.index_cast %get3A_867 : i32 to index
      %get3A_869 = arith.constant 0 : index
      %get3A_870 = tpu.vector_load %arg10[%get3A_868, %get3A_869] {strides = array<i32>} : memref<80x16xf32, #tpu.memory_space<vmem>>, vector<1x16xf32>,
      %get3A_871 = vector.shape_cast %get3A_870 : vector<1x16xf32> to vector<16xf32>
      %broadcast_in_dim3A_872 = arith.constant 3 : i32
      %broadcast_in_dim3A_873 = vector.broadcast %broadcast_in_dim3A_872 : i32 to vector<16x1xi32>
      %gather3A_874 = vector.shape_cast %broadcast_in_dim3A_873 : vector<16x1xi32> to vector<16xi32>
      %gather3A_875 = tpu.dynamic_gather %get3A_818[%gather3A_874] in [0] : vector<16xf32>, vector<16xi32> -> vector<16xf32>
      %mul3A_876 = arith.mulf %get3A_871, %gather3A_875 : vector<16xf32>
      %swap3A_877 = arith.constant 51 : i32
      %swap3A_878 = arith.index_cast %swap3A_877 : i32 to index
      %swap3A_879 = arith.constant 0 : index
      %swap3A_880 = tpu.vector_load %arg10[%swap3A_878, %swap3A_879] {strides = array<i32>} : memref<80x16xf32, #tpu.memory_space<vmem>>, vector<1x16xf32>,
      %swap3A_881 = vector.shape_cast %swap3A_880 : vector<1x16xf32> to vector<16xf32>
      %swap3A_882 = vector.shape_cast %mul3A_876 : vector<16xf32> to vector<1x16xf32>
      tpu.vector_store %arg10[%swap3A_878, %swap3A_879], %swap3A_882 {strides = array<i32>} : memref<80x16xf32, #tpu.memory_space<vmem>>, vector<1x16xf32>,
      %get3A_883 = arith.constant 52 : i32
      %get3A_884 = arith.index_cast %get3A_883 : i32 to index
      %get3A_885 = arith.constant 0 : index
      %get3A_886 = tpu.vector_load %arg10[%get3A_884, %get3A_885] {strides = array<i32>} : memref<80x16xf32, #tpu.memory_space<vmem>>, vector<1x16xf32>,
      %get3A_887 = vector.shape_cast %get3A_886 : vector<1x16xf32> to vector<16xf32>
      %broadcast_in_dim3A_888 = arith.constant 4 : i32
      %broadcast_in_dim3A_889 = vector.broadcast %broadcast_in_dim3A_888 : i32 to vector<16x1xi32>
      %gather3A_890 = vector.shape_cast %broadcast_in_dim3A_889 : vector<16x1xi32> to vector<16xi32>
      %gather3A_891 = tpu.dynamic_gather %get3A_818[%gather3A_890] in [0] : vector<16xf32>, vector<16xi32> -> vector<16xf32>
      %mul3A_892 = arith.mulf %get3A_887, %gather3A_891 : vector<16xf32>
      %swap3A_893 = arith.constant 52 : i32
      %swap3A_894 = arith.index_cast %swap3A_893 : i32 to index
      %swap3A_895 = arith.constant 0 : index
      %swap3A_896 = tpu.vector_load %arg10[%swap3A_894, %swap3A_895] {strides = array<i32>} : memref<80x16xf32, #tpu.memory_space<vmem>>, vector<1x16xf32>,
      %swap3A_897 = vector.shape_cast %swap3A_896 : vector<1x16xf32> to vector<16xf32>
      %swap3A_898 = vector.shape_cast %mul3A_892 : vector<16xf32> to vector<1x16xf32>
      tpu.vector_store %arg10[%swap3A_894, %swap3A_895], %swap3A_898 {strides = array<i32>} : memref<80x16xf32, #tpu.memory_space<vmem>>, vector<1x16xf32>,
      %get3A_899 = arith.constant 53 : i32
      %get3A_900 = arith.index_cast %get3A_899 : i32 to index
      %get3A_901 = arith.constant 0 : index
      %get3A_902 = tpu.vector_load %arg10[%get3A_900, %get3A_901] {strides = array<i32>} : memref<80x16xf32, #tpu.memory_space<vmem>>, vector<1x16xf32>,
      %get3A_903 = vector.shape_cast %get3A_902 : vector<1x16xf32> to vector<16xf32>
      %broadcast_in_dim3A_904 = arith.constant 5 : i32
      %broadcast_in_dim3A_905 = vector.broadcast %broadcast_in_dim3A_904 : i32 to vector<16x1xi32>
      %gather3A_906 = vector.shape_cast %broadcast_in_dim3A_905 : vector<16x1xi32> to vector<16xi32>
      %gather3A_907 = tpu.dynamic_gather %get3A_818[%gather3A_906] in [0] : vector<16xf32>, vector<16xi32> -> vector<16xf32>
      %mul3A_908 = arith.mulf %get3A_903, %gather3A_907 : vector<16xf32>
      %swap3A_909 = arith.constant 53 : i32
      %swap3A_910 = arith.index_cast %swap3A_909 : i32 to index
      %swap3A_911 = arith.constant 0 : index
      %swap3A_912 = tpu.vector_load %arg10[%swap3A_910, %swap3A_911] {strides = array<i32>} : memref<80x16xf32, #tpu.memory_space<vmem>>, vector<1x16xf32>,
      %swap3A_913 = vector.shape_cast %swap3A_912 : vector<1x16xf32> to vector<16xf32>
      %swap3A_914 = vector.shape_cast %mul3A_908 : vector<16xf32> to vector<1x16xf32>
      tpu.vector_store %arg10[%swap3A_910, %swap3A_911], %swap3A_914 {strides = array<i32>} : memref<80x16xf32, #tpu.memory_space<vmem>>, vector<1x16xf32>,
      %get3A_915 = arith.constant 54 : i32
      %get3A_916 = arith.index_cast %get3A_915 : i32 to index
      %get3A_917 = arith.constant 0 : index
      %get3A_918 = tpu.vector_load %arg10[%get3A_916, %get3A_917] {strides = array<i32>} : memref<80x16xf32, #tpu.memory_space<vmem>>, vector<1x16xf32>,
      %get3A_919 = vector.shape_cast %get3A_918 : vector<1x16xf32> to vector<16xf32>
      %broadcast_in_dim3A_920 = arith.constant 6 : i32
      %broadcast_in_dim3A_921 = vector.broadcast %broadcast_in_dim3A_920 : i32 to vector<16x1xi32>
      %gather3A_922 = vector.shape_cast %broadcast_in_dim3A_921 : vector<16x1xi32> to vector<16xi32>
      %gather3A_923 = tpu.dynamic_gather %get3A_818[%gather3A_922] in [0] : vector<16xf32>, vector<16xi32> -> vector<16xf32>
      %mul3A_924 = arith.mulf %get3A_919, %gather3A_923 : vector<16xf32>
      %swap3A_925 = arith.constant 54 : i32
      %swap3A_926 = arith.index_cast %swap3A_925 : i32 to index
      %swap3A_927 = arith.constant 0 : index
      %swap3A_928 = tpu.vector_load %arg10[%swap3A_926, %swap3A_927] {strides = array<i32>} : memref<80x16xf32, #tpu.memory_space<vmem>>, vector<1x16xf32>,
      %swap3A_929 = vector.shape_cast %swap3A_928 : vector<1x16xf32> to vector<16xf32>
      %swap3A_930 = vector.shape_cast %mul3A_924 : vector<16xf32> to vector<1x16xf32>
      tpu.vector_store %arg10[%swap3A_926, %swap3A_927], %swap3A_930 {strides = array<i32>} : memref<80x16xf32, #tpu.memory_space<vmem>>, vector<1x16xf32>,
      %get3A_931 = arith.constant 55 : i32
      %get3A_932 = arith.index_cast %get3A_931 : i32 to index
      %get3A_933 = arith.constant 0 : index
      %get3A_934 = tpu.vector_load %arg10[%get3A_932, %get3A_933] {strides = array<i32>} : memref<80x16xf32, #tpu.memory_space<vmem>>, vector<1x16xf32>,
      %get3A_935 = vector.shape_cast %get3A_934 : vector<1x16xf32> to vector<16xf32>
      %broadcast_in_dim3A_936 = arith.constant 7 : i32
      %broadcast_in_dim3A_937 = vector.broadcast %broadcast_in_dim3A_936 : i32 to vector<16x1xi32>
      %gather3A_938 = vector.shape_cast %broadcast_in_dim3A_937 : vector<16x1xi32> to vector<16xi32>
      %gather3A_939 = tpu.dynamic_gather %get3A_818[%gather3A_938] in [0] : vector<16xf32>, vector<16xi32> -> vector<16xf32>
      %mul3A_940 = arith.mulf %get3A_935, %gather3A_939 : vector<16xf32>
      %swap3A_941 = arith.constant 55 : i32
      %swap3A_942 = arith.index_cast %swap3A_941 : i32 to index
      %swap3A_943 = arith.constant 0 : index
      %swap3A_944 = tpu.vector_load %arg10[%swap3A_942, %swap3A_943] {strides = array<i32>} : memref<80x16xf32, #tpu.memory_space<vmem>>, vector<1x16xf32>,
      %swap3A_945 = vector.shape_cast %swap3A_944 : vector<1x16xf32> to vector<16xf32>
      %swap3A_946 = vector.shape_cast %mul3A_940 : vector<16xf32> to vector<1x16xf32>
      tpu.vector_store %arg10[%swap3A_942, %swap3A_943], %swap3A_946 {strides = array<i32>} : memref<80x16xf32, #tpu.memory_space<vmem>>, vector<1x16xf32>,
      %get3A_947 = arith.constant 56 : i32
      %get3A_948 = arith.index_cast %get3A_947 : i32 to index
      %get3A_949 = arith.constant 0 : index
      %get3A_950 = tpu.vector_load %arg10[%get3A_948, %get3A_949] {strides = array<i32>} : memref<80x16xf32, #tpu.memory_space<vmem>>, vector<1x16xf32>,
      %get3A_951 = vector.shape_cast %get3A_950 : vector<1x16xf32> to vector<16xf32>
      %broadcast_in_dim3A_952 = arith.constant 8 : i32
      %broadcast_in_dim3A_953 = vector.broadcast %broadcast_in_dim3A_952 : i32 to vector<16x1xi32>
      %gather3A_954 = vector.shape_cast %broadcast_in_dim3A_953 : vector<16x1xi32> to vector<16xi32>
      %gather3A_955 = tpu.dynamic_gather %get3A_818[%gather3A_954] in [0] : vector<16xf32>, vector<16xi32> -> vector<16xf32>
      %mul3A_956 = arith.mulf %get3A_951, %gather3A_955 : vector<16xf32>
      %swap3A_957 = arith.constant 56 : i32
      %swap3A_958 = arith.index_cast %swap3A_957 : i32 to index
      %swap3A_959 = arith.constant 0 : index
      %swap3A_960 = tpu.vector_load %arg10[%swap3A_958, %swap3A_959] {strides = array<i32>} : memref<80x16xf32, #tpu.memory_space<vmem>>, vector<1x16xf32>,
      %swap3A_961 = vector.shape_cast %swap3A_960 : vector<1x16xf32> to vector<16xf32>
      %swap3A_962 = vector.shape_cast %mul3A_956 : vector<16xf32> to vector<1x16xf32>
      tpu.vector_store %arg10[%swap3A_958, %swap3A_959], %swap3A_962 {strides = array<i32>} : memref<80x16xf32, #tpu.memory_space<vmem>>, vector<1x16xf32>,
      %get3A_963 = arith.constant 57 : i32
      %get3A_964 = arith.index_cast %get3A_963 : i32 to index
      %get3A_965 = arith.constant 0 : index
      %get3A_966 = tpu.vector_load %arg10[%get3A_964, %get3A_965] {strides = array<i32>} : memref<80x16xf32, #tpu.memory_space<vmem>>, vector<1x16xf32>,
      %get3A_967 = vector.shape_cast %get3A_966 : vector<1x16xf32> to vector<16xf32>
      %broadcast_in_dim3A_968 = arith.constant 9 : i32
      %broadcast_in_dim3A_969 = vector.broadcast %broadcast_in_dim3A_968 : i32 to vector<16x1xi32>
      %gather3A_970 = vector.shape_cast %broadcast_in_dim3A_969 : vector<16x1xi32> to vector<16xi32>
      %gather3A_971 = tpu.dynamic_gather %get3A_818[%gather3A_970] in [0] : vector<16xf32>, vector<16xi32> -> vector<16xf32>
      %mul3A_972 = arith.mulf %get3A_967, %gather3A_971 : vector<16xf32>
      %swap3A_973 = arith.constant 57 : i32
      %swap3A_974 = arith.index_cast %swap3A_973 : i32 to index
      %swap3A_975 = arith.constant 0 : index
      %swap3A_976 = tpu.vector_load %arg10[%swap3A_974, %swap3A_975] {strides = array<i32>} : memref<80x16xf32, #tpu.memory_space<vmem>>, vector<1x16xf32>,
      %swap3A_977 = vector.shape_cast %swap3A_976 : vector<1x16xf32> to vector<16xf32>
      %swap3A_978 = vector.shape_cast %mul3A_972 : vector<16xf32> to vector<1x16xf32>
      tpu.vector_store %arg10[%swap3A_974, %swap3A_975], %swap3A_978 {strides = array<i32>} : memref<80x16xf32, #tpu.memory_space<vmem>>, vector<1x16xf32>,
      %get3A_979 = arith.constant 58 : i32
      %get3A_980 = arith.index_cast %get3A_979 : i32 to index
      %get3A_981 = arith.constant 0 : index
      %get3A_982 = tpu.vector_load %arg10[%get3A_980, %get3A_981] {strides = array<i32>} : memref<80x16xf32, #tpu.memory_space<vmem>>, vector<1x16xf32>,
      %get3A_983 = vector.shape_cast %get3A_982 : vector<1x16xf32> to vector<16xf32>
      %broadcast_in_dim3A_984 = arith.constant 10 : i32
      %broadcast_in_dim3A_985 = vector.broadcast %broadcast_in_dim3A_984 : i32 to vector<16x1xi32>
      %gather3A_986 = vector.shape_cast %broadcast_in_dim3A_985 : vector<16x1xi32> to vector<16xi32>
      %gather3A_987 = tpu.dynamic_gather %get3A_818[%gather3A_986] in [0] : vector<16xf32>, vector<16xi32> -> vector<16xf32>
      %mul3A_988 = arith.mulf %get3A_983, %gather3A_987 : vector<16xf32>
      %swap3A_989 = arith.constant 58 : i32
      %swap3A_990 = arith.index_cast %swap3A_989 : i32 to index
      %swap3A_991 = arith.constant 0 : index
      %swap3A_992 = tpu.vector_load %arg10[%swap3A_990, %swap3A_991] {strides = array<i32>} : memref<80x16xf32, #tpu.memory_space<vmem>>, vector<1x16xf32>,
      %swap3A_993 = vector.shape_cast %swap3A_992 : vector<1x16xf32> to vector<16xf32>
      %swap3A_994 = vector.shape_cast %mul3A_988 : vector<16xf32> to vector<1x16xf32>
      tpu.vector_store %arg10[%swap3A_990, %swap3A_991], %swap3A_994 {strides = array<i32>} : memref<80x16xf32, #tpu.memory_space<vmem>>, vector<1x16xf32>,
      %get3A_995 = arith.constant 59 : i32
      %get3A_996 = arith.index_cast %get3A_995 : i32 to index
      %get3A_997 = arith.constant 0 : index
      %get3A_998 = tpu.vector_load %arg10[%get3A_996, %get3A_997] {strides = array<i32>} : memref<80x16xf32, #tpu.memory_space<vmem>>, vector<1x16xf32>,
      %get3A_999 = vector.shape_cast %get3A_998 : vector<1x16xf32> to vector<16xf32>
      %broadcast_in_dim3A_1000 = arith.constant 11 : i32
      %broadcast_in_dim3A_1001 = vector.broadcast %broadcast_in_dim3A_1000 : i32 to vector<16x1xi32>
      %gather3A_1002 = vector.shape_cast %broadcast_in_dim3A_1001 : vector<16x1xi32> to vector<16xi32>
      %gather3A_1003 = tpu.dynamic_gather %get3A_818[%gather3A_1002] in [0] : vector<16xf32>, vector<16xi32> -> vector<16xf32>
      %mul3A_1004 = arith.mulf %get3A_999, %gather3A_1003 : vector<16xf32>
      %swap3A_1005 = arith.constant 59 : i32
      %swap3A_1006 = arith.index_cast %swap3A_1005 : i32 to index
      %swap3A_1007 = arith.constant 0 : index
      %swap3A_1008 = tpu.vector_load %arg10[%swap3A_1006, %swap3A_1007] {strides = array<i32>} : memref<80x16xf32, #tpu.memory_space<vmem>>, vector<1x16xf32>,
      %swap3A_1009 = vector.shape_cast %swap3A_1008 : vector<1x16xf32> to vector<16xf32>
      %swap3A_1010 = vector.shape_cast %mul3A_1004 : vector<16xf32> to vector<1x16xf32>
      tpu.vector_store %arg10[%swap3A_1006, %swap3A_1007], %swap3A_1010 {strides = array<i32>} : memref<80x16xf32, #tpu.memory_space<vmem>>, vector<1x16xf32>,
      %get3A_1011 = arith.constant 60 : i32
      %get3A_1012 = arith.index_cast %get3A_1011 : i32 to index
      %get3A_1013 = arith.constant 0 : index
      %get3A_1014 = tpu.vector_load %arg10[%get3A_1012, %get3A_1013] {strides = array<i32>} : memref<80x16xf32, #tpu.memory_space<vmem>>, vector<1x16xf32>,
      %get3A_1015 = vector.shape_cast %get3A_1014 : vector<1x16xf32> to vector<16xf32>
      %broadcast_in_dim3A_1016 = arith.constant 12 : i32
      %broadcast_in_dim3A_1017 = vector.broadcast %broadcast_in_dim3A_1016 : i32 to vector<16x1xi32>
      %gather3A_1018 = vector.shape_cast %broadcast_in_dim3A_1017 : vector<16x1xi32> to vector<16xi32>
      %gather3A_1019 = tpu.dynamic_gather %get3A_818[%gather3A_1018] in [0] : vector<16xf32>, vector<16xi32> -> vector<16xf32>
      %mul3A_1020 = arith.mulf %get3A_1015, %gather3A_1019 : vector<16xf32>
      %swap3A_1021 = arith.constant 60 : i32
      %swap3A_1022 = arith.index_cast %swap3A_1021 : i32 to index
      %swap3A_1023 = arith.constant 0 : index
      %swap3A_1024 = tpu.vector_load %arg10[%swap3A_1022, %swap3A_1023] {strides = array<i32>} : memref<80x16xf32, #tpu.memory_space<vmem>>, vector<1x16xf32>,
      %swap3A_1025 = vector.shape_cast %swap3A_1024 : vector<1x16xf32> to vector<16xf32>
      %swap3A_1026 = vector.shape_cast %mul3A_1020 : vector<16xf32> to vector<1x16xf32>
      tpu.vector_store %arg10[%swap3A_1022, %swap3A_1023], %swap3A_1026 {strides = array<i32>} : memref<80x16xf32, #tpu.memory_space<vmem>>, vector<1x16xf32>,
      %get3A_1027 = arith.constant 61 : i32
      %get3A_1028 = arith.index_cast %get3A_1027 : i32 to index
      %get3A_1029 = arith.constant 0 : index
      %get3A_1030 = tpu.vector_load %arg10[%get3A_1028, %get3A_1029] {strides = array<i32>} : memref<80x16xf32, #tpu.memory_space<vmem>>, vector<1x16xf32>,
      %get3A_1031 = vector.shape_cast %get3A_1030 : vector<1x16xf32> to vector<16xf32>
      %broadcast_in_dim3A_1032 = arith.constant 13 : i32
      %broadcast_in_dim3A_1033 = vector.broadcast %broadcast_in_dim3A_1032 : i32 to vector<16x1xi32>
      %gather3A_1034 = vector.shape_cast %broadcast_in_dim3A_1033 : vector<16x1xi32> to vector<16xi32>
      %gather3A_1035 = tpu.dynamic_gather %get3A_818[%gather3A_1034] in [0] : vector<16xf32>, vector<16xi32> -> vector<16xf32>
      %mul3A_1036 = arith.mulf %get3A_1031, %gather3A_1035 : vector<16xf32>
      %swap3A_1037 = arith.constant 61 : i32
      %swap3A_1038 = arith.index_cast %swap3A_1037 : i32 to index
      %swap3A_1039 = arith.constant 0 : index
      %swap3A_1040 = tpu.vector_load %arg10[%swap3A_1038, %swap3A_1039] {strides = array<i32>} : memref<80x16xf32, #tpu.memory_space<vmem>>, vector<1x16xf32>,
      %swap3A_1041 = vector.shape_cast %swap3A_1040 : vector<1x16xf32> to vector<16xf32>
      %swap3A_1042 = vector.shape_cast %mul3A_1036 : vector<16xf32> to vector<1x16xf32>
      tpu.vector_store %arg10[%swap3A_1038, %swap3A_1039], %swap3A_1042 {strides = array<i32>} : memref<80x16xf32, #tpu.memory_space<vmem>>, vector<1x16xf32>,
      %get3A_1043 = arith.constant 62 : i32
      %get3A_1044 = arith.index_cast %get3A_1043 : i32 to index
      %get3A_1045 = arith.constant 0 : index
      %get3A_1046 = tpu.vector_load %arg10[%get3A_1044, %get3A_1045] {strides = array<i32>} : memref<80x16xf32, #tpu.memory_space<vmem>>, vector<1x16xf32>,
      %get3A_1047 = vector.shape_cast %get3A_1046 : vector<1x16xf32> to vector<16xf32>
      %broadcast_in_dim3A_1048 = arith.constant 14 : i32
      %broadcast_in_dim3A_1049 = vector.broadcast %broadcast_in_dim3A_1048 : i32 to vector<16x1xi32>
      %gather3A_1050 = vector.shape_cast %broadcast_in_dim3A_1049 : vector<16x1xi32> to vector<16xi32>
      %gather3A_1051 = tpu.dynamic_gather %get3A_818[%gather3A_1050] in [0] : vector<16xf32>, vector<16xi32> -> vector<16xf32>
      %mul3A_1052 = arith.mulf %get3A_1047, %gather3A_1051 : vector<16xf32>
      %swap3A_1053 = arith.constant 62 : i32
      %swap3A_1054 = arith.index_cast %swap3A_1053 : i32 to index
      %swap3A_1055 = arith.constant 0 : index
      %swap3A_1056 = tpu.vector_load %arg10[%swap3A_1054, %swap3A_1055] {strides = array<i32>} : memref<80x16xf32, #tpu.memory_space<vmem>>, vector<1x16xf32>,
      %swap3A_1057 = vector.shape_cast %swap3A_1056 : vector<1x16xf32> to vector<16xf32>
      %swap3A_1058 = vector.shape_cast %mul3A_1052 : vector<16xf32> to vector<1x16xf32>
      tpu.vector_store %arg10[%swap3A_1054, %swap3A_1055], %swap3A_1058 {strides = array<i32>} : memref<80x16xf32, #tpu.memory_space<vmem>>, vector<1x16xf32>,
      %get3A_1059 = arith.constant 63 : i32
      %get3A_1060 = arith.index_cast %get3A_1059 : i32 to index
      %get3A_1061 = arith.constant 0 : index
      %get3A_1062 = tpu.vector_load %arg10[%get3A_1060, %get3A_1061] {strides = array<i32>} : memref<80x16xf32, #tpu.memory_space<vmem>>, vector<1x16xf32>,
      %get3A_1063 = vector.shape_cast %get3A_1062 : vector<1x16xf32> to vector<16xf32>
      %broadcast_in_dim3A_1064 = arith.constant 15 : i32
      %broadcast_in_dim3A_1065 = vector.broadcast %broadcast_in_dim3A_1064 : i32 to vector<16x1xi32>
      %gather3A_1066 = vector.shape_cast %broadcast_in_dim3A_1065 : vector<16x1xi32> to vector<16xi32>
      %gather3A_1067 = tpu.dynamic_gather %get3A_818[%gather3A_1066] in [0] : vector<16xf32>, vector<16xi32> -> vector<16xf32>
      %mul3A_1068 = arith.mulf %get3A_1063, %gather3A_1067 : vector<16xf32>
      %swap3A_1069 = arith.constant 63 : i32
      %swap3A_1070 = arith.index_cast %swap3A_1069 : i32 to index
      %swap3A_1071 = arith.constant 0 : index
      %swap3A_1072 = tpu.vector_load %arg10[%swap3A_1070, %swap3A_1071] {strides = array<i32>} : memref<80x16xf32, #tpu.memory_space<vmem>>, vector<1x16xf32>,
      %swap3A_1073 = vector.shape_cast %swap3A_1072 : vector<1x16xf32> to vector<16xf32>
      %swap3A_1074 = vector.shape_cast %mul3A_1068 : vector<16xf32> to vector<1x16xf32>
      tpu.vector_store %arg10[%swap3A_1070, %swap3A_1071], %swap3A_1074 {strides = array<i32>} : memref<80x16xf32, #tpu.memory_space<vmem>>, vector<1x16xf32>,
      %get3A_1075 = arith.index_cast %scan3A_28 : i32 to index
      %get3A_1076 = arith.constant 64 : index
      %get3A_1077 = tpu.vector_load %arg9[%get3A_1075, %get3A_1076] {strides = array<i32>} : memref<128x80xf32, #tpu.memory_space<vmem>>, vector<1x16xf32>,
      %get3A_1078 = vector.shape_cast %get3A_1077 : vector<1x16xf32> to vector<16xf32>
      %get3A_1079 = arith.constant 64 : i32
      %get3A_1080 = arith.index_cast %get3A_1079 : i32 to index
      %get3A_1081 = arith.constant 0 : index
      %get3A_1082 = tpu.vector_load %arg10[%get3A_1080, %get3A_1081] {strides = array<i32>} : memref<80x16xf32, #tpu.memory_space<vmem>>, vector<1x16xf32>,
      %get3A_1083 = vector.shape_cast %get3A_1082 : vector<1x16xf32> to vector<16xf32>
      %broadcast_in_dim3A_1084 = arith.constant 0 : i32
      %broadcast_in_dim3A_1085 = vector.broadcast %broadcast_in_dim3A_1084 : i32 to vector<16x1xi32>
      %gather3A_1086 = vector.shape_cast %broadcast_in_dim3A_1085 : vector<16x1xi32> to vector<16xi32>
      %gather3A_1087 = tpu.dynamic_gather %get3A_1078[%gather3A_1086] in [0] : vector<16xf32>, vector<16xi32> -> vector<16xf32>
      %mul3A_1088 = arith.mulf %get3A_1083, %gather3A_1087 : vector<16xf32>
      %swap3A_1089 = arith.constant 64 : i32
      %swap3A_1090 = arith.index_cast %swap3A_1089 : i32 to index
      %swap3A_1091 = arith.constant 0 : index
      %swap3A_1092 = tpu.vector_load %arg10[%swap3A_1090, %swap3A_1091] {strides = array<i32>} : memref<80x16xf32, #tpu.memory_space<vmem>>, vector<1x16xf32>,
      %swap3A_1093 = vector.shape_cast %swap3A_1092 : vector<1x16xf32> to vector<16xf32>
      %swap3A_1094 = vector.shape_cast %mul3A_1088 : vector<16xf32> to vector<1x16xf32>
      tpu.vector_store %arg10[%swap3A_1090, %swap3A_1091], %swap3A_1094 {strides = array<i32>} : memref<80x16xf32, #tpu.memory_space<vmem>>, vector<1x16xf32>,
      %get3A_1095 = arith.constant 65 : i32
      %get3A_1096 = arith.index_cast %get3A_1095 : i32 to index
      %get3A_1097 = arith.constant 0 : index
      %get3A_1098 = tpu.vector_load %arg10[%get3A_1096, %get3A_1097] {strides = array<i32>} : memref<80x16xf32, #tpu.memory_space<vmem>>, vector<1x16xf32>,
      %get3A_1099 = vector.shape_cast %get3A_1098 : vector<1x16xf32> to vector<16xf32>
      %broadcast_in_dim3A_1100 = arith.constant 1 : i32
      %broadcast_in_dim3A_1101 = vector.broadcast %broadcast_in_dim3A_1100 : i32 to vector<16x1xi32>
      %gather3A_1102 = vector.shape_cast %broadcast_in_dim3A_1101 : vector<16x1xi32> to vector<16xi32>
      %gather3A_1103 = tpu.dynamic_gather %get3A_1078[%gather3A_1102] in [0] : vector<16xf32>, vector<16xi32> -> vector<16xf32>
      %mul3A_1104 = arith.mulf %get3A_1099, %gather3A_1103 : vector<16xf32>
      %swap3A_1105 = arith.constant 65 : i32
      %swap3A_1106 = arith.index_cast %swap3A_1105 : i32 to index
      %swap3A_1107 = arith.constant 0 : index
      %swap3A_1108 = tpu.vector_load %arg10[%swap3A_1106, %swap3A_1107] {strides = array<i32>} : memref<80x16xf32, #tpu.memory_space<vmem>>, vector<1x16xf32>,
      %swap3A_1109 = vector.shape_cast %swap3A_1108 : vector<1x16xf32> to vector<16xf32>
      %swap3A_1110 = vector.shape_cast %mul3A_1104 : vector<16xf32> to vector<1x16xf32>
      tpu.vector_store %arg10[%swap3A_1106, %swap3A_1107], %swap3A_1110 {strides = array<i32>} : memref<80x16xf32, #tpu.memory_space<vmem>>, vector<1x16xf32>,
      %get3A_1111 = arith.constant 66 : i32
      %get3A_1112 = arith.index_cast %get3A_1111 : i32 to index
      %get3A_1113 = arith.constant 0 : index
      %get3A_1114 = tpu.vector_load %arg10[%get3A_1112, %get3A_1113] {strides = array<i32>} : memref<80x16xf32, #tpu.memory_space<vmem>>, vector<1x16xf32>,
      %get3A_1115 = vector.shape_cast %get3A_1114 : vector<1x16xf32> to vector<16xf32>
      %broadcast_in_dim3A_1116 = arith.constant 2 : i32
      %broadcast_in_dim3A_1117 = vector.broadcast %broadcast_in_dim3A_1116 : i32 to vector<16x1xi32>
      %gather3A_1118 = vector.shape_cast %broadcast_in_dim3A_1117 : vector<16x1xi32> to vector<16xi32>
      %gather3A_1119 = tpu.dynamic_gather %get3A_1078[%gather3A_1118] in [0] : vector<16xf32>, vector<16xi32> -> vector<16xf32>
      %mul3A_1120 = arith.mulf %get3A_1115, %gather3A_1119 : vector<16xf32>
      %swap3A_1121 = arith.constant 66 : i32
      %swap3A_1122 = arith.index_cast %swap3A_1121 : i32 to index
      %swap3A_1123 = arith.constant 0 : index
      %swap3A_1124 = tpu.vector_load %arg10[%swap3A_1122, %swap3A_1123] {strides = array<i32>} : memref<80x16xf32, #tpu.memory_space<vmem>>, vector<1x16xf32>,
      %swap3A_1125 = vector.shape_cast %swap3A_1124 : vector<1x16xf32> to vector<16xf32>
      %swap3A_1126 = vector.shape_cast %mul3A_1120 : vector<16xf32> to vector<1x16xf32>
      tpu.vector_store %arg10[%swap3A_1122, %swap3A_1123], %swap3A_1126 {strides = array<i32>} : memref<80x16xf32, #tpu.memory_space<vmem>>, vector<1x16xf32>,
      %get3A_1127 = arith.constant 67 : i32
      %get3A_1128 = arith.index_cast %get3A_1127 : i32 to index
      %get3A_1129 = arith.constant 0 : index
      %get3A_1130 = tpu.vector_load %arg10[%get3A_1128, %get3A_1129] {strides = array<i32>} : memref<80x16xf32, #tpu.memory_space<vmem>>, vector<1x16xf32>,
      %get3A_1131 = vector.shape_cast %get3A_1130 : vector<1x16xf32> to vector<16xf32>
      %broadcast_in_dim3A_1132 = arith.constant 3 : i32
      %broadcast_in_dim3A_1133 = vector.broadcast %broadcast_in_dim3A_1132 : i32 to vector<16x1xi32>
      %gather3A_1134 = vector.shape_cast %broadcast_in_dim3A_1133 : vector<16x1xi32> to vector<16xi32>
      %gather3A_1135 = tpu.dynamic_gather %get3A_1078[%gather3A_1134] in [0] : vector<16xf32>, vector<16xi32> -> vector<16xf32>
      %mul3A_1136 = arith.mulf %get3A_1131, %gather3A_1135 : vector<16xf32>
      %swap3A_1137 = arith.constant 67 : i32
      %swap3A_1138 = arith.index_cast %swap3A_1137 : i32 to index
      %swap3A_1139 = arith.constant 0 : index
      %swap3A_1140 = tpu.vector_load %arg10[%swap3A_1138, %swap3A_1139] {strides = array<i32>} : memref<80x16xf32, #tpu.memory_space<vmem>>, vector<1x16xf32>,
      %swap3A_1141 = vector.shape_cast %swap3A_1140 : vector<1x16xf32> to vector<16xf32>
      %swap3A_1142 = vector.shape_cast %mul3A_1136 : vector<16xf32> to vector<1x16xf32>
      tpu.vector_store %arg10[%swap3A_1138, %swap3A_1139], %swap3A_1142 {strides = array<i32>} : memref<80x16xf32, #tpu.memory_space<vmem>>, vector<1x16xf32>,
      %get3A_1143 = arith.constant 68 : i32
      %get3A_1144 = arith.index_cast %get3A_1143 : i32 to index
      %get3A_1145 = arith.constant 0 : index
      %get3A_1146 = tpu.vector_load %arg10[%get3A_1144, %get3A_1145] {strides = array<i32>} : memref<80x16xf32, #tpu.memory_space<vmem>>, vector<1x16xf32>,
      %get3A_1147 = vector.shape_cast %get3A_1146 : vector<1x16xf32> to vector<16xf32>
      %broadcast_in_dim3A_1148 = arith.constant 4 : i32
      %broadcast_in_dim3A_1149 = vector.broadcast %broadcast_in_dim3A_1148 : i32 to vector<16x1xi32>
      %gather3A_1150 = vector.shape_cast %broadcast_in_dim3A_1149 : vector<16x1xi32> to vector<16xi32>
      %gather3A_1151 = tpu.dynamic_gather %get3A_1078[%gather3A_1150] in [0] : vector<16xf32>, vector<16xi32> -> vector<16xf32>
      %mul3A_1152 = arith.mulf %get3A_1147, %gather3A_1151 : vector<16xf32>
      %swap3A_1153 = arith.constant 68 : i32
      %swap3A_1154 = arith.index_cast %swap3A_1153 : i32 to index
      %swap3A_1155 = arith.constant 0 : index
      %swap3A_1156 = tpu.vector_load %arg10[%swap3A_1154, %swap3A_1155] {strides = array<i32>} : memref<80x16xf32, #tpu.memory_space<vmem>>, vector<1x16xf32>,
      %swap3A_1157 = vector.shape_cast %swap3A_1156 : vector<1x16xf32> to vector<16xf32>
      %swap3A_1158 = vector.shape_cast %mul3A_1152 : vector<16xf32> to vector<1x16xf32>
      tpu.vector_store %arg10[%swap3A_1154, %swap3A_1155], %swap3A_1158 {strides = array<i32>} : memref<80x16xf32, #tpu.memory_space<vmem>>, vector<1x16xf32>,
      %get3A_1159 = arith.constant 69 : i32
      %get3A_1160 = arith.index_cast %get3A_1159 : i32 to index
      %get3A_1161 = arith.constant 0 : index
      %get3A_1162 = tpu.vector_load %arg10[%get3A_1160, %get3A_1161] {strides = array<i32>} : memref<80x16xf32, #tpu.memory_space<vmem>>, vector<1x16xf32>,
      %get3A_1163 = vector.shape_cast %get3A_1162 : vector<1x16xf32> to vector<16xf32>
      %broadcast_in_dim3A_1164 = arith.constant 5 : i32
      %broadcast_in_dim3A_1165 = vector.broadcast %broadcast_in_dim3A_1164 : i32 to vector<16x1xi32>
      %gather3A_1166 = vector.shape_cast %broadcast_in_dim3A_1165 : vector<16x1xi32> to vector<16xi32>
      %gather3A_1167 = tpu.dynamic_gather %get3A_1078[%gather3A_1166] in [0] : vector<16xf32>, vector<16xi32> -> vector<16xf32>
      %mul3A_1168 = arith.mulf %get3A_1163, %gather3A_1167 : vector<16xf32>
      %swap3A_1169 = arith.constant 69 : i32
      %swap3A_1170 = arith.index_cast %swap3A_1169 : i32 to index
      %swap3A_1171 = arith.constant 0 : index
      %swap3A_1172 = tpu.vector_load %arg10[%swap3A_1170, %swap3A_1171] {strides = array<i32>} : memref<80x16xf32, #tpu.memory_space<vmem>>, vector<1x16xf32>,
      %swap3A_1173 = vector.shape_cast %swap3A_1172 : vector<1x16xf32> to vector<16xf32>
      %swap3A_1174 = vector.shape_cast %mul3A_1168 : vector<16xf32> to vector<1x16xf32>
      tpu.vector_store %arg10[%swap3A_1170, %swap3A_1171], %swap3A_1174 {strides = array<i32>} : memref<80x16xf32, #tpu.memory_space<vmem>>, vector<1x16xf32>,
      %get3A_1175 = arith.constant 70 : i32
      %get3A_1176 = arith.index_cast %get3A_1175 : i32 to index
      %get3A_1177 = arith.constant 0 : index
      %get3A_1178 = tpu.vector_load %arg10[%get3A_1176, %get3A_1177] {strides = array<i32>} : memref<80x16xf32, #tpu.memory_space<vmem>>, vector<1x16xf32>,
      %get3A_1179 = vector.shape_cast %get3A_1178 : vector<1x16xf32> to vector<16xf32>
      %broadcast_in_dim3A_1180 = arith.constant 6 : i32
      %broadcast_in_dim3A_1181 = vector.broadcast %broadcast_in_dim3A_1180 : i32 to vector<16x1xi32>
      %gather3A_1182 = vector.shape_cast %broadcast_in_dim3A_1181 : vector<16x1xi32> to vector<16xi32>
      %gather3A_1183 = tpu.dynamic_gather %get3A_1078[%gather3A_1182] in [0] : vector<16xf32>, vector<16xi32> -> vector<16xf32>
      %mul3A_1184 = arith.mulf %get3A_1179, %gather3A_1183 : vector<16xf32>
      %swap3A_1185 = arith.constant 70 : i32
      %swap3A_1186 = arith.index_cast %swap3A_1185 : i32 to index
      %swap3A_1187 = arith.constant 0 : index
      %swap3A_1188 = tpu.vector_load %arg10[%swap3A_1186, %swap3A_1187] {strides = array<i32>} : memref<80x16xf32, #tpu.memory_space<vmem>>, vector<1x16xf32>,
      %swap3A_1189 = vector.shape_cast %swap3A_1188 : vector<1x16xf32> to vector<16xf32>
      %swap3A_1190 = vector.shape_cast %mul3A_1184 : vector<16xf32> to vector<1x16xf32>
      tpu.vector_store %arg10[%swap3A_1186, %swap3A_1187], %swap3A_1190 {strides = array<i32>} : memref<80x16xf32, #tpu.memory_space<vmem>>, vector<1x16xf32>,
      %get3A_1191 = arith.constant 71 : i32
      %get3A_1192 = arith.index_cast %get3A_1191 : i32 to index
      %get3A_1193 = arith.constant 0 : index
      %get3A_1194 = tpu.vector_load %arg10[%get3A_1192, %get3A_1193] {strides = array<i32>} : memref<80x16xf32, #tpu.memory_space<vmem>>, vector<1x16xf32>,
      %get3A_1195 = vector.shape_cast %get3A_1194 : vector<1x16xf32> to vector<16xf32>
      %broadcast_in_dim3A_1196 = arith.constant 7 : i32
      %broadcast_in_dim3A_1197 = vector.broadcast %broadcast_in_dim3A_1196 : i32 to vector<16x1xi32>
      %gather3A_1198 = vector.shape_cast %broadcast_in_dim3A_1197 : vector<16x1xi32> to vector<16xi32>
      %gather3A_1199 = tpu.dynamic_gather %get3A_1078[%gather3A_1198] in [0] : vector<16xf32>, vector<16xi32> -> vector<16xf32>
      %mul3A_1200 = arith.mulf %get3A_1195, %gather3A_1199 : vector<16xf32>
      %swap3A_1201 = arith.constant 71 : i32
      %swap3A_1202 = arith.index_cast %swap3A_1201 : i32 to index
      %swap3A_1203 = arith.constant 0 : index
      %swap3A_1204 = tpu.vector_load %arg10[%swap3A_1202, %swap3A_1203] {strides = array<i32>} : memref<80x16xf32, #tpu.memory_space<vmem>>, vector<1x16xf32>,
      %swap3A_1205 = vector.shape_cast %swap3A_1204 : vector<1x16xf32> to vector<16xf32>
      %swap3A_1206 = vector.shape_cast %mul3A_1200 : vector<16xf32> to vector<1x16xf32>
      tpu.vector_store %arg10[%swap3A_1202, %swap3A_1203], %swap3A_1206 {strides = array<i32>} : memref<80x16xf32, #tpu.memory_space<vmem>>, vector<1x16xf32>,
      %get3A_1207 = arith.constant 72 : i32
      %get3A_1208 = arith.index_cast %get3A_1207 : i32 to index
      %get3A_1209 = arith.constant 0 : index
      %get3A_1210 = tpu.vector_load %arg10[%get3A_1208, %get3A_1209] {strides = array<i32>} : memref<80x16xf32, #tpu.memory_space<vmem>>, vector<1x16xf32>,
      %get3A_1211 = vector.shape_cast %get3A_1210 : vector<1x16xf32> to vector<16xf32>
      %broadcast_in_dim3A_1212 = arith.constant 8 : i32
      %broadcast_in_dim3A_1213 = vector.broadcast %broadcast_in_dim3A_1212 : i32 to vector<16x1xi32>
      %gather3A_1214 = vector.shape_cast %broadcast_in_dim3A_1213 : vector<16x1xi32> to vector<16xi32>
      %gather3A_1215 = tpu.dynamic_gather %get3A_1078[%gather3A_1214] in [0] : vector<16xf32>, vector<16xi32> -> vector<16xf32>
      %mul3A_1216 = arith.mulf %get3A_1211, %gather3A_1215 : vector<16xf32>
      %swap3A_1217 = arith.constant 72 : i32
      %swap3A_1218 = arith.index_cast %swap3A_1217 : i32 to index
      %swap3A_1219 = arith.constant 0 : index
      %swap3A_1220 = tpu.vector_load %arg10[%swap3A_1218, %swap3A_1219] {strides = array<i32>} : memref<80x16xf32, #tpu.memory_space<vmem>>, vector<1x16xf32>,
      %swap3A_1221 = vector.shape_cast %swap3A_1220 : vector<1x16xf32> to vector<16xf32>
      %swap3A_1222 = vector.shape_cast %mul3A_1216 : vector<16xf32> to vector<1x16xf32>
      tpu.vector_store %arg10[%swap3A_1218, %swap3A_1219], %swap3A_1222 {strides = array<i32>} : memref<80x16xf32, #tpu.memory_space<vmem>>, vector<1x16xf32>,
      %get3A_1223 = arith.constant 73 : i32
      %get3A_1224 = arith.index_cast %get3A_1223 : i32 to index
      %get3A_1225 = arith.constant 0 : index
      %get3A_1226 = tpu.vector_load %arg10[%get3A_1224, %get3A_1225] {strides = array<i32>} : memref<80x16xf32, #tpu.memory_space<vmem>>, vector<1x16xf32>,
      %get3A_1227 = vector.shape_cast %get3A_1226 : vector<1x16xf32> to vector<16xf32>
      %broadcast_in_dim3A_1228 = arith.constant 9 : i32
      %broadcast_in_dim3A_1229 = vector.broadcast %broadcast_in_dim3A_1228 : i32 to vector<16x1xi32>
      %gather3A_1230 = vector.shape_cast %broadcast_in_dim3A_1229 : vector<16x1xi32> to vector<16xi32>
      %gather3A_1231 = tpu.dynamic_gather %get3A_1078[%gather3A_1230] in [0] : vector<16xf32>, vector<16xi32> -> vector<16xf32>
      %mul3A_1232 = arith.mulf %get3A_1227, %gather3A_1231 : vector<16xf32>
      %swap3A_1233 = arith.constant 73 : i32
      %swap3A_1234 = arith.index_cast %swap3A_1233 : i32 to index
      %swap3A_1235 = arith.constant 0 : index
      %swap3A_1236 = tpu.vector_load %arg10[%swap3A_1234, %swap3A_1235] {strides = array<i32>} : memref<80x16xf32, #tpu.memory_space<vmem>>, vector<1x16xf32>,
      %swap3A_1237 = vector.shape_cast %swap3A_1236 : vector<1x16xf32> to vector<16xf32>
      %swap3A_1238 = vector.shape_cast %mul3A_1232 : vector<16xf32> to vector<1x16xf32>
      tpu.vector_store %arg10[%swap3A_1234, %swap3A_1235], %swap3A_1238 {strides = array<i32>} : memref<80x16xf32, #tpu.memory_space<vmem>>, vector<1x16xf32>,
      %get3A_1239 = arith.constant 74 : i32
      %get3A_1240 = arith.index_cast %get3A_1239 : i32 to index
      %get3A_1241 = arith.constant 0 : index
      %get3A_1242 = tpu.vector_load %arg10[%get3A_1240, %get3A_1241] {strides = array<i32>} : memref<80x16xf32, #tpu.memory_space<vmem>>, vector<1x16xf32>,
      %get3A_1243 = vector.shape_cast %get3A_1242 : vector<1x16xf32> to vector<16xf32>
      %broadcast_in_dim3A_1244 = arith.constant 10 : i32
      %broadcast_in_dim3A_1245 = vector.broadcast %broadcast_in_dim3A_1244 : i32 to vector<16x1xi32>
      %gather3A_1246 = vector.shape_cast %broadcast_in_dim3A_1245 : vector<16x1xi32> to vector<16xi32>
      %gather3A_1247 = tpu.dynamic_gather %get3A_1078[%gather3A_1246] in [0] : vector<16xf32>, vector<16xi32> -> vector<16xf32>
      %mul3A_1248 = arith.mulf %get3A_1243, %gather3A_1247 : vector<16xf32>
      %swap3A_1249 = arith.constant 74 : i32
      %swap3A_1250 = arith.index_cast %swap3A_1249 : i32 to index
      %swap3A_1251 = arith.constant 0 : index
      %swap3A_1252 = tpu.vector_load %arg10[%swap3A_1250, %swap3A_1251] {strides = array<i32>} : memref<80x16xf32, #tpu.memory_space<vmem>>, vector<1x16xf32>,
      %swap3A_1253 = vector.shape_cast %swap3A_1252 : vector<1x16xf32> to vector<16xf32>
      %swap3A_1254 = vector.shape_cast %mul3A_1248 : vector<16xf32> to vector<1x16xf32>
      tpu.vector_store %arg10[%swap3A_1250, %swap3A_1251], %swap3A_1254 {strides = array<i32>} : memref<80x16xf32, #tpu.memory_space<vmem>>, vector<1x16xf32>,
      %get3A_1255 = arith.constant 75 : i32
      %get3A_1256 = arith.index_cast %get3A_1255 : i32 to index
      %get3A_1257 = arith.constant 0 : index
      %get3A_1258 = tpu.vector_load %arg10[%get3A_1256, %get3A_1257] {strides = array<i32>} : memref<80x16xf32, #tpu.memory_space<vmem>>, vector<1x16xf32>,
      %get3A_1259 = vector.shape_cast %get3A_1258 : vector<1x16xf32> to vector<16xf32>
      %broadcast_in_dim3A_1260 = arith.constant 11 : i32
      %broadcast_in_dim3A_1261 = vector.broadcast %broadcast_in_dim3A_1260 : i32 to vector<16x1xi32>
      %gather3A_1262 = vector.shape_cast %broadcast_in_dim3A_1261 : vector<16x1xi32> to vector<16xi32>
      %gather3A_1263 = tpu.dynamic_gather %get3A_1078[%gather3A_1262] in [0] : vector<16xf32>, vector<16xi32> -> vector<16xf32>
      %mul3A_1264 = arith.mulf %get3A_1259, %gather3A_1263 : vector<16xf32>
      %swap3A_1265 = arith.constant 75 : i32
      %swap3A_1266 = arith.index_cast %swap3A_1265 : i32 to index
      %swap3A_1267 = arith.constant 0 : index
      %swap3A_1268 = tpu.vector_load %arg10[%swap3A_1266, %swap3A_1267] {strides = array<i32>} : memref<80x16xf32, #tpu.memory_space<vmem>>, vector<1x16xf32>,
      %swap3A_1269 = vector.shape_cast %swap3A_1268 : vector<1x16xf32> to vector<16xf32>
      %swap3A_1270 = vector.shape_cast %mul3A_1264 : vector<16xf32> to vector<1x16xf32>
      tpu.vector_store %arg10[%swap3A_1266, %swap3A_1267], %swap3A_1270 {strides = array<i32>} : memref<80x16xf32, #tpu.memory_space<vmem>>, vector<1x16xf32>,
      %get3A_1271 = arith.constant 76 : i32
      %get3A_1272 = arith.index_cast %get3A_1271 : i32 to index
      %get3A_1273 = arith.constant 0 : index
      %get3A_1274 = tpu.vector_load %arg10[%get3A_1272, %get3A_1273] {strides = array<i32>} : memref<80x16xf32, #tpu.memory_space<vmem>>, vector<1x16xf32>,
      %get3A_1275 = vector.shape_cast %get3A_1274 : vector<1x16xf32> to vector<16xf32>
      %broadcast_in_dim3A_1276 = arith.constant 12 : i32
      %broadcast_in_dim3A_1277 = vector.broadcast %broadcast_in_dim3A_1276 : i32 to vector<16x1xi32>
      %gather3A_1278 = vector.shape_cast %broadcast_in_dim3A_1277 : vector<16x1xi32> to vector<16xi32>
      %gather3A_1279 = tpu.dynamic_gather %get3A_1078[%gather3A_1278] in [0] : vector<16xf32>, vector<16xi32> -> vector<16xf32>
      %mul3A_1280 = arith.mulf %get3A_1275, %gather3A_1279 : vector<16xf32>
      %swap3A_1281 = arith.constant 76 : i32
      %swap3A_1282 = arith.index_cast %swap3A_1281 : i32 to index
      %swap3A_1283 = arith.constant 0 : index
      %swap3A_1284 = tpu.vector_load %arg10[%swap3A_1282, %swap3A_1283] {strides = array<i32>} : memref<80x16xf32, #tpu.memory_space<vmem>>, vector<1x16xf32>,
      %swap3A_1285 = vector.shape_cast %swap3A_1284 : vector<1x16xf32> to vector<16xf32>
      %swap3A_1286 = vector.shape_cast %mul3A_1280 : vector<16xf32> to vector<1x16xf32>
      tpu.vector_store %arg10[%swap3A_1282, %swap3A_1283], %swap3A_1286 {strides = array<i32>} : memref<80x16xf32, #tpu.memory_space<vmem>>, vector<1x16xf32>,
      %get3A_1287 = arith.constant 77 : i32
      %get3A_1288 = arith.index_cast %get3A_1287 : i32 to index
      %get3A_1289 = arith.constant 0 : index
      %get3A_1290 = tpu.vector_load %arg10[%get3A_1288, %get3A_1289] {strides = array<i32>} : memref<80x16xf32, #tpu.memory_space<vmem>>, vector<1x16xf32>,
      %get3A_1291 = vector.shape_cast %get3A_1290 : vector<1x16xf32> to vector<16xf32>
      %broadcast_in_dim3A_1292 = arith.constant 13 : i32
      %broadcast_in_dim3A_1293 = vector.broadcast %broadcast_in_dim3A_1292 : i32 to vector<16x1xi32>
      %gather3A_1294 = vector.shape_cast %broadcast_in_dim3A_1293 : vector<16x1xi32> to vector<16xi32>
      %gather3A_1295 = tpu.dynamic_gather %get3A_1078[%gather3A_1294] in [0] : vector<16xf32>, vector<16xi32> -> vector<16xf32>
      %mul3A_1296 = arith.mulf %get3A_1291, %gather3A_1295 : vector<16xf32>
      %swap3A_1297 = arith.constant 77 : i32
      %swap3A_1298 = arith.index_cast %swap3A_1297 : i32 to index
      %swap3A_1299 = arith.constant 0 : index
      %swap3A_1300 = tpu.vector_load %arg10[%swap3A_1298, %swap3A_1299] {strides = array<i32>} : memref<80x16xf32, #tpu.memory_space<vmem>>, vector<1x16xf32>,
      %swap3A_1301 = vector.shape_cast %swap3A_1300 : vector<1x16xf32> to vector<16xf32>
      %swap3A_1302 = vector.shape_cast %mul3A_1296 : vector<16xf32> to vector<1x16xf32>
      tpu.vector_store %arg10[%swap3A_1298, %swap3A_1299], %swap3A_1302 {strides = array<i32>} : memref<80x16xf32, #tpu.memory_space<vmem>>, vector<1x16xf32>,
      %get3A_1303 = arith.constant 78 : i32
      %get3A_1304 = arith.index_cast %get3A_1303 : i32 to index
      %get3A_1305 = arith.constant 0 : index
      %get3A_1306 = tpu.vector_load %arg10[%get3A_1304, %get3A_1305] {strides = array<i32>} : memref<80x16xf32, #tpu.memory_space<vmem>>, vector<1x16xf32>,
      %get3A_1307 = vector.shape_cast %get3A_1306 : vector<1x16xf32> to vector<16xf32>
      %broadcast_in_dim3A_1308 = arith.constant 14 : i32
      %broadcast_in_dim3A_1309 = vector.broadcast %broadcast_in_dim3A_1308 : i32 to vector<16x1xi32>
      %gather3A_1310 = vector.shape_cast %broadcast_in_dim3A_1309 : vector<16x1xi32> to vector<16xi32>
      %gather3A_1311 = tpu.dynamic_gather %get3A_1078[%gather3A_1310] in [0] : vector<16xf32>, vector<16xi32> -> vector<16xf32>
      %mul3A_1312 = arith.mulf %get3A_1307, %gather3A_1311 : vector<16xf32>
      %swap3A_1313 = arith.constant 78 : i32
      %swap3A_1314 = arith.index_cast %swap3A_1313 : i32 to index
      %swap3A_1315 = arith.constant 0 : index
      %swap3A_1316 = tpu.vector_load %arg10[%swap3A_1314, %swap3A_1315] {strides = array<i32>} : memref<80x16xf32, #tpu.memory_space<vmem>>, vector<1x16xf32>,
      %swap3A_1317 = vector.shape_cast %swap3A_1316 : vector<1x16xf32> to vector<16xf32>
      %swap3A_1318 = vector.shape_cast %mul3A_1312 : vector<16xf32> to vector<1x16xf32>
      tpu.vector_store %arg10[%swap3A_1314, %swap3A_1315], %swap3A_1318 {strides = array<i32>} : memref<80x16xf32, #tpu.memory_space<vmem>>, vector<1x16xf32>,
      %get3A_1319 = arith.constant 79 : i32
      %get3A_1320 = arith.index_cast %get3A_1319 : i32 to index
      %get3A_1321 = arith.constant 0 : index
      %get3A_1322 = tpu.vector_load %arg10[%get3A_1320, %get3A_1321] {strides = array<i32>} : memref<80x16xf32, #tpu.memory_space<vmem>>, vector<1x16xf32>,
      %get3A_1323 = vector.shape_cast %get3A_1322 : vector<1x16xf32> to vector<16xf32>
      %broadcast_in_dim3A_1324 = arith.constant 15 : i32
      %broadcast_in_dim3A_1325 = vector.broadcast %broadcast_in_dim3A_1324 : i32 to vector<16x1xi32>
      %gather3A_1326 = vector.shape_cast %broadcast_in_dim3A_1325 : vector<16x1xi32> to vector<16xi32>
      %gather3A_1327 = tpu.dynamic_gather %get3A_1078[%gather3A_1326] in [0] : vector<16xf32>, vector<16xi32> -> vector<16xf32>
      %mul3A_1328 = arith.mulf %get3A_1323, %gather3A_1327 : vector<16xf32>
      %swap3A_1329 = arith.constant 79 : i32
      %swap3A_1330 = arith.index_cast %swap3A_1329 : i32 to index
      %swap3A_1331 = arith.constant 0 : index
      %swap3A_1332 = tpu.vector_load %arg10[%swap3A_1330, %swap3A_1331] {strides = array<i32>} : memref<80x16xf32, #tpu.memory_space<vmem>>, vector<1x16xf32>,
      %swap3A_1333 = vector.shape_cast %swap3A_1332 : vector<1x16xf32> to vector<16xf32>
      %swap3A_1334 = vector.shape_cast %mul3A_1328 : vector<16xf32> to vector<1x16xf32>
      tpu.vector_store %arg10[%swap3A_1330, %swap3A_1331], %swap3A_1334 {strides = array<i32>} : memref<80x16xf32, #tpu.memory_space<vmem>>, vector<1x16xf32>,
      "tpu.region"() ({
        %run_scoped3A = tpu.sem_alloc : memref<!tpu.dma_semaphore, #tpu.memory_space<semaphore_mem>>
        %dma_start3A_1335 = arith.constant 0 : i32
        %dma_start3A_1336 = tpu.memref_slice %arg8[%scan3A_28, %dma_start3A_1335] : memref<128x80xi32, #tpu.memory_space<vmem>> -> memref<1x80xi32, #tpu.memory_space<vmem>>
        %dma_start3A_1337 = tpu.memref_squeeze %dma_start3A_1336 : memref<1x80xi32, #tpu.memory_space<vmem>> -> memref<80xi32, #tpu.memory_space<vmem>>
        %dma_start3A_1338 = arith.constant 0 : i32
        %dma_start3A_1339 = arith.constant 0 : i32
        %dma_start3A_1340 = tpu.memref_slice %arg12[%dma_start3A_1338, %dma_start3A_1339] : memref<10112x16xf32, #tpu.memory_space<vmem_shared>> -> memref<10112x16xf32, #tpu.memory_space<vmem_shared>>
        tpu.enqueue_indirect_dma source(%arg10 : memref<80x16xf32, #tpu.memory_space<vmem>>) target(%dma_start3A_1340 : memref<10112x16xf32, #tpu.memory_space<vmem_shared>>) offsets(%dma_start3A_1337 : memref<80xi32, #tpu.memory_space<vmem>>) semaphore(%run_scoped3A : memref<!tpu.dma_semaphore, #tpu.memory_space<semaphore_mem>>) {add = true}
        %dma_wait3A_1341 = arith.constant 0 : i32
        %dma_wait3A_1342 = tpu.memref_slice %arg8[%scan3A_28, %dma_wait3A_1341] : memref<128x80xi32, #tpu.memory_space<vmem>> -> memref<1x80xi32, #tpu.memory_space<vmem>>
        %dma_wait3A_1343 = tpu.memref_squeeze %dma_wait3A_1342 : memref<1x80xi32, #tpu.memory_space<vmem>> -> memref<80xi32, #tpu.memory_space<vmem>>
        %dma_wait3A_1344 = arith.constant 0 : i32
        %dma_wait3A_1345 = arith.constant 0 : i32
        %dma_wait3A_1346 = tpu.memref_slice %arg12[%dma_wait3A_1344, %dma_wait3A_1345] : memref<10112x16xf32, #tpu.memory_space<vmem_shared>> -> memref<10112x16xf32, #tpu.memory_space<vmem_shared>>
        tpu.wait_indirect_dma semaphore(%run_scoped3A : memref<!tpu.dma_semaphore, #tpu.memory_space<semaphore_mem>>) src(%arg10 : memref<80x16xf32, #tpu.memory_space<vmem>>) dst(%dma_wait3A_1346 : memref<10112x16xf32, #tpu.memory_space<vmem_shared>>)
        tpu.yield
      }) : () -> ()
    }
    %scan3A_19 = arith.constant 128 : i32
    %barrier3A_20 = arith.constant 0 : index
    tpu.barrier barrier_id(%barrier3A_20)
    %mul3A_21 = arith.constant 632 : i32
    %mul3A_22 = arith.muli %arg1, %mul3A_21 : i32
    %mul3A_23 = arith.constant 10112 : i32
    %mul3A_24 = arith.muli %arg0, %mul3A_23 : i32
    %mul3A_25 = arith.constant 632 : i32
    %mul3A_26 = arith.muli %arg1, %mul3A_25 : i32
    %add3A_27 = arith.addi %mul3A_24, %mul3A_26 : i32
    "tpu.region"() ({
      %run_scoped3A = tpu.sem_alloc : memref<!tpu.dma_semaphore, #tpu.memory_space<semaphore_mem>>
      %dma_start3A = arith.constant 0 : i32
      %dma_start3A_28 = tpu.memref_slice %arg6[%add3A_27, %dma_start3A] : memref<20224x16xf32, #tpu.memory_space<hbm>> -> memref<632x16xf32, #tpu.memory_space<hbm>>
      %dma_start3A_29 = arith.constant 0 : i32
      %dma_start3A_30 = tpu.memref_slice %arg12[%mul3A_22, %dma_start3A_29] : memref<10112x16xf32, #tpu.memory_space<vmem_shared>> -> memref<632x16xf32, #tpu.memory_space<vmem_shared>>
      tpu.enqueue_dma source(%dma_start3A_30 : memref<632x16xf32, #tpu.memory_space<vmem_shared>>) target(%dma_start3A_28 : memref<632x16xf32, #tpu.memory_space<hbm>>) target_semaphore(%run_scoped3A : memref<!tpu.dma_semaphore, #tpu.memory_space<semaphore_mem>>)
      %dma_wait3A = arith.constant 0 : i32
      %dma_wait3A_31 = tpu.memref_slice %arg6[%add3A_27, %dma_wait3A] : memref<20224x16xf32, #tpu.memory_space<hbm>> -> memref<632x16xf32, #tpu.memory_space<hbm>>
      %dma_wait3A_32 = arith.constant 0 : i32
      %dma_wait3A_33 = tpu.memref_slice %arg12[%mul3A_22, %dma_wait3A_32] : memref<10112x16xf32, #tpu.memory_space<vmem_shared>> -> memref<632x16xf32, #tpu.memory_space<vmem_shared>>
      tpu.wait_dma2 semaphore(%run_scoped3A : memref<!tpu.dma_semaphore, #tpu.memory_space<semaphore_mem>>) src(%dma_wait3A_33 : memref<632x16xf32, #tpu.memory_space<vmem_shared>>) dst(%dma_wait3A_31 : memref<632x16xf32, #tpu.memory_space<hbm>>)
      tpu.yield
    }) : () -> ()
    return
  }
}

module attributes {stable_mosaic.version = 14 : i64} {
  func.func @body(%arg0: i32, %arg1: memref<1000x128xf32, #tpu.memory_space<vmem>>, %arg2: memref<128x16xf32, #tpu.memory_space<vmem>>, %arg3: memref<1000x16xf32, #tpu.memory_space<vmem>>) attributes {dimension_semantics = [#tpu.dimension_semantics<arbitrary>], iteration_bounds = array<i64: 10>, scalar_prefetch = 0 : i64, scratch_operands = 0 : i64, tpu.core_type = #tpu.core_type<tc>, window_params = [{transform_indices = @transform_0, window_bounds = array<i64: 1000, 128>}, {pipeline_mode = #tpu.pipeline_mode<synchronous>, transform_indices = @transform_1, window_bounds = array<i64: 128, 16>}, {transform_indices = @transform_2, window_bounds = array<i64: 1000, 16>}]} {
    %get3A = arith.constant 0 : index
    %get3A_0 = arith.constant 0 : index
    %get3A_1 = vector.load %arg1[%get3A, %get3A_0] : memref<1000x128xf32, #tpu.memory_space<vmem>>, vector<1000x128xf32>
    %get3A_2 = arith.constant 0 : index
    %get3A_3 = arith.constant 0 : index
    %get3A_4 = vector.load %arg2[%get3A_2, %get3A_3] : memref<128x16xf32, #tpu.memory_space<vmem>>, vector<128x16xf32>
    %dot_general3A = arith.constant dense<0.000000e+00> : vector<1000x16xf32>
    %dot_general3A_5 = tpu.matmul %get3A_1, %get3A_4, %dot_general3A {dimension_numbers = #tpu.dot_dimension_numbers<[1], [0], [0], [1], [0, 0, 1, 1], [], []>, transpose_lhs_hint = false} : vector<1000x128xf32>, vector<128x16xf32>, vector<1000x16xf32> -> vector<1000x16xf32>
    %swap3A = arith.constant 0 : index
    %swap3A_6 = arith.constant 0 : index
    %swap3A_7 = vector.load %arg3[%swap3A, %swap3A_6] : memref<1000x16xf32, #tpu.memory_space<vmem>>, vector<1000x16xf32>
    tpu.vector_store %arg3[%swap3A, %swap3A_6], %dot_general3A_5 {strides = array<i32>} : memref<1000x16xf32, #tpu.memory_space<vmem>>, vector<1000x16xf32>,
    return
  }
  func.func @transform_0(%arg0: i32) -> (i32, i32) {
    %c0_i32 = arith.constant 0 : i32
    %c0_i32_0 = arith.constant 0 : i32
    return %arg0, %c0_i32 : i32, i32
  }
  func.func @transform_1(%arg0: i32) -> (i32, i32) {
    %c0_i32 = arith.constant 0 : i32
    %c0_i32_0 = arith.constant 0 : i32
    %c0_i32_1 = arith.constant 0 : i32
    return %c0_i32, %c0_i32_0 : i32, i32
  }
  func.func @transform_2(%arg0: i32) -> (i32, i32) {
    %c0_i32 = arith.constant 0 : i32
    %c0_i32_0 = arith.constant 0 : i32
    return %arg0, %c0_i32 : i32, i32
  }
}

module attributes {stable_mosaic.version = 14 : i64} {
  func.func @body(%arg0: memref<2x10112x16xf32, #tpu.memory_space<vmem>>, %arg1: memref<1x16xf32, #tpu.memory_space<vmem>>, %arg2: memref<10112x16xf32, #tpu.memory_space<vmem>>) attributes {dimension_semantics = [], scalar_prefetch = 0 : i64, scratch_operands = 0 : i64, tpu.core_type = #tpu.core_type<tc>} {
    %get3A = arith.constant 0 : index
    %get3A_0 = arith.constant 0 : index
    %get3A_1 = arith.constant 0 : index
    %get3A_2 = vector.load %arg0[%get3A, %get3A_0, %get3A_1] : memref<2x10112x16xf32, #tpu.memory_space<vmem>>, vector<1x10112x16xf32>
    %get3A_3 = vector.shape_cast %get3A_2 : vector<1x10112x16xf32> to vector<10112x16xf32>
    %get3A_4 = arith.constant 1 : index
    %get3A_5 = arith.constant 0 : index
    %get3A_6 = arith.constant 0 : index
    %get3A_7 = vector.load %arg0[%get3A_4, %get3A_5, %get3A_6] : memref<2x10112x16xf32, #tpu.memory_space<vmem>>, vector<1x10112x16xf32>
    %get3A_8 = vector.shape_cast %get3A_7 : vector<1x10112x16xf32> to vector<10112x16xf32>
    %add3A = arith.addf %get3A_3, %get3A_8 : vector<10112x16xf32>
    %get3A_9 = arith.constant 0 : index
    %get3A_10 = arith.constant 0 : index
    %get3A_11 = vector.load %arg1[%get3A_9, %get3A_10] : memref<1x16xf32, #tpu.memory_space<vmem>>, vector<1x16xf32>
    %add3A_12 = vector.broadcast %get3A_11 : vector<1x16xf32> to vector<10112x16xf32>
    %add3A_13 = arith.addf %add3A, %add3A_12 : vector<10112x16xf32>
    %max3A = arith.constant 0.000000e+00 : f32
    %max3A_14 = vector.broadcast %max3A : f32 to vector<10112x16xf32>
    %max3A_15 = arith.maximumf %add3A_13, %max3A_14 : vector<10112x16xf32>
    %swap3A = arith.constant 0 : index
    %swap3A_16 = arith.constant 0 : index
    %swap3A_17 = vector.load %arg2[%swap3A, %swap3A_16] : memref<10112x16xf32, #tpu.memory_space<vmem>>, vector<10112x16xf32>
    tpu.vector_store %arg2[%swap3A, %swap3A_16], %max3A_15 {strides = array<i32>} : memref<10112x16xf32, #tpu.memory_space<vmem>>, vector<10112x16xf32>,
    return
  }
}

module attributes {stable_mosaic.version = 14 : i64} {
  func.func @body(%arg0: memref<2x10112x16xf32, #tpu.memory_space<vmem>>, %arg1: memref<16x7xf32, #tpu.memory_space<vmem>>, %arg2: memref<1x7xf32, #tpu.memory_space<vmem>>, %arg3: memref<10000x7xf32, #tpu.memory_space<vmem>>) attributes {dimension_semantics = [], scalar_prefetch = 0 : i64, scratch_operands = 0 : i64, tpu.core_type = #tpu.core_type<tc>} {
    %get3A = arith.constant 0 : index
    %get3A_0 = arith.constant 0 : index
    %get3A_1 = arith.constant 0 : index
    %get3A_2 = vector.load %arg0[%get3A, %get3A_0, %get3A_1] : memref<2x10112x16xf32, #tpu.memory_space<vmem>>, vector<1x10000x16xf32>
    %get3A_3 = vector.shape_cast %get3A_2 : vector<1x10000x16xf32> to vector<10000x16xf32>
    %get3A_4 = arith.constant 1 : index
    %get3A_5 = arith.constant 0 : index
    %get3A_6 = arith.constant 0 : index
    %get3A_7 = vector.load %arg0[%get3A_4, %get3A_5, %get3A_6] : memref<2x10112x16xf32, #tpu.memory_space<vmem>>, vector<1x10000x16xf32>
    %get3A_8 = vector.shape_cast %get3A_7 : vector<1x10000x16xf32> to vector<10000x16xf32>
    %add3A = arith.addf %get3A_3, %get3A_8 : vector<10000x16xf32>
    %get3A_9 = arith.constant 0 : index
    %get3A_10 = arith.constant 0 : index
    %get3A_11 = vector.load %arg1[%get3A_9, %get3A_10] : memref<16x7xf32, #tpu.memory_space<vmem>>, vector<16x7xf32>
    %dot_general3A = arith.constant dense<0.000000e+00> : vector<10000x7xf32>
    %dot_general3A_12 = tpu.matmul %add3A, %get3A_11, %dot_general3A {dimension_numbers = #tpu.dot_dimension_numbers<[1], [0], [0], [1], [0, 0, 1, 1], [], []>, transpose_lhs_hint = false} : vector<10000x16xf32>, vector<16x7xf32>, vector<10000x7xf32> -> vector<10000x7xf32>
    %get3A_13 = arith.constant 0 : index
    %get3A_14 = arith.constant 0 : index
    %get3A_15 = vector.load %arg2[%get3A_13, %get3A_14] : memref<1x7xf32, #tpu.memory_space<vmem>>, vector<1x7xf32>
    %add3A_16 = vector.broadcast %get3A_15 : vector<1x7xf32> to vector<10000x7xf32>
    %add3A_17 = arith.addf %dot_general3A_12, %add3A_16 : vector<10000x7xf32>
    %swap3A = arith.constant 0 : index
    %swap3A_18 = arith.constant 0 : index
    %swap3A_19 = vector.load %arg3[%swap3A, %swap3A_18] : memref<10000x7xf32, #tpu.memory_space<vmem>>, vector<10000x7xf32>
    tpu.vector_store %arg3[%swap3A, %swap3A_18], %add3A_17 {strides = array<i32>} : memref<10000x7xf32, #tpu.memory_space<vmem>>, vector<10000x7xf32>,
    return
  }
}

</mosaic_0001>

<sc_bundles>
// kernel: kernel.10.cloned.1.call-start
scs
__scs_entry_jumppad:
0x0: {  	(pc) =	sbr.rel $0x88, $3  }
0x1: {  	(tag) =	ssettag $0x0;
	lr =	simm.s32 $0x1  }
0x2: {  	[smem:$0x3F9A] =	sst lr;
	_ =	strace $0xD0000000  }
0x3: {  	_ = 	snop  }
0x4: {  	_ = 	snop  }
0x5: {  	_ = 	snop  }
0x6: {  	_ = 	snop  }
0x7: {  	_ = 	snop  }
__scs_overlays_trampoline_lowered:
0x8: {  	[smem:$0x3FA9] =	sst s0  }
0x9: {  	[smem:$0x3FAA] =	sst s1  }
0xa: {  	[smem:$0x3FAB] =	sst s2  }
0xb: {  	[smem:$0x3FAC] =	sst s3  }
0xc: {  	[smem:$0x3FAD] =	sst s4  }
0xd: {  	[smem:$0x3FAE] =	sst s5  }
0xe: {  	[smem:$0x3FAF] =	sst s6  }
0xf: {  	[smem:$0x3FB0] =	sst s7  }
0x10: {  	[smem:$0x3FB1] =	sst s8  }
0x11: {  	[smem:$0x3FB2] =	sst s9;
	s0 =	simm.s32 @!p0 $0x0  }
0x12: {  	s1 =	sld [smem:$0x3F98];
	s0 =	simm.s32 @p0 $0x1  }
0x13: {  	[smem:$0x3FB3] =	sst s0;
	s0 =	simm.s32 @!p1 $0x0  }
0x14: {  	s2 =	sld [smem:$0x3F97];
	s0 =	simm.s32 @p1 $0x1  }
0x15: {  	[smem:$0x3FB4] =	sst s0;
	s0 =	simm.s32 @!p2 $0x0  }
0x16: {  	s3 =	sld [smem:$0x3FDB];
	s0 =	simm.s32 @p2 $0x1  }
0x17: {  	s4 =	simm.s32 $0x1BF5;
	[smem:$0x3FB6] =	sst s0  }
0x18: {  	s0 =	sld [smem:$0x3F99];
	_ =	swait.ge [sflag:s4], $0x0  }
0x19: {  	s7 =	sld [smem:$0x3F9A]  }
0x1a: {  	s8 =	sadd.s32 $0xFFFFE003, lr  }
0x1b: {  	s9 =	sadd.s32 $0xFFFFFEF7, lr;
	s5 =	simm.s32 $0xFFFFFFFF;
	p2 =	slt.u32 s8, $0xFFFFF086  }
0x1c: {  	p1 =	slt.u32 s9, $0xF7A;
	s5 =	simm.s32 @!p2 $0x0  }
0x1d: {  	s5 =	simm.s32 @p1 $0x1;
	p0 =	seq.s32 s7, s2  }
0x1e: {  	s7 =	smul.u32 @!p0 $0xF7A, s2;
	p2 =	seq.s32 @!p0 s5, $0x0  }
0x1f: {  	s9 =	smul.u32 $0xF7A, s1;
	s8 =	simm.s32 @!p0 $0x1BF5;
	p2 =	por !p2, p0  }
0x20: {  	[sflag:s8] =	ssyncset.s32 @!p0 $0xFFFFF086;
	s6 =	sadd.s32 @!p0 s3, s7;
	s7 =	simm.s32 @!p0 $0x108  }
0x21: {  	s3 =	sadd.s32 s3, s9;
	s6 =	sadd.s32 @!p0 $0x88, s6;
	s7 =	simm.s32 @p2 $0x1082  }
0x22: {  	[simem:s7], [sflag:s8] =	dma.local @!p0 [hbm:s6], $0xF7A  }
0x23: {  	s9 =	sor.u32 $0xD0000000, s2;
	s6 =	simm.s32 $0x108;
	_ =	swait.ge @!p0 [sflag:s8], $0x0  }
0x24: {  	s3 =	sadd.s32 $0x88, s3;
	s6 =	simm.s32 @!p1 $0x1082;
	[sflag:s4] =	ssyncset.s32 $0xFFFFF086  }
0x25: {  	[simem:s6], [sflag:s4] =	dma.local [hbm:s3], $0xF7A  }
0x26: {  	[smem:$0x3F9A] =	sst s1;
	(tag) =	ssettag s2;
	_ =	strace s9  }
0x27: {  	s1 =	sld [smem:$0x3FAA]  }
0x28: {  	s2 =	sld [smem:$0x3FAB]  }
0x29: {  	s4 =	sld [smem:$0x3FAD]  }
0x2a: {  	p0 =	seq.s32 s5, $0x0;
	s5 =	sld [smem:$0x3FAE]  }
0x2b: {  	s6 =	sld [smem:$0x3FAF]  }
0x2c: {  	s7 =	sld [smem:$0x3FB0]  }
0x2d: {  	s3 =	simm.s32 $0x108;
	s8 =	sld [smem:$0x3FB1]  }
0x2e: {  	s3 =	simm.s32 @!p0 $0x1082;
	s9 =	sld [smem:$0x3FB2]  }
0x2f: {  	lr =	sadd.s32 s0, s3;
	s0 =	sld [smem:$0x3FA9]  }
0x30: {  	s3 =	sld [smem:$0x3FAC]  }
0x31: {  	[smem:$0x3FB5] =	sst s10  }
0x32: {  	s10 =	sld [smem:$0x3FB3];
	_ =	sdelay $0x3  }
0x33: {  	p0 =	seq.s32 s10, $0x1;
	s10 =	sld [smem:$0x3FB5];
	_ =	sdelay $0x3  }
0x34: {  	[smem:$0x3FB5] =	sst s10  }
0x35: {  	s10 =	sld [smem:$0x3FB4];
	_ =	sdelay $0x3  }
0x36: {  	p1 =	seq.s32 s10, $0x1;
	s10 =	sld [smem:$0x3FB5];
	_ =	sdelay $0x3  }
0x37: {  	[smem:$0x3FB5] =	sst s10  }
0x38: {  	s10 =	sld [smem:$0x3FB6]  }
0x39: {  	_ = 	snop;
	(pc) =	sbr.ind lr, $3  }
0x3a: {  	_ = 	snop  }
0x3b: {  	_ = 	snop  }
0x3c: {  	p2 =	seq.s32 s10, $0x1;
	s10 =	sld [smem:$0x3FB5]  }
0x3d: {  	_ =	shalt  }
0x3e: {  	_ =	shalt  }
0x3f: {  	_ =	shalt  }
0x40: {  	_ =	shalt  }
0x41: {  	_ =	shalt  }
0x42: {  	_ =	shalt  }
0x43: {  	_ =	shalt  }
0x44: {  	_ =	shalt  }
0x45: {  	_ =	shalt  }
0x46: {  	_ =	shalt  }
0x47: {  	_ =	shalt  }
0x48: {  	_ =	shalt  }
0x49: {  	_ =	shalt  }
0x4a: {  	_ =	shalt  }
0x4b: {  	_ =	shalt  }
0x4c: {  	_ =	shalt  }
0x4d: {  	_ =	shalt  }
0x4e: {  	_ =	shalt  }
0x4f: {  	_ =	shalt  }
0x50: {  	_ =	shalt  }
0x51: {  	_ =	shalt  }
0x52: {  	_ =	shalt  }
0x53: {  	_ =	shalt  }
0x54: {  	_ =	shalt  }
0x55: {  	_ =	shalt  }
0x56: {  	_ =	shalt  }
0x57: {  	_ =	shalt  }
0x58: {  	_ =	shalt  }
0x59: {  	_ =	shalt  }
0x5a: {  	_ =	shalt  }
0x5b: {  	_ =	shalt  }
0x5c: {  	_ =	shalt  }
0x5d: {  	_ =	shalt  }
0x5e: {  	_ =	shalt  }
0x5f: {  	_ =	shalt  }
0x60: {  	_ =	shalt  }
0x61: {  	_ =	shalt  }
0x62: {  	_ =	shalt  }
0x63: {  	_ =	shalt  }
0x64: {  	_ =	shalt  }
0x65: {  	_ =	shalt  }
0x66: {  	_ =	shalt  }
0x67: {  	_ =	shalt  }
0x68: {  	_ =	shalt  }
0x69: {  	_ =	shalt  }
0x6a: {  	_ =	shalt  }
0x6b: {  	_ =	shalt  }
0x6c: {  	_ =	shalt  }
0x6d: {  	_ =	shalt  }
0x6e: {  	_ =	shalt  }
0x6f: {  	_ =	shalt  }
0x70: {  	_ =	shalt  }
0x71: {  	_ =	shalt  }
0x72: {  	_ =	shalt  }
0x73: {  	_ =	shalt  }
0x74: {  	_ =	shalt  }
0x75: {  	_ =	shalt  }
0x76: {  	_ =	shalt  }
0x77: {  	_ =	shalt  }
0x78: {  	_ =	shalt  }
0x79: {  	_ =	shalt  }
0x7a: {  	_ =	shalt  }
0x7b: {  	_ =	shalt  }
0x7c: {  	_ =	shalt  }
0x7d: {  	_ =	shalt  }
0x7e: {  	_ =	shalt  }
0x7f: {  	_ =	shalt  }
0x80: {  	_ =	shalt  }
0x81: {  	_ =	shalt  }
0x82: {  	_ =	shalt  }
0x83: {  	_ =	shalt  }
0x84: {  	_ =	shalt  }
0x85: {  	_ =	shalt  }
0x86: {  	_ =	shalt  }
0x87: {  	_ =	shalt  }
.Lfunc_end0:
.L_simem_size_0:
called_computation.1_lowered:
.L_overlay_start_0:
0x88: {  	s2 =	sld [smem:$0x3FD9]  }
0x89: {  	s3 =	sld [smem:$0x3FFE];
	_ =	sdelay $0x1  }
0x8a: {  	s1 =	srdreg.scid  }
0x8b: {  	s0 =	sand.u32 $0x1, s1  }
0x8c: {  	s16 =	sshll.u32 s0, $0xA;
	s2 =	sadd.s32 s3, s2  }
0x8d: {  	s2 =	sadd.s32 s2, s16  }
0x8e: {  	[smem:$0x3FC1] =	sst s2  }
0x8f: {  	_ = 	snop  }
0x90: {  	(tm) =	ssettm $0x1  }
0x91: {  	s17 =	sld [smem:$0x3FFB];
	_ =	sdelay $0x3  }
0x92: {  	_ =	strace s17  }
0x93: {  	s2 =	sld [smem:$0x3FFC];
	_ =	sdelay $0x3  }
0x94: {  	_ =	strace s2  }
0x95: {  	s2 =	sld [smem:$0x3FFD];
	_ =	sdelay $0x3  }
0x96: {  	_ =	strace s2  }
0x97: {  	_ =	strace $0x8FFFFFFF  }
0x98: {  	s18 =	sld [smem:$0x3FDB];
	_ =	sdelay $0x1  }
0x99: {  	s19 =	simm.s32 $_scs_section_size  }
0x9a: {  	s4 =	simm.s32 $_size__tile_overlayer_lowered;
	s5 =	simm.s32 $_tile_overlayer_lowered  }
0x9b: {  	s22 =	simm.s32 $0x1BFF;
	s21 =	sshll.u32 s5, $0x1;
	s2 =	sadd.s32 s19, s18  }
0x9c: {  	s6 =	simm.s32 $0x0;
	s20 =	sshll.u32 s4, $0x1;
	s4 =	sadd.s32 s21, s2  }
0x9d: {  	[timem:s6], [sflag:s22] =	dma.local [hbm:s4], s20  }
0x9e: {  	_ =	swait.ge [sflag:s22], s20  }
0x9f: {  	s3 =	ssub.s32 $0x0, s20;
	[sflag:s22] =	ssyncset.done $0x0  }
0xa0: {  	[sflag:s22] =	ssyncadd.s32 s3;
	_ =	sdelay $0x1  }
0xa1: {  	s23 =	simm.s32 $0x1B8B  }
0xa2: {  	_ =	swait.ge [sflag:s23], $0x1  }
0xa3: {  	[sflag:s23] =	ssyncset.done $0x0  }
0xa4: {  	s25 =	simm.s32 $0x1B8E;
	s24 =	sld [smem:$0x3FFE];
	[sflag:s23] =	ssyncadd.s32 $0xFFFFFFFF  }
0xa5: {  	s26 =	simm.s32 $execute0_lowered;
	[smem:$0x3FD2] =	sst s25  }
0xa6: {  	s4 =	sshll.u32 s26, $0x1;
	_ =	strace $0x80000049;
	[dreg:$0x1] =	wrdreg $0xFFFFFFFF  }
0xa7: {  	s28 =	simm.s32 $_size_execute0_lowered;
	s2 =	sadd.s32 s2, s4;
	[dreg:$0x0] =	wrdreg $0x0  }
0xa8: {  	s4 =	sshll.u32 s28, $0x1;
	[dreg:$0x2] =	wrdreg s2  }
0xa9: {  	[dreg:$0x3] =	wrdreg s4  }
0xaa: {  	[dreg:$0x4] =	wrdreg $0xC0  }
0xab: {  	_ =	task [dreg:s6], $0x5FFFF  }
0xac: {  	[dreg:$0x1] =	wrdreg $0xFFFFFFFF  }
0xad: {  	[dreg:$0x0] =	wrdreg $0x60  }
0xae: {  	[dreg:$0x2] =	wrdreg s24  }
0xaf: {  	[dreg:$0x3] =	wrdreg $0xA4800  }
0xb0: {  	[dreg:$0x4] =	wrdreg $0x9  }
0xb1: {  	_ =	task.clear_ibuf [dreg:s6], $0x5FFFF;
	_ =	strace $0x90000049  }
0xb2: {  	s29 =	simm.s32 $0x9;
	_ =	strace $0x8000004B  }
0xb3: {  	_ =	swait.ge [sflag:s29], $0x1  }
0xb4: {  	[sflag:s29] =	ssyncadd.s32 $0xFFFFFFFF  }
0xb5: {  	_ =	strace $0x9000004B  }
0xb6: {  	_ =	sfence  }
0xb7: {  	s30 =	sld [smem:$0x0];
	_ =	sdelay $0x2  }
0xb8: {  	s31 =	sshll.u32 s1, $0xD;
	s1 =	sshrl.u32 s1, $0x2  }
0xb9: {  	s3 =	sand.u32 $0x4000, s31;
	s1 =	sadd.s32 s1, s30  }
0xba: {  	s0 =	sor.u32 s3, s0;
	s1 =	sshll.u32 s1, $0x11  }
0xbb: {  	s0 =	sor.u32 s1, s0  }
0xbc: {  	s0 =	sadd.s32 $0x8F2B, s0  }
0xbd: {  	[sflag:s0] =	ssyncadd.remote.s32 $0x1  }
0xbe: {  	_ =	sfence.sel $0xFFFF  }
0xbf: {  	[dreg:$0x0] =	wrdreg $0xFFFFFFFF;
	(pc) =	sbr.abs _section_cstart, $3  }
0xc0: {  	[dreg:$0x1] =	wrdreg $0xFFFFFFFF  }
0xc1: {  	_ =	task.clear_ibuf [dreg:s6], $0x2FFFF;
	_ =	strace $0x9FFFFFFF  }
0xc2: {  	(tm) =	ssettm $0x7FFFFFFF  }
0xc3: {  	_ =	shalt  }
tec
execute0_lowered:
.L_overlay_start_1:
0x0: {  	(tag) =	ssettag $0x1  }
0x1: {  	s1 =	srdreg.scid  }
0x2: {  	s0 =	stileid.u32;
	s6 =	rddreg [dreg:$0x0];
	s3 =	simm.s32 $0x0  }
0x3: {  	s13 =	simm.s32 $0x2800;
	s14 =	simm.s32 $0x5000;
	s15 =	simm.s32 $0x50  }
0x4: {  	s16 =	simm.s32 $0x7800;
	s17 =	simm.s32 $0x1;
	s5 =	sand.u32 $0x1, s1  }
0x5: {  	s2 =	sshll.u32 s0, $0x7;
	s8 =	smul.u32 $0x4F0, s0;
	[smem:$0x7FF] =	sst s3  }
0x6: {  	s10 =	smul.u32 $0x9E00, s0;
	s4 =	sadd.s32 $0x23C00, s6;
	s18 =	sshll.u32 s0, $0x6  }
0x7: {  	s1 =	sshll.u32 s5, $0xB;
	s9 =	smul.u32 $0x4F00, s5;
	s5 =	ssub.s32 $0x2, s5  }
0x8: {  	s18 =	sor.u32 $0x1C02, s18;
	s1 =	sor.u32 s2, s1;
	s2 =	rddreg [dreg:$0x1]  }
0x9: {  	v0 =	vimm.f32 $0.0e+00;
	v1 =	vimm.s32 $0x0;
	s29 =	sshrl.u32 s5, $0x1;
	s30 =	sshrl.u32 s10, $0x2;
	s7 =	smul.u32 $0xA, s1  }
0xa: {  	v2 =	vimm.s32 $0x1;
	v3 =	vimm.s32 $0x2;
	v4 =	vimm.s32 $0x3;
	s1 =	rddreg [dreg:$0x2];
	_ =	strace $0x8000004A;
	s28 =	sadd.s32 s8, s9  }
0xb: {  	v5 =	vimm.s32 $0x4;
	v6 =	vimm.s32 $0x5;
	v7 =	vimm.s32 $0x6;
	s12 =	ssub.s32 s5, s29;
	s5 =	sadd.s32 s30, s2;
	s31 =	sadd.s32 s28, s6  }
0xc: {  	v8 =	vimm.s32 $0x7;
	v9 =	vimm.s32 $0x8;
	v10 =	vimm.s32 $0x9;
	s10 =	smax.u32 s12, $0x1;
	s12 =	simm.s32 $0x2;
	s11 =	sadd.s32 s7, s6  }
0xd: {  	v11 =	vimm.s32 $0xA;
	v12 =	vimm.s32 $0xB;
	v13 =	vimm.s32 $0xC;
	s19 =	sshrl.u32 s5, $0x3;
	s9 =	sadd.s32 $0x28C00, s31;
	s6 =	sadd.s32 $0xAC00, s11  }
0xe: {  	v14 =	vimm.s32 $0xD;
	v15 =	vimm.s32 $0xE;
	v16 =	vimm.s32 $0xF;
	s7 =	sadd.s32 $0xC00, s11;
	s8 =	sadd.s32 $0x19C00, s11;
	s11 =	simm.s32 $0x7D00  }
.LBB2_1:
0xf: {  	s20 =	simm.s32 $0x40;
	s21 =	simm.s32 $0x0  }
.LBB2_2:
0x10: {  	p0 =	sne.s32 s20, $0x9DC0;
	[tilespmem:s21+$0x7D00] =	vst v0;
	s21 =	smov.u32 s20;
	s20 =	sadd.s32 $0x40, s20  }
.Ltmp0:
0x11: {  	(pc) =	sbr.rel @p0 .LBB2_2-.Ltmp0, $2  }
0x12: {  	_ =	sdelay $0x2  }
0x13: {  	s21 =	sshra.s32 s21, $0x2  }
0x14: {  	[tilespmem:s21+$0x7D00] =	vst v0  }
0x15: {  	[spmem:s5] =	stream.linear.scatter [tilespmem:s11], [sflag:$0x2], $0x2780, $0x38;
	[tilespmem:$0xCC00] =	vst v63  }
0x16: {  	_ =	swait.ge [sflag:s12], $0x2780  }
0x17: {  	[sflag:s12] =	ssyncset.done $0x0  }
0x18: {  	[sflag:s12] =	ssyncadd.s32 $0xFFFFD880  }
0x19: {  	s20 =	simm.s32 $0x0;
	[bflag:$0x0] =	sbarrier.arrive $0xFFFF  }
0x1a: {  	[tilespmem:s20], [sflag:$0x2] =	stream.linear.gather [hbm4b:s6+s20], $0x2800, $0x38;
	[tilespmem:$0xCC00] =	vst v63  }
0x1b: {  	_ =	swait.ge [sflag:s12], $0x2800  }
0x1c: {  	[sflag:s12] =	ssyncset.done $0x0  }
0x1d: {  	[sflag:s12] =	ssyncadd.s32 $0xFFFFD800  }
0x1e: {  	[tilespmem:s13], [sflag:$0x2] =	stream.linear.gather [hbm4b:s7+s20], $0x2800, $0x38;
	[tilespmem:$0xCC00] =	vst v63  }
0x1f: {  	_ =	swait.ge [sflag:s12], $0x2800  }
0x20: {  	[sflag:s12] =	ssyncset.done $0x0  }
0x21: {  	[sflag:s12] =	ssyncadd.s32 $0xFFFFD800  }
0x22: {  	[tilespmem:s14], [sflag:$0x2] =	stream.linear.gather [hbm4b:s8+s20], $0x2800, $0x38;
	[tilespmem:$0xCC00] =	vst v63  }
0x23: {  	_ =	swait.ge [sflag:s12], $0x2800  }
0x24: {  	[sflag:s12] =	ssyncset.done $0x0  }
0x25: {  	[sflag:s12] =	ssyncadd.s32 $0xFFFFD800  }
.LBB2_4:
0x26: {  	s21 =	sshra.s32 s20, $0x2  }
0x27: {  	[tilespmem:s16], [sflag:$0x1] =	stream.indirect.gather [hbm4b:s4+s15], $0x10, s21, s15, $0xb8;
	[tilespmem:$0xCC00] =	vst v63  }
0x28: {  	_ =	swait.ge [sflag:s17], $0x500  }
0x29: {  	[sflag:s17] =	ssyncset.done $0x0  }
0x2a: {  	[sflag:s17] =	ssyncadd.s32 $0xFFFFFB00  }
0x2b: {  	v17 =	vld [tilespmem:s21+$0x5000];
	_ =	sdelay $0x4  }
0x2c: {  	v21 =	vperm.xlane v17, v1  }
0x2d: {  	v23 =	vperm.xlane v17, v2;
	v34 =	vperm.xlane v17, v3  }
0x2e: {  	v35 =	vperm.xlane v17, v4;
	v36 =	vperm.xlane v17, v5  }
0x2f: {  	v18 =	vld [tilespmem:$0x7800];
	v38 =	vperm.xlane v17, v6;
	v40 =	vperm.xlane v17, v7  }
0x30: {  	v19 =	vld [tilespmem:$0x7810];
	v42 =	vperm.xlane v17, v8;
	v44 =	vperm.xlane v17, v9  }
0x31: {  	v53 =	vld [tilespmem:$0x78F0];
	v46 =	vperm.xlane v17, v10;
	v48 =	vperm.xlane v17, v11  }
0x32: {  	v20 =	vld [tilespmem:$0x7820];
	v50 =	vperm.xlane v17, v12;
	v52 =	vperm.xlane v17, v13  }
0x33: {  	v22 =	vld [tilespmem:$0x7830];
	v54 =	vperm.xlane v17, v14;
	v55 =	vperm.xlane v17, v15  }
0x34: {  	v24 =	vld [tilespmem:$0x7840];
	v17 =	vperm.xlane v17, v16;
	v18 =	vmul.f32 v21, v18  }
0x35: {  	v25 =	vld [tilespmem:$0x7850];
	v19 =	vmul.f32 v23, v19  }
0x36: {  	v26 =	vld [tilespmem:$0x7860];
	v17 =	vmul.f32 v17, v53;
	[tilespmem:$0x7800] =	vst v18  }
0x37: {  	v37 =	vld [tilespmem:$0x7870];
	v18 =	vmul.f32 v34, v20;
	[tilespmem:$0x7810] =	vst v19  }
0x38: {  	v39 =	vld [tilespmem:$0x7880];
	v19 =	vmul.f32 v35, v22;
	[tilespmem:$0x78F0] =	vst v17  }
0x39: {  	v41 =	vld [tilespmem:$0x7890];
	[tilespmem:$0x7820] =	vst v18;
	v18 =	vmul.f32 v36, v24  }
0x3a: {  	v43 =	vld [tilespmem:$0x78A0];
	[tilespmem:$0x7830] =	vst v19;
	v19 =	vmul.f32 v38, v25  }
0x3b: {  	v45 =	vld [tilespmem:$0x78B0];
	[tilespmem:$0x7840] =	vst v18;
	v18 =	vmul.f32 v40, v26  }
0x3c: {  	v47 =	vld [tilespmem:$0x78C0];
	[tilespmem:$0x7850] =	vst v19;
	v19 =	vmul.f32 v42, v37  }
0x3d: {  	v49 =	vld [tilespmem:$0x78D0];
	[tilespmem:$0x7860] =	vst v18;
	v18 =	vmul.f32 v44, v39  }
0x3e: {  	v51 =	vld [tilespmem:$0x78E0];
	[tilespmem:$0x7870] =	vst v19;
	v19 =	vmul.f32 v46, v41  }
0x3f: {  	[tilespmem:$0x7880] =	vst v18;
	v18 =	vmul.f32 v48, v43  }
0x40: {  	[tilespmem:$0x7890] =	vst v19;
	v19 =	vmul.f32 v50, v45  }
0x41: {  	[tilespmem:$0x78A0] =	vst v18;
	v18 =	vmul.f32 v52, v47  }
0x42: {  	[tilespmem:$0x78B0] =	vst v19;
	v19 =	vmul.f32 v54, v49  }
0x43: {  	[tilespmem:$0x78C0] =	vst v18;
	v18 =	vmul.f32 v55, v51  }
0x44: {  	[tilespmem:$0x78D0] =	vst v19  }
0x45: {  	[tilespmem:$0x78E0] =	vst v18  }
0x46: {  	v17 =	vld [tilespmem:s21+$0x5010];
	_ =	sdelay $0x4  }
0x47: {  	v57 =	vperm.xlane v17, v1  }
0x48: {  	v59 =	vperm.xlane v17, v2;
	v61 =	vperm.xlane v17, v3  }
0x49: {  	v63 =	vperm.xlane v17, v4;
	v29 =	vperm.xlane v17, v5  }
0x4a: {  	v18 =	vld [tilespmem:$0x7900];
	v31 =	vperm.xlane v17, v6;
	v33 =	vperm.xlane v17, v7  }
0x4b: {  	v19 =	vld [tilespmem:$0x7910];
	v35 =	vperm.xlane v17, v8;
	v37 =	vperm.xlane v17, v9  }
0x4c: {  	v46 =	vld [tilespmem:$0x79F0];
	v39 =	vperm.xlane v17, v10;
	v41 =	vperm.xlane v17, v11  }
0x4d: {  	v56 =	vld [tilespmem:$0x7920];
	v43 =	vperm.xlane v17, v12;
	v45 =	vperm.xlane v17, v13  }
0x4e: {  	v58 =	vld [tilespmem:$0x7930];
	v47 =	vperm.xlane v17, v14;
	v48 =	vperm.xlane v17, v15  }
0x4f: {  	v60 =	vld [tilespmem:$0x7940];
	v17 =	vperm.xlane v17, v16;
	v18 =	vmul.f32 v57, v18  }
0x50: {  	v62 =	vld [tilespmem:$0x7950];
	v19 =	vmul.f32 v59, v19  }
0x51: {  	v28 =	vld [tilespmem:$0x7960];
	v17 =	vmul.f32 v17, v46;
	[tilespmem:$0x7900] =	vst v18  }
0x52: {  	v30 =	vld [tilespmem:$0x7970];
	v18 =	vmul.f32 v61, v56;
	[tilespmem:$0x7910] =	vst v19  }
0x53: {  	v32 =	vld [tilespmem:$0x7980];
	v19 =	vmul.f32 v63, v58;
	[tilespmem:$0x79F0] =	vst v17  }
0x54: {  	v34 =	vld [tilespmem:$0x7990];
	[tilespmem:$0x7920] =	vst v18;
	v18 =	vmul.f32 v29, v60  }
0x55: {  	v36 =	vld [tilespmem:$0x79A0];
	[tilespmem:$0x7930] =	vst v19;
	v19 =	vmul.f32 v31, v62  }
0x56: {  	v38 =	vld [tilespmem:$0x79B0];
	[tilespmem:$0x7940] =	vst v18;
	v18 =	vmul.f32 v33, v28  }
0x57: {  	v40 =	vld [tilespmem:$0x79C0];
	[tilespmem:$0x7950] =	vst v19;
	v19 =	vmul.f32 v35, v30  }
0x58: {  	v42 =	vld [tilespmem:$0x79D0];
	[tilespmem:$0x7960] =	vst v18;
	v18 =	vmul.f32 v37, v32  }
0x59: {  	v44 =	vld [tilespmem:$0x79E0];
	[tilespmem:$0x7970] =	vst v19;
	v19 =	vmul.f32 v39, v34  }
0x5a: {  	[tilespmem:$0x7980] =	vst v18;
	v18 =	vmul.f32 v41, v36  }
0x5b: {  	[tilespmem:$0x7990] =	vst v19;
	v19 =	vmul.f32 v43, v38  }
0x5c: {  	[tilespmem:$0x79A0] =	vst v18;
	v18 =	vmul.f32 v45, v40  }
0x5d: {  	[tilespmem:$0x79B0] =	vst v19;
	v19 =	vmul.f32 v47, v42  }
0x5e: {  	[tilespmem:$0x79C0] =	vst v18;
	v18 =	vmul.f32 v48, v44  }
0x5f: {  	[tilespmem:$0x79D0] =	vst v19  }
0x60: {  	[tilespmem:$0x79E0] =	vst v18  }
0x61: {  	v17 =	vld [tilespmem:s21+$0x5020];
	_ =	sdelay $0x4  }
0x62: {  	v50 =	vperm.xlane v17, v1  }
0x63: {  	v52 =	vperm.xlane v17, v2;
	v54 =	vperm.xlane v17, v3  }
0x64: {  	v56 =	vperm.xlane v17, v4;
	v58 =	vperm.xlane v17, v5  }
0x65: {  	v18 =	vld [tilespmem:$0x7A00];
	v60 =	vperm.xlane v17, v6;
	v62 =	vperm.xlane v17, v7  }
0x66: {  	v19 =	vld [tilespmem:$0x7A10];
	v28 =	vperm.xlane v17, v8;
	v30 =	vperm.xlane v17, v9  }
0x67: {  	v39 =	vld [tilespmem:$0x7AF0];
	v32 =	vperm.xlane v17, v10;
	v34 =	vperm.xlane v17, v11  }
0x68: {  	v49 =	vld [tilespmem:$0x7A20];
	v36 =	vperm.xlane v17, v12;
	v38 =	vperm.xlane v17, v13  }
0x69: {  	v51 =	vld [tilespmem:$0x7A30];
	v40 =	vperm.xlane v17, v14;
	v41 =	vperm.xlane v17, v15  }
0x6a: {  	v53 =	vld [tilespmem:$0x7A40];
	v17 =	vperm.xlane v17, v16;
	v18 =	vmul.f32 v50, v18  }
0x6b: {  	v55 =	vld [tilespmem:$0x7A50];
	v19 =	vmul.f32 v52, v19  }
0x6c: {  	v57 =	vld [tilespmem:$0x7A60];
	v17 =	vmul.f32 v17, v39;
	[tilespmem:$0x7A00] =	vst v18  }
0x6d: {  	v59 =	vld [tilespmem:$0x7A70];
	v18 =	vmul.f32 v54, v49;
	[tilespmem:$0x7A10] =	vst v19  }
0x6e: {  	v61 =	vld [tilespmem:$0x7A80];
	v19 =	vmul.f32 v56, v51;
	[tilespmem:$0x7AF0] =	vst v17  }
0x6f: {  	v63 =	vld [tilespmem:$0x7A90];
	[tilespmem:$0x7A20] =	vst v18;
	v18 =	vmul.f32 v58, v53  }
0x70: {  	v29 =	vld [tilespmem:$0x7AA0];
	[tilespmem:$0x7A30] =	vst v19;
	v19 =	vmul.f32 v60, v55  }
0x71: {  	v31 =	vld [tilespmem:$0x7AB0];
	[tilespmem:$0x7A40] =	vst v18;
	v18 =	vmul.f32 v62, v57  }
0x72: {  	v33 =	vld [tilespmem:$0x7AC0];
	[tilespmem:$0x7A50] =	vst v19;
	v19 =	vmul.f32 v28, v59  }
0x73: {  	v35 =	vld [tilespmem:$0x7AD0];
	[tilespmem:$0x7A60] =	vst v18;
	v18 =	vmul.f32 v30, v61  }
0x74: {  	v37 =	vld [tilespmem:$0x7AE0];
	[tilespmem:$0x7A70] =	vst v19;
	v19 =	vmul.f32 v32, v63  }
0x75: {  	[tilespmem:$0x7A80] =	vst v18;
	v18 =	vmul.f32 v34, v29  }
0x76: {  	[tilespmem:$0x7A90] =	vst v19;
	v19 =	vmul.f32 v36, v31  }
0x77: {  	[tilespmem:$0x7AA0] =	vst v18;
	v18 =	vmul.f32 v38, v33  }
0x78: {  	[tilespmem:$0x7AB0] =	vst v19;
	v19 =	vmul.f32 v40, v35  }
0x79: {  	[tilespmem:$0x7AC0] =	vst v18;
	v18 =	vmul.f32 v41, v37  }
0x7a: {  	[tilespmem:$0x7AD0] =	vst v19  }
0x7b: {  	[tilespmem:$0x7AE0] =	vst v18  }
0x7c: {  	v17 =	vld [tilespmem:s21+$0x5030];
	_ =	sdelay $0x4  }
0x7d: {  	v43 =	vperm.xlane v17, v1  }
0x7e: {  	v45 =	vperm.xlane v17, v2;
	v47 =	vperm.xlane v17, v3  }
0x7f: {  	v49 =	vperm.xlane v17, v4;
	v51 =	vperm.xlane v17, v5  }
0x80: {  	v18 =	vld [tilespmem:$0x7B00];
	v53 =	vperm.xlane v17, v6;
	v55 =	vperm.xlane v17, v7  }
0x81: {  	v19 =	vld [tilespmem:$0x7B10];
	v57 =	vperm.xlane v17, v8;
	v59 =	vperm.xlane v17, v9  }
0x82: {  	v32 =	vld [tilespmem:$0x7BF0];
	v61 =	vperm.xlane v17, v10;
	v63 =	vperm.xlane v17, v11  }
0x83: {  	v42 =	vld [tilespmem:$0x7B20];
	v29 =	vperm.xlane v17, v12;
	v31 =	vperm.xlane v17, v13  }
0x84: {  	v44 =	vld [tilespmem:$0x7B30];
	v33 =	vperm.xlane v17, v14;
	v34 =	vperm.xlane v17, v15  }
0x85: {  	v46 =	vld [tilespmem:$0x7B40];
	v17 =	vperm.xlane v17, v16;
	v18 =	vmul.f32 v43, v18  }
0x86: {  	v48 =	vld [tilespmem:$0x7B50];
	v19 =	vmul.f32 v45, v19  }
0x87: {  	v50 =	vld [tilespmem:$0x7B60];
	v17 =	vmul.f32 v17, v32;
	[tilespmem:$0x7B00] =	vst v18  }
0x88: {  	v52 =	vld [tilespmem:$0x7B70];
	v18 =	vmul.f32 v47, v42;
	[tilespmem:$0x7B10] =	vst v19  }
0x89: {  	v54 =	vld [tilespmem:$0x7B80];
	v19 =	vmul.f32 v49, v44;
	[tilespmem:$0x7BF0] =	vst v17  }
0x8a: {  	v56 =	vld [tilespmem:$0x7B90];
	[tilespmem:$0x7B20] =	vst v18;
	v18 =	vmul.f32 v51, v46  }
0x8b: {  	v58 =	vld [tilespmem:$0x7BA0];
	[tilespmem:$0x7B30] =	vst v19;
	v19 =	vmul.f32 v53, v48  }
0x8c: {  	v60 =	vld [tilespmem:$0x7BB0];
	[tilespmem:$0x7B40] =	vst v18;
	v18 =	vmul.f32 v55, v50  }
0x8d: {  	v62 =	vld [tilespmem:$0x7BC0];
	[tilespmem:$0x7B50] =	vst v19;
	v19 =	vmul.f32 v57, v52  }
0x8e: {  	v28 =	vld [tilespmem:$0x7BD0];
	[tilespmem:$0x7B60] =	vst v18;
	v18 =	vmul.f32 v59, v54  }
0x8f: {  	v30 =	vld [tilespmem:$0x7BE0];
	[tilespmem:$0x7B70] =	vst v19;
	v19 =	vmul.f32 v61, v56  }
0x90: {  	[tilespmem:$0x7B80] =	vst v18;
	v18 =	vmul.f32 v63, v58  }
0x91: {  	[tilespmem:$0x7B90] =	vst v19;
	v19 =	vmul.f32 v29, v60  }
0x92: {  	[tilespmem:$0x7BA0] =	vst v18;
	v18 =	vmul.f32 v31, v62  }
0x93: {  	[tilespmem:$0x7BB0] =	vst v19;
	v19 =	vmul.f32 v33, v28  }
0x94: {  	[tilespmem:$0x7BC0] =	vst v18;
	v18 =	vmul.f32 v34, v30  }
0x95: {  	[tilespmem:$0x7BD0] =	vst v19  }
0x96: {  	[tilespmem:$0x7BE0] =	vst v18  }
0x97: {  	v17 =	vld [tilespmem:s21+$0x5040];
	_ =	sdelay $0x4  }
0x98: {  	v36 =	vperm.xlane v17, v1  }
0x99: {  	v38 =	vperm.xlane v17, v2;
	v40 =	vperm.xlane v17, v3  }
0x9a: {  	v42 =	vperm.xlane v17, v4;
	v44 =	vperm.xlane v17, v5  }
0x9b: {  	v18 =	vld [tilespmem:$0x7C00];
	v46 =	vperm.xlane v17, v6;
	v48 =	vperm.xlane v17, v7  }
0x9c: {  	v19 =	vld [tilespmem:$0x7C10];
	v50 =	vperm.xlane v17, v8;
	v52 =	vperm.xlane v17, v9  }
0x9d: {  	v61 =	vld [tilespmem:$0x7CF0];
	v54 =	vperm.xlane v17, v10;
	v56 =	vperm.xlane v17, v11  }
0x9e: {  	v35 =	vld [tilespmem:$0x7C20];
	v58 =	vperm.xlane v17, v12;
	v60 =	vperm.xlane v17, v13  }
0x9f: {  	v37 =	vld [tilespmem:$0x7C30];
	v62 =	vperm.xlane v17, v14;
	v63 =	vperm.xlane v17, v15  }
0xa0: {  	v39 =	vld [tilespmem:$0x7C40];
	v17 =	vperm.xlane v17, v16;
	v18 =	vmul.f32 v36, v18  }
0xa1: {  	v41 =	vld [tilespmem:$0x7C50];
	v19 =	vmul.f32 v38, v19  }
0xa2: {  	v43 =	vld [tilespmem:$0x7C60];
	v17 =	vmul.f32 v17, v61;
	[tilespmem:$0x7C00] =	vst v18  }
0xa3: {  	v45 =	vld [tilespmem:$0x7C70];
	v18 =	vmul.f32 v40, v35;
	[tilespmem:$0x7C10] =	vst v19  }
0xa4: {  	v47 =	vld [tilespmem:$0x7C80];
	v19 =	vmul.f32 v42, v37;
	[tilespmem:$0x7CF0] =	vst v17  }
0xa5: {  	v49 =	vld [tilespmem:$0x7C90];
	[tilespmem:$0x7C20] =	vst v18;
	v18 =	vmul.f32 v44, v39  }
0xa6: {  	v51 =	vld [tilespmem:$0x7CA0];
	[tilespmem:$0x7C30] =	vst v19;
	v19 =	vmul.f32 v46, v41  }
0xa7: {  	v53 =	vld [tilespmem:$0x7CB0];
	[tilespmem:$0x7C40] =	vst v18;
	v18 =	vmul.f32 v48, v43  }
0xa8: {  	v55 =	vld [tilespmem:$0x7CC0];
	[tilespmem:$0x7C50] =	vst v19;
	v19 =	vmul.f32 v50, v45  }
0xa9: {  	v57 =	vld [tilespmem:$0x7CD0];
	[tilespmem:$0x7C60] =	vst v18;
	v18 =	vmul.f32 v52, v47  }
0xaa: {  	v59 =	vld [tilespmem:$0x7CE0];
	[tilespmem:$0x7C70] =	vst v19;
	v19 =	vmul.f32 v54, v49  }
0xab: {  	[tilespmem:$0x7C80] =	vst v18;
	v18 =	vmul.f32 v56, v51  }
0xac: {  	[tilespmem:$0x7C90] =	vst v19;
	v19 =	vmul.f32 v58, v53  }
0xad: {  	[tilespmem:$0x7CA0] =	vst v18;
	v18 =	vmul.f32 v60, v55  }
0xae: {  	[tilespmem:$0x7CB0] =	vst v19;
	v19 =	vmul.f32 v62, v57  }
0xaf: {  	[tilespmem:$0x7CC0] =	vst v18;
	v18 =	vmul.f32 v63, v59  }
0xb0: {  	p0 =	sne.s32 s20, $0x9EC0;
	[tilespmem:$0x7CD0] =	vst v19  }
.Ltmp1:
0xb1: {  	s21 =	sadd.s32 $0x2800, s21;
	[tilespmem:$0x7CE0] =	vst v18;
	(pc) =	sbr.rel @p0 .LBB2_4-.Ltmp1, $4  }
0xb2: {  	[spmem:s2] =	stream.indirect.scatter.add.f32 [tilespmem:s16], [sflag:$0x2], $0x10, s21, s15, $0xb8;
	[tilespmem:$0xCC00] =	vst v63  }
0xb3: {  	_ =	swait.ge [sflag:s12], $0x500  }
0xb4: {  	[sflag:s12] =	ssyncset.done $0x0  }
0xb5: {  	s20 =	sadd.s32 $0x140, s20;
	[sflag:s12] =	ssyncadd.s32 $0xFFFFFB00  }
0xb6: {  	s3 =	sadd.s32 $0x1, s3  }
0xb7: {  	p0 =	sne.s32 s3, s10  }
.Ltmp2:
0xb8: {  	[bflag:$0x0] =	sbarrier.arrive $0xFFFF;
	(pc) =	sbr.rel @p0 .LBB2_1-.Ltmp2, $4  }
0xb9: {  	[hbm:s9], [sflag:s18] =	dma.local [spmem:s19], $0x4F0  }
0xba: {  	_ =	swait.ge [sflag:s12], $0x4F0  }
0xbb: {  	[sflag:s12] =	ssyncset.done $0x0  }
0xbc: {  	[sflag:s12] =	ssyncadd.s32 $0xFFFFFB10  }
0xbd: {  	_ =	sfence.sel $0x180000  }
0xbe: {  	[bflag:$0x0] =	sbarrier.arrive $0xFFFF  }
0xbf: {  	p0 =	sne.s32 s0, $0x0;
	_ =	strace $0x9000004A  }
0xc0: {  	s0 =	sadd.s32 @!p0 $0x100000, s1;
	[bflag:$0x2] =	sbarrier.arrive $0xFFFF  }
0xc1: {  	[sflag:s0] =	ssyncadd.tile.s32 @!p0 $0x1;
	_ =	shalt  }
.Lfunc_end2:
_tile_overlayer_lowered:
.L_overlay_start_2:
0xc2: {  	(tag) =	ssettag $0x2  }
0xc3: {  	s0 =	rddreg [dreg:$0x0];
	s2 =	stileid.u32  }
0xc4: {  	s1 =	rddreg [dreg:$0x1];
	p0 =	sne.s32 s2, $0x0  }
0xc5: {  	s3 =	rddreg [dreg:$0x2];
	[bflag:$0x3] =	sbarrier.arrive $0xFFFF;
	s2 =	simm.s32 @!p0 $0x1C02  }
0xc6: {  	[timem:s3], [sflag:s2] =	dma.local @!p0 [hbm:s0], s1  }
0xc7: {  	s0 =	simm.s32 @!p0 $0x2  }
0xc8: {  	_ =	swait.ge @!p0 [sflag:s0], s1  }
0xc9: {  	s1 =	ssub.s32 @!p0 $0x0, s1;
	[sflag:s0] =	ssyncset.done @!p0 $0x0  }
0xca: {  	[sflag:s0] =	ssyncadd.s32 @!p0 s1  }
0xcb: {  	[bflag:$0x3] =	sbarrier.arrive $0xFFFF  }
0xcc: {  	_ =	shalt  }

// kernel: kernel.7.cloned.1.call-start
scs
__scs_entry_jumppad:
0x0: {  	(pc) =	sbr.rel $0x88, $3  }
0x1: {  	(tag) =	ssettag $0x0;
	lr =	simm.s32 $0x1  }
0x2: {  	[smem:$0x3F9A] =	sst lr;
	_ =	strace $0xD0000000  }
0x3: {  	_ = 	snop  }
0x4: {  	_ = 	snop  }
0x5: {  	_ = 	snop  }
0x6: {  	_ = 	snop  }
0x7: {  	_ = 	snop  }
__scs_overlays_trampoline_lowered:
0x8: {  	[smem:$0x3FA9] =	sst s0  }
0x9: {  	[smem:$0x3FAA] =	sst s1  }
0xa: {  	[smem:$0x3FAB] =	sst s2  }
0xb: {  	[smem:$0x3FAC] =	sst s3  }
0xc: {  	[smem:$0x3FAD] =	sst s4  }
0xd: {  	[smem:$0x3FAE] =	sst s5  }
0xe: {  	[smem:$0x3FAF] =	sst s6  }
0xf: {  	[smem:$0x3FB0] =	sst s7  }
0x10: {  	[smem:$0x3FB1] =	sst s8  }
0x11: {  	[smem:$0x3FB2] =	sst s9;
	s0 =	simm.s32 @!p0 $0x0  }
0x12: {  	s1 =	sld [smem:$0x3F98];
	s0 =	simm.s32 @p0 $0x1  }
0x13: {  	[smem:$0x3FB3] =	sst s0;
	s0 =	simm.s32 @!p1 $0x0  }
0x14: {  	s2 =	sld [smem:$0x3F97];
	s0 =	simm.s32 @p1 $0x1  }
0x15: {  	[smem:$0x3FB4] =	sst s0;
	s0 =	simm.s32 @!p2 $0x0  }
0x16: {  	s3 =	sld [smem:$0x3FDB];
	s0 =	simm.s32 @p2 $0x1  }
0x17: {  	s4 =	simm.s32 $0x1BF5;
	[smem:$0x3FB6] =	sst s0  }
0x18: {  	s0 =	sld [smem:$0x3F99];
	_ =	swait.ge [sflag:s4], $0x0  }
0x19: {  	s7 =	sld [smem:$0x3F9A]  }
0x1a: {  	s8 =	sadd.s32 $0xFFFFE003, lr  }
0x1b: {  	s9 =	sadd.s32 $0xFFFFFEF7, lr;
	s5 =	simm.s32 $0xFFFFFFFF;
	p2 =	slt.u32 s8, $0xFFFFF086  }
0x1c: {  	p1 =	slt.u32 s9, $0xF7A;
	s5 =	simm.s32 @!p2 $0x0  }
0x1d: {  	s5 =	simm.s32 @p1 $0x1;
	p0 =	seq.s32 s7, s2  }
0x1e: {  	s7 =	smul.u32 @!p0 $0xF7A, s2;
	p2 =	seq.s32 @!p0 s5, $0x0  }
0x1f: {  	s9 =	smul.u32 $0xF7A, s1;
	s8 =	simm.s32 @!p0 $0x1BF5;
	p2 =	por !p2, p0  }
0x20: {  	[sflag:s8] =	ssyncset.s32 @!p0 $0xFFFFF086;
	s6 =	sadd.s32 @!p0 s3, s7;
	s7 =	simm.s32 @!p0 $0x108  }
0x21: {  	s3 =	sadd.s32 s3, s9;
	s6 =	sadd.s32 @!p0 $0x88, s6;
	s7 =	simm.s32 @p2 $0x1082  }
0x22: {  	[simem:s7], [sflag:s8] =	dma.local @!p0 [hbm:s6], $0xF7A  }
0x23: {  	s9 =	sor.u32 $0xD0000000, s2;
	s6 =	simm.s32 $0x108;
	_ =	swait.ge @!p0 [sflag:s8], $0x0  }
0x24: {  	s3 =	sadd.s32 $0x88, s3;
	s6 =	simm.s32 @!p1 $0x1082;
	[sflag:s4] =	ssyncset.s32 $0xFFFFF086  }
0x25: {  	[simem:s6], [sflag:s4] =	dma.local [hbm:s3], $0xF7A  }
0x26: {  	[smem:$0x3F9A] =	sst s1;
	(tag) =	ssettag s2;
	_ =	strace s9  }
0x27: {  	s1 =	sld [smem:$0x3FAA]  }
0x28: {  	s2 =	sld [smem:$0x3FAB]  }
0x29: {  	s4 =	sld [smem:$0x3FAD]  }
0x2a: {  	p0 =	seq.s32 s5, $0x0;
	s5 =	sld [smem:$0x3FAE]  }
0x2b: {  	s6 =	sld [smem:$0x3FAF]  }
0x2c: {  	s7 =	sld [smem:$0x3FB0]  }
0x2d: {  	s3 =	simm.s32 $0x108;
	s8 =	sld [smem:$0x3FB1]  }
0x2e: {  	s3 =	simm.s32 @!p0 $0x1082;
	s9 =	sld [smem:$0x3FB2]  }
0x2f: {  	lr =	sadd.s32 s0, s3;
	s0 =	sld [smem:$0x3FA9]  }
0x30: {  	s3 =	sld [smem:$0x3FAC]  }
0x31: {  	[smem:$0x3FB5] =	sst s10  }
0x32: {  	s10 =	sld [smem:$0x3FB3];
	_ =	sdelay $0x3  }
0x33: {  	p0 =	seq.s32 s10, $0x1;
	s10 =	sld [smem:$0x3FB5];
	_ =	sdelay $0x3  }
0x34: {  	[smem:$0x3FB5] =	sst s10  }
0x35: {  	s10 =	sld [smem:$0x3FB4];
	_ =	sdelay $0x3  }
0x36: {  	p1 =	seq.s32 s10, $0x1;
	s10 =	sld [smem:$0x3FB5];
	_ =	sdelay $0x3  }
0x37: {  	[smem:$0x3FB5] =	sst s10  }
0x38: {  	s10 =	sld [smem:$0x3FB6]  }
0x39: {  	_ = 	snop;
	(pc) =	sbr.ind lr, $3  }
0x3a: {  	_ = 	snop  }
0x3b: {  	_ = 	snop  }
0x3c: {  	p2 =	seq.s32 s10, $0x1;
	s10 =	sld [smem:$0x3FB5]  }
0x3d: {  	_ =	shalt  }
0x3e: {  	_ =	shalt  }
0x3f: {  	_ =	shalt  }
0x40: {  	_ =	shalt  }
0x41: {  	_ =	shalt  }
0x42: {  	_ =	shalt  }
0x43: {  	_ =	shalt  }
0x44: {  	_ =	shalt  }
0x45: {  	_ =	shalt  }
0x46: {  	_ =	shalt  }
0x47: {  	_ =	shalt  }
0x48: {  	_ =	shalt  }
0x49: {  	_ =	shalt  }
0x4a: {  	_ =	shalt  }
0x4b: {  	_ =	shalt  }
0x4c: {  	_ =	shalt  }
0x4d: {  	_ =	shalt  }
0x4e: {  	_ =	shalt  }
0x4f: {  	_ =	shalt  }
0x50: {  	_ =	shalt  }
0x51: {  	_ =	shalt  }
0x52: {  	_ =	shalt  }
0x53: {  	_ =	shalt  }
0x54: {  	_ =	shalt  }
0x55: {  	_ =	shalt  }
0x56: {  	_ =	shalt  }
0x57: {  	_ =	shalt  }
0x58: {  	_ =	shalt  }
0x59: {  	_ =	shalt  }
0x5a: {  	_ =	shalt  }
0x5b: {  	_ =	shalt  }
0x5c: {  	_ =	shalt  }
0x5d: {  	_ =	shalt  }
0x5e: {  	_ =	shalt  }
0x5f: {  	_ =	shalt  }
0x60: {  	_ =	shalt  }
0x61: {  	_ =	shalt  }
0x62: {  	_ =	shalt  }
0x63: {  	_ =	shalt  }
0x64: {  	_ =	shalt  }
0x65: {  	_ =	shalt  }
0x66: {  	_ =	shalt  }
0x67: {  	_ =	shalt  }
0x68: {  	_ =	shalt  }
0x69: {  	_ =	shalt  }
0x6a: {  	_ =	shalt  }
0x6b: {  	_ =	shalt  }
0x6c: {  	_ =	shalt  }
0x6d: {  	_ =	shalt  }
0x6e: {  	_ =	shalt  }
0x6f: {  	_ =	shalt  }
0x70: {  	_ =	shalt  }
0x71: {  	_ =	shalt  }
0x72: {  	_ =	shalt  }
0x73: {  	_ =	shalt  }
0x74: {  	_ =	shalt  }
0x75: {  	_ =	shalt  }
0x76: {  	_ =	shalt  }
0x77: {  	_ =	shalt  }
0x78: {  	_ =	shalt  }
0x79: {  	_ =	shalt  }
0x7a: {  	_ =	shalt  }
0x7b: {  	_ =	shalt  }
0x7c: {  	_ =	shalt  }
0x7d: {  	_ =	shalt  }
0x7e: {  	_ =	shalt  }
0x7f: {  	_ =	shalt  }
0x80: {  	_ =	shalt  }
0x81: {  	_ =	shalt  }
0x82: {  	_ =	shalt  }
0x83: {  	_ =	shalt  }
0x84: {  	_ =	shalt  }
0x85: {  	_ =	shalt  }
0x86: {  	_ =	shalt  }
0x87: {  	_ =	shalt  }
.Lfunc_end0:
.L_simem_size_0:
called_computation_lowered:
.L_overlay_start_0:
0x88: {  	s2 =	sld [smem:$0x3FD9]  }
0x89: {  	s3 =	sld [smem:$0x3FFE];
	_ =	sdelay $0x1  }
0x8a: {  	s1 =	srdreg.scid  }
0x8b: {  	s0 =	sand.u32 $0x1, s1  }
0x8c: {  	s16 =	sshll.u32 s0, $0xA;
	s2 =	sadd.s32 s3, s2  }
0x8d: {  	s2 =	sadd.s32 s2, s16  }
0x8e: {  	[smem:$0x3FC1] =	sst s2  }
0x8f: {  	_ = 	snop  }
0x90: {  	(tm) =	ssettm $0x1  }
0x91: {  	s17 =	sld [smem:$0x3FFB];
	_ =	sdelay $0x3  }
0x92: {  	_ =	strace s17  }
0x93: {  	s2 =	sld [smem:$0x3FFC];
	_ =	sdelay $0x3  }
0x94: {  	_ =	strace s2  }
0x95: {  	s2 =	sld [smem:$0x3FFD];
	_ =	sdelay $0x3  }
0x96: {  	_ =	strace s2  }
0x97: {  	_ =	strace $0x8FFFFFFF  }
0x98: {  	s18 =	sld [smem:$0x3FDB];
	_ =	sdelay $0x1  }
0x99: {  	s19 =	simm.s32 $_scs_section_size  }
0x9a: {  	s4 =	simm.s32 $_size__tile_overlayer_lowered;
	s5 =	simm.s32 $_tile_overlayer_lowered  }
0x9b: {  	s22 =	simm.s32 $0x1BFF;
	s21 =	sshll.u32 s5, $0x1;
	s2 =	sadd.s32 s19, s18  }
0x9c: {  	s6 =	simm.s32 $0x0;
	s20 =	sshll.u32 s4, $0x1;
	s4 =	sadd.s32 s21, s2  }
0x9d: {  	[timem:s6], [sflag:s22] =	dma.local [hbm:s4], s20  }
0x9e: {  	_ =	swait.ge [sflag:s22], s20  }
0x9f: {  	s3 =	ssub.s32 $0x0, s20;
	[sflag:s22] =	ssyncset.done $0x0  }
0xa0: {  	[sflag:s22] =	ssyncadd.s32 s3;
	_ =	sdelay $0x1  }
0xa1: {  	s23 =	simm.s32 $0x1B8B  }
0xa2: {  	_ =	swait.ge [sflag:s23], $0x1  }
0xa3: {  	[sflag:s23] =	ssyncset.done $0x0  }
0xa4: {  	s25 =	simm.s32 $0x1B8E;
	s24 =	sld [smem:$0x3FFE];
	[sflag:s23] =	ssyncadd.s32 $0xFFFFFFFF  }
0xa5: {  	s26 =	simm.s32 $execute0_lowered;
	[smem:$0x3FD2] =	sst s25  }
0xa6: {  	s4 =	sshll.u32 s26, $0x1;
	_ =	strace $0x80000046;
	[dreg:$0x1] =	wrdreg $0xFFFFFFFF  }
0xa7: {  	s28 =	simm.s32 $_size_execute0_lowered;
	s2 =	sadd.s32 s2, s4;
	[dreg:$0x0] =	wrdreg $0x0  }
0xa8: {  	s4 =	sshll.u32 s28, $0x1;
	[dreg:$0x2] =	wrdreg s2  }
0xa9: {  	[dreg:$0x3] =	wrdreg s4  }
0xaa: {  	[dreg:$0x4] =	wrdreg $0xC0  }
0xab: {  	_ =	task [dreg:s6], $0x5FFFF  }
0xac: {  	[dreg:$0x1] =	wrdreg $0xFFFFFFFF  }
0xad: {  	[dreg:$0x0] =	wrdreg $0x60  }
0xae: {  	[dreg:$0x2] =	wrdreg s24  }
0xaf: {  	[dreg:$0x3] =	wrdreg $0xA4800  }
0xb0: {  	[dreg:$0x4] =	wrdreg $0x9  }
0xb1: {  	_ =	task.clear_ibuf [dreg:s6], $0x5FFFF;
	_ =	strace $0x90000046  }
0xb2: {  	s29 =	simm.s32 $0x9;
	_ =	strace $0x80000048  }
0xb3: {  	_ =	swait.ge [sflag:s29], $0x1  }
0xb4: {  	[sflag:s29] =	ssyncadd.s32 $0xFFFFFFFF  }
0xb5: {  	_ =	strace $0x90000048  }
0xb6: {  	_ =	sfence  }
0xb7: {  	s30 =	sld [smem:$0x0];
	_ =	sdelay $0x2  }
0xb8: {  	s31 =	sshll.u32 s1, $0xD;
	s1 =	sshrl.u32 s1, $0x2  }
0xb9: {  	s3 =	sand.u32 $0x4000, s31;
	s1 =	sadd.s32 s1, s30  }
0xba: {  	s0 =	sor.u32 s3, s0;
	s1 =	sshll.u32 s1, $0x11  }
0xbb: {  	s0 =	sor.u32 s1, s0  }
0xbc: {  	s0 =	sadd.s32 $0x8F2B, s0  }
0xbd: {  	[sflag:s0] =	ssyncadd.remote.s32 $0x1  }
0xbe: {  	_ =	sfence.sel $0xFFFF  }
0xbf: {  	[dreg:$0x0] =	wrdreg $0xFFFFFFFF;
	(pc) =	sbr.abs _section_cstart, $3  }
0xc0: {  	[dreg:$0x1] =	wrdreg $0xFFFFFFFF  }
0xc1: {  	_ =	task.clear_ibuf [dreg:s6], $0x2FFFF;
	_ =	strace $0x9FFFFFFF  }
0xc2: {  	(tm) =	ssettm $0x7FFFFFFF  }
0xc3: {  	_ =	shalt  }
tec
execute0_lowered:
.L_overlay_start_1:
0x0: {  	(tag) =	ssettag $0x1  }
0x1: {  	s1 =	srdreg.scid  }
0x2: {  	s0 =	stileid.u32;
	s6 =	rddreg [dreg:$0x0];
	s3 =	simm.s32 $0x0  }
0x3: {  	s13 =	simm.s32 $0x2800;
	s14 =	simm.s32 $0x5000;
	s15 =	simm.s32 $0x50  }
0x4: {  	s16 =	simm.s32 $0x7800;
	s17 =	simm.s32 $0x1;
	s5 =	sand.u32 $0x1, s1  }
0x5: {  	s2 =	sshll.u32 s0, $0x7;
	s8 =	smul.u32 $0x4F0, s0;
	[smem:$0x7FF] =	sst s3  }
0x6: {  	s10 =	smul.u32 $0x9E00, s0;
	s4 =	sadd.s32 $0x14C00, s6;
	s18 =	sshll.u32 s0, $0x6  }
0x7: {  	s1 =	sshll.u32 s5, $0xB;
	s9 =	smul.u32 $0x4F00, s5;
	s5 =	ssub.s32 $0x2, s5  }
0x8: {  	s18 =	sor.u32 $0x1C02, s18;
	s1 =	sor.u32 s2, s1;
	s2 =	rddreg [dreg:$0x1]  }
0x9: {  	v0 =	vimm.f32 $0.0e+00;
	v1 =	vimm.s32 $0x0;
	s29 =	sshrl.u32 s5, $0x1;
	s30 =	sshrl.u32 s10, $0x2;
	s7 =	smul.u32 $0xA, s1  }
0xa: {  	v2 =	vimm.s32 $0x1;
	v3 =	vimm.s32 $0x2;
	v4 =	vimm.s32 $0x3;
	s1 =	rddreg [dreg:$0x2];
	_ =	strace $0x80000047;
	s28 =	sadd.s32 s8, s9  }
0xb: {  	v5 =	vimm.s32 $0x4;
	v6 =	vimm.s32 $0x5;
	v7 =	vimm.s32 $0x6;
	s12 =	ssub.s32 s5, s29;
	s5 =	sadd.s32 s30, s2;
	s31 =	sadd.s32 s28, s6  }
0xc: {  	v8 =	vimm.s32 $0x7;
	v9 =	vimm.s32 $0x8;
	v10 =	vimm.s32 $0x9;
	s10 =	smax.u32 s12, $0x1;
	s12 =	simm.s32 $0x2;
	s11 =	sadd.s32 s7, s6  }
0xd: {  	v11 =	vimm.s32 $0xA;
	v12 =	vimm.s32 $0xB;
	v13 =	vimm.s32 $0xC;
	s19 =	sshrl.u32 s5, $0x3;
	s9 =	sadd.s32 $0x23C00, s31;
	s6 =	sadd.s32 $0xAC00, s11  }
0xe: {  	v14 =	vimm.s32 $0xD;
	v15 =	vimm.s32 $0xE;
	v16 =	vimm.s32 $0xF;
	s7 =	sadd.s32 $0xC00, s11;
	s8 =	sadd.s32 $0x19C00, s11;
	s11 =	simm.s32 $0x7D00  }
.LBB2_1:
0xf: {  	s20 =	simm.s32 $0x40;
	s21 =	simm.s32 $0x0  }
.LBB2_2:
0x10: {  	p0 =	sne.s32 s20, $0x9DC0;
	[tilespmem:s21+$0x7D00] =	vst v0;
	s21 =	smov.u32 s20;
	s20 =	sadd.s32 $0x40, s20  }
.Ltmp0:
0x11: {  	(pc) =	sbr.rel @p0 .LBB2_2-.Ltmp0, $2  }
0x12: {  	_ =	sdelay $0x2  }
0x13: {  	s21 =	sshra.s32 s21, $0x2  }
0x14: {  	[tilespmem:s21+$0x7D00] =	vst v0  }
0x15: {  	[spmem:s5] =	stream.linear.scatter [tilespmem:s11], [sflag:$0x2], $0x2780, $0x38;
	[tilespmem:$0xCC00] =	vst v63  }
0x16: {  	_ =	swait.ge [sflag:s12], $0x2780  }
0x17: {  	[sflag:s12] =	ssyncset.done $0x0  }
0x18: {  	[sflag:s12] =	ssyncadd.s32 $0xFFFFD880  }
0x19: {  	s20 =	simm.s32 $0x0;
	[bflag:$0x0] =	sbarrier.arrive $0xFFFF  }
0x1a: {  	[tilespmem:s20], [sflag:$0x2] =	stream.linear.gather [hbm4b:s6+s20], $0x2800, $0x38;
	[tilespmem:$0xCC00] =	vst v63  }
0x1b: {  	_ =	swait.ge [sflag:s12], $0x2800  }
0x1c: {  	[sflag:s12] =	ssyncset.done $0x0  }
0x1d: {  	[sflag:s12] =	ssyncadd.s32 $0xFFFFD800  }
0x1e: {  	[tilespmem:s13], [sflag:$0x2] =	stream.linear.gather [hbm4b:s7+s20], $0x2800, $0x38;
	[tilespmem:$0xCC00] =	vst v63  }
0x1f: {  	_ =	swait.ge [sflag:s12], $0x2800  }
0x20: {  	[sflag:s12] =	ssyncset.done $0x0  }
0x21: {  	[sflag:s12] =	ssyncadd.s32 $0xFFFFD800  }
0x22: {  	[tilespmem:s14], [sflag:$0x2] =	stream.linear.gather [hbm4b:s8+s20], $0x2800, $0x38;
	[tilespmem:$0xCC00] =	vst v63  }
0x23: {  	_ =	swait.ge [sflag:s12], $0x2800  }
0x24: {  	[sflag:s12] =	ssyncset.done $0x0  }
0x25: {  	[sflag:s12] =	ssyncadd.s32 $0xFFFFD800  }
.LBB2_4:
0x26: {  	s21 =	sshra.s32 s20, $0x2  }
0x27: {  	[tilespmem:s16], [sflag:$0x1] =	stream.indirect.gather [hbm4b:s4+s15], $0x10, s21, s15, $0xb8;
	[tilespmem:$0xCC00] =	vst v63  }
0x28: {  	_ =	swait.ge [sflag:s17], $0x500  }
0x29: {  	[sflag:s17] =	ssyncset.done $0x0  }
0x2a: {  	[sflag:s17] =	ssyncadd.s32 $0xFFFFFB00  }
0x2b: {  	v17 =	vld [tilespmem:s21+$0x5000];
	_ =	sdelay $0x4  }
0x2c: {  	v21 =	vperm.xlane v17, v1  }
0x2d: {  	v23 =	vperm.xlane v17, v2;
	v34 =	vperm.xlane v17, v3  }
0x2e: {  	v35 =	vperm.xlane v17, v4;
	v36 =	vperm.xlane v17, v5  }
0x2f: {  	v18 =	vld [tilespmem:$0x7800];
	v38 =	vperm.xlane v17, v6;
	v40 =	vperm.xlane v17, v7  }
0x30: {  	v19 =	vld [tilespmem:$0x7810];
	v42 =	vperm.xlane v17, v8;
	v44 =	vperm.xlane v17, v9  }
0x31: {  	v53 =	vld [tilespmem:$0x78F0];
	v46 =	vperm.xlane v17, v10;
	v48 =	vperm.xlane v17, v11  }
0x32: {  	v20 =	vld [tilespmem:$0x7820];
	v50 =	vperm.xlane v17, v12;
	v52 =	vperm.xlane v17, v13  }
0x33: {  	v22 =	vld [tilespmem:$0x7830];
	v54 =	vperm.xlane v17, v14;
	v55 =	vperm.xlane v17, v15  }
0x34: {  	v24 =	vld [tilespmem:$0x7840];
	v17 =	vperm.xlane v17, v16;
	v18 =	vmul.f32 v21, v18  }
0x35: {  	v25 =	vld [tilespmem:$0x7850];
	v19 =	vmul.f32 v23, v19  }
0x36: {  	v26 =	vld [tilespmem:$0x7860];
	v17 =	vmul.f32 v17, v53;
	[tilespmem:$0x7800] =	vst v18  }
0x37: {  	v37 =	vld [tilespmem:$0x7870];
	v18 =	vmul.f32 v34, v20;
	[tilespmem:$0x7810] =	vst v19  }
0x38: {  	v39 =	vld [tilespmem:$0x7880];
	v19 =	vmul.f32 v35, v22;
	[tilespmem:$0x78F0] =	vst v17  }
0x39: {  	v41 =	vld [tilespmem:$0x7890];
	[tilespmem:$0x7820] =	vst v18;
	v18 =	vmul.f32 v36, v24  }
0x3a: {  	v43 =	vld [tilespmem:$0x78A0];
	[tilespmem:$0x7830] =	vst v19;
	v19 =	vmul.f32 v38, v25  }
0x3b: {  	v45 =	vld [tilespmem:$0x78B0];
	[tilespmem:$0x7840] =	vst v18;
	v18 =	vmul.f32 v40, v26  }
0x3c: {  	v47 =	vld [tilespmem:$0x78C0];
	[tilespmem:$0x7850] =	vst v19;
	v19 =	vmul.f32 v42, v37  }
0x3d: {  	v49 =	vld [tilespmem:$0x78D0];
	[tilespmem:$0x7860] =	vst v18;
	v18 =	vmul.f32 v44, v39  }
0x3e: {  	v51 =	vld [tilespmem:$0x78E0];
	[tilespmem:$0x7870] =	vst v19;
	v19 =	vmul.f32 v46, v41  }
0x3f: {  	[tilespmem:$0x7880] =	vst v18;
	v18 =	vmul.f32 v48, v43  }
0x40: {  	[tilespmem:$0x7890] =	vst v19;
	v19 =	vmul.f32 v50, v45  }
0x41: {  	[tilespmem:$0x78A0] =	vst v18;
	v18 =	vmul.f32 v52, v47  }
0x42: {  	[tilespmem:$0x78B0] =	vst v19;
	v19 =	vmul.f32 v54, v49  }
0x43: {  	[tilespmem:$0x78C0] =	vst v18;
	v18 =	vmul.f32 v55, v51  }
0x44: {  	[tilespmem:$0x78D0] =	vst v19  }
0x45: {  	[tilespmem:$0x78E0] =	vst v18  }
0x46: {  	v17 =	vld [tilespmem:s21+$0x5010];
	_ =	sdelay $0x4  }
0x47: {  	v57 =	vperm.xlane v17, v1  }
0x48: {  	v59 =	vperm.xlane v17, v2;
	v61 =	vperm.xlane v17, v3  }
0x49: {  	v63 =	vperm.xlane v17, v4;
	v29 =	vperm.xlane v17, v5  }
0x4a: {  	v18 =	vld [tilespmem:$0x7900];
	v31 =	vperm.xlane v17, v6;
	v33 =	vperm.xlane v17, v7  }
0x4b: {  	v19 =	vld [tilespmem:$0x7910];
	v35 =	vperm.xlane v17, v8;
	v37 =	vperm.xlane v17, v9  }
0x4c: {  	v46 =	vld [tilespmem:$0x79F0];
	v39 =	vperm.xlane v17, v10;
	v41 =	vperm.xlane v17, v11  }
0x4d: {  	v56 =	vld [tilespmem:$0x7920];
	v43 =	vperm.xlane v17, v12;
	v45 =	vperm.xlane v17, v13  }
0x4e: {  	v58 =	vld [tilespmem:$0x7930];
	v47 =	vperm.xlane v17, v14;
	v48 =	vperm.xlane v17, v15  }
0x4f: {  	v60 =	vld [tilespmem:$0x7940];
	v17 =	vperm.xlane v17, v16;
	v18 =	vmul.f32 v57, v18  }
0x50: {  	v62 =	vld [tilespmem:$0x7950];
	v19 =	vmul.f32 v59, v19  }
0x51: {  	v28 =	vld [tilespmem:$0x7960];
	v17 =	vmul.f32 v17, v46;
	[tilespmem:$0x7900] =	vst v18  }
0x52: {  	v30 =	vld [tilespmem:$0x7970];
	v18 =	vmul.f32 v61, v56;
	[tilespmem:$0x7910] =	vst v19  }
0x53: {  	v32 =	vld [tilespmem:$0x7980];
	v19 =	vmul.f32 v63, v58;
	[tilespmem:$0x79F0] =	vst v17  }
0x54: {  	v34 =	vld [tilespmem:$0x7990];
	[tilespmem:$0x7920] =	vst v18;
	v18 =	vmul.f32 v29, v60  }
0x55: {  	v36 =	vld [tilespmem:$0x79A0];
	[tilespmem:$0x7930] =	vst v19;
	v19 =	vmul.f32 v31, v62  }
0x56: {  	v38 =	vld [tilespmem:$0x79B0];
	[tilespmem:$0x7940] =	vst v18;
	v18 =	vmul.f32 v33, v28  }
0x57: {  	v40 =	vld [tilespmem:$0x79C0];
	[tilespmem:$0x7950] =	vst v19;
	v19 =	vmul.f32 v35, v30  }
0x58: {  	v42 =	vld [tilespmem:$0x79D0];
	[tilespmem:$0x7960] =	vst v18;
	v18 =	vmul.f32 v37, v32  }
0x59: {  	v44 =	vld [tilespmem:$0x79E0];
	[tilespmem:$0x7970] =	vst v19;
	v19 =	vmul.f32 v39, v34  }
0x5a: {  	[tilespmem:$0x7980] =	vst v18;
	v18 =	vmul.f32 v41, v36  }
0x5b: {  	[tilespmem:$0x7990] =	vst v19;
	v19 =	vmul.f32 v43, v38  }
0x5c: {  	[tilespmem:$0x79A0] =	vst v18;
	v18 =	vmul.f32 v45, v40  }
0x5d: {  	[tilespmem:$0x79B0] =	vst v19;
	v19 =	vmul.f32 v47, v42  }
0x5e: {  	[tilespmem:$0x79C0] =	vst v18;
	v18 =	vmul.f32 v48, v44  }
0x5f: {  	[tilespmem:$0x79D0] =	vst v19  }
0x60: {  	[tilespmem:$0x79E0] =	vst v18  }
0x61: {  	v17 =	vld [tilespmem:s21+$0x5020];
	_ =	sdelay $0x4  }
0x62: {  	v50 =	vperm.xlane v17, v1  }
0x63: {  	v52 =	vperm.xlane v17, v2;
	v54 =	vperm.xlane v17, v3  }
0x64: {  	v56 =	vperm.xlane v17, v4;
	v58 =	vperm.xlane v17, v5  }
0x65: {  	v18 =	vld [tilespmem:$0x7A00];
	v60 =	vperm.xlane v17, v6;
	v62 =	vperm.xlane v17, v7  }
0x66: {  	v19 =	vld [tilespmem:$0x7A10];
	v28 =	vperm.xlane v17, v8;
	v30 =	vperm.xlane v17, v9  }
0x67: {  	v39 =	vld [tilespmem:$0x7AF0];
	v32 =	vperm.xlane v17, v10;
	v34 =	vperm.xlane v17, v11  }
0x68: {  	v49 =	vld [tilespmem:$0x7A20];
	v36 =	vperm.xlane v17, v12;
	v38 =	vperm.xlane v17, v13  }
0x69: {  	v51 =	vld [tilespmem:$0x7A30];
	v40 =	vperm.xlane v17, v14;
	v41 =	vperm.xlane v17, v15  }
0x6a: {  	v53 =	vld [tilespmem:$0x7A40];
	v17 =	vperm.xlane v17, v16;
	v18 =	vmul.f32 v50, v18  }
0x6b: {  	v55 =	vld [tilespmem:$0x7A50];
	v19 =	vmul.f32 v52, v19  }
0x6c: {  	v57 =	vld [tilespmem:$0x7A60];
	v17 =	vmul.f32 v17, v39;
	[tilespmem:$0x7A00] =	vst v18  }
0x6d: {  	v59 =	vld [tilespmem:$0x7A70];
	v18 =	vmul.f32 v54, v49;
	[tilespmem:$0x7A10] =	vst v19  }
0x6e: {  	v61 =	vld [tilespmem:$0x7A80];
	v19 =	vmul.f32 v56, v51;
	[tilespmem:$0x7AF0] =	vst v17  }
0x6f: {  	v63 =	vld [tilespmem:$0x7A90];
	[tilespmem:$0x7A20] =	vst v18;
	v18 =	vmul.f32 v58, v53  }
0x70: {  	v29 =	vld [tilespmem:$0x7AA0];
	[tilespmem:$0x7A30] =	vst v19;
	v19 =	vmul.f32 v60, v55  }
0x71: {  	v31 =	vld [tilespmem:$0x7AB0];
	[tilespmem:$0x7A40] =	vst v18;
	v18 =	vmul.f32 v62, v57  }
0x72: {  	v33 =	vld [tilespmem:$0x7AC0];
	[tilespmem:$0x7A50] =	vst v19;
	v19 =	vmul.f32 v28, v59  }
0x73: {  	v35 =	vld [tilespmem:$0x7AD0];
	[tilespmem:$0x7A60] =	vst v18;
	v18 =	vmul.f32 v30, v61  }
0x74: {  	v37 =	vld [tilespmem:$0x7AE0];
	[tilespmem:$0x7A70] =	vst v19;
	v19 =	vmul.f32 v32, v63  }
0x75: {  	[tilespmem:$0x7A80] =	vst v18;
	v18 =	vmul.f32 v34, v29  }
0x76: {  	[tilespmem:$0x7A90] =	vst v19;
	v19 =	vmul.f32 v36, v31  }
0x77: {  	[tilespmem:$0x7AA0] =	vst v18;
	v18 =	vmul.f32 v38, v33  }
0x78: {  	[tilespmem:$0x7AB0] =	vst v19;
	v19 =	vmul.f32 v40, v35  }
0x79: {  	[tilespmem:$0x7AC0] =	vst v18;
	v18 =	vmul.f32 v41, v37  }
0x7a: {  	[tilespmem:$0x7AD0] =	vst v19  }
0x7b: {  	[tilespmem:$0x7AE0] =	vst v18  }
0x7c: {  	v17 =	vld [tilespmem:s21+$0x5030];
	_ =	sdelay $0x4  }
0x7d: {  	v43 =	vperm.xlane v17, v1  }
0x7e: {  	v45 =	vperm.xlane v17, v2;
	v47 =	vperm.xlane v17, v3  }
0x7f: {  	v49 =	vperm.xlane v17, v4;
	v51 =	vperm.xlane v17, v5  }
0x80: {  	v18 =	vld [tilespmem:$0x7B00];
	v53 =	vperm.xlane v17, v6;
	v55 =	vperm.xlane v17, v7  }
0x81: {  	v19 =	vld [tilespmem:$0x7B10];
	v57 =	vperm.xlane v17, v8;
	v59 =	vperm.xlane v17, v9  }
0x82: {  	v32 =	vld [tilespmem:$0x7BF0];
	v61 =	vperm.xlane v17, v10;
	v63 =	vperm.xlane v17, v11  }
0x83: {  	v42 =	vld [tilespmem:$0x7B20];
	v29 =	vperm.xlane v17, v12;
	v31 =	vperm.xlane v17, v13  }
0x84: {  	v44 =	vld [tilespmem:$0x7B30];
	v33 =	vperm.xlane v17, v14;
	v34 =	vperm.xlane v17, v15  }
0x85: {  	v46 =	vld [tilespmem:$0x7B40];
	v17 =	vperm.xlane v17, v16;
	v18 =	vmul.f32 v43, v18  }
0x86: {  	v48 =	vld [tilespmem:$0x7B50];
	v19 =	vmul.f32 v45, v19  }
0x87: {  	v50 =	vld [tilespmem:$0x7B60];
	v17 =	vmul.f32 v17, v32;
	[tilespmem:$0x7B00] =	vst v18  }
0x88: {  	v52 =	vld [tilespmem:$0x7B70];
	v18 =	vmul.f32 v47, v42;
	[tilespmem:$0x7B10] =	vst v19  }
0x89: {  	v54 =	vld [tilespmem:$0x7B80];
	v19 =	vmul.f32 v49, v44;
	[tilespmem:$0x7BF0] =	vst v17  }
0x8a: {  	v56 =	vld [tilespmem:$0x7B90];
	[tilespmem:$0x7B20] =	vst v18;
	v18 =	vmul.f32 v51, v46  }
0x8b: {  	v58 =	vld [tilespmem:$0x7BA0];
	[tilespmem:$0x7B30] =	vst v19;
	v19 =	vmul.f32 v53, v48  }
0x8c: {  	v60 =	vld [tilespmem:$0x7BB0];
	[tilespmem:$0x7B40] =	vst v18;
	v18 =	vmul.f32 v55, v50  }
0x8d: {  	v62 =	vld [tilespmem:$0x7BC0];
	[tilespmem:$0x7B50] =	vst v19;
	v19 =	vmul.f32 v57, v52  }
0x8e: {  	v28 =	vld [tilespmem:$0x7BD0];
	[tilespmem:$0x7B60] =	vst v18;
	v18 =	vmul.f32 v59, v54  }
0x8f: {  	v30 =	vld [tilespmem:$0x7BE0];
	[tilespmem:$0x7B70] =	vst v19;
	v19 =	vmul.f32 v61, v56  }
0x90: {  	[tilespmem:$0x7B80] =	vst v18;
	v18 =	vmul.f32 v63, v58  }
0x91: {  	[tilespmem:$0x7B90] =	vst v19;
	v19 =	vmul.f32 v29, v60  }
0x92: {  	[tilespmem:$0x7BA0] =	vst v18;
	v18 =	vmul.f32 v31, v62  }
0x93: {  	[tilespmem:$0x7BB0] =	vst v19;
	v19 =	vmul.f32 v33, v28  }
0x94: {  	[tilespmem:$0x7BC0] =	vst v18;
	v18 =	vmul.f32 v34, v30  }
0x95: {  	[tilespmem:$0x7BD0] =	vst v19  }
0x96: {  	[tilespmem:$0x7BE0] =	vst v18  }
0x97: {  	v17 =	vld [tilespmem:s21+$0x5040];
	_ =	sdelay $0x4  }
0x98: {  	v36 =	vperm.xlane v17, v1  }
0x99: {  	v38 =	vperm.xlane v17, v2;
	v40 =	vperm.xlane v17, v3  }
0x9a: {  	v42 =	vperm.xlane v17, v4;
	v44 =	vperm.xlane v17, v5  }
0x9b: {  	v18 =	vld [tilespmem:$0x7C00];
	v46 =	vperm.xlane v17, v6;
	v48 =	vperm.xlane v17, v7  }
0x9c: {  	v19 =	vld [tilespmem:$0x7C10];
	v50 =	vperm.xlane v17, v8;
	v52 =	vperm.xlane v17, v9  }
0x9d: {  	v61 =	vld [tilespmem:$0x7CF0];
	v54 =	vperm.xlane v17, v10;
	v56 =	vperm.xlane v17, v11  }
0x9e: {  	v35 =	vld [tilespmem:$0x7C20];
	v58 =	vperm.xlane v17, v12;
	v60 =	vperm.xlane v17, v13  }
0x9f: {  	v37 =	vld [tilespmem:$0x7C30];
	v62 =	vperm.xlane v17, v14;
	v63 =	vperm.xlane v17, v15  }
0xa0: {  	v39 =	vld [tilespmem:$0x7C40];
	v17 =	vperm.xlane v17, v16;
	v18 =	vmul.f32 v36, v18  }
0xa1: {  	v41 =	vld [tilespmem:$0x7C50];
	v19 =	vmul.f32 v38, v19  }
0xa2: {  	v43 =	vld [tilespmem:$0x7C60];
	v17 =	vmul.f32 v17, v61;
	[tilespmem:$0x7C00] =	vst v18  }
0xa3: {  	v45 =	vld [tilespmem:$0x7C70];
	v18 =	vmul.f32 v40, v35;
	[tilespmem:$0x7C10] =	vst v19  }
0xa4: {  	v47 =	vld [tilespmem:$0x7C80];
	v19 =	vmul.f32 v42, v37;
	[tilespmem:$0x7CF0] =	vst v17  }
0xa5: {  	v49 =	vld [tilespmem:$0x7C90];
	[tilespmem:$0x7C20] =	vst v18;
	v18 =	vmul.f32 v44, v39  }
0xa6: {  	v51 =	vld [tilespmem:$0x7CA0];
	[tilespmem:$0x7C30] =	vst v19;
	v19 =	vmul.f32 v46, v41  }
0xa7: {  	v53 =	vld [tilespmem:$0x7CB0];
	[tilespmem:$0x7C40] =	vst v18;
	v18 =	vmul.f32 v48, v43  }
0xa8: {  	v55 =	vld [tilespmem:$0x7CC0];
	[tilespmem:$0x7C50] =	vst v19;
	v19 =	vmul.f32 v50, v45  }
0xa9: {  	v57 =	vld [tilespmem:$0x7CD0];
	[tilespmem:$0x7C60] =	vst v18;
	v18 =	vmul.f32 v52, v47  }
0xaa: {  	v59 =	vld [tilespmem:$0x7CE0];
	[tilespmem:$0x7C70] =	vst v19;
	v19 =	vmul.f32 v54, v49  }
0xab: {  	[tilespmem:$0x7C80] =	vst v18;
	v18 =	vmul.f32 v56, v51  }
0xac: {  	[tilespmem:$0x7C90] =	vst v19;
	v19 =	vmul.f32 v58, v53  }
0xad: {  	[tilespmem:$0x7CA0] =	vst v18;
	v18 =	vmul.f32 v60, v55  }
0xae: {  	[tilespmem:$0x7CB0] =	vst v19;
	v19 =	vmul.f32 v62, v57  }
0xaf: {  	[tilespmem:$0x7CC0] =	vst v18;
	v18 =	vmul.f32 v63, v59  }
0xb0: {  	p0 =	sne.s32 s20, $0x9EC0;
	[tilespmem:$0x7CD0] =	vst v19  }
.Ltmp1:
0xb1: {  	s21 =	sadd.s32 $0x2800, s21;
	[tilespmem:$0x7CE0] =	vst v18;
	(pc) =	sbr.rel @p0 .LBB2_4-.Ltmp1, $4  }
0xb2: {  	[spmem:s2] =	stream.indirect.scatter.add.f32 [tilespmem:s16], [sflag:$0x2], $0x10, s21, s15, $0xb8;
	[tilespmem:$0xCC00] =	vst v63  }
0xb3: {  	_ =	swait.ge [sflag:s12], $0x500  }
0xb4: {  	[sflag:s12] =	ssyncset.done $0x0  }
0xb5: {  	s20 =	sadd.s32 $0x140, s20;
	[sflag:s12] =	ssyncadd.s32 $0xFFFFFB00  }
0xb6: {  	s3 =	sadd.s32 $0x1, s3  }
0xb7: {  	p0 =	sne.s32 s3, s10  }
.Ltmp2:
0xb8: {  	[bflag:$0x0] =	sbarrier.arrive $0xFFFF;
	(pc) =	sbr.rel @p0 .LBB2_1-.Ltmp2, $4  }
0xb9: {  	[hbm:s9], [sflag:s18] =	dma.local [spmem:s19], $0x4F0  }
0xba: {  	_ =	swait.ge [sflag:s12], $0x4F0  }
0xbb: {  	[sflag:s12] =	ssyncset.done $0x0  }
0xbc: {  	[sflag:s12] =	ssyncadd.s32 $0xFFFFFB10  }
0xbd: {  	_ =	sfence.sel $0x180000  }
0xbe: {  	[bflag:$0x0] =	sbarrier.arrive $0xFFFF  }
0xbf: {  	p0 =	sne.s32 s0, $0x0;
	_ =	strace $0x90000047  }
0xc0: {  	s0 =	sadd.s32 @!p0 $0x100000, s1;
	[bflag:$0x2] =	sbarrier.arrive $0xFFFF  }
0xc1: {  	[sflag:s0] =	ssyncadd.tile.s32 @!p0 $0x1;
	_ =	shalt  }
.Lfunc_end2:
_tile_overlayer_lowered:
.L_overlay_start_2:
0xc2: {  	(tag) =	ssettag $0x2  }
0xc3: {  	s0 =	rddreg [dreg:$0x0];
	s2 =	stileid.u32  }
0xc4: {  	s1 =	rddreg [dreg:$0x1];
	p0 =	sne.s32 s2, $0x0  }
0xc5: {  	s3 =	rddreg [dreg:$0x2];
	[bflag:$0x3] =	sbarrier.arrive $0xFFFF;
	s2 =	simm.s32 @!p0 $0x1C02  }
0xc6: {  	[timem:s3], [sflag:s2] =	dma.local @!p0 [hbm:s0], s1  }
0xc7: {  	s0 =	simm.s32 @!p0 $0x2  }
0xc8: {  	_ =	swait.ge @!p0 [sflag:s0], s1  }
0xc9: {  	s1 =	ssub.s32 @!p0 $0x0, s1;
	[sflag:s0] =	ssyncset.done @!p0 $0x0  }
0xca: {  	[sflag:s0] =	ssyncadd.s32 @!p0 s1  }
0xcb: {  	[bflag:$0x3] =	sbarrier.arrive $0xFFFF  }
0xcc: {  	_ =	shalt  }

</sc_bundles>
